<compile_context>
chip_gen: v7x
topology: tpu7x:2x2x1
jax: 0.10.2.dev20260603
libtpu: 0.0.44.dev20260713+nightly
codegen_flags: <defaults>
</compile_context>

<pallas_src>
import functools

import jax
import jax.numpy as jnp
from jax import lax
from jax.experimental import pallas as pl
from jax.experimental.pallas import tpu as pltpu
from jax.experimental.pallas import tpu_sc as plsc

N = 10000
D = 128
E = 320000
G = 64
C = 10
EPS = 1e-5

NC, NS = 2, 16
NW = NC * NS
EPW = E // NW
K = 100
NCH = EPW // K
NGRP, CPG = 5, 20
NP = 10240
RPT = NP // NS
NB = 2000
NBLK = N // NB
F32 = jnp.float32


def _sc_mesh():
    return plsc.VectorSubcoreMesh(
        core_axis_name="c", subcore_axis_name="s", num_cores=NC, num_subcores=NS)


def _deg_sc(ei5, ones8, z8):
    @functools.partial(
        pl.kernel,
        out_type=jax.ShapeDtypeStruct((NC, NP, 8), F32),
        mesh=_sc_mesh(),
        scratch_types=[
            pltpu.VMEM((NGRP, CPG, K), jnp.int32),
            pltpu.VMEM((K, 8), F32),
            pltpu.VMEM_SHARED((NP, 8), F32),
            pltpu.SemaphoreType.DMA,
        ],
    )
    def deg_kernel(ei_hbm, ones_hbm, z_hbm, out_hbm, idx_v, ones_v, acc_sh,
                   sem):
        c = lax.axis_index("c")
        s = lax.axis_index("s")
        w = c * NS + s
        pltpu.sync_copy(z_hbm, acc_sh.at[pl.ds(s * RPT, RPT)])
        pltpu.sync_copy(ones_hbm, ones_v)
        pltpu.sync_copy(ei_hbm.at[1, w], idx_v)
        plsc.subcore_barrier()

        def fire(gi, carry):
            def fire1(j, c2):
                pltpu.async_copy(ones_v, acc_sh.at[idx_v.at[gi, j]], sem,
                                 add=True)
                return c2

            lax.fori_loop(0, CPG, fire1, 0)
            return carry

        lax.fori_loop(0, NGRP, fire, 0)

        def drain(j, c2):
            pltpu.make_async_copy(ones_v, acc_sh.at[idx_v.at[0, 0]], sem).wait()
            return c2

        lax.fori_loop(0, NCH, drain, 0)
        plsc.subcore_barrier()
        pltpu.sync_copy(acc_sh.at[pl.ds(s * RPT, RPT)],
                        out_hbm.at[c].at[pl.ds(s * RPT, RPT)])

    return deg_kernel(ei5, ones8, z8)


def _scatter_sc(h, ei5, z128):
    @functools.partial(
        pl.kernel,
        out_type=jax.ShapeDtypeStruct((NC, NP, D), F32),
        mesh=_sc_mesh(),
        scratch_types=[
            pltpu.VMEM((CPG, K), jnp.int32),
            pltpu.VMEM((CPG, K), jnp.int32),
            pltpu.VMEM((K, D), F32),
            pltpu.VMEM((K, D), F32),
            pltpu.VMEM((K, D), F32),
            pltpu.VMEM_SHARED((NP, D), F32),
            pltpu.SemaphoreType.DMA,
            pltpu.SemaphoreType.DMA,
            pltpu.SemaphoreType.DMA,
            pltpu.SemaphoreType.DMA,
        ],
    )
    def scat_kernel(h_hbm, ei_hbm, z_hbm, out_hbm,
                    srcv, dstv, rows_a, rows_b, rows_c, acc_sh,
                    sga, sgb, sgc, sem_s):
        c = lax.axis_index("c")
        s = lax.axis_index("s")
        w = c * NS + s
        pltpu.sync_copy(z_hbm, acc_sh.at[pl.ds(s * RPT, RPT)])
        plsc.subcore_barrier()

        def g_start(j, buf, sem):
            pltpu.async_copy(h_hbm.at[srcv.at[j]], buf, sem)

        def g_wait(buf, sem):
            pltpu.make_async_copy(h_hbm.at[srcv.at[0]], buf, sem).wait()

        def s_start(j, buf):
            pltpu.async_copy(buf, acc_sh.at[dstv.at[j]], sem_s, add=True)

        def s_wait():
            pltpu.make_async_copy(rows_a, acc_sh.at[dstv.at[0]], sem_s).wait()

        bufs = ((rows_a, sga), (rows_b, sgb), (rows_c, sgc))

        def group(gi, carry):
            pltpu.sync_copy(ei_hbm.at[0, w, gi], srcv)
            pltpu.sync_copy(ei_hbm.at[1, w, gi], dstv)
            g_start(0, rows_a, sga)
            g_start(1, rows_b, sgb)
            g_wait(rows_a, sga)
            s_start(0, rows_a)
            g_start(2, rows_c, sgc)

            def tri(k, c2):
                j0 = 3 * k + 1
                for d in range(3):
                    j = j0 + d
                    buf, sem = bufs[(1 + d) % 3]
                    nbuf, nsem = bufs[d % 3]
                    g_wait(buf, sem)
                    s_start(j, buf)
                    s_wait()
                    if d < 2:
                        g_start(j + 2, nbuf, nsem)
                    else:
                        @pl.when(j + 2 < CPG)
                        def _():
                            g_start(j + 2, nbuf, nsem)

                return c2

            lax.fori_loop(0, (CPG - 2) // 3, tri, 0)
            ebuf, esem = bufs[(CPG - 1) % 3]
            g_wait(ebuf, esem)
            s_start(CPG - 1, ebuf)
            s_wait()
            s_wait()
            return carry

        lax.fori_loop(0, NGRP, group, 0)
        plsc.subcore_barrier()
        pltpu.sync_copy(acc_sh.at[pl.ds(s * RPT, RPT)],
                        out_hbm.at[c].at[pl.ds(s * RPT, RPT)])

    return scat_kernel(h, ei5, z128)


def _mm0(x, W, cnt):
    def body(x_ref, w_ref, cnt_ref, hp_ref, dinv_ref):
        deg = cnt_ref[0, :, 0:1] + cnt_ref[1, :, 0:1] + 1.0
        dv = lax.rsqrt(deg)
        h = jnp.dot(x_ref[...], w_ref[...], preferred_element_type=F32)
        hp_ref[...] = h * dv
        dinv_ref[...] = jnp.broadcast_to(dv, (NB, 16))

    return pl.pallas_call(
        body,
        grid=(NBLK,),
        in_specs=[
            pl.BlockSpec((NB, D), lambda i: (i, 0)),
            pl.BlockSpec((D, D), lambda i: (0, 0)),
            pl.BlockSpec((NC, NB, 8), lambda i: (0, i, 0)),
        ],
        out_specs=[
            pl.BlockSpec((NB, D), lambda i: (i, 0)),
            pl.BlockSpec((NB, 16), lambda i: (i, 0)),
        ],
        out_shape=[
            jax.ShapeDtypeStruct((N, D), F32),
            jax.ShapeDtypeStruct((N, 16), F32),
        ],
    )(x, W, cnt)


def _combine_mm(acc, hp, dinv, b, g, bt, W):
    def body(acc_ref, hp_ref, dinv_ref, b_ref, g_ref, bt_ref, w_ref,
             out_ref, t_sc, st_sc):
        p = pl.program_id(0)
        i = pl.program_id(1)

        @pl.when((p == 0) & (i == 0))
        def _():
            st_sc[...] = jnp.zeros_like(st_sc)

        @pl.when(p == 0)
        def _():
            dv = dinv_ref[:, 0:1]
            o = dv * (acc_ref[0] + acc_ref[1] + hp_ref[...]) + b_ref[...]
            t = jnp.where(o > 0, o, jnp.exp(o) - 1.0)
            t_sc[i] = t
            st_sc[0:1, :] += jnp.sum(t, axis=0, keepdims=True)
            st_sc[1:2, :] += jnp.sum(t * t, axis=0, keepdims=True)

        @pl.when(p == 1)
        def _():
            m = st_sc[0:1, :] / N
            v = st_sc[1:2, :] / N - m * m
            sc = g_ref[...] * lax.rsqrt(v + EPS)
            sh = bt_ref[...] - m * sc
            y = t_sc[i] * sc + sh
            h = jnp.dot(y, w_ref[...], preferred_element_type=F32)
            out_ref[...] = h * dinv_ref[:, 0:1]

    return pl.pallas_call(
        body,
        grid=(2, NBLK),
        in_specs=[
            pl.BlockSpec((NC, NB, D), lambda p, i: (0, i * (1 - p), 0)),
            pl.BlockSpec((NB, D), lambda p, i: (i * (1 - p), 0)),
            pl.BlockSpec((NB, 16), lambda p, i: (i, 0)),
            pl.BlockSpec((1, D), lambda p, i: (0, 0)),
            pl.BlockSpec((1, D), lambda p, i: (0, 0)),
            pl.BlockSpec((1, D), lambda p, i: (0, 0)),
            pl.BlockSpec((D, D), lambda p, i: (0, 0)),
        ],
        out_specs=pl.BlockSpec((NB, D), lambda p, i: (i, 0)),
        out_shape=jax.ShapeDtypeStruct((N, D), F32),
        scratch_shapes=[
            pltpu.VMEM((NBLK, NB, D), F32),
            pltpu.VMEM((8, D), F32),
        ],
    )(acc, hp, dinv, b, g, bt, W)


def _combine_pool(acc, hp, dinv, b, g, bt, batch2, l1w, l1b, l2w, l2b):
    def body(acc_ref, hp_ref, dinv_ref, b_ref, g_ref, bt_ref, batch_ref,
             l1w_ref, l1b_ref, l2w_ref, l2b_ref, out_ref,
             t_sc, st_sc, pool_sc, cnt_sc):
        p = pl.program_id(0)
        i = pl.program_id(1)

        @pl.when((p == 0) & (i == 0))
        def _():
            st_sc[...] = jnp.zeros_like(st_sc)
            pool_sc[...] = jnp.zeros_like(pool_sc)
            cnt_sc[...] = jnp.zeros_like(cnt_sc)

        @pl.when(p == 0)
        def _():
            dv = dinv_ref[:, 0:1]
            o = dv * (acc_ref[0] + acc_ref[1] + hp_ref[...]) + b_ref[...]
            t = jnp.where(o > 0, o, jnp.exp(o) - 1.0)
            t_sc[i] = t
            st_sc[0:1, :] += jnp.sum(t, axis=0, keepdims=True)
            st_sc[1:2, :] += jnp.sum(t * t, axis=0, keepdims=True)

        @pl.when(p == 1)
        def _():
            m = st_sc[0:1, :] / N
            v = st_sc[1:2, :] / N - m * m
            sc = g_ref[...] * lax.rsqrt(v + EPS)
            sh = bt_ref[...] - m * sc
            y = t_sc[i] * sc + sh
            gids = lax.broadcasted_iota(jnp.int32, (G, NB), 0)
            bb = batch_ref[...].reshape(1, NB)
            oh = (bb == gids).astype(F32)
            pool_sc[...] += lax.dot_general(
                oh, y, (((1,), (0,)), ((), ())), preferred_element_type=F32)
            cnt_sc[...] += lax.dot_general(
                oh, jnp.ones((NB, 1), F32), (((1,), (0,)), ((), ())),
                preferred_element_type=F32)

        @pl.when((p == 1) & (i == NBLK - 1))
        def _():
            cnt = jnp.maximum(cnt_sc[...], 1.0)
            pooled = pool_sc[...] / cnt
            z = jnp.dot(pooled, l1w_ref[...], preferred_element_type=F32)
            z = jnp.maximum(z + l1b_ref[...], 0.0)
            z2 = jnp.dot(z, l2w_ref[...], preferred_element_type=F32)
            z2 = z2 + l2b_ref[...]
            mx = jnp.max(z2, axis=-1, keepdims=True)
            lse = jnp.log(jnp.sum(jnp.exp(z2 - mx), axis=-1, keepdims=True)) + mx
            out_ref[...] = z2 - lse

    return pl.pallas_call(
        body,
        grid=(2, NBLK),
        in_specs=[
            pl.BlockSpec((NC, NB, D), lambda p, i: (0, i * (1 - p), 0)),
            pl.BlockSpec((NB, D), lambda p, i: (i * (1 - p), 0)),
            pl.BlockSpec((NB, 16), lambda p, i: (i, 0)),
            pl.BlockSpec((1, D), lambda p, i: (0, 0)),
            pl.BlockSpec((1, D), lambda p, i: (0, 0)),
            pl.BlockSpec((1, D), lambda p, i: (0, 0)),
            pl.BlockSpec((1, 1, NB), lambda p, i: (i, 0, 0)),
            pl.BlockSpec((D, D), lambda p, i: (0, 0)),
            pl.BlockSpec((1, D), lambda p, i: (0, 0)),
            pl.BlockSpec((D, C), lambda p, i: (0, 0)),
            pl.BlockSpec((1, C), lambda p, i: (0, 0)),
        ],
        out_specs=pl.BlockSpec((G, C), lambda p, i: (0, 0)),
        out_shape=jax.ShapeDtypeStruct((G, C), F32),
        scratch_shapes=[
            pltpu.VMEM((NBLK, NB, D), F32),
            pltpu.VMEM((8, D), F32),
            pltpu.VMEM((G, D), F32),
            pltpu.VMEM((G, 1), F32),
        ],
    )(acc, hp, dinv, b, g, bt, batch2, l1w, l1b, l2w, l2b)


def kernel(x, edge_index, batch, W0, b0, g0, bt0, W1, b1, g1, bt1,
           W2, b2, g2, bt2, l1w, l1b, l2w, l2b):
    ei5 = edge_index.reshape(2, NW, NGRP, CPG, K)
    ones16 = jnp.concatenate(
        [jnp.ones((K, 1), F32), jnp.zeros((K, 7), F32)], axis=1)
    z16 = jnp.zeros((RPT, 8), F32)
    z128 = jnp.zeros((RPT, D), F32)
    cnt = _deg_sc(ei5, ones16, z16)
    hp, dinv = _mm0(x, W0, cnt)

    acc = _scatter_sc(hp, ei5, z128)
    hp = _combine_mm(acc, hp, dinv, b0.reshape(1, D), g0.reshape(1, D),
                     bt0.reshape(1, D), W1)
    acc = _scatter_sc(hp, ei5, z128)
    hp = _combine_mm(acc, hp, dinv, b1.reshape(1, D), g1.reshape(1, D),
                     bt1.reshape(1, D), W2)
    acc = _scatter_sc(hp, ei5, z128)
    return _combine_pool(acc, hp, dinv, b2.reshape(1, D), g2.reshape(1, D),
                         bt2.reshape(1, D), batch.reshape(NBLK, 1, NB), l1w, l1b.reshape(1, D),
                         l2w, l2b.reshape(1, C))

# --- scband reference (transcript-rebuilt; emitter-appended) ---
"""Pipeline reference for scband-gcn4-gc-1-81243601371607 (READ-ONLY COPY).

The authoritative reference and input builder live on the scoring server;
editing this copy changes nothing except your own understanding.
"""

import jax, jax.numpy as jnp
import numpy as np

N = 10000
E = 320000
D = 128
C = 10
G = 64
EPS = 1e-5


def setup_inputs(seed: int = 0) -> dict:
    key = jax.random.key(seed)
    ks = jax.random.split(key, 24)
    inp = {}
    inp['x'] = jax.random.normal(ks[0], (N, D), dtype=jnp.float32)
    inp['edge_index'] = jax.random.randint(ks[1], (2, E), 0, N, dtype=jnp.int32)
    inp['batch'] = jnp.sort(jax.random.randint(ks[2], (N,), 0, G, dtype=jnp.int32))
    s = 0.05
    # 3 GCN layers: weight (in,out) + bias, BN gamma/beta
    inp['W0'] = jax.random.normal(ks[3], (D, D), dtype=jnp.float32) * s
    inp['b0'] = jnp.zeros((D,), dtype=jnp.float32)
    inp['g0'] = jnp.ones((D,), dtype=jnp.float32)
    inp['bt0'] = jnp.zeros((D,), dtype=jnp.float32)
    inp['W1'] = jax.random.normal(ks[4], (D, D), dtype=jnp.float32) * s
    inp['b1'] = jnp.zeros((D,), dtype=jnp.float32)
    inp['g1'] = jnp.ones((D,), dtype=jnp.float32)
    inp['bt1'] = jnp.zeros((D,), dtype=jnp.float32)
    inp['W2'] = jax.random.normal(ks[5], (D, D), dtype=jnp.float32) * s
    inp['b2'] = jnp.zeros((D,), dtype=jnp.float32)
    inp['g2'] = jnp.ones((D,), dtype=jnp.float32)
    inp['bt2'] = jnp.zeros((D,), dtype=jnp.float32)
    inp['l1w'] = jax.random.normal(ks[6], (D, D), dtype=jnp.float32) * s
    inp['l1b'] = jnp.zeros((D,), dtype=jnp.float32)
    inp['l2w'] = jax.random.normal(ks[7], (D, C), dtype=jnp.float32) * s
    inp['l2b'] = jnp.zeros((C,), dtype=jnp.float32)
    return inp


def _gcn_conv(x, W, b, src, dst, n):
    # GCNConv with added self-loops and symmetric normalization
    h = x @ W
    loop = jnp.arange(n, dtype=src.dtype)
    src2 = jnp.concatenate([src, loop])
    dst2 = jnp.concatenate([dst, loop])
    deg = jax.ops.segment_sum(jnp.ones_like(dst2, dtype=h.dtype), dst2, num_segments=n)
    dinv = jnp.where(deg > 0, deg ** -0.5, 0.0)
    norm = dinv[src2] * dinv[dst2]
    msg = h[src2] * norm[:, None]
    out = jax.ops.segment_sum(msg, dst2, num_segments=n)
    return out + b


def _bn(x, g, b):
    m = jnp.mean(x, axis=0)
    v = jnp.var(x, axis=0)
    return (x - m) / jnp.sqrt(v + EPS) * g + b


def _forward(x, W0, b0, g0, bt0, W1, b1, g1, bt1, W2, b2, g2, bt2, l1w, l1b, l2w, l2b, src, dst, batch):
    n = x.shape[0]
    params = [(W0, b0, g0, bt0), (W1, b1, g1, bt1), (W2, b2, g2, bt2)]
    h = x
    for (W, b, g, bt) in params:
        h = jax.nn.elu(_gcn_conv(h, W, b, src, dst, n))
        h = _bn(h, g, bt)
        # dropout: identity (eval mode / deterministic)
    sums = jax.ops.segment_sum(h, batch, num_segments=G)
    cnt = jax.ops.segment_sum(jnp.ones((n, 1), dtype=h.dtype), batch, num_segments=G)
    pooled = sums / jnp.clip(cnt, 1.0)
    z = jax.nn.relu(pooled @ l1w + l1b)
    z = z @ l2w + l2b
    return jax.nn.log_softmax(z, axis=-1)


def reference(x, edge_index, batch, W0, b0, g0, bt0, W1, b1, g1, bt1, W2, b2, g2, bt2, l1w, l1b, l2w, l2b):
    src = edge_index[0]
    dst = edge_index[1]
    return _forward(x, W0, b0, g0, bt0, W1, b1, g1, bt1, W2, b2, g2, bt2, l1w, l1b, l2w, l2b, src, dst, batch)

if __name__ == "__main__":
    import jax
    _d = setup_inputs()
    print(jax.jit(kernel)(*tuple(_d.values())))

</pallas_src>

<mosaic_0001>
#map = affine_map<(d0, d1) -> (0, 0)>
#map1 = affine_map<(d0, d1) -> (0, 0, 0, 0, 0)>
#map2 = affine_map<(d0, d1) -> (0, 0, 0)>
module attributes {stable_mosaic.version = 14 : i64} {
  func.func @scat_kernel(%arg0: i32, %arg1: i32, %arg2: memref<10000x128xf32, #tpu.memory_space<hbm>>, %arg3: memref<2x32x5x20x100xi32, #tpu.memory_space<hbm>>, %arg4: memref<640x128xf32, #tpu.memory_space<hbm>>, %arg5: memref<2x10240x128xf32, #tpu.memory_space<hbm>>, %arg6: memref<20x100xi32, #tpu.memory_space<vmem>>, %arg7: memref<20x100xi32, #tpu.memory_space<vmem>>, %arg8: memref<100x128xf32, #tpu.memory_space<vmem>>, %arg9: memref<100x128xf32, #tpu.memory_space<vmem>>, %arg10: memref<100x128xf32, #tpu.memory_space<vmem>>, %arg11: memref<10240x128xf32, #tpu.memory_space<vmem_shared>>, %arg12: memref<!tpu.dma_semaphore, #tpu.memory_space<semaphore_mem>>, %arg13: memref<!tpu.dma_semaphore, #tpu.memory_space<semaphore_mem>>, %arg14: memref<!tpu.dma_semaphore, #tpu.memory_space<semaphore_mem>>, %arg15: memref<!tpu.dma_semaphore, #tpu.memory_space<semaphore_mem>>) attributes {dimension_semantics = [#tpu.dimension_semantics<core_parallel>, #tpu.dimension_semantics<subcore_parallel>], iteration_bounds = array<i64: 2, 16>, scalar_prefetch = 0 : i64, scratch_operands = 10 : i64, tpu.core_type = #tpu.core_type<sc_vector_subcore>, window_params = [{transform_indices = #map}, {transform_indices = #map1}, {transform_indices = #map}, {transform_indices = #map2}]} {
    %mul3A = arith.constant 16 : i32
    %mul3A_0 = arith.muli %arg0, %mul3A : i32
    %add3A = arith.addi %mul3A_0, %arg1 : i32
    %mul3A_1 = arith.constant 640 : i32
    %mul3A_2 = arith.muli %arg1, %mul3A_1 : i32
    "tpu.region"() ({
      %run_scoped3A = tpu.sem_alloc : memref<!tpu.dma_semaphore, #tpu.memory_space<semaphore_mem>>
      %dma_start3A = arith.constant 0 : i32
      %dma_start3A_13 = tpu.memref_slice %arg11[%mul3A_2, %dma_start3A] : memref<10240x128xf32, #tpu.memory_space<vmem_shared>> -> memref<640x128xf32, #tpu.memory_space<vmem_shared>>
      tpu.enqueue_dma source(%arg4 : memref<640x128xf32, #tpu.memory_space<hbm>>) target(%dma_start3A_13 : memref<640x128xf32, #tpu.memory_space<vmem_shared>>) target_semaphore(%run_scoped3A : memref<!tpu.dma_semaphore, #tpu.memory_space<semaphore_mem>>)
      %dma_wait3A = arith.constant 0 : i32
      %dma_wait3A_14 = tpu.memref_slice %arg11[%mul3A_2, %dma_wait3A] : memref<10240x128xf32, #tpu.memory_space<vmem_shared>> -> memref<640x128xf32, #tpu.memory_space<vmem_shared>>
      tpu.wait_dma2 semaphore(%run_scoped3A : memref<!tpu.dma_semaphore, #tpu.memory_space<semaphore_mem>>) src(%arg4 : memref<640x128xf32, #tpu.memory_space<hbm>>) dst(%dma_wait3A_14 : memref<640x128xf32, #tpu.memory_space<vmem_shared>>)
      tpu.yield
    }) : () -> ()
    %barrier3A = arith.constant 0 : index
    tpu.barrier barrier_id(%barrier3A)
    %scan3A = arith.constant 0 : i32
    %scan3A_3 = arith.constant 0 : i32
    %scan3A_4 = arith.constant 5 : i32
    %scan3A_5 = arith.addi %scan3A_3, %scan3A_4 : i32
    %scan3A_6 = arith.constant 1 : i32
    scf.for %scan3A_13 = %scan3A_3 to %scan3A_5 step %scan3A_6  : i32 {
      %run_scoped3A = arith.constant 0 : i32
      "tpu.region"() ({
        %run_scoped3A_82 = tpu.sem_alloc : memref<!tpu.dma_semaphore, #tpu.memory_space<semaphore_mem>>
        %dma_start3A_83 = arith.constant 0 : i32
        %dma_start3A_84 = arith.constant 0 : i32
        %dma_start3A_85 = tpu.memref_slice %arg3[%run_scoped3A, %add3A, %scan3A_13, %dma_start3A_83, %dma_start3A_84] : memref<2x32x5x20x100xi32, #tpu.memory_space<hbm>> -> memref<1x1x1x20x100xi32, #tpu.memory_space<hbm>>
        %dma_start3A_86 = tpu.memref_squeeze %dma_start3A_85 : memref<1x1x1x20x100xi32, #tpu.memory_space<hbm>> -> memref<20x100xi32, #tpu.memory_space<hbm>>
        %dma_start3A_87 = arith.constant 0 : i32
        %dma_start3A_88 = arith.constant 0 : i32
        %dma_start3A_89 = tpu.memref_slice %arg3[%run_scoped3A, %add3A, %scan3A_13, %dma_start3A_87, %dma_start3A_88] : memref<2x32x5x20x100xi32, #tpu.memory_space<hbm>> -> memref<1x1x1x20x100xi32, #tpu.memory_space<hbm>>
        %dma_start3A_90 = tpu.memref_squeeze %dma_start3A_89 : memref<1x1x1x20x100xi32, #tpu.memory_space<hbm>> -> memref<20x100xi32, #tpu.memory_space<hbm>>
        tpu.enqueue_dma source(%dma_start3A_90 : memref<20x100xi32, #tpu.memory_space<hbm>>) target(%arg6 : memref<20x100xi32, #tpu.memory_space<vmem>>) target_semaphore(%run_scoped3A_82 : memref<!tpu.dma_semaphore, #tpu.memory_space<semaphore_mem>>)
        %dma_wait3A_91 = arith.constant 0 : i32
        %dma_wait3A_92 = arith.constant 0 : i32
        %dma_wait3A_93 = tpu.memref_slice %arg3[%run_scoped3A, %add3A, %scan3A_13, %dma_wait3A_91, %dma_wait3A_92] : memref<2x32x5x20x100xi32, #tpu.memory_space<hbm>> -> memref<1x1x1x20x100xi32, #tpu.memory_space<hbm>>
        %dma_wait3A_94 = tpu.memref_squeeze %dma_wait3A_93 : memref<1x1x1x20x100xi32, #tpu.memory_space<hbm>> -> memref<20x100xi32, #tpu.memory_space<hbm>>
        %dma_wait3A_95 = arith.constant 0 : i32
        %dma_wait3A_96 = arith.constant 0 : i32
        %dma_wait3A_97 = tpu.memref_slice %arg3[%run_scoped3A, %add3A, %scan3A_13, %dma_wait3A_95, %dma_wait3A_96] : memref<2x32x5x20x100xi32, #tpu.memory_space<hbm>> -> memref<1x1x1x20x100xi32, #tpu.memory_space<hbm>>
        %dma_wait3A_98 = tpu.memref_squeeze %dma_wait3A_97 : memref<1x1x1x20x100xi32, #tpu.memory_space<hbm>> -> memref<20x100xi32, #tpu.memory_space<hbm>>
        tpu.wait_dma2 semaphore(%run_scoped3A_82 : memref<!tpu.dma_semaphore, #tpu.memory_space<semaphore_mem>>) src(%dma_wait3A_98 : memref<20x100xi32, #tpu.memory_space<hbm>>) dst(%arg6 : memref<20x100xi32, #tpu.memory_space<vmem>>)
        tpu.yield
      }) : () -> ()
      %run_scoped3A_14 = arith.constant 1 : i32
      "tpu.region"() ({
        %run_scoped3A_82 = tpu.sem_alloc : memref<!tpu.dma_semaphore, #tpu.memory_space<semaphore_mem>>
        %dma_start3A_83 = arith.constant 0 : i32
        %dma_start3A_84 = arith.constant 0 : i32
        %dma_start3A_85 = tpu.memref_slice %arg3[%run_scoped3A_14, %add3A, %scan3A_13, %dma_start3A_83, %dma_start3A_84] : memref<2x32x5x20x100xi32, #tpu.memory_space<hbm>> -> memref<1x1x1x20x100xi32, #tpu.memory_space<hbm>>
        %dma_start3A_86 = tpu.memref_squeeze %dma_start3A_85 : memref<1x1x1x20x100xi32, #tpu.memory_space<hbm>> -> memref<20x100xi32, #tpu.memory_space<hbm>>
        %dma_start3A_87 = arith.constant 0 : i32
        %dma_start3A_88 = arith.constant 0 : i32
        %dma_start3A_89 = tpu.memref_slice %arg3[%run_scoped3A_14, %add3A, %scan3A_13, %dma_start3A_87, %dma_start3A_88] : memref<2x32x5x20x100xi32, #tpu.memory_space<hbm>> -> memref<1x1x1x20x100xi32, #tpu.memory_space<hbm>>
        %dma_start3A_90 = tpu.memref_squeeze %dma_start3A_89 : memref<1x1x1x20x100xi32, #tpu.memory_space<hbm>> -> memref<20x100xi32, #tpu.memory_space<hbm>>
        tpu.enqueue_dma source(%dma_start3A_90 : memref<20x100xi32, #tpu.memory_space<hbm>>) target(%arg7 : memref<20x100xi32, #tpu.memory_space<vmem>>) target_semaphore(%run_scoped3A_82 : memref<!tpu.dma_semaphore, #tpu.memory_space<semaphore_mem>>)
        %dma_wait3A_91 = arith.constant 0 : i32
        %dma_wait3A_92 = arith.constant 0 : i32
        %dma_wait3A_93 = tpu.memref_slice %arg3[%run_scoped3A_14, %add3A, %scan3A_13, %dma_wait3A_91, %dma_wait3A_92] : memref<2x32x5x20x100xi32, #tpu.memory_space<hbm>> -> memref<1x1x1x20x100xi32, #tpu.memory_space<hbm>>
        %dma_wait3A_94 = tpu.memref_squeeze %dma_wait3A_93 : memref<1x1x1x20x100xi32, #tpu.memory_space<hbm>> -> memref<20x100xi32, #tpu.memory_space<hbm>>
        %dma_wait3A_95 = arith.constant 0 : i32
        %dma_wait3A_96 = arith.constant 0 : i32
        %dma_wait3A_97 = tpu.memref_slice %arg3[%run_scoped3A_14, %add3A, %scan3A_13, %dma_wait3A_95, %dma_wait3A_96] : memref<2x32x5x20x100xi32, #tpu.memory_space<hbm>> -> memref<1x1x1x20x100xi32, #tpu.memory_space<hbm>>
        %dma_wait3A_98 = tpu.memref_squeeze %dma_wait3A_97 : memref<1x1x1x20x100xi32, #tpu.memory_space<hbm>> -> memref<20x100xi32, #tpu.memory_space<hbm>>
        tpu.wait_dma2 semaphore(%run_scoped3A_82 : memref<!tpu.dma_semaphore, #tpu.memory_space<semaphore_mem>>) src(%dma_wait3A_98 : memref<20x100xi32, #tpu.memory_space<hbm>>) dst(%arg7 : memref<20x100xi32, #tpu.memory_space<vmem>>)
        tpu.yield
      }) : () -> ()
      %dma_start3A = arith.constant 0 : i32
      %dma_start3A_15 = arith.constant 0 : i32
      %dma_start3A_16 = tpu.memref_slice %arg6[%dma_start3A, %dma_start3A_15] : memref<20x100xi32, #tpu.memory_space<vmem>> -> memref<1x100xi32, #tpu.memory_space<vmem>>
      %dma_start3A_17 = tpu.memref_squeeze %dma_start3A_16 : memref<1x100xi32, #tpu.memory_space<vmem>> -> memref<100xi32, #tpu.memory_space<vmem>>
      %dma_start3A_18 = arith.constant 0 : i32
      %dma_start3A_19 = arith.constant 0 : i32
      %dma_start3A_20 = tpu.memref_slice %arg2[%dma_start3A_18, %dma_start3A_19] : memref<10000x128xf32, #tpu.memory_space<hbm>> -> memref<10000x128xf32, #tpu.memory_space<hbm>>
      tpu.enqueue_indirect_dma source(%dma_start3A_20 : memref<10000x128xf32, #tpu.memory_space<hbm>>) target(%arg8 : memref<100x128xf32, #tpu.memory_space<vmem>>) offsets(%dma_start3A_17 : memref<100xi32, #tpu.memory_space<vmem>>) semaphore(%arg12 : memref<!tpu.dma_semaphore, #tpu.memory_space<semaphore_mem>>)
      %dma_start3A_21 = arith.constant 1 : i32
      %dma_start3A_22 = arith.constant 0 : i32
      %dma_start3A_23 = tpu.memref_slice %arg6[%dma_start3A_21, %dma_start3A_22] : memref<20x100xi32, #tpu.memory_space<vmem>> -> memref<1x100xi32, #tpu.memory_space<vmem>>
      %dma_start3A_24 = tpu.memref_squeeze %dma_start3A_23 : memref<1x100xi32, #tpu.memory_space<vmem>> -> memref<100xi32, #tpu.memory_space<vmem>>
      %dma_start3A_25 = arith.constant 0 : i32
      %dma_start3A_26 = arith.constant 0 : i32
      %dma_start3A_27 = tpu.memref_slice %arg2[%dma_start3A_25, %dma_start3A_26] : memref<10000x128xf32, #tpu.memory_space<hbm>> -> memref<10000x128xf32, #tpu.memory_space<hbm>>
      tpu.enqueue_indirect_dma source(%dma_start3A_27 : memref<10000x128xf32, #tpu.memory_space<hbm>>) target(%arg9 : memref<100x128xf32, #tpu.memory_space<vmem>>) offsets(%dma_start3A_24 : memref<100xi32, #tpu.memory_space<vmem>>) semaphore(%arg13 : memref<!tpu.dma_semaphore, #tpu.memory_space<semaphore_mem>>)
      %dma_wait3A = arith.constant 0 : i32
      %dma_wait3A_28 = arith.constant 0 : i32
      %dma_wait3A_29 = tpu.memref_slice %arg6[%dma_wait3A, %dma_wait3A_28] : memref<20x100xi32, #tpu.memory_space<vmem>> -> memref<1x100xi32, #tpu.memory_space<vmem>>
      %dma_wait3A_30 = tpu.memref_squeeze %dma_wait3A_29 : memref<1x100xi32, #tpu.memory_space<vmem>> -> memref<100xi32, #tpu.memory_space<vmem>>
      %dma_wait3A_31 = arith.constant 0 : i32
      %dma_wait3A_32 = arith.constant 0 : i32
      %dma_wait3A_33 = tpu.memref_slice %arg2[%dma_wait3A_31, %dma_wait3A_32] : memref<10000x128xf32, #tpu.memory_space<hbm>> -> memref<10000x128xf32, #tpu.memory_space<hbm>>
      tpu.wait_indirect_dma semaphore(%arg12 : memref<!tpu.dma_semaphore, #tpu.memory_space<semaphore_mem>>) src(%dma_wait3A_33 : memref<10000x128xf32, #tpu.memory_space<hbm>>) dst(%arg8 : memref<100x128xf32, #tpu.memory_space<vmem>>)
      %dma_start3A_34 = arith.constant 0 : i32
      %dma_start3A_35 = arith.constant 0 : i32
      %dma_start3A_36 = tpu.memref_slice %arg7[%dma_start3A_34, %dma_start3A_35] : memref<20x100xi32, #tpu.memory_space<vmem>> -> memref<1x100xi32, #tpu.memory_space<vmem>>
      %dma_start3A_37 = tpu.memref_squeeze %dma_start3A_36 : memref<1x100xi32, #tpu.memory_space<vmem>> -> memref<100xi32, #tpu.memory_space<vmem>>
      %dma_start3A_38 = arith.constant 0 : i32
      %dma_start3A_39 = arith.constant 0 : i32
      %dma_start3A_40 = tpu.memref_slice %arg11[%dma_start3A_38, %dma_start3A_39] : memref<10240x128xf32, #tpu.memory_space<vmem_shared>> -> memref<10240x128xf32, #tpu.memory_space<vmem_shared>>
      tpu.enqueue_indirect_dma source(%arg8 : memref<100x128xf32, #tpu.memory_space<vmem>>) target(%dma_start3A_40 : memref<10240x128xf32, #tpu.memory_space<vmem_shared>>) offsets(%dma_start3A_37 : memref<100xi32, #tpu.memory_space<vmem>>) semaphore(%arg15 : memref<!tpu.dma_semaphore, #tpu.memory_space<semaphore_mem>>) {add = true}
      %dma_start3A_41 = arith.constant 2 : i32
      %dma_start3A_42 = arith.constant 0 : i32
      %dma_start3A_43 = tpu.memref_slice %arg6[%dma_start3A_41, %dma_start3A_42] : memref<20x100xi32, #tpu.memory_space<vmem>> -> memref<1x100xi32, #tpu.memory_space<vmem>>
      %dma_start3A_44 = tpu.memref_squeeze %dma_start3A_43 : memref<1x100xi32, #tpu.memory_space<vmem>> -> memref<100xi32, #tpu.memory_space<vmem>>
      %dma_start3A_45 = arith.constant 0 : i32
      %dma_start3A_46 = arith.constant 0 : i32
      %dma_start3A_47 = tpu.memref_slice %arg2[%dma_start3A_45, %dma_start3A_46] : memref<10000x128xf32, #tpu.memory_space<hbm>> -> memref<10000x128xf32, #tpu.memory_space<hbm>>
      tpu.enqueue_indirect_dma source(%dma_start3A_47 : memref<10000x128xf32, #tpu.memory_space<hbm>>) target(%arg10 : memref<100x128xf32, #tpu.memory_space<vmem>>) offsets(%dma_start3A_44 : memref<100xi32, #tpu.memory_space<vmem>>) semaphore(%arg14 : memref<!tpu.dma_semaphore, #tpu.memory_space<semaphore_mem>>)
      %scan3A_48 = arith.constant 0 : i32
      %scan3A_49 = arith.constant 0 : i32
      %scan3A_50 = arith.constant 6 : i32
      %scan3A_51 = arith.addi %scan3A_49, %scan3A_50 : i32
      %scan3A_52 = arith.constant 1 : i32
      scf.for %scan3A_82 = %scan3A_49 to %scan3A_51 step %scan3A_52  : i32 {
        %mul3A_83 = arith.constant 3 : i32
        %mul3A_84 = arith.muli %mul3A_83, %scan3A_82 : i32
        %add3A_85 = arith.constant 1 : i32
        %add3A_86 = arith.addi %mul3A_84, %add3A_85 : i32
        %add3A_87 = arith.constant 0 : i32
        %add3A_88 = arith.addi %add3A_86, %add3A_87 : i32
        %dma_wait3A_89 = arith.constant 0 : i32
        %dma_wait3A_90 = arith.constant 0 : i32
        %dma_wait3A_91 = tpu.memref_slice %arg6[%dma_wait3A_89, %dma_wait3A_90] : memref<20x100xi32, #tpu.memory_space<vmem>> -> memref<1x100xi32, #tpu.memory_space<vmem>>
        %dma_wait3A_92 = tpu.memref_squeeze %dma_wait3A_91 : memref<1x100xi32, #tpu.memory_space<vmem>> -> memref<100xi32, #tpu.memory_space<vmem>>
        %dma_wait3A_93 = arith.constant 0 : i32
        %dma_wait3A_94 = arith.constant 0 : i32
        %dma_wait3A_95 = tpu.memref_slice %arg2[%dma_wait3A_93, %dma_wait3A_94] : memref<10000x128xf32, #tpu.memory_space<hbm>> -> memref<10000x128xf32, #tpu.memory_space<hbm>>
        tpu.wait_indirect_dma semaphore(%arg13 : memref<!tpu.dma_semaphore, #tpu.memory_space<semaphore_mem>>) src(%dma_wait3A_95 : memref<10000x128xf32, #tpu.memory_space<hbm>>) dst(%arg9 : memref<100x128xf32, #tpu.memory_space<vmem>>)
        %dma_start3A_96 = arith.constant 0 : i32
        %dma_start3A_97 = tpu.memref_slice %arg7[%add3A_88, %dma_start3A_96] : memref<20x100xi32, #tpu.memory_space<vmem>> -> memref<1x100xi32, #tpu.memory_space<vmem>>
        %dma_start3A_98 = tpu.memref_squeeze %dma_start3A_97 : memref<1x100xi32, #tpu.memory_space<vmem>> -> memref<100xi32, #tpu.memory_space<vmem>>
        %dma_start3A_99 = arith.constant 0 : i32
        %dma_start3A_100 = arith.constant 0 : i32
        %dma_start3A_101 = tpu.memref_slice %arg11[%dma_start3A_99, %dma_start3A_100] : memref<10240x128xf32, #tpu.memory_space<vmem_shared>> -> memref<10240x128xf32, #tpu.memory_space<vmem_shared>>
        tpu.enqueue_indirect_dma source(%arg9 : memref<100x128xf32, #tpu.memory_space<vmem>>) target(%dma_start3A_101 : memref<10240x128xf32, #tpu.memory_space<vmem_shared>>) offsets(%dma_start3A_98 : memref<100xi32, #tpu.memory_space<vmem>>) semaphore(%arg15 : memref<!tpu.dma_semaphore, #tpu.memory_space<semaphore_mem>>) {add = true}
        %dma_wait3A_102 = arith.constant 0 : i32
        %dma_wait3A_103 = arith.constant 0 : i32
        %dma_wait3A_104 = tpu.memref_slice %arg7[%dma_wait3A_102, %dma_wait3A_103] : memref<20x100xi32, #tpu.memory_space<vmem>> -> memref<1x100xi32, #tpu.memory_space<vmem>>
        %dma_wait3A_105 = tpu.memref_squeeze %dma_wait3A_104 : memref<1x100xi32, #tpu.memory_space<vmem>> -> memref<100xi32, #tpu.memory_space<vmem>>
        %dma_wait3A_106 = arith.constant 0 : i32
        %dma_wait3A_107 = arith.constant 0 : i32
        %dma_wait3A_108 = tpu.memref_slice %arg11[%dma_wait3A_106, %dma_wait3A_107] : memref<10240x128xf32, #tpu.memory_space<vmem_shared>> -> memref<10240x128xf32, #tpu.memory_space<vmem_shared>>
        tpu.wait_indirect_dma semaphore(%arg15 : memref<!tpu.dma_semaphore, #tpu.memory_space<semaphore_mem>>) src(%arg8 : memref<100x128xf32, #tpu.memory_space<vmem>>) dst(%dma_wait3A_108 : memref<10240x128xf32, #tpu.memory_space<vmem_shared>>)
        %add3A_109 = arith.constant 2 : i32
        %add3A_110 = arith.addi %add3A_88, %add3A_109 : i32
        %dma_start3A_111 = arith.constant 0 : i32
        %dma_start3A_112 = tpu.memref_slice %arg6[%add3A_110, %dma_start3A_111] : memref<20x100xi32, #tpu.memory_space<vmem>> -> memref<1x100xi32, #tpu.memory_space<vmem>>
        %dma_start3A_113 = tpu.memref_squeeze %dma_start3A_112 : memref<1x100xi32, #tpu.memory_space<vmem>> -> memref<100xi32, #tpu.memory_space<vmem>>
        %dma_start3A_114 = arith.constant 0 : i32
        %dma_start3A_115 = arith.constant 0 : i32
        %dma_start3A_116 = tpu.memref_slice %arg2[%dma_start3A_114, %dma_start3A_115] : memref<10000x128xf32, #tpu.memory_space<hbm>> -> memref<10000x128xf32, #tpu.memory_space<hbm>>
        tpu.enqueue_indirect_dma source(%dma_start3A_116 : memref<10000x128xf32, #tpu.memory_space<hbm>>) target(%arg8 : memref<100x128xf32, #tpu.memory_space<vmem>>) offsets(%dma_start3A_113 : memref<100xi32, #tpu.memory_space<vmem>>) semaphore(%arg12 : memref<!tpu.dma_semaphore, #tpu.memory_space<semaphore_mem>>)
        %add3A_117 = arith.constant 1 : i32
        %add3A_118 = arith.addi %add3A_86, %add3A_117 : i32
        %dma_wait3A_119 = arith.constant 0 : i32
        %dma_wait3A_120 = arith.constant 0 : i32
        %dma_wait3A_121 = tpu.memref_slice %arg6[%dma_wait3A_119, %dma_wait3A_120] : memref<20x100xi32, #tpu.memory_space<vmem>> -> memref<1x100xi32, #tpu.memory_space<vmem>>
        %dma_wait3A_122 = tpu.memref_squeeze %dma_wait3A_121 : memref<1x100xi32, #tpu.memory_space<vmem>> -> memref<100xi32, #tpu.memory_space<vmem>>
        %dma_wait3A_123 = arith.constant 0 : i32
        %dma_wait3A_124 = arith.constant 0 : i32
        %dma_wait3A_125 = tpu.memref_slice %arg2[%dma_wait3A_123, %dma_wait3A_124] : memref<10000x128xf32, #tpu.memory_space<hbm>> -> memref<10000x128xf32, #tpu.memory_space<hbm>>
        tpu.wait_indirect_dma semaphore(%arg14 : memref<!tpu.dma_semaphore, #tpu.memory_space<semaphore_mem>>) src(%dma_wait3A_125 : memref<10000x128xf32, #tpu.memory_space<hbm>>) dst(%arg10 : memref<100x128xf32, #tpu.memory_space<vmem>>)
        %dma_start3A_126 = arith.constant 0 : i32
        %dma_start3A_127 = tpu.memref_slice %arg7[%add3A_118, %dma_start3A_126] : memref<20x100xi32, #tpu.memory_space<vmem>> -> memref<1x100xi32, #tpu.memory_space<vmem>>
        %dma_start3A_128 = tpu.memref_squeeze %dma_start3A_127 : memref<1x100xi32, #tpu.memory_space<vmem>> -> memref<100xi32, #tpu.memory_space<vmem>>
        %dma_start3A_129 = arith.constant 0 : i32
        %dma_start3A_130 = arith.constant 0 : i32
        %dma_start3A_131 = tpu.memref_slice %arg11[%dma_start3A_129, %dma_start3A_130] : memref<10240x128xf32, #tpu.memory_space<vmem_shared>> -> memref<10240x128xf32, #tpu.memory_space<vmem_shared>>
        tpu.enqueue_indirect_dma source(%arg10 : memref<100x128xf32, #tpu.memory_space<vmem>>) target(%dma_start3A_131 : memref<10240x128xf32, #tpu.memory_space<vmem_shared>>) offsets(%dma_start3A_128 : memref<100xi32, #tpu.memory_space<vmem>>) semaphore(%arg15 : memref<!tpu.dma_semaphore, #tpu.memory_space<semaphore_mem>>) {add = true}
        %dma_wait3A_132 = arith.constant 0 : i32
        %dma_wait3A_133 = arith.constant 0 : i32
        %dma_wait3A_134 = tpu.memref_slice %arg7[%dma_wait3A_132, %dma_wait3A_133] : memref<20x100xi32, #tpu.memory_space<vmem>> -> memref<1x100xi32, #tpu.memory_space<vmem>>
        %dma_wait3A_135 = tpu.memref_squeeze %dma_wait3A_134 : memref<1x100xi32, #tpu.memory_space<vmem>> -> memref<100xi32, #tpu.memory_space<vmem>>
        %dma_wait3A_136 = arith.constant 0 : i32
        %dma_wait3A_137 = arith.constant 0 : i32
        %dma_wait3A_138 = tpu.memref_slice %arg11[%dma_wait3A_136, %dma_wait3A_137] : memref<10240x128xf32, #tpu.memory_space<vmem_shared>> -> memref<10240x128xf32, #tpu.memory_space<vmem_shared>>
        tpu.wait_indirect_dma semaphore(%arg15 : memref<!tpu.dma_semaphore, #tpu.memory_space<semaphore_mem>>) src(%arg8 : memref<100x128xf32, #tpu.memory_space<vmem>>) dst(%dma_wait3A_138 : memref<10240x128xf32, #tpu.memory_space<vmem_shared>>)
        %add3A_139 = arith.constant 2 : i32
        %add3A_140 = arith.addi %add3A_118, %add3A_139 : i32
        %dma_start3A_141 = arith.constant 0 : i32
        %dma_start3A_142 = tpu.memref_slice %arg6[%add3A_140, %dma_start3A_141] : memref<20x100xi32, #tpu.memory_space<vmem>> -> memref<1x100xi32, #tpu.memory_space<vmem>>
        %dma_start3A_143 = tpu.memref_squeeze %dma_start3A_142 : memref<1x100xi32, #tpu.memory_space<vmem>> -> memref<100xi32, #tpu.memory_space<vmem>>
        %dma_start3A_144 = arith.constant 0 : i32
        %dma_start3A_145 = arith.constant 0 : i32
        %dma_start3A_146 = tpu.memref_slice %arg2[%dma_start3A_144, %dma_start3A_145] : memref<10000x128xf32, #tpu.memory_space<hbm>> -> memref<10000x128xf32, #tpu.memory_space<hbm>>
        tpu.enqueue_indirect_dma source(%dma_start3A_146 : memref<10000x128xf32, #tpu.memory_space<hbm>>) target(%arg9 : memref<100x128xf32, #tpu.memory_space<vmem>>) offsets(%dma_start3A_143 : memref<100xi32, #tpu.memory_space<vmem>>) semaphore(%arg13 : memref<!tpu.dma_semaphore, #tpu.memory_space<semaphore_mem>>)
        %add3A_147 = arith.constant 2 : i32
        %add3A_148 = arith.addi %add3A_86, %add3A_147 : i32
        %dma_wait3A_149 = arith.constant 0 : i32
        %dma_wait3A_150 = arith.constant 0 : i32
        %dma_wait3A_151 = tpu.memref_slice %arg6[%dma_wait3A_149, %dma_wait3A_150] : memref<20x100xi32, #tpu.memory_space<vmem>> -> memref<1x100xi32, #tpu.memory_space<vmem>>
        %dma_wait3A_152 = tpu.memref_squeeze %dma_wait3A_151 : memref<1x100xi32, #tpu.memory_space<vmem>> -> memref<100xi32, #tpu.memory_space<vmem>>
        %dma_wait3A_153 = arith.constant 0 : i32
        %dma_wait3A_154 = arith.constant 0 : i32
        %dma_wait3A_155 = tpu.memref_slice %arg2[%dma_wait3A_153, %dma_wait3A_154] : memref<10000x128xf32, #tpu.memory_space<hbm>> -> memref<10000x128xf32, #tpu.memory_space<hbm>>
        tpu.wait_indirect_dma semaphore(%arg12 : memref<!tpu.dma_semaphore, #tpu.memory_space<semaphore_mem>>) src(%dma_wait3A_155 : memref<10000x128xf32, #tpu.memory_space<hbm>>) dst(%arg8 : memref<100x128xf32, #tpu.memory_space<vmem>>)
        %dma_start3A_156 = arith.constant 0 : i32
        %dma_start3A_157 = tpu.memref_slice %arg7[%add3A_148, %dma_start3A_156] : memref<20x100xi32, #tpu.memory_space<vmem>> -> memref<1x100xi32, #tpu.memory_space<vmem>>
        %dma_start3A_158 = tpu.memref_squeeze %dma_start3A_157 : memref<1x100xi32, #tpu.memory_space<vmem>> -> memref<100xi32, #tpu.memory_space<vmem>>
        %dma_start3A_159 = arith.constant 0 : i32
        %dma_start3A_160 = arith.constant 0 : i32
        %dma_start3A_161 = tpu.memref_slice %arg11[%dma_start3A_159, %dma_start3A_160] : memref<10240x128xf32, #tpu.memory_space<vmem_shared>> -> memref<10240x128xf32, #tpu.memory_space<vmem_shared>>
        tpu.enqueue_indirect_dma source(%arg8 : memref<100x128xf32, #tpu.memory_space<vmem>>) target(%dma_start3A_161 : memref<10240x128xf32, #tpu.memory_space<vmem_shared>>) offsets(%dma_start3A_158 : memref<100xi32, #tpu.memory_space<vmem>>) semaphore(%arg15 : memref<!tpu.dma_semaphore, #tpu.memory_space<semaphore_mem>>) {add = true}
        %dma_wait3A_162 = arith.constant 0 : i32
        %dma_wait3A_163 = arith.constant 0 : i32
        %dma_wait3A_164 = tpu.memref_slice %arg7[%dma_wait3A_162, %dma_wait3A_163] : memref<20x100xi32, #tpu.memory_space<vmem>> -> memref<1x100xi32, #tpu.memory_space<vmem>>
        %dma_wait3A_165 = tpu.memref_squeeze %dma_wait3A_164 : memref<1x100xi32, #tpu.memory_space<vmem>> -> memref<100xi32, #tpu.memory_space<vmem>>
        %dma_wait3A_166 = arith.constant 0 : i32
        %dma_wait3A_167 = arith.constant 0 : i32
        %dma_wait3A_168 = tpu.memref_slice %arg11[%dma_wait3A_166, %dma_wait3A_167] : memref<10240x128xf32, #tpu.memory_space<vmem_shared>> -> memref<10240x128xf32, #tpu.memory_space<vmem_shared>>
        tpu.wait_indirect_dma semaphore(%arg15 : memref<!tpu.dma_semaphore, #tpu.memory_space<semaphore_mem>>) src(%arg8 : memref<100x128xf32, #tpu.memory_space<vmem>>) dst(%dma_wait3A_168 : memref<10240x128xf32, #tpu.memory_space<vmem_shared>>)
        %add3A_169 = arith.constant 2 : i32
        %add3A_170 = arith.addi %add3A_148, %add3A_169 : i32
        %lt3A = arith.constant 20 : i32
        %lt3A_171 = arith.cmpi slt, %add3A_170, %lt3A : i32
        %convert_element_type3A = arith.extui %lt3A_171 : i1 to i32
        %cond3A = arith.constant 0 : i32
        %cond3A_172 = arith.cmpi ne, %convert_element_type3A, %cond3A : i32
        scf.if %cond3A_172 {
          %add3A_173 = arith.constant 2 : i32
          %add3A_174 = arith.addi %add3A_148, %add3A_173 : i32
          %dma_start3A_175 = arith.constant 0 : i32
          %dma_start3A_176 = tpu.memref_slice %arg6[%add3A_174, %dma_start3A_175] : memref<20x100xi32, #tpu.memory_space<vmem>> -> memref<1x100xi32, #tpu.memory_space<vmem>>
          %dma_start3A_177 = tpu.memref_squeeze %dma_start3A_176 : memref<1x100xi32, #tpu.memory_space<vmem>> -> memref<100xi32, #tpu.memory_space<vmem>>
          %dma_start3A_178 = arith.constant 0 : i32
          %dma_start3A_179 = arith.constant 0 : i32
          %dma_start3A_180 = tpu.memref_slice %arg2[%dma_start3A_178, %dma_start3A_179] : memref<10000x128xf32, #tpu.memory_space<hbm>> -> memref<10000x128xf32, #tpu.memory_space<hbm>>
          tpu.enqueue_indirect_dma source(%dma_start3A_180 : memref<10000x128xf32, #tpu.memory_space<hbm>>) target(%arg10 : memref<100x128xf32, #tpu.memory_space<vmem>>) offsets(%dma_start3A_177 : memref<100xi32, #tpu.memory_space<vmem>>) semaphore(%arg14 : memref<!tpu.dma_semaphore, #tpu.memory_space<semaphore_mem>>)
        } else {
        }
      }
      %scan3A_53 = arith.constant 6 : i32
      %dma_wait3A_54 = arith.constant 0 : i32
      %dma_wait3A_55 = arith.constant 0 : i32
      %dma_wait3A_56 = tpu.memref_slice %arg6[%dma_wait3A_54, %dma_wait3A_55] : memref<20x100xi32, #tpu.memory_space<vmem>> -> memref<1x100xi32, #tpu.memory_space<vmem>>
      %dma_wait3A_57 = tpu.memref_squeeze %dma_wait3A_56 : memref<1x100xi32, #tpu.memory_space<vmem>> -> memref<100xi32, #tpu.memory_space<vmem>>
      %dma_wait3A_58 = arith.constant 0 : i32
      %dma_wait3A_59 = arith.constant 0 : i32
      %dma_wait3A_60 = tpu.memref_slice %arg2[%dma_wait3A_58, %dma_wait3A_59] : memref<10000x128xf32, #tpu.memory_space<hbm>> -> memref<10000x128xf32, #tpu.memory_space<hbm>>
      tpu.wait_indirect_dma semaphore(%arg13 : memref<!tpu.dma_semaphore, #tpu.memory_space<semaphore_mem>>) src(%dma_wait3A_60 : memref<10000x128xf32, #tpu.memory_space<hbm>>) dst(%arg9 : memref<100x128xf32, #tpu.memory_space<vmem>>)
      %dma_start3A_61 = arith.constant 19 : i32
      %dma_start3A_62 = arith.constant 0 : i32
      %dma_start3A_63 = tpu.memref_slice %arg7[%dma_start3A_61, %dma_start3A_62] : memref<20x100xi32, #tpu.memory_space<vmem>> -> memref<1x100xi32, #tpu.memory_space<vmem>>
      %dma_start3A_64 = tpu.memref_squeeze %dma_start3A_63 : memref<1x100xi32, #tpu.memory_space<vmem>> -> memref<100xi32, #tpu.memory_space<vmem>>
      %dma_start3A_65 = arith.constant 0 : i32
      %dma_start3A_66 = arith.constant 0 : i32
      %dma_start3A_67 = tpu.memref_slice %arg11[%dma_start3A_65, %dma_start3A_66] : memref<10240x128xf32, #tpu.memory_space<vmem_shared>> -> memref<10240x128xf32, #tpu.memory_space<vmem_shared>>
      tpu.enqueue_indirect_dma source(%arg9 : memref<100x128xf32, #tpu.memory_space<vmem>>) target(%dma_start3A_67 : memref<10240x128xf32, #tpu.memory_space<vmem_shared>>) offsets(%dma_start3A_64 : memref<100xi32, #tpu.memory_space<vmem>>) semaphore(%arg15 : memref<!tpu.dma_semaphore, #tpu.memory_space<semaphore_mem>>) {add = true}
      %dma_wait3A_68 = arith.constant 0 : i32
      %dma_wait3A_69 = arith.constant 0 : i32
      %dma_wait3A_70 = tpu.memref_slice %arg7[%dma_wait3A_68, %dma_wait3A_69] : memref<20x100xi32, #tpu.memory_space<vmem>> -> memref<1x100xi32, #tpu.memory_space<vmem>>
      %dma_wait3A_71 = tpu.memref_squeeze %dma_wait3A_70 : memref<1x100xi32, #tpu.memory_space<vmem>> -> memref<100xi32, #tpu.memory_space<vmem>>
      %dma_wait3A_72 = arith.constant 0 : i32
      %dma_wait3A_73 = arith.constant 0 : i32
      %dma_wait3A_74 = tpu.memref_slice %arg11[%dma_wait3A_72, %dma_wait3A_73] : memref<10240x128xf32, #tpu.memory_space<vmem_shared>> -> memref<10240x128xf32, #tpu.memory_space<vmem_shared>>
      tpu.wait_indirect_dma semaphore(%arg15 : memref<!tpu.dma_semaphore, #tpu.memory_space<semaphore_mem>>) src(%arg8 : memref<100x128xf32, #tpu.memory_space<vmem>>) dst(%dma_wait3A_74 : memref<10240x128xf32, #tpu.memory_space<vmem_shared>>)
      %dma_wait3A_75 = arith.constant 0 : i32
      %dma_wait3A_76 = arith.constant 0 : i32
      %dma_wait3A_77 = tpu.memref_slice %arg7[%dma_wait3A_75, %dma_wait3A_76] : memref<20x100xi32, #tpu.memory_space<vmem>> -> memref<1x100xi32, #tpu.memory_space<vmem>>
      %dma_wait3A_78 = tpu.memref_squeeze %dma_wait3A_77 : memref<1x100xi32, #tpu.memory_space<vmem>> -> memref<100xi32, #tpu.memory_space<vmem>>
      %dma_wait3A_79 = arith.constant 0 : i32
      %dma_wait3A_80 = arith.constant 0 : i32
      %dma_wait3A_81 = tpu.memref_slice %arg11[%dma_wait3A_79, %dma_wait3A_80] : memref<10240x128xf32, #tpu.memory_space<vmem_shared>> -> memref<10240x128xf32, #tpu.memory_space<vmem_shared>>
      tpu.wait_indirect_dma semaphore(%arg15 : memref<!tpu.dma_semaphore, #tpu.memory_space<semaphore_mem>>) src(%arg8 : memref<100x128xf32, #tpu.memory_space<vmem>>) dst(%dma_wait3A_81 : memref<10240x128xf32, #tpu.memory_space<vmem_shared>>)
    }
    %scan3A_7 = arith.constant 5 : i32
    %barrier3A_8 = arith.constant 0 : index
    tpu.barrier barrier_id(%barrier3A_8)
    %mul3A_9 = arith.constant 640 : i32
    %mul3A_10 = arith.muli %arg1, %mul3A_9 : i32
    %mul3A_11 = arith.constant 640 : i32
    %mul3A_12 = arith.muli %arg1, %mul3A_11 : i32
    "tpu.region"() ({
      %run_scoped3A = tpu.sem_alloc : memref<!tpu.dma_semaphore, #tpu.memory_space<semaphore_mem>>
      %dma_start3A = arith.constant 0 : i32
      %dma_start3A_13 = arith.constant 0 : i32
      %dma_start3A_14 = tpu.memref_slice %arg5[%arg0, %dma_start3A, %dma_start3A_13] : memref<2x10240x128xf32, #tpu.memory_space<hbm>> -> memref<1x10240x128xf32, #tpu.memory_space<hbm>>
      %dma_start3A_15 = tpu.memref_squeeze %dma_start3A_14 : memref<1x10240x128xf32, #tpu.memory_space<hbm>> -> memref<10240x128xf32, #tpu.memory_space<hbm>>
      %dma_start3A_16 = arith.constant 0 : i32
      %dma_start3A_17 = tpu.memref_slice %dma_start3A_15[%mul3A_12, %dma_start3A_16] : memref<10240x128xf32, #tpu.memory_space<hbm>> -> memref<640x128xf32, #tpu.memory_space<hbm>>
      %dma_start3A_18 = arith.constant 0 : i32
      %dma_start3A_19 = tpu.memref_slice %arg11[%mul3A_10, %dma_start3A_18] : memref<10240x128xf32, #tpu.memory_space<vmem_shared>> -> memref<640x128xf32, #tpu.memory_space<vmem_shared>>
      tpu.enqueue_dma source(%dma_start3A_19 : memref<640x128xf32, #tpu.memory_space<vmem_shared>>) target(%dma_start3A_17 : memref<640x128xf32, #tpu.memory_space<hbm>>) target_semaphore(%run_scoped3A : memref<!tpu.dma_semaphore, #tpu.memory_space<semaphore_mem>>)
      %dma_wait3A = arith.constant 0 : i32
      %dma_wait3A_20 = arith.constant 0 : i32
      %dma_wait3A_21 = tpu.memref_slice %arg5[%arg0, %dma_wait3A, %dma_wait3A_20] : memref<2x10240x128xf32, #tpu.memory_space<hbm>> -> memref<1x10240x128xf32, #tpu.memory_space<hbm>>
      %dma_wait3A_22 = tpu.memref_squeeze %dma_wait3A_21 : memref<1x10240x128xf32, #tpu.memory_space<hbm>> -> memref<10240x128xf32, #tpu.memory_space<hbm>>
      %dma_wait3A_23 = arith.constant 0 : i32
      %dma_wait3A_24 = tpu.memref_slice %dma_wait3A_22[%mul3A_12, %dma_wait3A_23] : memref<10240x128xf32, #tpu.memory_space<hbm>> -> memref<640x128xf32, #tpu.memory_space<hbm>>
      %dma_wait3A_25 = arith.constant 0 : i32
      %dma_wait3A_26 = tpu.memref_slice %arg11[%mul3A_10, %dma_wait3A_25] : memref<10240x128xf32, #tpu.memory_space<vmem_shared>> -> memref<640x128xf32, #tpu.memory_space<vmem_shared>>
      tpu.wait_dma2 semaphore(%run_scoped3A : memref<!tpu.dma_semaphore, #tpu.memory_space<semaphore_mem>>) src(%dma_wait3A_26 : memref<640x128xf32, #tpu.memory_space<vmem_shared>>) dst(%dma_wait3A_24 : memref<640x128xf32, #tpu.memory_space<hbm>>)
      tpu.yield
    }) : () -> ()
    return
  }
}

#map = affine_map<(d0, d1) -> (0, 0)>
#map1 = affine_map<(d0, d1) -> (0, 0, 0, 0, 0)>
#map2 = affine_map<(d0, d1) -> (0, 0, 0)>
module attributes {stable_mosaic.version = 14 : i64} {
  func.func @scat_kernel(%arg0: i32, %arg1: i32, %arg2: memref<10000x128xf32, #tpu.memory_space<hbm>>, %arg3: memref<2x32x5x20x100xi32, #tpu.memory_space<hbm>>, %arg4: memref<640x128xf32, #tpu.memory_space<hbm>>, %arg5: memref<2x10240x128xf32, #tpu.memory_space<hbm>>, %arg6: memref<20x100xi32, #tpu.memory_space<vmem>>, %arg7: memref<20x100xi32, #tpu.memory_space<vmem>>, %arg8: memref<100x128xf32, #tpu.memory_space<vmem>>, %arg9: memref<100x128xf32, #tpu.memory_space<vmem>>, %arg10: memref<100x128xf32, #tpu.memory_space<vmem>>, %arg11: memref<10240x128xf32, #tpu.memory_space<vmem_shared>>, %arg12: memref<!tpu.dma_semaphore, #tpu.memory_space<semaphore_mem>>, %arg13: memref<!tpu.dma_semaphore, #tpu.memory_space<semaphore_mem>>, %arg14: memref<!tpu.dma_semaphore, #tpu.memory_space<semaphore_mem>>, %arg15: memref<!tpu.dma_semaphore, #tpu.memory_space<semaphore_mem>>) attributes {dimension_semantics = [#tpu.dimension_semantics<core_parallel>, #tpu.dimension_semantics<subcore_parallel>], iteration_bounds = array<i64: 2, 16>, scalar_prefetch = 0 : i64, scratch_operands = 10 : i64, tpu.core_type = #tpu.core_type<sc_vector_subcore>, window_params = [{transform_indices = #map}, {transform_indices = #map1}, {transform_indices = #map}, {transform_indices = #map2}]} {
    %mul3A = arith.constant 16 : i32
    %mul3A_0 = arith.muli %arg0, %mul3A : i32
    %add3A = arith.addi %mul3A_0, %arg1 : i32
    %mul3A_1 = arith.constant 640 : i32
    %mul3A_2 = arith.muli %arg1, %mul3A_1 : i32
    "tpu.region"() ({
      %run_scoped3A = tpu.sem_alloc : memref<!tpu.dma_semaphore, #tpu.memory_space<semaphore_mem>>
      %dma_start3A = arith.constant 0 : i32
      %dma_start3A_13 = tpu.memref_slice %arg11[%mul3A_2, %dma_start3A] : memref<10240x128xf32, #tpu.memory_space<vmem_shared>> -> memref<640x128xf32, #tpu.memory_space<vmem_shared>>
      tpu.enqueue_dma source(%arg4 : memref<640x128xf32, #tpu.memory_space<hbm>>) target(%dma_start3A_13 : memref<640x128xf32, #tpu.memory_space<vmem_shared>>) target_semaphore(%run_scoped3A : memref<!tpu.dma_semaphore, #tpu.memory_space<semaphore_mem>>)
      %dma_wait3A = arith.constant 0 : i32
      %dma_wait3A_14 = tpu.memref_slice %arg11[%mul3A_2, %dma_wait3A] : memref<10240x128xf32, #tpu.memory_space<vmem_shared>> -> memref<640x128xf32, #tpu.memory_space<vmem_shared>>
      tpu.wait_dma2 semaphore(%run_scoped3A : memref<!tpu.dma_semaphore, #tpu.memory_space<semaphore_mem>>) src(%arg4 : memref<640x128xf32, #tpu.memory_space<hbm>>) dst(%dma_wait3A_14 : memref<640x128xf32, #tpu.memory_space<vmem_shared>>)
      tpu.yield
    }) : () -> ()
    %barrier3A = arith.constant 0 : index
    tpu.barrier barrier_id(%barrier3A)
    %scan3A = arith.constant 0 : i32
    %scan3A_3 = arith.constant 0 : i32
    %scan3A_4 = arith.constant 5 : i32
    %scan3A_5 = arith.addi %scan3A_3, %scan3A_4 : i32
    %scan3A_6 = arith.constant 1 : i32
    scf.for %scan3A_13 = %scan3A_3 to %scan3A_5 step %scan3A_6  : i32 {
      %run_scoped3A = arith.constant 0 : i32
      "tpu.region"() ({
        %run_scoped3A_82 = tpu.sem_alloc : memref<!tpu.dma_semaphore, #tpu.memory_space<semaphore_mem>>
        %dma_start3A_83 = arith.constant 0 : i32
        %dma_start3A_84 = arith.constant 0 : i32
        %dma_start3A_85 = tpu.memref_slice %arg3[%run_scoped3A, %add3A, %scan3A_13, %dma_start3A_83, %dma_start3A_84] : memref<2x32x5x20x100xi32, #tpu.memory_space<hbm>> -> memref<1x1x1x20x100xi32, #tpu.memory_space<hbm>>
        %dma_start3A_86 = tpu.memref_squeeze %dma_start3A_85 : memref<1x1x1x20x100xi32, #tpu.memory_space<hbm>> -> memref<20x100xi32, #tpu.memory_space<hbm>>
        %dma_start3A_87 = arith.constant 0 : i32
        %dma_start3A_88 = arith.constant 0 : i32
        %dma_start3A_89 = tpu.memref_slice %arg3[%run_scoped3A, %add3A, %scan3A_13, %dma_start3A_87, %dma_start3A_88] : memref<2x32x5x20x100xi32, #tpu.memory_space<hbm>> -> memref<1x1x1x20x100xi32, #tpu.memory_space<hbm>>
        %dma_start3A_90 = tpu.memref_squeeze %dma_start3A_89 : memref<1x1x1x20x100xi32, #tpu.memory_space<hbm>> -> memref<20x100xi32, #tpu.memory_space<hbm>>
        tpu.enqueue_dma source(%dma_start3A_90 : memref<20x100xi32, #tpu.memory_space<hbm>>) target(%arg6 : memref<20x100xi32, #tpu.memory_space<vmem>>) target_semaphore(%run_scoped3A_82 : memref<!tpu.dma_semaphore, #tpu.memory_space<semaphore_mem>>)
        %dma_wait3A_91 = arith.constant 0 : i32
        %dma_wait3A_92 = arith.constant 0 : i32
        %dma_wait3A_93 = tpu.memref_slice %arg3[%run_scoped3A, %add3A, %scan3A_13, %dma_wait3A_91, %dma_wait3A_92] : memref<2x32x5x20x100xi32, #tpu.memory_space<hbm>> -> memref<1x1x1x20x100xi32, #tpu.memory_space<hbm>>
        %dma_wait3A_94 = tpu.memref_squeeze %dma_wait3A_93 : memref<1x1x1x20x100xi32, #tpu.memory_space<hbm>> -> memref<20x100xi32, #tpu.memory_space<hbm>>
        %dma_wait3A_95 = arith.constant 0 : i32
        %dma_wait3A_96 = arith.constant 0 : i32
        %dma_wait3A_97 = tpu.memref_slice %arg3[%run_scoped3A, %add3A, %scan3A_13, %dma_wait3A_95, %dma_wait3A_96] : memref<2x32x5x20x100xi32, #tpu.memory_space<hbm>> -> memref<1x1x1x20x100xi32, #tpu.memory_space<hbm>>
        %dma_wait3A_98 = tpu.memref_squeeze %dma_wait3A_97 : memref<1x1x1x20x100xi32, #tpu.memory_space<hbm>> -> memref<20x100xi32, #tpu.memory_space<hbm>>
        tpu.wait_dma2 semaphore(%run_scoped3A_82 : memref<!tpu.dma_semaphore, #tpu.memory_space<semaphore_mem>>) src(%dma_wait3A_98 : memref<20x100xi32, #tpu.memory_space<hbm>>) dst(%arg6 : memref<20x100xi32, #tpu.memory_space<vmem>>)
        tpu.yield
      }) : () -> ()
      %run_scoped3A_14 = arith.constant 1 : i32
      "tpu.region"() ({
        %run_scoped3A_82 = tpu.sem_alloc : memref<!tpu.dma_semaphore, #tpu.memory_space<semaphore_mem>>
        %dma_start3A_83 = arith.constant 0 : i32
        %dma_start3A_84 = arith.constant 0 : i32
        %dma_start3A_85 = tpu.memref_slice %arg3[%run_scoped3A_14, %add3A, %scan3A_13, %dma_start3A_83, %dma_start3A_84] : memref<2x32x5x20x100xi32, #tpu.memory_space<hbm>> -> memref<1x1x1x20x100xi32, #tpu.memory_space<hbm>>
        %dma_start3A_86 = tpu.memref_squeeze %dma_start3A_85 : memref<1x1x1x20x100xi32, #tpu.memory_space<hbm>> -> memref<20x100xi32, #tpu.memory_space<hbm>>
        %dma_start3A_87 = arith.constant 0 : i32
        %dma_start3A_88 = arith.constant 0 : i32
        %dma_start3A_89 = tpu.memref_slice %arg3[%run_scoped3A_14, %add3A, %scan3A_13, %dma_start3A_87, %dma_start3A_88] : memref<2x32x5x20x100xi32, #tpu.memory_space<hbm>> -> memref<1x1x1x20x100xi32, #tpu.memory_space<hbm>>
        %dma_start3A_90 = tpu.memref_squeeze %dma_start3A_89 : memref<1x1x1x20x100xi32, #tpu.memory_space<hbm>> -> memref<20x100xi32, #tpu.memory_space<hbm>>
        tpu.enqueue_dma source(%dma_start3A_90 : memref<20x100xi32, #tpu.memory_space<hbm>>) target(%arg7 : memref<20x100xi32, #tpu.memory_space<vmem>>) target_semaphore(%run_scoped3A_82 : memref<!tpu.dma_semaphore, #tpu.memory_space<semaphore_mem>>)
        %dma_wait3A_91 = arith.constant 0 : i32
        %dma_wait3A_92 = arith.constant 0 : i32
        %dma_wait3A_93 = tpu.memref_slice %arg3[%run_scoped3A_14, %add3A, %scan3A_13, %dma_wait3A_91, %dma_wait3A_92] : memref<2x32x5x20x100xi32, #tpu.memory_space<hbm>> -> memref<1x1x1x20x100xi32, #tpu.memory_space<hbm>>
        %dma_wait3A_94 = tpu.memref_squeeze %dma_wait3A_93 : memref<1x1x1x20x100xi32, #tpu.memory_space<hbm>> -> memref<20x100xi32, #tpu.memory_space<hbm>>
        %dma_wait3A_95 = arith.constant 0 : i32
        %dma_wait3A_96 = arith.constant 0 : i32
        %dma_wait3A_97 = tpu.memref_slice %arg3[%run_scoped3A_14, %add3A, %scan3A_13, %dma_wait3A_95, %dma_wait3A_96] : memref<2x32x5x20x100xi32, #tpu.memory_space<hbm>> -> memref<1x1x1x20x100xi32, #tpu.memory_space<hbm>>
        %dma_wait3A_98 = tpu.memref_squeeze %dma_wait3A_97 : memref<1x1x1x20x100xi32, #tpu.memory_space<hbm>> -> memref<20x100xi32, #tpu.memory_space<hbm>>
        tpu.wait_dma2 semaphore(%run_scoped3A_82 : memref<!tpu.dma_semaphore, #tpu.memory_space<semaphore_mem>>) src(%dma_wait3A_98 : memref<20x100xi32, #tpu.memory_space<hbm>>) dst(%arg7 : memref<20x100xi32, #tpu.memory_space<vmem>>)
        tpu.yield
      }) : () -> ()
      %dma_start3A = arith.constant 0 : i32
      %dma_start3A_15 = arith.constant 0 : i32
      %dma_start3A_16 = tpu.memref_slice %arg6[%dma_start3A, %dma_start3A_15] : memref<20x100xi32, #tpu.memory_space<vmem>> -> memref<1x100xi32, #tpu.memory_space<vmem>>
      %dma_start3A_17 = tpu.memref_squeeze %dma_start3A_16 : memref<1x100xi32, #tpu.memory_space<vmem>> -> memref<100xi32, #tpu.memory_space<vmem>>
      %dma_start3A_18 = arith.constant 0 : i32
      %dma_start3A_19 = arith.constant 0 : i32
      %dma_start3A_20 = tpu.memref_slice %arg2[%dma_start3A_18, %dma_start3A_19] : memref<10000x128xf32, #tpu.memory_space<hbm>> -> memref<10000x128xf32, #tpu.memory_space<hbm>>
      tpu.enqueue_indirect_dma source(%dma_start3A_20 : memref<10000x128xf32, #tpu.memory_space<hbm>>) target(%arg8 : memref<100x128xf32, #tpu.memory_space<vmem>>) offsets(%dma_start3A_17 : memref<100xi32, #tpu.memory_space<vmem>>) semaphore(%arg12 : memref<!tpu.dma_semaphore, #tpu.memory_space<semaphore_mem>>)
      %dma_start3A_21 = arith.constant 1 : i32
      %dma_start3A_22 = arith.constant 0 : i32
      %dma_start3A_23 = tpu.memref_slice %arg6[%dma_start3A_21, %dma_start3A_22] : memref<20x100xi32, #tpu.memory_space<vmem>> -> memref<1x100xi32, #tpu.memory_space<vmem>>
      %dma_start3A_24 = tpu.memref_squeeze %dma_start3A_23 : memref<1x100xi32, #tpu.memory_space<vmem>> -> memref<100xi32, #tpu.memory_space<vmem>>
      %dma_start3A_25 = arith.constant 0 : i32
      %dma_start3A_26 = arith.constant 0 : i32
      %dma_start3A_27 = tpu.memref_slice %arg2[%dma_start3A_25, %dma_start3A_26] : memref<10000x128xf32, #tpu.memory_space<hbm>> -> memref<10000x128xf32, #tpu.memory_space<hbm>>
      tpu.enqueue_indirect_dma source(%dma_start3A_27 : memref<10000x128xf32, #tpu.memory_space<hbm>>) target(%arg9 : memref<100x128xf32, #tpu.memory_space<vmem>>) offsets(%dma_start3A_24 : memref<100xi32, #tpu.memory_space<vmem>>) semaphore(%arg13 : memref<!tpu.dma_semaphore, #tpu.memory_space<semaphore_mem>>)
      %dma_wait3A = arith.constant 0 : i32
      %dma_wait3A_28 = arith.constant 0 : i32
      %dma_wait3A_29 = tpu.memref_slice %arg6[%dma_wait3A, %dma_wait3A_28] : memref<20x100xi32, #tpu.memory_space<vmem>> -> memref<1x100xi32, #tpu.memory_space<vmem>>
      %dma_wait3A_30 = tpu.memref_squeeze %dma_wait3A_29 : memref<1x100xi32, #tpu.memory_space<vmem>> -> memref<100xi32, #tpu.memory_space<vmem>>
      %dma_wait3A_31 = arith.constant 0 : i32
      %dma_wait3A_32 = arith.constant 0 : i32
      %dma_wait3A_33 = tpu.memref_slice %arg2[%dma_wait3A_31, %dma_wait3A_32] : memref<10000x128xf32, #tpu.memory_space<hbm>> -> memref<10000x128xf32, #tpu.memory_space<hbm>>
      tpu.wait_indirect_dma semaphore(%arg12 : memref<!tpu.dma_semaphore, #tpu.memory_space<semaphore_mem>>) src(%dma_wait3A_33 : memref<10000x128xf32, #tpu.memory_space<hbm>>) dst(%arg8 : memref<100x128xf32, #tpu.memory_space<vmem>>)
      %dma_start3A_34 = arith.constant 0 : i32
      %dma_start3A_35 = arith.constant 0 : i32
      %dma_start3A_36 = tpu.memref_slice %arg7[%dma_start3A_34, %dma_start3A_35] : memref<20x100xi32, #tpu.memory_space<vmem>> -> memref<1x100xi32, #tpu.memory_space<vmem>>
      %dma_start3A_37 = tpu.memref_squeeze %dma_start3A_36 : memref<1x100xi32, #tpu.memory_space<vmem>> -> memref<100xi32, #tpu.memory_space<vmem>>
      %dma_start3A_38 = arith.constant 0 : i32
      %dma_start3A_39 = arith.constant 0 : i32
      %dma_start3A_40 = tpu.memref_slice %arg11[%dma_start3A_38, %dma_start3A_39] : memref<10240x128xf32, #tpu.memory_space<vmem_shared>> -> memref<10240x128xf32, #tpu.memory_space<vmem_shared>>
      tpu.enqueue_indirect_dma source(%arg8 : memref<100x128xf32, #tpu.memory_space<vmem>>) target(%dma_start3A_40 : memref<10240x128xf32, #tpu.memory_space<vmem_shared>>) offsets(%dma_start3A_37 : memref<100xi32, #tpu.memory_space<vmem>>) semaphore(%arg15 : memref<!tpu.dma_semaphore, #tpu.memory_space<semaphore_mem>>) {add = true}
      %dma_start3A_41 = arith.constant 2 : i32
      %dma_start3A_42 = arith.constant 0 : i32
      %dma_start3A_43 = tpu.memref_slice %arg6[%dma_start3A_41, %dma_start3A_42] : memref<20x100xi32, #tpu.memory_space<vmem>> -> memref<1x100xi32, #tpu.memory_space<vmem>>
      %dma_start3A_44 = tpu.memref_squeeze %dma_start3A_43 : memref<1x100xi32, #tpu.memory_space<vmem>> -> memref<100xi32, #tpu.memory_space<vmem>>
      %dma_start3A_45 = arith.constant 0 : i32
      %dma_start3A_46 = arith.constant 0 : i32
      %dma_start3A_47 = tpu.memref_slice %arg2[%dma_start3A_45, %dma_start3A_46] : memref<10000x128xf32, #tpu.memory_space<hbm>> -> memref<10000x128xf32, #tpu.memory_space<hbm>>
      tpu.enqueue_indirect_dma source(%dma_start3A_47 : memref<10000x128xf32, #tpu.memory_space<hbm>>) target(%arg10 : memref<100x128xf32, #tpu.memory_space<vmem>>) offsets(%dma_start3A_44 : memref<100xi32, #tpu.memory_space<vmem>>) semaphore(%arg14 : memref<!tpu.dma_semaphore, #tpu.memory_space<semaphore_mem>>)
      %scan3A_48 = arith.constant 0 : i32
      %scan3A_49 = arith.constant 0 : i32
      %scan3A_50 = arith.constant 6 : i32
      %scan3A_51 = arith.addi %scan3A_49, %scan3A_50 : i32
      %scan3A_52 = arith.constant 1 : i32
      scf.for %scan3A_82 = %scan3A_49 to %scan3A_51 step %scan3A_52  : i32 {
        %mul3A_83 = arith.constant 3 : i32
        %mul3A_84 = arith.muli %mul3A_83, %scan3A_82 : i32
        %add3A_85 = arith.constant 1 : i32
        %add3A_86 = arith.addi %mul3A_84, %add3A_85 : i32
        %add3A_87 = arith.constant 0 : i32
        %add3A_88 = arith.addi %add3A_86, %add3A_87 : i32
        %dma_wait3A_89 = arith.constant 0 : i32
        %dma_wait3A_90 = arith.constant 0 : i32
        %dma_wait3A_91 = tpu.memref_slice %arg6[%dma_wait3A_89, %dma_wait3A_90] : memref<20x100xi32, #tpu.memory_space<vmem>> -> memref<1x100xi32, #tpu.memory_space<vmem>>
        %dma_wait3A_92 = tpu.memref_squeeze %dma_wait3A_91 : memref<1x100xi32, #tpu.memory_space<vmem>> -> memref<100xi32, #tpu.memory_space<vmem>>
        %dma_wait3A_93 = arith.constant 0 : i32
        %dma_wait3A_94 = arith.constant 0 : i32
        %dma_wait3A_95 = tpu.memref_slice %arg2[%dma_wait3A_93, %dma_wait3A_94] : memref<10000x128xf32, #tpu.memory_space<hbm>> -> memref<10000x128xf32, #tpu.memory_space<hbm>>
        tpu.wait_indirect_dma semaphore(%arg13 : memref<!tpu.dma_semaphore, #tpu.memory_space<semaphore_mem>>) src(%dma_wait3A_95 : memref<10000x128xf32, #tpu.memory_space<hbm>>) dst(%arg9 : memref<100x128xf32, #tpu.memory_space<vmem>>)
        %dma_start3A_96 = arith.constant 0 : i32
        %dma_start3A_97 = tpu.memref_slice %arg7[%add3A_88, %dma_start3A_96] : memref<20x100xi32, #tpu.memory_space<vmem>> -> memref<1x100xi32, #tpu.memory_space<vmem>>
        %dma_start3A_98 = tpu.memref_squeeze %dma_start3A_97 : memref<1x100xi32, #tpu.memory_space<vmem>> -> memref<100xi32, #tpu.memory_space<vmem>>
        %dma_start3A_99 = arith.constant 0 : i32
        %dma_start3A_100 = arith.constant 0 : i32
        %dma_start3A_101 = tpu.memref_slice %arg11[%dma_start3A_99, %dma_start3A_100] : memref<10240x128xf32, #tpu.memory_space<vmem_shared>> -> memref<10240x128xf32, #tpu.memory_space<vmem_shared>>
        tpu.enqueue_indirect_dma source(%arg9 : memref<100x128xf32, #tpu.memory_space<vmem>>) target(%dma_start3A_101 : memref<10240x128xf32, #tpu.memory_space<vmem_shared>>) offsets(%dma_start3A_98 : memref<100xi32, #tpu.memory_space<vmem>>) semaphore(%arg15 : memref<!tpu.dma_semaphore, #tpu.memory_space<semaphore_mem>>) {add = true}
        %dma_wait3A_102 = arith.constant 0 : i32
        %dma_wait3A_103 = arith.constant 0 : i32
        %dma_wait3A_104 = tpu.memref_slice %arg7[%dma_wait3A_102, %dma_wait3A_103] : memref<20x100xi32, #tpu.memory_space<vmem>> -> memref<1x100xi32, #tpu.memory_space<vmem>>
        %dma_wait3A_105 = tpu.memref_squeeze %dma_wait3A_104 : memref<1x100xi32, #tpu.memory_space<vmem>> -> memref<100xi32, #tpu.memory_space<vmem>>
        %dma_wait3A_106 = arith.constant 0 : i32
        %dma_wait3A_107 = arith.constant 0 : i32
        %dma_wait3A_108 = tpu.memref_slice %arg11[%dma_wait3A_106, %dma_wait3A_107] : memref<10240x128xf32, #tpu.memory_space<vmem_shared>> -> memref<10240x128xf32, #tpu.memory_space<vmem_shared>>
        tpu.wait_indirect_dma semaphore(%arg15 : memref<!tpu.dma_semaphore, #tpu.memory_space<semaphore_mem>>) src(%arg8 : memref<100x128xf32, #tpu.memory_space<vmem>>) dst(%dma_wait3A_108 : memref<10240x128xf32, #tpu.memory_space<vmem_shared>>)
        %add3A_109 = arith.constant 2 : i32
        %add3A_110 = arith.addi %add3A_88, %add3A_109 : i32
        %dma_start3A_111 = arith.constant 0 : i32
        %dma_start3A_112 = tpu.memref_slice %arg6[%add3A_110, %dma_start3A_111] : memref<20x100xi32, #tpu.memory_space<vmem>> -> memref<1x100xi32, #tpu.memory_space<vmem>>
        %dma_start3A_113 = tpu.memref_squeeze %dma_start3A_112 : memref<1x100xi32, #tpu.memory_space<vmem>> -> memref<100xi32, #tpu.memory_space<vmem>>
        %dma_start3A_114 = arith.constant 0 : i32
        %dma_start3A_115 = arith.constant 0 : i32
        %dma_start3A_116 = tpu.memref_slice %arg2[%dma_start3A_114, %dma_start3A_115] : memref<10000x128xf32, #tpu.memory_space<hbm>> -> memref<10000x128xf32, #tpu.memory_space<hbm>>
        tpu.enqueue_indirect_dma source(%dma_start3A_116 : memref<10000x128xf32, #tpu.memory_space<hbm>>) target(%arg8 : memref<100x128xf32, #tpu.memory_space<vmem>>) offsets(%dma_start3A_113 : memref<100xi32, #tpu.memory_space<vmem>>) semaphore(%arg12 : memref<!tpu.dma_semaphore, #tpu.memory_space<semaphore_mem>>)
        %add3A_117 = arith.constant 1 : i32
        %add3A_118 = arith.addi %add3A_86, %add3A_117 : i32
        %dma_wait3A_119 = arith.constant 0 : i32
        %dma_wait3A_120 = arith.constant 0 : i32
        %dma_wait3A_121 = tpu.memref_slice %arg6[%dma_wait3A_119, %dma_wait3A_120] : memref<20x100xi32, #tpu.memory_space<vmem>> -> memref<1x100xi32, #tpu.memory_space<vmem>>
        %dma_wait3A_122 = tpu.memref_squeeze %dma_wait3A_121 : memref<1x100xi32, #tpu.memory_space<vmem>> -> memref<100xi32, #tpu.memory_space<vmem>>
        %dma_wait3A_123 = arith.constant 0 : i32
        %dma_wait3A_124 = arith.constant 0 : i32
        %dma_wait3A_125 = tpu.memref_slice %arg2[%dma_wait3A_123, %dma_wait3A_124] : memref<10000x128xf32, #tpu.memory_space<hbm>> -> memref<10000x128xf32, #tpu.memory_space<hbm>>
        tpu.wait_indirect_dma semaphore(%arg14 : memref<!tpu.dma_semaphore, #tpu.memory_space<semaphore_mem>>) src(%dma_wait3A_125 : memref<10000x128xf32, #tpu.memory_space<hbm>>) dst(%arg10 : memref<100x128xf32, #tpu.memory_space<vmem>>)
        %dma_start3A_126 = arith.constant 0 : i32
        %dma_start3A_127 = tpu.memref_slice %arg7[%add3A_118, %dma_start3A_126] : memref<20x100xi32, #tpu.memory_space<vmem>> -> memref<1x100xi32, #tpu.memory_space<vmem>>
        %dma_start3A_128 = tpu.memref_squeeze %dma_start3A_127 : memref<1x100xi32, #tpu.memory_space<vmem>> -> memref<100xi32, #tpu.memory_space<vmem>>
        %dma_start3A_129 = arith.constant 0 : i32
        %dma_start3A_130 = arith.constant 0 : i32
        %dma_start3A_131 = tpu.memref_slice %arg11[%dma_start3A_129, %dma_start3A_130] : memref<10240x128xf32, #tpu.memory_space<vmem_shared>> -> memref<10240x128xf32, #tpu.memory_space<vmem_shared>>
        tpu.enqueue_indirect_dma source(%arg10 : memref<100x128xf32, #tpu.memory_space<vmem>>) target(%dma_start3A_131 : memref<10240x128xf32, #tpu.memory_space<vmem_shared>>) offsets(%dma_start3A_128 : memref<100xi32, #tpu.memory_space<vmem>>) semaphore(%arg15 : memref<!tpu.dma_semaphore, #tpu.memory_space<semaphore_mem>>) {add = true}
        %dma_wait3A_132 = arith.constant 0 : i32
        %dma_wait3A_133 = arith.constant 0 : i32
        %dma_wait3A_134 = tpu.memref_slice %arg7[%dma_wait3A_132, %dma_wait3A_133] : memref<20x100xi32, #tpu.memory_space<vmem>> -> memref<1x100xi32, #tpu.memory_space<vmem>>
        %dma_wait3A_135 = tpu.memref_squeeze %dma_wait3A_134 : memref<1x100xi32, #tpu.memory_space<vmem>> -> memref<100xi32, #tpu.memory_space<vmem>>
        %dma_wait3A_136 = arith.constant 0 : i32
        %dma_wait3A_137 = arith.constant 0 : i32
        %dma_wait3A_138 = tpu.memref_slice %arg11[%dma_wait3A_136, %dma_wait3A_137] : memref<10240x128xf32, #tpu.memory_space<vmem_shared>> -> memref<10240x128xf32, #tpu.memory_space<vmem_shared>>
        tpu.wait_indirect_dma semaphore(%arg15 : memref<!tpu.dma_semaphore, #tpu.memory_space<semaphore_mem>>) src(%arg8 : memref<100x128xf32, #tpu.memory_space<vmem>>) dst(%dma_wait3A_138 : memref<10240x128xf32, #tpu.memory_space<vmem_shared>>)
        %add3A_139 = arith.constant 2 : i32
        %add3A_140 = arith.addi %add3A_118, %add3A_139 : i32
        %dma_start3A_141 = arith.constant 0 : i32
        %dma_start3A_142 = tpu.memref_slice %arg6[%add3A_140, %dma_start3A_141] : memref<20x100xi32, #tpu.memory_space<vmem>> -> memref<1x100xi32, #tpu.memory_space<vmem>>
        %dma_start3A_143 = tpu.memref_squeeze %dma_start3A_142 : memref<1x100xi32, #tpu.memory_space<vmem>> -> memref<100xi32, #tpu.memory_space<vmem>>
        %dma_start3A_144 = arith.constant 0 : i32
        %dma_start3A_145 = arith.constant 0 : i32
        %dma_start3A_146 = tpu.memref_slice %arg2[%dma_start3A_144, %dma_start3A_145] : memref<10000x128xf32, #tpu.memory_space<hbm>> -> memref<10000x128xf32, #tpu.memory_space<hbm>>
        tpu.enqueue_indirect_dma source(%dma_start3A_146 : memref<10000x128xf32, #tpu.memory_space<hbm>>) target(%arg9 : memref<100x128xf32, #tpu.memory_space<vmem>>) offsets(%dma_start3A_143 : memref<100xi32, #tpu.memory_space<vmem>>) semaphore(%arg13 : memref<!tpu.dma_semaphore, #tpu.memory_space<semaphore_mem>>)
        %add3A_147 = arith.constant 2 : i32
        %add3A_148 = arith.addi %add3A_86, %add3A_147 : i32
        %dma_wait3A_149 = arith.constant 0 : i32
        %dma_wait3A_150 = arith.constant 0 : i32
        %dma_wait3A_151 = tpu.memref_slice %arg6[%dma_wait3A_149, %dma_wait3A_150] : memref<20x100xi32, #tpu.memory_space<vmem>> -> memref<1x100xi32, #tpu.memory_space<vmem>>
        %dma_wait3A_152 = tpu.memref_squeeze %dma_wait3A_151 : memref<1x100xi32, #tpu.memory_space<vmem>> -> memref<100xi32, #tpu.memory_space<vmem>>
        %dma_wait3A_153 = arith.constant 0 : i32
        %dma_wait3A_154 = arith.constant 0 : i32
        %dma_wait3A_155 = tpu.memref_slice %arg2[%dma_wait3A_153, %dma_wait3A_154] : memref<10000x128xf32, #tpu.memory_space<hbm>> -> memref<10000x128xf32, #tpu.memory_space<hbm>>
        tpu.wait_indirect_dma semaphore(%arg12 : memref<!tpu.dma_semaphore, #tpu.memory_space<semaphore_mem>>) src(%dma_wait3A_155 : memref<10000x128xf32, #tpu.memory_space<hbm>>) dst(%arg8 : memref<100x128xf32, #tpu.memory_space<vmem>>)
        %dma_start3A_156 = arith.constant 0 : i32
        %dma_start3A_157 = tpu.memref_slice %arg7[%add3A_148, %dma_start3A_156] : memref<20x100xi32, #tpu.memory_space<vmem>> -> memref<1x100xi32, #tpu.memory_space<vmem>>
        %dma_start3A_158 = tpu.memref_squeeze %dma_start3A_157 : memref<1x100xi32, #tpu.memory_space<vmem>> -> memref<100xi32, #tpu.memory_space<vmem>>
        %dma_start3A_159 = arith.constant 0 : i32
        %dma_start3A_160 = arith.constant 0 : i32
        %dma_start3A_161 = tpu.memref_slice %arg11[%dma_start3A_159, %dma_start3A_160] : memref<10240x128xf32, #tpu.memory_space<vmem_shared>> -> memref<10240x128xf32, #tpu.memory_space<vmem_shared>>
        tpu.enqueue_indirect_dma source(%arg8 : memref<100x128xf32, #tpu.memory_space<vmem>>) target(%dma_start3A_161 : memref<10240x128xf32, #tpu.memory_space<vmem_shared>>) offsets(%dma_start3A_158 : memref<100xi32, #tpu.memory_space<vmem>>) semaphore(%arg15 : memref<!tpu.dma_semaphore, #tpu.memory_space<semaphore_mem>>) {add = true}
        %dma_wait3A_162 = arith.constant 0 : i32
        %dma_wait3A_163 = arith.constant 0 : i32
        %dma_wait3A_164 = tpu.memref_slice %arg7[%dma_wait3A_162, %dma_wait3A_163] : memref<20x100xi32, #tpu.memory_space<vmem>> -> memref<1x100xi32, #tpu.memory_space<vmem>>
        %dma_wait3A_165 = tpu.memref_squeeze %dma_wait3A_164 : memref<1x100xi32, #tpu.memory_space<vmem>> -> memref<100xi32, #tpu.memory_space<vmem>>
        %dma_wait3A_166 = arith.constant 0 : i32
        %dma_wait3A_167 = arith.constant 0 : i32
        %dma_wait3A_168 = tpu.memref_slice %arg11[%dma_wait3A_166, %dma_wait3A_167] : memref<10240x128xf32, #tpu.memory_space<vmem_shared>> -> memref<10240x128xf32, #tpu.memory_space<vmem_shared>>
        tpu.wait_indirect_dma semaphore(%arg15 : memref<!tpu.dma_semaphore, #tpu.memory_space<semaphore_mem>>) src(%arg8 : memref<100x128xf32, #tpu.memory_space<vmem>>) dst(%dma_wait3A_168 : memref<10240x128xf32, #tpu.memory_space<vmem_shared>>)
        %add3A_169 = arith.constant 2 : i32
        %add3A_170 = arith.addi %add3A_148, %add3A_169 : i32
        %lt3A = arith.constant 20 : i32
        %lt3A_171 = arith.cmpi slt, %add3A_170, %lt3A : i32
        %convert_element_type3A = arith.extui %lt3A_171 : i1 to i32
        %cond3A = arith.constant 0 : i32
        %cond3A_172 = arith.cmpi ne, %convert_element_type3A, %cond3A : i32
        scf.if %cond3A_172 {
          %add3A_173 = arith.constant 2 : i32
          %add3A_174 = arith.addi %add3A_148, %add3A_173 : i32
          %dma_start3A_175 = arith.constant 0 : i32
          %dma_start3A_176 = tpu.memref_slice %arg6[%add3A_174, %dma_start3A_175] : memref<20x100xi32, #tpu.memory_space<vmem>> -> memref<1x100xi32, #tpu.memory_space<vmem>>
          %dma_start3A_177 = tpu.memref_squeeze %dma_start3A_176 : memref<1x100xi32, #tpu.memory_space<vmem>> -> memref<100xi32, #tpu.memory_space<vmem>>
          %dma_start3A_178 = arith.constant 0 : i32
          %dma_start3A_179 = arith.constant 0 : i32
          %dma_start3A_180 = tpu.memref_slice %arg2[%dma_start3A_178, %dma_start3A_179] : memref<10000x128xf32, #tpu.memory_space<hbm>> -> memref<10000x128xf32, #tpu.memory_space<hbm>>
          tpu.enqueue_indirect_dma source(%dma_start3A_180 : memref<10000x128xf32, #tpu.memory_space<hbm>>) target(%arg10 : memref<100x128xf32, #tpu.memory_space<vmem>>) offsets(%dma_start3A_177 : memref<100xi32, #tpu.memory_space<vmem>>) semaphore(%arg14 : memref<!tpu.dma_semaphore, #tpu.memory_space<semaphore_mem>>)
        } else {
        }
      }
      %scan3A_53 = arith.constant 6 : i32
      %dma_wait3A_54 = arith.constant 0 : i32
      %dma_wait3A_55 = arith.constant 0 : i32
      %dma_wait3A_56 = tpu.memref_slice %arg6[%dma_wait3A_54, %dma_wait3A_55] : memref<20x100xi32, #tpu.memory_space<vmem>> -> memref<1x100xi32, #tpu.memory_space<vmem>>
      %dma_wait3A_57 = tpu.memref_squeeze %dma_wait3A_56 : memref<1x100xi32, #tpu.memory_space<vmem>> -> memref<100xi32, #tpu.memory_space<vmem>>
      %dma_wait3A_58 = arith.constant 0 : i32
      %dma_wait3A_59 = arith.constant 0 : i32
      %dma_wait3A_60 = tpu.memref_slice %arg2[%dma_wait3A_58, %dma_wait3A_59] : memref<10000x128xf32, #tpu.memory_space<hbm>> -> memref<10000x128xf32, #tpu.memory_space<hbm>>
      tpu.wait_indirect_dma semaphore(%arg13 : memref<!tpu.dma_semaphore, #tpu.memory_space<semaphore_mem>>) src(%dma_wait3A_60 : memref<10000x128xf32, #tpu.memory_space<hbm>>) dst(%arg9 : memref<100x128xf32, #tpu.memory_space<vmem>>)
      %dma_start3A_61 = arith.constant 19 : i32
      %dma_start3A_62 = arith.constant 0 : i32
      %dma_start3A_63 = tpu.memref_slice %arg7[%dma_start3A_61, %dma_start3A_62] : memref<20x100xi32, #tpu.memory_space<vmem>> -> memref<1x100xi32, #tpu.memory_space<vmem>>
      %dma_start3A_64 = tpu.memref_squeeze %dma_start3A_63 : memref<1x100xi32, #tpu.memory_space<vmem>> -> memref<100xi32, #tpu.memory_space<vmem>>
      %dma_start3A_65 = arith.constant 0 : i32
      %dma_start3A_66 = arith.constant 0 : i32
      %dma_start3A_67 = tpu.memref_slice %arg11[%dma_start3A_65, %dma_start3A_66] : memref<10240x128xf32, #tpu.memory_space<vmem_shared>> -> memref<10240x128xf32, #tpu.memory_space<vmem_shared>>
      tpu.enqueue_indirect_dma source(%arg9 : memref<100x128xf32, #tpu.memory_space<vmem>>) target(%dma_start3A_67 : memref<10240x128xf32, #tpu.memory_space<vmem_shared>>) offsets(%dma_start3A_64 : memref<100xi32, #tpu.memory_space<vmem>>) semaphore(%arg15 : memref<!tpu.dma_semaphore, #tpu.memory_space<semaphore_mem>>) {add = true}
      %dma_wait3A_68 = arith.constant 0 : i32
      %dma_wait3A_69 = arith.constant 0 : i32
      %dma_wait3A_70 = tpu.memref_slice %arg7[%dma_wait3A_68, %dma_wait3A_69] : memref<20x100xi32, #tpu.memory_space<vmem>> -> memref<1x100xi32, #tpu.memory_space<vmem>>
      %dma_wait3A_71 = tpu.memref_squeeze %dma_wait3A_70 : memref<1x100xi32, #tpu.memory_space<vmem>> -> memref<100xi32, #tpu.memory_space<vmem>>
      %dma_wait3A_72 = arith.constant 0 : i32
      %dma_wait3A_73 = arith.constant 0 : i32
      %dma_wait3A_74 = tpu.memref_slice %arg11[%dma_wait3A_72, %dma_wait3A_73] : memref<10240x128xf32, #tpu.memory_space<vmem_shared>> -> memref<10240x128xf32, #tpu.memory_space<vmem_shared>>
      tpu.wait_indirect_dma semaphore(%arg15 : memref<!tpu.dma_semaphore, #tpu.memory_space<semaphore_mem>>) src(%arg8 : memref<100x128xf32, #tpu.memory_space<vmem>>) dst(%dma_wait3A_74 : memref<10240x128xf32, #tpu.memory_space<vmem_shared>>)
      %dma_wait3A_75 = arith.constant 0 : i32
      %dma_wait3A_76 = arith.constant 0 : i32
      %dma_wait3A_77 = tpu.memref_slice %arg7[%dma_wait3A_75, %dma_wait3A_76] : memref<20x100xi32, #tpu.memory_space<vmem>> -> memref<1x100xi32, #tpu.memory_space<vmem>>
      %dma_wait3A_78 = tpu.memref_squeeze %dma_wait3A_77 : memref<1x100xi32, #tpu.memory_space<vmem>> -> memref<100xi32, #tpu.memory_space<vmem>>
      %dma_wait3A_79 = arith.constant 0 : i32
      %dma_wait3A_80 = arith.constant 0 : i32
      %dma_wait3A_81 = tpu.memref_slice %arg11[%dma_wait3A_79, %dma_wait3A_80] : memref<10240x128xf32, #tpu.memory_space<vmem_shared>> -> memref<10240x128xf32, #tpu.memory_space<vmem_shared>>
      tpu.wait_indirect_dma semaphore(%arg15 : memref<!tpu.dma_semaphore, #tpu.memory_space<semaphore_mem>>) src(%arg8 : memref<100x128xf32, #tpu.memory_space<vmem>>) dst(%dma_wait3A_81 : memref<10240x128xf32, #tpu.memory_space<vmem_shared>>)
    }
    %scan3A_7 = arith.constant 5 : i32
    %barrier3A_8 = arith.constant 0 : index
    tpu.barrier barrier_id(%barrier3A_8)
    %mul3A_9 = arith.constant 640 : i32
    %mul3A_10 = arith.muli %arg1, %mul3A_9 : i32
    %mul3A_11 = arith.constant 640 : i32
    %mul3A_12 = arith.muli %arg1, %mul3A_11 : i32
    "tpu.region"() ({
      %run_scoped3A = tpu.sem_alloc : memref<!tpu.dma_semaphore, #tpu.memory_space<semaphore_mem>>
      %dma_start3A = arith.constant 0 : i32
      %dma_start3A_13 = arith.constant 0 : i32
      %dma_start3A_14 = tpu.memref_slice %arg5[%arg0, %dma_start3A, %dma_start3A_13] : memref<2x10240x128xf32, #tpu.memory_space<hbm>> -> memref<1x10240x128xf32, #tpu.memory_space<hbm>>
      %dma_start3A_15 = tpu.memref_squeeze %dma_start3A_14 : memref<1x10240x128xf32, #tpu.memory_space<hbm>> -> memref<10240x128xf32, #tpu.memory_space<hbm>>
      %dma_start3A_16 = arith.constant 0 : i32
      %dma_start3A_17 = tpu.memref_slice %dma_start3A_15[%mul3A_12, %dma_start3A_16] : memref<10240x128xf32, #tpu.memory_space<hbm>> -> memref<640x128xf32, #tpu.memory_space<hbm>>
      %dma_start3A_18 = arith.constant 0 : i32
      %dma_start3A_19 = tpu.memref_slice %arg11[%mul3A_10, %dma_start3A_18] : memref<10240x128xf32, #tpu.memory_space<vmem_shared>> -> memref<640x128xf32, #tpu.memory_space<vmem_shared>>
      tpu.enqueue_dma source(%dma_start3A_19 : memref<640x128xf32, #tpu.memory_space<vmem_shared>>) target(%dma_start3A_17 : memref<640x128xf32, #tpu.memory_space<hbm>>) target_semaphore(%run_scoped3A : memref<!tpu.dma_semaphore, #tpu.memory_space<semaphore_mem>>)
      %dma_wait3A = arith.constant 0 : i32
      %dma_wait3A_20 = arith.constant 0 : i32
      %dma_wait3A_21 = tpu.memref_slice %arg5[%arg0, %dma_wait3A, %dma_wait3A_20] : memref<2x10240x128xf32, #tpu.memory_space<hbm>> -> memref<1x10240x128xf32, #tpu.memory_space<hbm>>
      %dma_wait3A_22 = tpu.memref_squeeze %dma_wait3A_21 : memref<1x10240x128xf32, #tpu.memory_space<hbm>> -> memref<10240x128xf32, #tpu.memory_space<hbm>>
      %dma_wait3A_23 = arith.constant 0 : i32
      %dma_wait3A_24 = tpu.memref_slice %dma_wait3A_22[%mul3A_12, %dma_wait3A_23] : memref<10240x128xf32, #tpu.memory_space<hbm>> -> memref<640x128xf32, #tpu.memory_space<hbm>>
      %dma_wait3A_25 = arith.constant 0 : i32
      %dma_wait3A_26 = tpu.memref_slice %arg11[%mul3A_10, %dma_wait3A_25] : memref<10240x128xf32, #tpu.memory_space<vmem_shared>> -> memref<640x128xf32, #tpu.memory_space<vmem_shared>>
      tpu.wait_dma2 semaphore(%run_scoped3A : memref<!tpu.dma_semaphore, #tpu.memory_space<semaphore_mem>>) src(%dma_wait3A_26 : memref<640x128xf32, #tpu.memory_space<vmem_shared>>) dst(%dma_wait3A_24 : memref<640x128xf32, #tpu.memory_space<hbm>>)
      tpu.yield
    }) : () -> ()
    return
  }
}

#map = affine_map<(d0, d1) -> (0, 0, 0, 0, 0)>
#map1 = affine_map<(d0, d1) -> (0, 0)>
#map2 = affine_map<(d0, d1) -> (0, 0, 0)>
module attributes {stable_mosaic.version = 14 : i64} {
  func.func @deg_kernel(%arg0: i32, %arg1: i32, %arg2: memref<2x32x5x20x100xi32, #tpu.memory_space<hbm>>, %arg3: memref<100x8xf32, #tpu.memory_space<hbm>>, %arg4: memref<640x8xf32, #tpu.memory_space<hbm>>, %arg5: memref<2x10240x8xf32, #tpu.memory_space<hbm>>, %arg6: memref<5x20x100xi32, #tpu.memory_space<vmem>>, %arg7: memref<100x8xf32, #tpu.memory_space<vmem>>, %arg8: memref<10240x8xf32, #tpu.memory_space<vmem_shared>>, %arg9: memref<!tpu.dma_semaphore, #tpu.memory_space<semaphore_mem>>) attributes {dimension_semantics = [#tpu.dimension_semantics<core_parallel>, #tpu.dimension_semantics<subcore_parallel>], iteration_bounds = array<i64: 2, 16>, scalar_prefetch = 0 : i64, scratch_operands = 4 : i64, tpu.core_type = #tpu.core_type<sc_vector_subcore>, window_params = [{transform_indices = #map}, {transform_indices = #map1}, {transform_indices = #map1}, {transform_indices = #map2}]} {
    %mul3A = arith.constant 16 : i32
    %mul3A_0 = arith.muli %arg0, %mul3A : i32
    %add3A = arith.addi %mul3A_0, %arg1 : i32
    %mul3A_1 = arith.constant 640 : i32
    %mul3A_2 = arith.muli %arg1, %mul3A_1 : i32
    "tpu.region"() ({
      %run_scoped3A_19 = tpu.sem_alloc : memref<!tpu.dma_semaphore, #tpu.memory_space<semaphore_mem>>
      %dma_start3A = arith.constant 0 : i32
      %dma_start3A_20 = tpu.memref_slice %arg8[%mul3A_2, %dma_start3A] : memref<10240x8xf32, #tpu.memory_space<vmem_shared>> -> memref<640x8xf32, #tpu.memory_space<vmem_shared>>
      tpu.enqueue_dma source(%arg4 : memref<640x8xf32, #tpu.memory_space<hbm>>) target(%dma_start3A_20 : memref<640x8xf32, #tpu.memory_space<vmem_shared>>) target_semaphore(%run_scoped3A_19 : memref<!tpu.dma_semaphore, #tpu.memory_space<semaphore_mem>>)
      %dma_wait3A = arith.constant 0 : i32
      %dma_wait3A_21 = tpu.memref_slice %arg8[%mul3A_2, %dma_wait3A] : memref<10240x8xf32, #tpu.memory_space<vmem_shared>> -> memref<640x8xf32, #tpu.memory_space<vmem_shared>>
      tpu.wait_dma2 semaphore(%run_scoped3A_19 : memref<!tpu.dma_semaphore, #tpu.memory_space<semaphore_mem>>) src(%arg4 : memref<640x8xf32, #tpu.memory_space<hbm>>) dst(%dma_wait3A_21 : memref<640x8xf32, #tpu.memory_space<vmem_shared>>)
      tpu.yield
    }) : () -> ()
    "tpu.region"() ({
      %run_scoped3A_19 = tpu.sem_alloc : memref<!tpu.dma_semaphore, #tpu.memory_space<semaphore_mem>>
      tpu.enqueue_dma source(%arg3 : memref<100x8xf32, #tpu.memory_space<hbm>>) target(%arg7 : memref<100x8xf32, #tpu.memory_space<vmem>>) target_semaphore(%run_scoped3A_19 : memref<!tpu.dma_semaphore, #tpu.memory_space<semaphore_mem>>)
      tpu.wait_dma2 semaphore(%run_scoped3A_19 : memref<!tpu.dma_semaphore, #tpu.memory_space<semaphore_mem>>) src(%arg3 : memref<100x8xf32, #tpu.memory_space<hbm>>) dst(%arg7 : memref<100x8xf32, #tpu.memory_space<vmem>>)
      tpu.yield
    }) : () -> ()
    %run_scoped3A = arith.constant 1 : i32
    "tpu.region"() ({
      %run_scoped3A_19 = tpu.sem_alloc : memref<!tpu.dma_semaphore, #tpu.memory_space<semaphore_mem>>
      %dma_start3A = arith.constant 0 : i32
      %dma_start3A_20 = arith.constant 0 : i32
      %dma_start3A_21 = arith.constant 0 : i32
      %dma_start3A_22 = tpu.memref_slice %arg2[%run_scoped3A, %add3A, %dma_start3A, %dma_start3A_20, %dma_start3A_21] : memref<2x32x5x20x100xi32, #tpu.memory_space<hbm>> -> memref<1x1x5x20x100xi32, #tpu.memory_space<hbm>>
      %dma_start3A_23 = tpu.memref_squeeze %dma_start3A_22 : memref<1x1x5x20x100xi32, #tpu.memory_space<hbm>> -> memref<5x20x100xi32, #tpu.memory_space<hbm>>
      %dma_start3A_24 = arith.constant 0 : i32
      %dma_start3A_25 = arith.constant 0 : i32
      %dma_start3A_26 = arith.constant 0 : i32
      %dma_start3A_27 = tpu.memref_slice %arg2[%run_scoped3A, %add3A, %dma_start3A_24, %dma_start3A_25, %dma_start3A_26] : memref<2x32x5x20x100xi32, #tpu.memory_space<hbm>> -> memref<1x1x5x20x100xi32, #tpu.memory_space<hbm>>
      %dma_start3A_28 = tpu.memref_squeeze %dma_start3A_27 : memref<1x1x5x20x100xi32, #tpu.memory_space<hbm>> -> memref<5x20x100xi32, #tpu.memory_space<hbm>>
      tpu.enqueue_dma source(%dma_start3A_28 : memref<5x20x100xi32, #tpu.memory_space<hbm>>) target(%arg6 : memref<5x20x100xi32, #tpu.memory_space<vmem>>) target_semaphore(%run_scoped3A_19 : memref<!tpu.dma_semaphore, #tpu.memory_space<semaphore_mem>>)
      %dma_wait3A = arith.constant 0 : i32
      %dma_wait3A_29 = arith.constant 0 : i32
      %dma_wait3A_30 = arith.constant 0 : i32
      %dma_wait3A_31 = tpu.memref_slice %arg2[%run_scoped3A, %add3A, %dma_wait3A, %dma_wait3A_29, %dma_wait3A_30] : memref<2x32x5x20x100xi32, #tpu.memory_space<hbm>> -> memref<1x1x5x20x100xi32, #tpu.memory_space<hbm>>
      %dma_wait3A_32 = tpu.memref_squeeze %dma_wait3A_31 : memref<1x1x5x20x100xi32, #tpu.memory_space<hbm>> -> memref<5x20x100xi32, #tpu.memory_space<hbm>>
      %dma_wait3A_33 = arith.constant 0 : i32
      %dma_wait3A_34 = arith.constant 0 : i32
      %dma_wait3A_35 = arith.constant 0 : i32
      %dma_wait3A_36 = tpu.memref_slice %arg2[%run_scoped3A, %add3A, %dma_wait3A_33, %dma_wait3A_34, %dma_wait3A_35] : memref<2x32x5x20x100xi32, #tpu.memory_space<hbm>> -> memref<1x1x5x20x100xi32, #tpu.memory_space<hbm>>
      %dma_wait3A_37 = tpu.memref_squeeze %dma_wait3A_36 : memref<1x1x5x20x100xi32, #tpu.memory_space<hbm>> -> memref<5x20x100xi32, #tpu.memory_space<hbm>>
      tpu.wait_dma2 semaphore(%run_scoped3A_19 : memref<!tpu.dma_semaphore, #tpu.memory_space<semaphore_mem>>) src(%dma_wait3A_37 : memref<5x20x100xi32, #tpu.memory_space<hbm>>) dst(%arg6 : memref<5x20x100xi32, #tpu.memory_space<vmem>>)
      tpu.yield
    }) : () -> ()
    %barrier3A = arith.constant 0 : index
    tpu.barrier barrier_id(%barrier3A)
    %scan3A = arith.constant 0 : i32
    %scan3A_3 = arith.constant 0 : i32
    %scan3A_4 = arith.constant 5 : i32
    %scan3A_5 = arith.addi %scan3A_3, %scan3A_4 : i32
    %scan3A_6 = arith.constant 1 : i32
    scf.for %scan3A_19 = %scan3A_3 to %scan3A_5 step %scan3A_6  : i32 {
      %scan3A_20 = arith.constant 0 : i32
      %scan3A_21 = arith.constant 0 : i32
      %scan3A_22 = arith.constant 20 : i32
      %scan3A_23 = arith.addi %scan3A_21, %scan3A_22 : i32
      %scan3A_24 = arith.constant 1 : i32
      scf.for %scan3A_26 = %scan3A_21 to %scan3A_23 step %scan3A_24  : i32 {
        %dma_start3A = arith.constant 0 : i32
        %dma_start3A_27 = tpu.memref_slice %arg6[%scan3A_19, %scan3A_26, %dma_start3A] : memref<5x20x100xi32, #tpu.memory_space<vmem>> -> memref<1x1x100xi32, #tpu.memory_space<vmem>>
        %dma_start3A_28 = tpu.memref_squeeze %dma_start3A_27 : memref<1x1x100xi32, #tpu.memory_space<vmem>> -> memref<100xi32, #tpu.memory_space<vmem>>
        %dma_start3A_29 = arith.constant 0 : i32
        %dma_start3A_30 = arith.constant 0 : i32
        %dma_start3A_31 = tpu.memref_slice %arg8[%dma_start3A_29, %dma_start3A_30] : memref<10240x8xf32, #tpu.memory_space<vmem_shared>> -> memref<10240x8xf32, #tpu.memory_space<vmem_shared>>
        tpu.enqueue_indirect_dma source(%arg7 : memref<100x8xf32, #tpu.memory_space<vmem>>) target(%dma_start3A_31 : memref<10240x8xf32, #tpu.memory_space<vmem_shared>>) offsets(%dma_start3A_28 : memref<100xi32, #tpu.memory_space<vmem>>) semaphore(%arg9 : memref<!tpu.dma_semaphore, #tpu.memory_space<semaphore_mem>>) {add = true}
      }
      %scan3A_25 = arith.constant 20 : i32
    }
    %scan3A_7 = arith.constant 5 : i32
    %scan3A_8 = arith.constant 0 : i32
    %scan3A_9 = arith.constant 0 : i32
    %scan3A_10 = arith.constant 100 : i32
    %scan3A_11 = arith.addi %scan3A_9, %scan3A_10 : i32
    %scan3A_12 = arith.constant 1 : i32
    scf.for %scan3A_19 = %scan3A_9 to %scan3A_11 step %scan3A_12  : i32 {
      %dma_wait3A = arith.constant 0 : i32
      %dma_wait3A_20 = arith.constant 0 : i32
      %dma_wait3A_21 = arith.constant 0 : i32
      %dma_wait3A_22 = tpu.memref_slice %arg6[%dma_wait3A, %dma_wait3A_20, %dma_wait3A_21] : memref<5x20x100xi32, #tpu.memory_space<vmem>> -> memref<1x1x100xi32, #tpu.memory_space<vmem>>
      %dma_wait3A_23 = tpu.memref_squeeze %dma_wait3A_22 : memref<1x1x100xi32, #tpu.memory_space<vmem>> -> memref<100xi32, #tpu.memory_space<vmem>>
      %dma_wait3A_24 = arith.constant 0 : i32
      %dma_wait3A_25 = arith.constant 0 : i32
      %dma_wait3A_26 = tpu.memref_slice %arg8[%dma_wait3A_24, %dma_wait3A_25] : memref<10240x8xf32, #tpu.memory_space<vmem_shared>> -> memref<10240x8xf32, #tpu.memory_space<vmem_shared>>
      tpu.wait_indirect_dma semaphore(%arg9 : memref<!tpu.dma_semaphore, #tpu.memory_space<semaphore_mem>>) src(%arg7 : memref<100x8xf32, #tpu.memory_space<vmem>>) dst(%dma_wait3A_26 : memref<10240x8xf32, #tpu.memory_space<vmem_shared>>)
    }
    %scan3A_13 = arith.constant 100 : i32
    %barrier3A_14 = arith.constant 0 : index
    tpu.barrier barrier_id(%barrier3A_14)
    %mul3A_15 = arith.constant 640 : i32
    %mul3A_16 = arith.muli %arg1, %mul3A_15 : i32
    %mul3A_17 = arith.constant 640 : i32
    %mul3A_18 = arith.muli %arg1, %mul3A_17 : i32
    "tpu.region"() ({
      %run_scoped3A_19 = tpu.sem_alloc : memref<!tpu.dma_semaphore, #tpu.memory_space<semaphore_mem>>
      %dma_start3A = arith.constant 0 : i32
      %dma_start3A_20 = arith.constant 0 : i32
      %dma_start3A_21 = tpu.memref_slice %arg5[%arg0, %dma_start3A, %dma_start3A_20] : memref<2x10240x8xf32, #tpu.memory_space<hbm>> -> memref<1x10240x8xf32, #tpu.memory_space<hbm>>
      %dma_start3A_22 = tpu.memref_squeeze %dma_start3A_21 : memref<1x10240x8xf32, #tpu.memory_space<hbm>> -> memref<10240x8xf32, #tpu.memory_space<hbm>>
      %dma_start3A_23 = arith.constant 0 : i32
      %dma_start3A_24 = tpu.memref_slice %dma_start3A_22[%mul3A_18, %dma_start3A_23] : memref<10240x8xf32, #tpu.memory_space<hbm>> -> memref<640x8xf32, #tpu.memory_space<hbm>>
      %dma_start3A_25 = arith.constant 0 : i32
      %dma_start3A_26 = tpu.memref_slice %arg8[%mul3A_16, %dma_start3A_25] : memref<10240x8xf32, #tpu.memory_space<vmem_shared>> -> memref<640x8xf32, #tpu.memory_space<vmem_shared>>
      tpu.enqueue_dma source(%dma_start3A_26 : memref<640x8xf32, #tpu.memory_space<vmem_shared>>) target(%dma_start3A_24 : memref<640x8xf32, #tpu.memory_space<hbm>>) target_semaphore(%run_scoped3A_19 : memref<!tpu.dma_semaphore, #tpu.memory_space<semaphore_mem>>)
      %dma_wait3A = arith.constant 0 : i32
      %dma_wait3A_27 = arith.constant 0 : i32
      %dma_wait3A_28 = tpu.memref_slice %arg5[%arg0, %dma_wait3A, %dma_wait3A_27] : memref<2x10240x8xf32, #tpu.memory_space<hbm>> -> memref<1x10240x8xf32, #tpu.memory_space<hbm>>
      %dma_wait3A_29 = tpu.memref_squeeze %dma_wait3A_28 : memref<1x10240x8xf32, #tpu.memory_space<hbm>> -> memref<10240x8xf32, #tpu.memory_space<hbm>>
      %dma_wait3A_30 = arith.constant 0 : i32
      %dma_wait3A_31 = tpu.memref_slice %dma_wait3A_29[%mul3A_18, %dma_wait3A_30] : memref<10240x8xf32, #tpu.memory_space<hbm>> -> memref<640x8xf32, #tpu.memory_space<hbm>>
      %dma_wait3A_32 = arith.constant 0 : i32
      %dma_wait3A_33 = tpu.memref_slice %arg8[%mul3A_16, %dma_wait3A_32] : memref<10240x8xf32, #tpu.memory_space<vmem_shared>> -> memref<640x8xf32, #tpu.memory_space<vmem_shared>>
      tpu.wait_dma2 semaphore(%run_scoped3A_19 : memref<!tpu.dma_semaphore, #tpu.memory_space<semaphore_mem>>) src(%dma_wait3A_33 : memref<640x8xf32, #tpu.memory_space<vmem_shared>>) dst(%dma_wait3A_31 : memref<640x8xf32, #tpu.memory_space<hbm>>)
      tpu.yield
    }) : () -> ()
    return
  }
}

#map = affine_map<(d0, d1) -> (0, 0)>
#map1 = affine_map<(d0, d1) -> (0, 0, 0, 0, 0)>
#map2 = affine_map<(d0, d1) -> (0, 0, 0)>
module attributes {stable_mosaic.version = 14 : i64} {
  func.func @scat_kernel(%arg0: i32, %arg1: i32, %arg2: memref<10000x128xf32, #tpu.memory_space<hbm>>, %arg3: memref<2x32x5x20x100xi32, #tpu.memory_space<hbm>>, %arg4: memref<640x128xf32, #tpu.memory_space<hbm>>, %arg5: memref<2x10240x128xf32, #tpu.memory_space<hbm>>, %arg6: memref<20x100xi32, #tpu.memory_space<vmem>>, %arg7: memref<20x100xi32, #tpu.memory_space<vmem>>, %arg8: memref<100x128xf32, #tpu.memory_space<vmem>>, %arg9: memref<100x128xf32, #tpu.memory_space<vmem>>, %arg10: memref<100x128xf32, #tpu.memory_space<vmem>>, %arg11: memref<10240x128xf32, #tpu.memory_space<vmem_shared>>, %arg12: memref<!tpu.dma_semaphore, #tpu.memory_space<semaphore_mem>>, %arg13: memref<!tpu.dma_semaphore, #tpu.memory_space<semaphore_mem>>, %arg14: memref<!tpu.dma_semaphore, #tpu.memory_space<semaphore_mem>>, %arg15: memref<!tpu.dma_semaphore, #tpu.memory_space<semaphore_mem>>) attributes {dimension_semantics = [#tpu.dimension_semantics<core_parallel>, #tpu.dimension_semantics<subcore_parallel>], iteration_bounds = array<i64: 2, 16>, scalar_prefetch = 0 : i64, scratch_operands = 10 : i64, tpu.core_type = #tpu.core_type<sc_vector_subcore>, window_params = [{transform_indices = #map}, {transform_indices = #map1}, {transform_indices = #map}, {transform_indices = #map2}]} {
    %mul3A = arith.constant 16 : i32
    %mul3A_0 = arith.muli %arg0, %mul3A : i32
    %add3A = arith.addi %mul3A_0, %arg1 : i32
    %mul3A_1 = arith.constant 640 : i32
    %mul3A_2 = arith.muli %arg1, %mul3A_1 : i32
    "tpu.region"() ({
      %run_scoped3A = tpu.sem_alloc : memref<!tpu.dma_semaphore, #tpu.memory_space<semaphore_mem>>
      %dma_start3A = arith.constant 0 : i32
      %dma_start3A_13 = tpu.memref_slice %arg11[%mul3A_2, %dma_start3A] : memref<10240x128xf32, #tpu.memory_space<vmem_shared>> -> memref<640x128xf32, #tpu.memory_space<vmem_shared>>
      tpu.enqueue_dma source(%arg4 : memref<640x128xf32, #tpu.memory_space<hbm>>) target(%dma_start3A_13 : memref<640x128xf32, #tpu.memory_space<vmem_shared>>) target_semaphore(%run_scoped3A : memref<!tpu.dma_semaphore, #tpu.memory_space<semaphore_mem>>)
      %dma_wait3A = arith.constant 0 : i32
      %dma_wait3A_14 = tpu.memref_slice %arg11[%mul3A_2, %dma_wait3A] : memref<10240x128xf32, #tpu.memory_space<vmem_shared>> -> memref<640x128xf32, #tpu.memory_space<vmem_shared>>
      tpu.wait_dma2 semaphore(%run_scoped3A : memref<!tpu.dma_semaphore, #tpu.memory_space<semaphore_mem>>) src(%arg4 : memref<640x128xf32, #tpu.memory_space<hbm>>) dst(%dma_wait3A_14 : memref<640x128xf32, #tpu.memory_space<vmem_shared>>)
      tpu.yield
    }) : () -> ()
    %barrier3A = arith.constant 0 : index
    tpu.barrier barrier_id(%barrier3A)
    %scan3A = arith.constant 0 : i32
    %scan3A_3 = arith.constant 0 : i32
    %scan3A_4 = arith.constant 5 : i32
    %scan3A_5 = arith.addi %scan3A_3, %scan3A_4 : i32
    %scan3A_6 = arith.constant 1 : i32
    scf.for %scan3A_13 = %scan3A_3 to %scan3A_5 step %scan3A_6  : i32 {
      %run_scoped3A = arith.constant 0 : i32
      "tpu.region"() ({
        %run_scoped3A_82 = tpu.sem_alloc : memref<!tpu.dma_semaphore, #tpu.memory_space<semaphore_mem>>
        %dma_start3A_83 = arith.constant 0 : i32
        %dma_start3A_84 = arith.constant 0 : i32
        %dma_start3A_85 = tpu.memref_slice %arg3[%run_scoped3A, %add3A, %scan3A_13, %dma_start3A_83, %dma_start3A_84] : memref<2x32x5x20x100xi32, #tpu.memory_space<hbm>> -> memref<1x1x1x20x100xi32, #tpu.memory_space<hbm>>
        %dma_start3A_86 = tpu.memref_squeeze %dma_start3A_85 : memref<1x1x1x20x100xi32, #tpu.memory_space<hbm>> -> memref<20x100xi32, #tpu.memory_space<hbm>>
        %dma_start3A_87 = arith.constant 0 : i32
        %dma_start3A_88 = arith.constant 0 : i32
        %dma_start3A_89 = tpu.memref_slice %arg3[%run_scoped3A, %add3A, %scan3A_13, %dma_start3A_87, %dma_start3A_88] : memref<2x32x5x20x100xi32, #tpu.memory_space<hbm>> -> memref<1x1x1x20x100xi32, #tpu.memory_space<hbm>>
        %dma_start3A_90 = tpu.memref_squeeze %dma_start3A_89 : memref<1x1x1x20x100xi32, #tpu.memory_space<hbm>> -> memref<20x100xi32, #tpu.memory_space<hbm>>
        tpu.enqueue_dma source(%dma_start3A_90 : memref<20x100xi32, #tpu.memory_space<hbm>>) target(%arg6 : memref<20x100xi32, #tpu.memory_space<vmem>>) target_semaphore(%run_scoped3A_82 : memref<!tpu.dma_semaphore, #tpu.memory_space<semaphore_mem>>)
        %dma_wait3A_91 = arith.constant 0 : i32
        %dma_wait3A_92 = arith.constant 0 : i32
        %dma_wait3A_93 = tpu.memref_slice %arg3[%run_scoped3A, %add3A, %scan3A_13, %dma_wait3A_91, %dma_wait3A_92] : memref<2x32x5x20x100xi32, #tpu.memory_space<hbm>> -> memref<1x1x1x20x100xi32, #tpu.memory_space<hbm>>
        %dma_wait3A_94 = tpu.memref_squeeze %dma_wait3A_93 : memref<1x1x1x20x100xi32, #tpu.memory_space<hbm>> -> memref<20x100xi32, #tpu.memory_space<hbm>>
        %dma_wait3A_95 = arith.constant 0 : i32
        %dma_wait3A_96 = arith.constant 0 : i32
        %dma_wait3A_97 = tpu.memref_slice %arg3[%run_scoped3A, %add3A, %scan3A_13, %dma_wait3A_95, %dma_wait3A_96] : memref<2x32x5x20x100xi32, #tpu.memory_space<hbm>> -> memref<1x1x1x20x100xi32, #tpu.memory_space<hbm>>
        %dma_wait3A_98 = tpu.memref_squeeze %dma_wait3A_97 : memref<1x1x1x20x100xi32, #tpu.memory_space<hbm>> -> memref<20x100xi32, #tpu.memory_space<hbm>>
        tpu.wait_dma2 semaphore(%run_scoped3A_82 : memref<!tpu.dma_semaphore, #tpu.memory_space<semaphore_mem>>) src(%dma_wait3A_98 : memref<20x100xi32, #tpu.memory_space<hbm>>) dst(%arg6 : memref<20x100xi32, #tpu.memory_space<vmem>>)
        tpu.yield
      }) : () -> ()
      %run_scoped3A_14 = arith.constant 1 : i32
      "tpu.region"() ({
        %run_scoped3A_82 = tpu.sem_alloc : memref<!tpu.dma_semaphore, #tpu.memory_space<semaphore_mem>>
        %dma_start3A_83 = arith.constant 0 : i32
        %dma_start3A_84 = arith.constant 0 : i32
        %dma_start3A_85 = tpu.memref_slice %arg3[%run_scoped3A_14, %add3A, %scan3A_13, %dma_start3A_83, %dma_start3A_84] : memref<2x32x5x20x100xi32, #tpu.memory_space<hbm>> -> memref<1x1x1x20x100xi32, #tpu.memory_space<hbm>>
        %dma_start3A_86 = tpu.memref_squeeze %dma_start3A_85 : memref<1x1x1x20x100xi32, #tpu.memory_space<hbm>> -> memref<20x100xi32, #tpu.memory_space<hbm>>
        %dma_start3A_87 = arith.constant 0 : i32
        %dma_start3A_88 = arith.constant 0 : i32
        %dma_start3A_89 = tpu.memref_slice %arg3[%run_scoped3A_14, %add3A, %scan3A_13, %dma_start3A_87, %dma_start3A_88] : memref<2x32x5x20x100xi32, #tpu.memory_space<hbm>> -> memref<1x1x1x20x100xi32, #tpu.memory_space<hbm>>
        %dma_start3A_90 = tpu.memref_squeeze %dma_start3A_89 : memref<1x1x1x20x100xi32, #tpu.memory_space<hbm>> -> memref<20x100xi32, #tpu.memory_space<hbm>>
        tpu.enqueue_dma source(%dma_start3A_90 : memref<20x100xi32, #tpu.memory_space<hbm>>) target(%arg7 : memref<20x100xi32, #tpu.memory_space<vmem>>) target_semaphore(%run_scoped3A_82 : memref<!tpu.dma_semaphore, #tpu.memory_space<semaphore_mem>>)
        %dma_wait3A_91 = arith.constant 0 : i32
        %dma_wait3A_92 = arith.constant 0 : i32
        %dma_wait3A_93 = tpu.memref_slice %arg3[%run_scoped3A_14, %add3A, %scan3A_13, %dma_wait3A_91, %dma_wait3A_92] : memref<2x32x5x20x100xi32, #tpu.memory_space<hbm>> -> memref<1x1x1x20x100xi32, #tpu.memory_space<hbm>>
        %dma_wait3A_94 = tpu.memref_squeeze %dma_wait3A_93 : memref<1x1x1x20x100xi32, #tpu.memory_space<hbm>> -> memref<20x100xi32, #tpu.memory_space<hbm>>
        %dma_wait3A_95 = arith.constant 0 : i32
        %dma_wait3A_96 = arith.constant 0 : i32
        %dma_wait3A_97 = tpu.memref_slice %arg3[%run_scoped3A_14, %add3A, %scan3A_13, %dma_wait3A_95, %dma_wait3A_96] : memref<2x32x5x20x100xi32, #tpu.memory_space<hbm>> -> memref<1x1x1x20x100xi32, #tpu.memory_space<hbm>>
        %dma_wait3A_98 = tpu.memref_squeeze %dma_wait3A_97 : memref<1x1x1x20x100xi32, #tpu.memory_space<hbm>> -> memref<20x100xi32, #tpu.memory_space<hbm>>
        tpu.wait_dma2 semaphore(%run_scoped3A_82 : memref<!tpu.dma_semaphore, #tpu.memory_space<semaphore_mem>>) src(%dma_wait3A_98 : memref<20x100xi32, #tpu.memory_space<hbm>>) dst(%arg7 : memref<20x100xi32, #tpu.memory_space<vmem>>)
        tpu.yield
      }) : () -> ()
      %dma_start3A = arith.constant 0 : i32
      %dma_start3A_15 = arith.constant 0 : i32
      %dma_start3A_16 = tpu.memref_slice %arg6[%dma_start3A, %dma_start3A_15] : memref<20x100xi32, #tpu.memory_space<vmem>> -> memref<1x100xi32, #tpu.memory_space<vmem>>
      %dma_start3A_17 = tpu.memref_squeeze %dma_start3A_16 : memref<1x100xi32, #tpu.memory_space<vmem>> -> memref<100xi32, #tpu.memory_space<vmem>>
      %dma_start3A_18 = arith.constant 0 : i32
      %dma_start3A_19 = arith.constant 0 : i32
      %dma_start3A_20 = tpu.memref_slice %arg2[%dma_start3A_18, %dma_start3A_19] : memref<10000x128xf32, #tpu.memory_space<hbm>> -> memref<10000x128xf32, #tpu.memory_space<hbm>>
      tpu.enqueue_indirect_dma source(%dma_start3A_20 : memref<10000x128xf32, #tpu.memory_space<hbm>>) target(%arg8 : memref<100x128xf32, #tpu.memory_space<vmem>>) offsets(%dma_start3A_17 : memref<100xi32, #tpu.memory_space<vmem>>) semaphore(%arg12 : memref<!tpu.dma_semaphore, #tpu.memory_space<semaphore_mem>>)
      %dma_start3A_21 = arith.constant 1 : i32
      %dma_start3A_22 = arith.constant 0 : i32
      %dma_start3A_23 = tpu.memref_slice %arg6[%dma_start3A_21, %dma_start3A_22] : memref<20x100xi32, #tpu.memory_space<vmem>> -> memref<1x100xi32, #tpu.memory_space<vmem>>
      %dma_start3A_24 = tpu.memref_squeeze %dma_start3A_23 : memref<1x100xi32, #tpu.memory_space<vmem>> -> memref<100xi32, #tpu.memory_space<vmem>>
      %dma_start3A_25 = arith.constant 0 : i32
      %dma_start3A_26 = arith.constant 0 : i32
      %dma_start3A_27 = tpu.memref_slice %arg2[%dma_start3A_25, %dma_start3A_26] : memref<10000x128xf32, #tpu.memory_space<hbm>> -> memref<10000x128xf32, #tpu.memory_space<hbm>>
      tpu.enqueue_indirect_dma source(%dma_start3A_27 : memref<10000x128xf32, #tpu.memory_space<hbm>>) target(%arg9 : memref<100x128xf32, #tpu.memory_space<vmem>>) offsets(%dma_start3A_24 : memref<100xi32, #tpu.memory_space<vmem>>) semaphore(%arg13 : memref<!tpu.dma_semaphore, #tpu.memory_space<semaphore_mem>>)
      %dma_wait3A = arith.constant 0 : i32
      %dma_wait3A_28 = arith.constant 0 : i32
      %dma_wait3A_29 = tpu.memref_slice %arg6[%dma_wait3A, %dma_wait3A_28] : memref<20x100xi32, #tpu.memory_space<vmem>> -> memref<1x100xi32, #tpu.memory_space<vmem>>
      %dma_wait3A_30 = tpu.memref_squeeze %dma_wait3A_29 : memref<1x100xi32, #tpu.memory_space<vmem>> -> memref<100xi32, #tpu.memory_space<vmem>>
      %dma_wait3A_31 = arith.constant 0 : i32
      %dma_wait3A_32 = arith.constant 0 : i32
      %dma_wait3A_33 = tpu.memref_slice %arg2[%dma_wait3A_31, %dma_wait3A_32] : memref<10000x128xf32, #tpu.memory_space<hbm>> -> memref<10000x128xf32, #tpu.memory_space<hbm>>
      tpu.wait_indirect_dma semaphore(%arg12 : memref<!tpu.dma_semaphore, #tpu.memory_space<semaphore_mem>>) src(%dma_wait3A_33 : memref<10000x128xf32, #tpu.memory_space<hbm>>) dst(%arg8 : memref<100x128xf32, #tpu.memory_space<vmem>>)
      %dma_start3A_34 = arith.constant 0 : i32
      %dma_start3A_35 = arith.constant 0 : i32
      %dma_start3A_36 = tpu.memref_slice %arg7[%dma_start3A_34, %dma_start3A_35] : memref<20x100xi32, #tpu.memory_space<vmem>> -> memref<1x100xi32, #tpu.memory_space<vmem>>
      %dma_start3A_37 = tpu.memref_squeeze %dma_start3A_36 : memref<1x100xi32, #tpu.memory_space<vmem>> -> memref<100xi32, #tpu.memory_space<vmem>>
      %dma_start3A_38 = arith.constant 0 : i32
      %dma_start3A_39 = arith.constant 0 : i32
      %dma_start3A_40 = tpu.memref_slice %arg11[%dma_start3A_38, %dma_start3A_39] : memref<10240x128xf32, #tpu.memory_space<vmem_shared>> -> memref<10240x128xf32, #tpu.memory_space<vmem_shared>>
      tpu.enqueue_indirect_dma source(%arg8 : memref<100x128xf32, #tpu.memory_space<vmem>>) target(%dma_start3A_40 : memref<10240x128xf32, #tpu.memory_space<vmem_shared>>) offsets(%dma_start3A_37 : memref<100xi32, #tpu.memory_space<vmem>>) semaphore(%arg15 : memref<!tpu.dma_semaphore, #tpu.memory_space<semaphore_mem>>) {add = true}
      %dma_start3A_41 = arith.constant 2 : i32
      %dma_start3A_42 = arith.constant 0 : i32
      %dma_start3A_43 = tpu.memref_slice %arg6[%dma_start3A_41, %dma_start3A_42] : memref<20x100xi32, #tpu.memory_space<vmem>> -> memref<1x100xi32, #tpu.memory_space<vmem>>
      %dma_start3A_44 = tpu.memref_squeeze %dma_start3A_43 : memref<1x100xi32, #tpu.memory_space<vmem>> -> memref<100xi32, #tpu.memory_space<vmem>>
      %dma_start3A_45 = arith.constant 0 : i32
      %dma_start3A_46 = arith.constant 0 : i32
      %dma_start3A_47 = tpu.memref_slice %arg2[%dma_start3A_45, %dma_start3A_46] : memref<10000x128xf32, #tpu.memory_space<hbm>> -> memref<10000x128xf32, #tpu.memory_space<hbm>>
      tpu.enqueue_indirect_dma source(%dma_start3A_47 : memref<10000x128xf32, #tpu.memory_space<hbm>>) target(%arg10 : memref<100x128xf32, #tpu.memory_space<vmem>>) offsets(%dma_start3A_44 : memref<100xi32, #tpu.memory_space<vmem>>) semaphore(%arg14 : memref<!tpu.dma_semaphore, #tpu.memory_space<semaphore_mem>>)
      %scan3A_48 = arith.constant 0 : i32
      %scan3A_49 = arith.constant 0 : i32
      %scan3A_50 = arith.constant 6 : i32
      %scan3A_51 = arith.addi %scan3A_49, %scan3A_50 : i32
      %scan3A_52 = arith.constant 1 : i32
      scf.for %scan3A_82 = %scan3A_49 to %scan3A_51 step %scan3A_52  : i32 {
        %mul3A_83 = arith.constant 3 : i32
        %mul3A_84 = arith.muli %mul3A_83, %scan3A_82 : i32
        %add3A_85 = arith.constant 1 : i32
        %add3A_86 = arith.addi %mul3A_84, %add3A_85 : i32
        %add3A_87 = arith.constant 0 : i32
        %add3A_88 = arith.addi %add3A_86, %add3A_87 : i32
        %dma_wait3A_89 = arith.constant 0 : i32
        %dma_wait3A_90 = arith.constant 0 : i32
        %dma_wait3A_91 = tpu.memref_slice %arg6[%dma_wait3A_89, %dma_wait3A_90] : memref<20x100xi32, #tpu.memory_space<vmem>> -> memref<1x100xi32, #tpu.memory_space<vmem>>
        %dma_wait3A_92 = tpu.memref_squeeze %dma_wait3A_91 : memref<1x100xi32, #tpu.memory_space<vmem>> -> memref<100xi32, #tpu.memory_space<vmem>>
        %dma_wait3A_93 = arith.constant 0 : i32
        %dma_wait3A_94 = arith.constant 0 : i32
        %dma_wait3A_95 = tpu.memref_slice %arg2[%dma_wait3A_93, %dma_wait3A_94] : memref<10000x128xf32, #tpu.memory_space<hbm>> -> memref<10000x128xf32, #tpu.memory_space<hbm>>
        tpu.wait_indirect_dma semaphore(%arg13 : memref<!tpu.dma_semaphore, #tpu.memory_space<semaphore_mem>>) src(%dma_wait3A_95 : memref<10000x128xf32, #tpu.memory_space<hbm>>) dst(%arg9 : memref<100x128xf32, #tpu.memory_space<vmem>>)
        %dma_start3A_96 = arith.constant 0 : i32
        %dma_start3A_97 = tpu.memref_slice %arg7[%add3A_88, %dma_start3A_96] : memref<20x100xi32, #tpu.memory_space<vmem>> -> memref<1x100xi32, #tpu.memory_space<vmem>>
        %dma_start3A_98 = tpu.memref_squeeze %dma_start3A_97 : memref<1x100xi32, #tpu.memory_space<vmem>> -> memref<100xi32, #tpu.memory_space<vmem>>
        %dma_start3A_99 = arith.constant 0 : i32
        %dma_start3A_100 = arith.constant 0 : i32
        %dma_start3A_101 = tpu.memref_slice %arg11[%dma_start3A_99, %dma_start3A_100] : memref<10240x128xf32, #tpu.memory_space<vmem_shared>> -> memref<10240x128xf32, #tpu.memory_space<vmem_shared>>
        tpu.enqueue_indirect_dma source(%arg9 : memref<100x128xf32, #tpu.memory_space<vmem>>) target(%dma_start3A_101 : memref<10240x128xf32, #tpu.memory_space<vmem_shared>>) offsets(%dma_start3A_98 : memref<100xi32, #tpu.memory_space<vmem>>) semaphore(%arg15 : memref<!tpu.dma_semaphore, #tpu.memory_space<semaphore_mem>>) {add = true}
        %dma_wait3A_102 = arith.constant 0 : i32
        %dma_wait3A_103 = arith.constant 0 : i32
        %dma_wait3A_104 = tpu.memref_slice %arg7[%dma_wait3A_102, %dma_wait3A_103] : memref<20x100xi32, #tpu.memory_space<vmem>> -> memref<1x100xi32, #tpu.memory_space<vmem>>
        %dma_wait3A_105 = tpu.memref_squeeze %dma_wait3A_104 : memref<1x100xi32, #tpu.memory_space<vmem>> -> memref<100xi32, #tpu.memory_space<vmem>>
        %dma_wait3A_106 = arith.constant 0 : i32
        %dma_wait3A_107 = arith.constant 0 : i32
        %dma_wait3A_108 = tpu.memref_slice %arg11[%dma_wait3A_106, %dma_wait3A_107] : memref<10240x128xf32, #tpu.memory_space<vmem_shared>> -> memref<10240x128xf32, #tpu.memory_space<vmem_shared>>
        tpu.wait_indirect_dma semaphore(%arg15 : memref<!tpu.dma_semaphore, #tpu.memory_space<semaphore_mem>>) src(%arg8 : memref<100x128xf32, #tpu.memory_space<vmem>>) dst(%dma_wait3A_108 : memref<10240x128xf32, #tpu.memory_space<vmem_shared>>)
        %add3A_109 = arith.constant 2 : i32
        %add3A_110 = arith.addi %add3A_88, %add3A_109 : i32
        %dma_start3A_111 = arith.constant 0 : i32
        %dma_start3A_112 = tpu.memref_slice %arg6[%add3A_110, %dma_start3A_111] : memref<20x100xi32, #tpu.memory_space<vmem>> -> memref<1x100xi32, #tpu.memory_space<vmem>>
        %dma_start3A_113 = tpu.memref_squeeze %dma_start3A_112 : memref<1x100xi32, #tpu.memory_space<vmem>> -> memref<100xi32, #tpu.memory_space<vmem>>
        %dma_start3A_114 = arith.constant 0 : i32
        %dma_start3A_115 = arith.constant 0 : i32
        %dma_start3A_116 = tpu.memref_slice %arg2[%dma_start3A_114, %dma_start3A_115] : memref<10000x128xf32, #tpu.memory_space<hbm>> -> memref<10000x128xf32, #tpu.memory_space<hbm>>
        tpu.enqueue_indirect_dma source(%dma_start3A_116 : memref<10000x128xf32, #tpu.memory_space<hbm>>) target(%arg8 : memref<100x128xf32, #tpu.memory_space<vmem>>) offsets(%dma_start3A_113 : memref<100xi32, #tpu.memory_space<vmem>>) semaphore(%arg12 : memref<!tpu.dma_semaphore, #tpu.memory_space<semaphore_mem>>)
        %add3A_117 = arith.constant 1 : i32
        %add3A_118 = arith.addi %add3A_86, %add3A_117 : i32
        %dma_wait3A_119 = arith.constant 0 : i32
        %dma_wait3A_120 = arith.constant 0 : i32
        %dma_wait3A_121 = tpu.memref_slice %arg6[%dma_wait3A_119, %dma_wait3A_120] : memref<20x100xi32, #tpu.memory_space<vmem>> -> memref<1x100xi32, #tpu.memory_space<vmem>>
        %dma_wait3A_122 = tpu.memref_squeeze %dma_wait3A_121 : memref<1x100xi32, #tpu.memory_space<vmem>> -> memref<100xi32, #tpu.memory_space<vmem>>
        %dma_wait3A_123 = arith.constant 0 : i32
        %dma_wait3A_124 = arith.constant 0 : i32
        %dma_wait3A_125 = tpu.memref_slice %arg2[%dma_wait3A_123, %dma_wait3A_124] : memref<10000x128xf32, #tpu.memory_space<hbm>> -> memref<10000x128xf32, #tpu.memory_space<hbm>>
        tpu.wait_indirect_dma semaphore(%arg14 : memref<!tpu.dma_semaphore, #tpu.memory_space<semaphore_mem>>) src(%dma_wait3A_125 : memref<10000x128xf32, #tpu.memory_space<hbm>>) dst(%arg10 : memref<100x128xf32, #tpu.memory_space<vmem>>)
        %dma_start3A_126 = arith.constant 0 : i32
        %dma_start3A_127 = tpu.memref_slice %arg7[%add3A_118, %dma_start3A_126] : memref<20x100xi32, #tpu.memory_space<vmem>> -> memref<1x100xi32, #tpu.memory_space<vmem>>
        %dma_start3A_128 = tpu.memref_squeeze %dma_start3A_127 : memref<1x100xi32, #tpu.memory_space<vmem>> -> memref<100xi32, #tpu.memory_space<vmem>>
        %dma_start3A_129 = arith.constant 0 : i32
        %dma_start3A_130 = arith.constant 0 : i32
        %dma_start3A_131 = tpu.memref_slice %arg11[%dma_start3A_129, %dma_start3A_130] : memref<10240x128xf32, #tpu.memory_space<vmem_shared>> -> memref<10240x128xf32, #tpu.memory_space<vmem_shared>>
        tpu.enqueue_indirect_dma source(%arg10 : memref<100x128xf32, #tpu.memory_space<vmem>>) target(%dma_start3A_131 : memref<10240x128xf32, #tpu.memory_space<vmem_shared>>) offsets(%dma_start3A_128 : memref<100xi32, #tpu.memory_space<vmem>>) semaphore(%arg15 : memref<!tpu.dma_semaphore, #tpu.memory_space<semaphore_mem>>) {add = true}
        %dma_wait3A_132 = arith.constant 0 : i32
        %dma_wait3A_133 = arith.constant 0 : i32
        %dma_wait3A_134 = tpu.memref_slice %arg7[%dma_wait3A_132, %dma_wait3A_133] : memref<20x100xi32, #tpu.memory_space<vmem>> -> memref<1x100xi32, #tpu.memory_space<vmem>>
        %dma_wait3A_135 = tpu.memref_squeeze %dma_wait3A_134 : memref<1x100xi32, #tpu.memory_space<vmem>> -> memref<100xi32, #tpu.memory_space<vmem>>
        %dma_wait3A_136 = arith.constant 0 : i32
        %dma_wait3A_137 = arith.constant 0 : i32
        %dma_wait3A_138 = tpu.memref_slice %arg11[%dma_wait3A_136, %dma_wait3A_137] : memref<10240x128xf32, #tpu.memory_space<vmem_shared>> -> memref<10240x128xf32, #tpu.memory_space<vmem_shared>>
        tpu.wait_indirect_dma semaphore(%arg15 : memref<!tpu.dma_semaphore, #tpu.memory_space<semaphore_mem>>) src(%arg8 : memref<100x128xf32, #tpu.memory_space<vmem>>) dst(%dma_wait3A_138 : memref<10240x128xf32, #tpu.memory_space<vmem_shared>>)
        %add3A_139 = arith.constant 2 : i32
        %add3A_140 = arith.addi %add3A_118, %add3A_139 : i32
        %dma_start3A_141 = arith.constant 0 : i32
        %dma_start3A_142 = tpu.memref_slice %arg6[%add3A_140, %dma_start3A_141] : memref<20x100xi32, #tpu.memory_space<vmem>> -> memref<1x100xi32, #tpu.memory_space<vmem>>
        %dma_start3A_143 = tpu.memref_squeeze %dma_start3A_142 : memref<1x100xi32, #tpu.memory_space<vmem>> -> memref<100xi32, #tpu.memory_space<vmem>>
        %dma_start3A_144 = arith.constant 0 : i32
        %dma_start3A_145 = arith.constant 0 : i32
        %dma_start3A_146 = tpu.memref_slice %arg2[%dma_start3A_144, %dma_start3A_145] : memref<10000x128xf32, #tpu.memory_space<hbm>> -> memref<10000x128xf32, #tpu.memory_space<hbm>>
        tpu.enqueue_indirect_dma source(%dma_start3A_146 : memref<10000x128xf32, #tpu.memory_space<hbm>>) target(%arg9 : memref<100x128xf32, #tpu.memory_space<vmem>>) offsets(%dma_start3A_143 : memref<100xi32, #tpu.memory_space<vmem>>) semaphore(%arg13 : memref<!tpu.dma_semaphore, #tpu.memory_space<semaphore_mem>>)
        %add3A_147 = arith.constant 2 : i32
        %add3A_148 = arith.addi %add3A_86, %add3A_147 : i32
        %dma_wait3A_149 = arith.constant 0 : i32
        %dma_wait3A_150 = arith.constant 0 : i32
        %dma_wait3A_151 = tpu.memref_slice %arg6[%dma_wait3A_149, %dma_wait3A_150] : memref<20x100xi32, #tpu.memory_space<vmem>> -> memref<1x100xi32, #tpu.memory_space<vmem>>
        %dma_wait3A_152 = tpu.memref_squeeze %dma_wait3A_151 : memref<1x100xi32, #tpu.memory_space<vmem>> -> memref<100xi32, #tpu.memory_space<vmem>>
        %dma_wait3A_153 = arith.constant 0 : i32
        %dma_wait3A_154 = arith.constant 0 : i32
        %dma_wait3A_155 = tpu.memref_slice %arg2[%dma_wait3A_153, %dma_wait3A_154] : memref<10000x128xf32, #tpu.memory_space<hbm>> -> memref<10000x128xf32, #tpu.memory_space<hbm>>
        tpu.wait_indirect_dma semaphore(%arg12 : memref<!tpu.dma_semaphore, #tpu.memory_space<semaphore_mem>>) src(%dma_wait3A_155 : memref<10000x128xf32, #tpu.memory_space<hbm>>) dst(%arg8 : memref<100x128xf32, #tpu.memory_space<vmem>>)
        %dma_start3A_156 = arith.constant 0 : i32
        %dma_start3A_157 = tpu.memref_slice %arg7[%add3A_148, %dma_start3A_156] : memref<20x100xi32, #tpu.memory_space<vmem>> -> memref<1x100xi32, #tpu.memory_space<vmem>>
        %dma_start3A_158 = tpu.memref_squeeze %dma_start3A_157 : memref<1x100xi32, #tpu.memory_space<vmem>> -> memref<100xi32, #tpu.memory_space<vmem>>
        %dma_start3A_159 = arith.constant 0 : i32
        %dma_start3A_160 = arith.constant 0 : i32
        %dma_start3A_161 = tpu.memref_slice %arg11[%dma_start3A_159, %dma_start3A_160] : memref<10240x128xf32, #tpu.memory_space<vmem_shared>> -> memref<10240x128xf32, #tpu.memory_space<vmem_shared>>
        tpu.enqueue_indirect_dma source(%arg8 : memref<100x128xf32, #tpu.memory_space<vmem>>) target(%dma_start3A_161 : memref<10240x128xf32, #tpu.memory_space<vmem_shared>>) offsets(%dma_start3A_158 : memref<100xi32, #tpu.memory_space<vmem>>) semaphore(%arg15 : memref<!tpu.dma_semaphore, #tpu.memory_space<semaphore_mem>>) {add = true}
        %dma_wait3A_162 = arith.constant 0 : i32
        %dma_wait3A_163 = arith.constant 0 : i32
        %dma_wait3A_164 = tpu.memref_slice %arg7[%dma_wait3A_162, %dma_wait3A_163] : memref<20x100xi32, #tpu.memory_space<vmem>> -> memref<1x100xi32, #tpu.memory_space<vmem>>
        %dma_wait3A_165 = tpu.memref_squeeze %dma_wait3A_164 : memref<1x100xi32, #tpu.memory_space<vmem>> -> memref<100xi32, #tpu.memory_space<vmem>>
        %dma_wait3A_166 = arith.constant 0 : i32
        %dma_wait3A_167 = arith.constant 0 : i32
        %dma_wait3A_168 = tpu.memref_slice %arg11[%dma_wait3A_166, %dma_wait3A_167] : memref<10240x128xf32, #tpu.memory_space<vmem_shared>> -> memref<10240x128xf32, #tpu.memory_space<vmem_shared>>
        tpu.wait_indirect_dma semaphore(%arg15 : memref<!tpu.dma_semaphore, #tpu.memory_space<semaphore_mem>>) src(%arg8 : memref<100x128xf32, #tpu.memory_space<vmem>>) dst(%dma_wait3A_168 : memref<10240x128xf32, #tpu.memory_space<vmem_shared>>)
        %add3A_169 = arith.constant 2 : i32
        %add3A_170 = arith.addi %add3A_148, %add3A_169 : i32
        %lt3A = arith.constant 20 : i32
        %lt3A_171 = arith.cmpi slt, %add3A_170, %lt3A : i32
        %convert_element_type3A = arith.extui %lt3A_171 : i1 to i32
        %cond3A = arith.constant 0 : i32
        %cond3A_172 = arith.cmpi ne, %convert_element_type3A, %cond3A : i32
        scf.if %cond3A_172 {
          %add3A_173 = arith.constant 2 : i32
          %add3A_174 = arith.addi %add3A_148, %add3A_173 : i32
          %dma_start3A_175 = arith.constant 0 : i32
          %dma_start3A_176 = tpu.memref_slice %arg6[%add3A_174, %dma_start3A_175] : memref<20x100xi32, #tpu.memory_space<vmem>> -> memref<1x100xi32, #tpu.memory_space<vmem>>
          %dma_start3A_177 = tpu.memref_squeeze %dma_start3A_176 : memref<1x100xi32, #tpu.memory_space<vmem>> -> memref<100xi32, #tpu.memory_space<vmem>>
          %dma_start3A_178 = arith.constant 0 : i32
          %dma_start3A_179 = arith.constant 0 : i32
          %dma_start3A_180 = tpu.memref_slice %arg2[%dma_start3A_178, %dma_start3A_179] : memref<10000x128xf32, #tpu.memory_space<hbm>> -> memref<10000x128xf32, #tpu.memory_space<hbm>>
          tpu.enqueue_indirect_dma source(%dma_start3A_180 : memref<10000x128xf32, #tpu.memory_space<hbm>>) target(%arg10 : memref<100x128xf32, #tpu.memory_space<vmem>>) offsets(%dma_start3A_177 : memref<100xi32, #tpu.memory_space<vmem>>) semaphore(%arg14 : memref<!tpu.dma_semaphore, #tpu.memory_space<semaphore_mem>>)
        } else {
        }
      }
      %scan3A_53 = arith.constant 6 : i32
      %dma_wait3A_54 = arith.constant 0 : i32
      %dma_wait3A_55 = arith.constant 0 : i32
      %dma_wait3A_56 = tpu.memref_slice %arg6[%dma_wait3A_54, %dma_wait3A_55] : memref<20x100xi32, #tpu.memory_space<vmem>> -> memref<1x100xi32, #tpu.memory_space<vmem>>
      %dma_wait3A_57 = tpu.memref_squeeze %dma_wait3A_56 : memref<1x100xi32, #tpu.memory_space<vmem>> -> memref<100xi32, #tpu.memory_space<vmem>>
      %dma_wait3A_58 = arith.constant 0 : i32
      %dma_wait3A_59 = arith.constant 0 : i32
      %dma_wait3A_60 = tpu.memref_slice %arg2[%dma_wait3A_58, %dma_wait3A_59] : memref<10000x128xf32, #tpu.memory_space<hbm>> -> memref<10000x128xf32, #tpu.memory_space<hbm>>
      tpu.wait_indirect_dma semaphore(%arg13 : memref<!tpu.dma_semaphore, #tpu.memory_space<semaphore_mem>>) src(%dma_wait3A_60 : memref<10000x128xf32, #tpu.memory_space<hbm>>) dst(%arg9 : memref<100x128xf32, #tpu.memory_space<vmem>>)
      %dma_start3A_61 = arith.constant 19 : i32
      %dma_start3A_62 = arith.constant 0 : i32
      %dma_start3A_63 = tpu.memref_slice %arg7[%dma_start3A_61, %dma_start3A_62] : memref<20x100xi32, #tpu.memory_space<vmem>> -> memref<1x100xi32, #tpu.memory_space<vmem>>
      %dma_start3A_64 = tpu.memref_squeeze %dma_start3A_63 : memref<1x100xi32, #tpu.memory_space<vmem>> -> memref<100xi32, #tpu.memory_space<vmem>>
      %dma_start3A_65 = arith.constant 0 : i32
      %dma_start3A_66 = arith.constant 0 : i32
      %dma_start3A_67 = tpu.memref_slice %arg11[%dma_start3A_65, %dma_start3A_66] : memref<10240x128xf32, #tpu.memory_space<vmem_shared>> -> memref<10240x128xf32, #tpu.memory_space<vmem_shared>>
      tpu.enqueue_indirect_dma source(%arg9 : memref<100x128xf32, #tpu.memory_space<vmem>>) target(%dma_start3A_67 : memref<10240x128xf32, #tpu.memory_space<vmem_shared>>) offsets(%dma_start3A_64 : memref<100xi32, #tpu.memory_space<vmem>>) semaphore(%arg15 : memref<!tpu.dma_semaphore, #tpu.memory_space<semaphore_mem>>) {add = true}
      %dma_wait3A_68 = arith.constant 0 : i32
      %dma_wait3A_69 = arith.constant 0 : i32
      %dma_wait3A_70 = tpu.memref_slice %arg7[%dma_wait3A_68, %dma_wait3A_69] : memref<20x100xi32, #tpu.memory_space<vmem>> -> memref<1x100xi32, #tpu.memory_space<vmem>>
      %dma_wait3A_71 = tpu.memref_squeeze %dma_wait3A_70 : memref<1x100xi32, #tpu.memory_space<vmem>> -> memref<100xi32, #tpu.memory_space<vmem>>
      %dma_wait3A_72 = arith.constant 0 : i32
      %dma_wait3A_73 = arith.constant 0 : i32
      %dma_wait3A_74 = tpu.memref_slice %arg11[%dma_wait3A_72, %dma_wait3A_73] : memref<10240x128xf32, #tpu.memory_space<vmem_shared>> -> memref<10240x128xf32, #tpu.memory_space<vmem_shared>>
      tpu.wait_indirect_dma semaphore(%arg15 : memref<!tpu.dma_semaphore, #tpu.memory_space<semaphore_mem>>) src(%arg8 : memref<100x128xf32, #tpu.memory_space<vmem>>) dst(%dma_wait3A_74 : memref<10240x128xf32, #tpu.memory_space<vmem_shared>>)
      %dma_wait3A_75 = arith.constant 0 : i32
      %dma_wait3A_76 = arith.constant 0 : i32
      %dma_wait3A_77 = tpu.memref_slice %arg7[%dma_wait3A_75, %dma_wait3A_76] : memref<20x100xi32, #tpu.memory_space<vmem>> -> memref<1x100xi32, #tpu.memory_space<vmem>>
      %dma_wait3A_78 = tpu.memref_squeeze %dma_wait3A_77 : memref<1x100xi32, #tpu.memory_space<vmem>> -> memref<100xi32, #tpu.memory_space<vmem>>
      %dma_wait3A_79 = arith.constant 0 : i32
      %dma_wait3A_80 = arith.constant 0 : i32
      %dma_wait3A_81 = tpu.memref_slice %arg11[%dma_wait3A_79, %dma_wait3A_80] : memref<10240x128xf32, #tpu.memory_space<vmem_shared>> -> memref<10240x128xf32, #tpu.memory_space<vmem_shared>>
      tpu.wait_indirect_dma semaphore(%arg15 : memref<!tpu.dma_semaphore, #tpu.memory_space<semaphore_mem>>) src(%arg8 : memref<100x128xf32, #tpu.memory_space<vmem>>) dst(%dma_wait3A_81 : memref<10240x128xf32, #tpu.memory_space<vmem_shared>>)
    }
    %scan3A_7 = arith.constant 5 : i32
    %barrier3A_8 = arith.constant 0 : index
    tpu.barrier barrier_id(%barrier3A_8)
    %mul3A_9 = arith.constant 640 : i32
    %mul3A_10 = arith.muli %arg1, %mul3A_9 : i32
    %mul3A_11 = arith.constant 640 : i32
    %mul3A_12 = arith.muli %arg1, %mul3A_11 : i32
    "tpu.region"() ({
      %run_scoped3A = tpu.sem_alloc : memref<!tpu.dma_semaphore, #tpu.memory_space<semaphore_mem>>
      %dma_start3A = arith.constant 0 : i32
      %dma_start3A_13 = arith.constant 0 : i32
      %dma_start3A_14 = tpu.memref_slice %arg5[%arg0, %dma_start3A, %dma_start3A_13] : memref<2x10240x128xf32, #tpu.memory_space<hbm>> -> memref<1x10240x128xf32, #tpu.memory_space<hbm>>
      %dma_start3A_15 = tpu.memref_squeeze %dma_start3A_14 : memref<1x10240x128xf32, #tpu.memory_space<hbm>> -> memref<10240x128xf32, #tpu.memory_space<hbm>>
      %dma_start3A_16 = arith.constant 0 : i32
      %dma_start3A_17 = tpu.memref_slice %dma_start3A_15[%mul3A_12, %dma_start3A_16] : memref<10240x128xf32, #tpu.memory_space<hbm>> -> memref<640x128xf32, #tpu.memory_space<hbm>>
      %dma_start3A_18 = arith.constant 0 : i32
      %dma_start3A_19 = tpu.memref_slice %arg11[%mul3A_10, %dma_start3A_18] : memref<10240x128xf32, #tpu.memory_space<vmem_shared>> -> memref<640x128xf32, #tpu.memory_space<vmem_shared>>
      tpu.enqueue_dma source(%dma_start3A_19 : memref<640x128xf32, #tpu.memory_space<vmem_shared>>) target(%dma_start3A_17 : memref<640x128xf32, #tpu.memory_space<hbm>>) target_semaphore(%run_scoped3A : memref<!tpu.dma_semaphore, #tpu.memory_space<semaphore_mem>>)
      %dma_wait3A = arith.constant 0 : i32
      %dma_wait3A_20 = arith.constant 0 : i32
      %dma_wait3A_21 = tpu.memref_slice %arg5[%arg0, %dma_wait3A, %dma_wait3A_20] : memref<2x10240x128xf32, #tpu.memory_space<hbm>> -> memref<1x10240x128xf32, #tpu.memory_space<hbm>>
      %dma_wait3A_22 = tpu.memref_squeeze %dma_wait3A_21 : memref<1x10240x128xf32, #tpu.memory_space<hbm>> -> memref<10240x128xf32, #tpu.memory_space<hbm>>
      %dma_wait3A_23 = arith.constant 0 : i32
      %dma_wait3A_24 = tpu.memref_slice %dma_wait3A_22[%mul3A_12, %dma_wait3A_23] : memref<10240x128xf32, #tpu.memory_space<hbm>> -> memref<640x128xf32, #tpu.memory_space<hbm>>
      %dma_wait3A_25 = arith.constant 0 : i32
      %dma_wait3A_26 = tpu.memref_slice %arg11[%mul3A_10, %dma_wait3A_25] : memref<10240x128xf32, #tpu.memory_space<vmem_shared>> -> memref<640x128xf32, #tpu.memory_space<vmem_shared>>
      tpu.wait_dma2 semaphore(%run_scoped3A : memref<!tpu.dma_semaphore, #tpu.memory_space<semaphore_mem>>) src(%dma_wait3A_26 : memref<640x128xf32, #tpu.memory_space<vmem_shared>>) dst(%dma_wait3A_24 : memref<640x128xf32, #tpu.memory_space<hbm>>)
      tpu.yield
    }) : () -> ()
    return
  }
}

module attributes {stable_mosaic.version = 14 : i64} {
  func.func @body(%arg0: i32, %arg1: memref<2000x128xf32, #tpu.memory_space<vmem>>, %arg2: memref<128x128xf32, #tpu.memory_space<vmem>>, %arg3: memref<2x2000x8xf32, #tpu.memory_space<vmem>>, %arg4: memref<2000x128xf32, #tpu.memory_space<vmem>>, %arg5: memref<2000x16xf32, #tpu.memory_space<vmem>>) attributes {dimension_semantics = [#tpu.dimension_semantics<arbitrary>], iteration_bounds = array<i64: 5>, scalar_prefetch = 0 : i64, scratch_operands = 0 : i64, tpu.core_type = #tpu.core_type<tc>, window_params = [{transform_indices = @transform_0, window_bounds = array<i64: 2000, 128>}, {pipeline_mode = #tpu.pipeline_mode<synchronous>, transform_indices = @transform_1, window_bounds = array<i64: 128, 128>}, {transform_indices = @transform_2, window_bounds = array<i64: 2, 2000, 8>}, {transform_indices = @transform_3, window_bounds = array<i64: 2000, 128>}, {transform_indices = @transform_4, window_bounds = array<i64: 2000, 16>}]} {
    %get3A = arith.constant 0 : index
    %get3A_0 = arith.constant 0 : index
    %get3A_1 = arith.constant 0 : index
    %get3A_2 = vector.load %arg3[%get3A, %get3A_0, %get3A_1] : memref<2x2000x8xf32, #tpu.memory_space<vmem>>, vector<1x2000x1xf32>
    %get3A_3 = vector.shape_cast %get3A_2 : vector<1x2000x1xf32> to vector<2000x1xf32>
    %get3A_4 = arith.constant 1 : index
    %get3A_5 = arith.constant 0 : index
    %get3A_6 = arith.constant 0 : index
    %get3A_7 = vector.load %arg3[%get3A_4, %get3A_5, %get3A_6] : memref<2x2000x8xf32, #tpu.memory_space<vmem>>, vector<1x2000x1xf32>
    %get3A_8 = vector.shape_cast %get3A_7 : vector<1x2000x1xf32> to vector<2000x1xf32>
    %add3A = arith.addf %get3A_3, %get3A_8 : vector<2000x1xf32>
    %add3A_9 = arith.constant 1.000000e+00 : f32
    %add3A_10 = vector.broadcast %add3A_9 : f32 to vector<2000x1xf32>
    %add3A_11 = arith.addf %add3A, %add3A_10 : vector<2000x1xf32>
    %rsqrt3A = math.rsqrt %add3A_11 : vector<2000x1xf32>
    %get3A_12 = arith.constant 0 : index
    %get3A_13 = arith.constant 0 : index
    %get3A_14 = vector.load %arg1[%get3A_12, %get3A_13] : memref<2000x128xf32, #tpu.memory_space<vmem>>, vector<2000x128xf32>
    %get3A_15 = arith.constant 0 : index
    %get3A_16 = arith.constant 0 : index
    %get3A_17 = vector.load %arg2[%get3A_15, %get3A_16] : memref<128x128xf32, #tpu.memory_space<vmem>>, vector<128x128xf32>
    %dot_general3A = arith.constant dense<0.000000e+00> : vector<2000x128xf32>
    %dot_general3A_18 = tpu.matmul %get3A_14, %get3A_17, %dot_general3A {dimension_numbers = #tpu.dot_dimension_numbers<[1], [0], [0], [1], [0, 0, 1, 1], [], []>, transpose_lhs_hint = false} : vector<2000x128xf32>, vector<128x128xf32>, vector<2000x128xf32> -> vector<2000x128xf32>
    %mul3A = vector.broadcast %rsqrt3A : vector<2000x1xf32> to vector<2000x128xf32>
    %mul3A_19 = arith.mulf %dot_general3A_18, %mul3A : vector<2000x128xf32>
    %swap3A = arith.constant 0 : index
    %swap3A_20 = arith.constant 0 : index
    %swap3A_21 = vector.load %arg4[%swap3A, %swap3A_20] : memref<2000x128xf32, #tpu.memory_space<vmem>>, vector<2000x128xf32>
    tpu.vector_store %arg4[%swap3A, %swap3A_20], %mul3A_19 {strides = array<i32>} : memref<2000x128xf32, #tpu.memory_space<vmem>>, vector<2000x128xf32>,
    %broadcast_in_dim3A = vector.shape_cast %rsqrt3A : vector<2000x1xf32> to vector<2000x1xf32>
    %broadcast_in_dim3A_22 = vector.broadcast %broadcast_in_dim3A : vector<2000x1xf32> to vector<2000x16xf32>
    %swap3A_23 = arith.constant 0 : index
    %swap3A_24 = arith.constant 0 : index
    %swap3A_25 = vector.load %arg5[%swap3A_23, %swap3A_24] : memref<2000x16xf32, #tpu.memory_space<vmem>>, vector<2000x16xf32>
    tpu.vector_store %arg5[%swap3A_23, %swap3A_24], %broadcast_in_dim3A_22 {strides = array<i32>} : memref<2000x16xf32, #tpu.memory_space<vmem>>, vector<2000x16xf32>,
    return
  }
  func.func @transform_0(%arg0: i32) -> (i32, i32) {
    %c0_i32 = arith.constant 0 : i32
    %c0_i32_0 = arith.constant 0 : i32
    return %arg0, %c0_i32 : i32, i32
  }
  func.func @transform_1(%arg0: i32) -> (i32, i32) {
    %c0_i32 = arith.constant 0 : i32
    %c0_i32_0 = arith.constant 0 : i32
    %c0_i32_1 = arith.constant 0 : i32
    return %c0_i32, %c0_i32_0 : i32, i32
  }
  func.func @transform_2(%arg0: i32) -> (i32, i32, i32) {
    %c0_i32 = arith.constant 0 : i32
    %c0_i32_0 = arith.constant 0 : i32
    %c0_i32_1 = arith.constant 0 : i32
    return %c0_i32, %arg0, %c0_i32_0 : i32, i32, i32
  }
  func.func @transform_3(%arg0: i32) -> (i32, i32) {
    %c0_i32 = arith.constant 0 : i32
    %c0_i32_0 = arith.constant 0 : i32
    return %arg0, %c0_i32 : i32, i32
  }
  func.func @transform_4(%arg0: i32) -> (i32, i32) {
    %c0_i32 = arith.constant 0 : i32
    %c0_i32_0 = arith.constant 0 : i32
    return %arg0, %c0_i32 : i32, i32
  }
}

module attributes {stable_mosaic.version = 14 : i64} {
  func.func @body(%arg0: i32, %arg1: i32, %arg2: memref<2x2000x128xf32, #tpu.memory_space<vmem>>, %arg3: memref<2000x128xf32, #tpu.memory_space<vmem>>, %arg4: memref<2000x16xf32, #tpu.memory_space<vmem>>, %arg5: memref<1x128xf32, #tpu.memory_space<vmem>>, %arg6: memref<1x128xf32, #tpu.memory_space<vmem>>, %arg7: memref<1x128xf32, #tpu.memory_space<vmem>>, %arg8: memref<128x128xf32, #tpu.memory_space<vmem>>, %arg9: memref<2000x128xf32, #tpu.memory_space<vmem>>, %arg10: memref<5x2000x128xf32, #tpu.memory_space<vmem>>, %arg11: memref<8x128xf32, #tpu.memory_space<vmem>>) attributes {dimension_semantics = [#tpu.dimension_semantics<arbitrary>, #tpu.dimension_semantics<arbitrary>], iteration_bounds = array<i64: 2, 5>, scalar_prefetch = 0 : i64, scratch_operands = 2 : i64, tpu.core_type = #tpu.core_type<tc>, window_params = [{transform_indices = @transform_0, window_bounds = array<i64: 2, 2000, 128>}, {transform_indices = @transform_1, window_bounds = array<i64: 2000, 128>}, {transform_indices = @transform_2, window_bounds = array<i64: 2000, 16>}, {pipeline_mode = #tpu.pipeline_mode<synchronous>, transform_indices = @transform_3, window_bounds = array<i64: 1, 128>}, {pipeline_mode = #tpu.pipeline_mode<synchronous>, transform_indices = @transform_4, window_bounds = array<i64: 1, 128>}, {pipeline_mode = #tpu.pipeline_mode<synchronous>, transform_indices = @transform_5, window_bounds = array<i64: 1, 128>}, {pipeline_mode = #tpu.pipeline_mode<synchronous>, transform_indices = @transform_6, window_bounds = array<i64: 128, 128>}, {transform_indices = @transform_7, window_bounds = array<i64: 2000, 128>}]} {
    %eq3A = arith.constant 0 : i32
    %eq3A_0 = arith.cmpi eq, %arg0, %eq3A : i32
    %eq3A_1 = arith.constant 0 : i32
    %eq3A_2 = arith.cmpi eq, %arg1, %eq3A_1 : i32
    %and3A = arith.andi %eq3A_0, %eq3A_2 : i1
    %convert_element_type3A = arith.extui %and3A : i1 to i32
    %cond3A = arith.constant 0 : i32
    %cond3A_3 = arith.cmpi ne, %convert_element_type3A, %cond3A : i32
    scf.if %cond3A_3 {
      %broadcast_in_dim3A = arith.constant 0.000000e+00 : f32
      %broadcast_in_dim3A_14 = vector.broadcast %broadcast_in_dim3A : f32 to vector<8x128xf32>
      %swap3A = arith.constant 0 : index
      %swap3A_15 = arith.constant 0 : index
      %swap3A_16 = vector.load %arg11[%swap3A, %swap3A_15] : memref<8x128xf32, #tpu.memory_space<vmem>>, vector<8x128xf32>
      tpu.vector_store %arg11[%swap3A, %swap3A_15], %broadcast_in_dim3A_14 {strides = array<i32>} : memref<8x128xf32, #tpu.memory_space<vmem>>, vector<8x128xf32>,
    } else {
    }
    %eq3A_4 = arith.constant 0 : i32
    %eq3A_5 = arith.cmpi eq, %arg0, %eq3A_4 : i32
    %convert_element_type3A_6 = arith.extui %eq3A_5 : i1 to i32
    %cond3A_7 = arith.constant 0 : i32
    %cond3A_8 = arith.cmpi ne, %convert_element_type3A_6, %cond3A_7 : i32
    scf.if %cond3A_8 {
      %get3A = arith.constant 0 : index
      %get3A_14 = arith.constant 0 : index
      %get3A_15 = vector.load %arg4[%get3A, %get3A_14] : memref<2000x16xf32, #tpu.memory_space<vmem>>, vector<2000x1xf32>
      %get3A_16 = arith.constant 0 : index
      %get3A_17 = arith.constant 0 : index
      %get3A_18 = arith.constant 0 : index
      %get3A_19 = vector.load %arg2[%get3A_16, %get3A_17, %get3A_18] : memref<2x2000x128xf32, #tpu.memory_space<vmem>>, vector<1x2000x128xf32>
      %get3A_20 = vector.shape_cast %get3A_19 : vector<1x2000x128xf32> to vector<2000x128xf32>
      %get3A_21 = arith.constant 1 : index
      %get3A_22 = arith.constant 0 : index
      %get3A_23 = arith.constant 0 : index
      %get3A_24 = vector.load %arg2[%get3A_21, %get3A_22, %get3A_23] : memref<2x2000x128xf32, #tpu.memory_space<vmem>>, vector<1x2000x128xf32>
      %get3A_25 = vector.shape_cast %get3A_24 : vector<1x2000x128xf32> to vector<2000x128xf32>
      %add3A = arith.addf %get3A_20, %get3A_25 : vector<2000x128xf32>
      %get3A_26 = arith.constant 0 : index
      %get3A_27 = arith.constant 0 : index
      %get3A_28 = vector.load %arg3[%get3A_26, %get3A_27] : memref<2000x128xf32, #tpu.memory_space<vmem>>, vector<2000x128xf32>
      %add3A_29 = arith.addf %add3A, %get3A_28 : vector<2000x128xf32>
      %mul3A = vector.broadcast %get3A_15 : vector<2000x1xf32> to vector<2000x128xf32>
      %mul3A_30 = arith.mulf %mul3A, %add3A_29 : vector<2000x128xf32>
      %get3A_31 = arith.constant 0 : index
      %get3A_32 = arith.constant 0 : index
      %get3A_33 = vector.load %arg5[%get3A_31, %get3A_32] : memref<1x128xf32, #tpu.memory_space<vmem>>, vector<1x128xf32>
      %add3A_34 = vector.broadcast %get3A_33 : vector<1x128xf32> to vector<2000x128xf32>
      %add3A_35 = arith.addf %mul3A_30, %add3A_34 : vector<2000x128xf32>
      %gt3A = arith.constant 0.000000e+00 : f32
      %gt3A_36 = vector.broadcast %gt3A : f32 to vector<2000x128xf32>
      %gt3A_37 = arith.cmpf ogt, %add3A_35, %gt3A_36 : vector<2000x128xf32>
      %exp3A = math.exp %add3A_35 : vector<2000x128xf32>
      %sub3A = arith.constant 1.000000e+00 : f32
      %sub3A_38 = vector.broadcast %sub3A : f32 to vector<2000x128xf32>
      %sub3A_39 = arith.subf %exp3A, %sub3A_38 : vector<2000x128xf32>
      %select_n3A = arith.select %gt3A_37, %add3A_35, %sub3A_39 : vector<2000x128xi1>, vector<2000x128xf32>
      %swap3A = arith.index_cast %arg1 : i32 to index
      %swap3A_40 = arith.constant 0 : index
      %swap3A_41 = arith.constant 0 : index
      %swap3A_42 = vector.load %arg10[%swap3A, %swap3A_40, %swap3A_41] : memref<5x2000x128xf32, #tpu.memory_space<vmem>>, vector<1x2000x128xf32>
      %swap3A_43 = vector.shape_cast %swap3A_42 : vector<1x2000x128xf32> to vector<2000x128xf32>
      %swap3A_44 = vector.shape_cast %select_n3A : vector<2000x128xf32> to vector<1x2000x128xf32>
      tpu.vector_store %arg10[%swap3A, %swap3A_40, %swap3A_41], %swap3A_44 {strides = array<i32>} : memref<5x2000x128xf32, #tpu.memory_space<vmem>>, vector<1x2000x128xf32>,
      %get3A_45 = arith.constant 0 : index
      %get3A_46 = arith.constant 0 : index
      %get3A_47 = vector.load %arg11[%get3A_45, %get3A_46] : memref<8x128xf32, #tpu.memory_space<vmem>>, vector<1x128xf32>
      %reduce_sum3A = arith.constant dense<0.000000e+00> : vector<128xf32>
      %reduce_sum3A_48 = vector.multi_reduction <add>, %select_n3A, %reduce_sum3A [0] : vector<2000x128xf32> to vector<128xf32>
      %broadcast_in_dim3A = vector.shape_cast %reduce_sum3A_48 : vector<128xf32> to vector<1x128xf32>
      %add3A_49 = arith.addf %get3A_47, %broadcast_in_dim3A : vector<1x128xf32>
      %swap3A_50 = arith.constant 0 : index
      %swap3A_51 = arith.constant 0 : index
      %swap3A_52 = vector.load %arg11[%swap3A_50, %swap3A_51] : memref<8x128xf32, #tpu.memory_space<vmem>>, vector<1x128xf32>
      tpu.vector_store %arg11[%swap3A_50, %swap3A_51], %add3A_49 {strides = array<i32>} : memref<8x128xf32, #tpu.memory_space<vmem>>, vector<1x128xf32>,
      %get3A_53 = arith.constant 1 : index
      %get3A_54 = arith.constant 0 : index
      %get3A_55 = vector.load %arg11[%get3A_53, %get3A_54] : memref<8x128xf32, #tpu.memory_space<vmem>>, vector<1x128xf32>
      %mul3A_56 = arith.mulf %select_n3A, %select_n3A : vector<2000x128xf32>
      %reduce_sum3A_57 = arith.constant dense<0.000000e+00> : vector<128xf32>
      %reduce_sum3A_58 = vector.multi_reduction <add>, %mul3A_56, %reduce_sum3A_57 [0] : vector<2000x128xf32> to vector<128xf32>
      %broadcast_in_dim3A_59 = vector.shape_cast %reduce_sum3A_58 : vector<128xf32> to vector<1x128xf32>
      %add3A_60 = arith.addf %get3A_55, %broadcast_in_dim3A_59 : vector<1x128xf32>
      %swap3A_61 = arith.constant 1 : index
      %swap3A_62 = arith.constant 0 : index
      %swap3A_63 = vector.load %arg11[%swap3A_61, %swap3A_62] : memref<8x128xf32, #tpu.memory_space<vmem>>, vector<1x128xf32>
      tpu.vector_store %arg11[%swap3A_61, %swap3A_62], %add3A_60 {strides = array<i32>} : memref<8x128xf32, #tpu.memory_space<vmem>>, vector<1x128xf32>,
    } else {
    }
    %eq3A_9 = arith.constant 1 : i32
    %eq3A_10 = arith.cmpi eq, %arg0, %eq3A_9 : i32
    %convert_element_type3A_11 = arith.extui %eq3A_10 : i1 to i32
    %cond3A_12 = arith.constant 0 : i32
    %cond3A_13 = arith.cmpi ne, %convert_element_type3A_11, %cond3A_12 : i32
    scf.if %cond3A_13 {
      %get3A = arith.constant 0 : index
      %get3A_14 = arith.constant 0 : index
      %get3A_15 = vector.load %arg11[%get3A, %get3A_14] : memref<8x128xf32, #tpu.memory_space<vmem>>, vector<1x128xf32>
      %div3A = arith.constant 1.000000e+04 : f32
      %div3A_16 = vector.broadcast %div3A : f32 to vector<1x128xf32>
      %div3A_17 = arith.divf %get3A_15, %div3A_16 : vector<1x128xf32>
      %get3A_18 = arith.constant 1 : index
      %get3A_19 = arith.constant 0 : index
      %get3A_20 = vector.load %arg11[%get3A_18, %get3A_19] : memref<8x128xf32, #tpu.memory_space<vmem>>, vector<1x128xf32>
      %div3A_21 = arith.constant 1.000000e+04 : f32
      %div3A_22 = vector.broadcast %div3A_21 : f32 to vector<1x128xf32>
      %div3A_23 = arith.divf %get3A_20, %div3A_22 : vector<1x128xf32>
      %mul3A = arith.mulf %div3A_17, %div3A_17 : vector<1x128xf32>
      %sub3A = arith.subf %div3A_23, %mul3A : vector<1x128xf32>
      %get3A_24 = arith.constant 0 : index
      %get3A_25 = arith.constant 0 : index
      %get3A_26 = vector.load %arg6[%get3A_24, %get3A_25] : memref<1x128xf32, #tpu.memory_space<vmem>>, vector<1x128xf32>
      %add3A = arith.constant 9.99999974E-6 : f32
      %add3A_27 = vector.broadcast %add3A : f32 to vector<1x128xf32>
      %add3A_28 = arith.addf %sub3A, %add3A_27 : vector<1x128xf32>
      %rsqrt3A = math.rsqrt %add3A_28 : vector<1x128xf32>
      %mul3A_29 = arith.mulf %get3A_26, %rsqrt3A : vector<1x128xf32>
      %get3A_30 = arith.constant 0 : index
      %get3A_31 = arith.constant 0 : index
      %get3A_32 = vector.load %arg7[%get3A_30, %get3A_31] : memref<1x128xf32, #tpu.memory_space<vmem>>, vector<1x128xf32>
      %mul3A_33 = arith.mulf %div3A_17, %mul3A_29 : vector<1x128xf32>
      %sub3A_34 = arith.subf %get3A_32, %mul3A_33 : vector<1x128xf32>
      %get3A_35 = arith.index_cast %arg1 : i32 to index
      %get3A_36 = arith.constant 0 : index
      %get3A_37 = arith.constant 0 : index
      %get3A_38 = vector.load %arg10[%get3A_35, %get3A_36, %get3A_37] : memref<5x2000x128xf32, #tpu.memory_space<vmem>>, vector<1x2000x128xf32>
      %get3A_39 = vector.shape_cast %get3A_38 : vector<1x2000x128xf32> to vector<2000x128xf32>
      %mul3A_40 = vector.broadcast %mul3A_29 : vector<1x128xf32> to vector<2000x128xf32>
      %mul3A_41 = arith.mulf %get3A_39, %mul3A_40 : vector<2000x128xf32>
      %add3A_42 = vector.broadcast %sub3A_34 : vector<1x128xf32> to vector<2000x128xf32>
      %add3A_43 = arith.addf %mul3A_41, %add3A_42 : vector<2000x128xf32>
      %get3A_44 = arith.constant 0 : index
      %get3A_45 = arith.constant 0 : index
      %get3A_46 = vector.load %arg8[%get3A_44, %get3A_45] : memref<128x128xf32, #tpu.memory_space<vmem>>, vector<128x128xf32>
      %dot_general3A = arith.constant dense<0.000000e+00> : vector<2000x128xf32>
      %dot_general3A_47 = tpu.matmul %add3A_43, %get3A_46, %dot_general3A {dimension_numbers = #tpu.dot_dimension_numbers<[1], [0], [0], [1], [0, 0, 1, 1], [], []>, transpose_lhs_hint = false} : vector<2000x128xf32>, vector<128x128xf32>, vector<2000x128xf32> -> vector<2000x128xf32>
      %get3A_48 = arith.constant 0 : index
      %get3A_49 = arith.constant 0 : index
      %get3A_50 = vector.load %arg4[%get3A_48, %get3A_49] : memref<2000x16xf32, #tpu.memory_space<vmem>>, vector<2000x1xf32>
      %mul3A_51 = vector.broadcast %get3A_50 : vector<2000x1xf32> to vector<2000x128xf32>
      %mul3A_52 = arith.mulf %dot_general3A_47, %mul3A_51 : vector<2000x128xf32>
      %swap3A = arith.constant 0 : index
      %swap3A_53 = arith.constant 0 : index
      %swap3A_54 = vector.load %arg9[%swap3A, %swap3A_53] : memref<2000x128xf32, #tpu.memory_space<vmem>>, vector<2000x128xf32>
      tpu.vector_store %arg9[%swap3A, %swap3A_53], %mul3A_52 {strides = array<i32>} : memref<2000x128xf32, #tpu.memory_space<vmem>>, vector<2000x128xf32>,
    } else {
    }
    return
  }
  func.func @transform_0(%arg0: i32, %arg1: i32) -> (i32, i32, i32) {
    %sub3A = arith.constant 1 : i32
    %sub3A_0 = arith.subi %sub3A, %arg0 : i32
    %mul3A = arith.muli %arg1, %sub3A_0 : i32
    %c0_i32 = arith.constant 0 : i32
    %c0_i32_1 = arith.constant 0 : i32
    %c0_i32_2 = arith.constant 0 : i32
    return %c0_i32, %mul3A, %c0_i32_1 : i32, i32, i32
  }
  func.func @transform_1(%arg0: i32, %arg1: i32) -> (i32, i32) {
    %sub3A = arith.constant 1 : i32
    %sub3A_0 = arith.subi %sub3A, %arg0 : i32
    %mul3A = arith.muli %arg1, %sub3A_0 : i32
    %c0_i32 = arith.constant 0 : i32
    %c0_i32_1 = arith.constant 0 : i32
    return %mul3A, %c0_i32 : i32, i32
  }
  func.func @transform_2(%arg0: i32, %arg1: i32) -> (i32, i32) {
    %c0_i32 = arith.constant 0 : i32
    %c0_i32_0 = arith.constant 0 : i32
    return %arg1, %c0_i32 : i32, i32
  }
  func.func @transform_3(%arg0: i32, %arg1: i32) -> (i32, i32) {
    %c0_i32 = arith.constant 0 : i32
    %c0_i32_0 = arith.constant 0 : i32
    %c0_i32_1 = arith.constant 0 : i32
    return %c0_i32, %c0_i32_0 : i32, i32
  }
  func.func @transform_4(%arg0: i32, %arg1: i32) -> (i32, i32) {
    %c0_i32 = arith.constant 0 : i32
    %c0_i32_0 = arith.constant 0 : i32
    %c0_i32_1 = arith.constant 0 : i32
    return %c0_i32, %c0_i32_0 : i32, i32
  }
  func.func @transform_5(%arg0: i32, %arg1: i32) -> (i32, i32) {
    %c0_i32 = arith.constant 0 : i32
    %c0_i32_0 = arith.constant 0 : i32
    %c0_i32_1 = arith.constant 0 : i32
    return %c0_i32, %c0_i32_0 : i32, i32
  }
  func.func @transform_6(%arg0: i32, %arg1: i32) -> (i32, i32) {
    %c0_i32 = arith.constant 0 : i32
    %c0_i32_0 = arith.constant 0 : i32
    %c0_i32_1 = arith.constant 0 : i32
    return %c0_i32, %c0_i32_0 : i32, i32
  }
  func.func @transform_7(%arg0: i32, %arg1: i32) -> (i32, i32) {
    %c0_i32 = arith.constant 0 : i32
    %c0_i32_0 = arith.constant 0 : i32
    return %arg1, %c0_i32 : i32, i32
  }
}

module attributes {stable_mosaic.version = 14 : i64} {
  func.func @body(%arg0: i32, %arg1: i32, %arg2: memref<2x2000x128xf32, #tpu.memory_space<vmem>>, %arg3: memref<2000x128xf32, #tpu.memory_space<vmem>>, %arg4: memref<2000x16xf32, #tpu.memory_space<vmem>>, %arg5: memref<1x128xf32, #tpu.memory_space<vmem>>, %arg6: memref<1x128xf32, #tpu.memory_space<vmem>>, %arg7: memref<1x128xf32, #tpu.memory_space<vmem>>, %arg8: memref<1x1x2000xi32, #tpu.memory_space<vmem>>, %arg9: memref<128x128xf32, #tpu.memory_space<vmem>>, %arg10: memref<1x128xf32, #tpu.memory_space<vmem>>, %arg11: memref<128x10xf32, #tpu.memory_space<vmem>>, %arg12: memref<1x10xf32, #tpu.memory_space<vmem>>, %arg13: memref<64x10xf32, #tpu.memory_space<vmem>>, %arg14: memref<5x2000x128xf32, #tpu.memory_space<vmem>>, %arg15: memref<8x128xf32, #tpu.memory_space<vmem>>, %arg16: memref<64x128xf32, #tpu.memory_space<vmem>>, %arg17: memref<64x1xf32, #tpu.memory_space<vmem>>) attributes {dimension_semantics = [#tpu.dimension_semantics<arbitrary>, #tpu.dimension_semantics<arbitrary>], iteration_bounds = array<i64: 2, 5>, scalar_prefetch = 0 : i64, scratch_operands = 4 : i64, tpu.core_type = #tpu.core_type<tc>, window_params = [{transform_indices = @transform_0, window_bounds = array<i64: 2, 2000, 128>}, {transform_indices = @transform_1, window_bounds = array<i64: 2000, 128>}, {transform_indices = @transform_2, window_bounds = array<i64: 2000, 16>}, {pipeline_mode = #tpu.pipeline_mode<synchronous>, transform_indices = @transform_3, window_bounds = array<i64: 1, 128>}, {pipeline_mode = #tpu.pipeline_mode<synchronous>, transform_indices = @transform_4, window_bounds = array<i64: 1, 128>}, {pipeline_mode = #tpu.pipeline_mode<synchronous>, transform_indices = @transform_5, window_bounds = array<i64: 1, 128>}, {transform_indices = @transform_6, window_bounds = array<i64: 1, 1, 2000>}, {pipeline_mode = #tpu.pipeline_mode<synchronous>, transform_indices = @transform_7, window_bounds = array<i64: 128, 128>}, {pipeline_mode = #tpu.pipeline_mode<synchronous>, transform_indices = @transform_8, window_bounds = array<i64: 1, 128>}, {pipeline_mode = #tpu.pipeline_mode<synchronous>, transform_indices = @transform_9, window_bounds = array<i64: 128, 10>}, {pipeline_mode = #tpu.pipeline_mode<synchronous>, transform_indices = @transform_10, window_bounds = array<i64: 1, 10>}, {pipeline_mode = #tpu.pipeline_mode<synchronous>, transform_indices = @transform_11, window_bounds = array<i64: 64, 10>}]} {
    %eq3A = arith.constant 0 : i32
    %eq3A_0 = arith.cmpi eq, %arg0, %eq3A : i32
    %eq3A_1 = arith.constant 0 : i32
    %eq3A_2 = arith.cmpi eq, %arg1, %eq3A_1 : i32
    %and3A = arith.andi %eq3A_0, %eq3A_2 : i1
    %convert_element_type3A = arith.extui %and3A : i1 to i32
    %cond3A = arith.constant 0 : i32
    %cond3A_3 = arith.cmpi ne, %convert_element_type3A, %cond3A : i32
    scf.if %cond3A_3 {
      %broadcast_in_dim3A = arith.constant 0.000000e+00 : f32
      %broadcast_in_dim3A_22 = vector.broadcast %broadcast_in_dim3A : f32 to vector<8x128xf32>
      %swap3A = arith.constant 0 : index
      %swap3A_23 = arith.constant 0 : index
      %swap3A_24 = vector.load %arg15[%swap3A, %swap3A_23] : memref<8x128xf32, #tpu.memory_space<vmem>>, vector<8x128xf32>
      tpu.vector_store %arg15[%swap3A, %swap3A_23], %broadcast_in_dim3A_22 {strides = array<i32>} : memref<8x128xf32, #tpu.memory_space<vmem>>, vector<8x128xf32>,
      %broadcast_in_dim3A_25 = arith.constant 0.000000e+00 : f32
      %broadcast_in_dim3A_26 = vector.broadcast %broadcast_in_dim3A_25 : f32 to vector<64x128xf32>
      %swap3A_27 = arith.constant 0 : index
      %swap3A_28 = arith.constant 0 : index
      %swap3A_29 = vector.load %arg16[%swap3A_27, %swap3A_28] : memref<64x128xf32, #tpu.memory_space<vmem>>, vector<64x128xf32>
      tpu.vector_store %arg16[%swap3A_27, %swap3A_28], %broadcast_in_dim3A_26 {strides = array<i32>} : memref<64x128xf32, #tpu.memory_space<vmem>>, vector<64x128xf32>,
      %broadcast_in_dim3A_30 = arith.constant 0.000000e+00 : f32
      %broadcast_in_dim3A_31 = vector.broadcast %broadcast_in_dim3A_30 : f32 to vector<64x1xf32>
      %swap3A_32 = arith.constant 0 : index
      %swap3A_33 = arith.constant 0 : index
      %swap3A_34 = vector.load %arg17[%swap3A_32, %swap3A_33] : memref<64x1xf32, #tpu.memory_space<vmem>>, vector<64x1xf32>
      tpu.vector_store %arg17[%swap3A_32, %swap3A_33], %broadcast_in_dim3A_31 {strides = array<i32>} : memref<64x1xf32, #tpu.memory_space<vmem>>, vector<64x1xf32>,
    } else {
    }
    %eq3A_4 = arith.constant 0 : i32
    %eq3A_5 = arith.cmpi eq, %arg0, %eq3A_4 : i32
    %convert_element_type3A_6 = arith.extui %eq3A_5 : i1 to i32
    %cond3A_7 = arith.constant 0 : i32
    %cond3A_8 = arith.cmpi ne, %convert_element_type3A_6, %cond3A_7 : i32
    scf.if %cond3A_8 {
      %get3A = arith.constant 0 : index
      %get3A_22 = arith.constant 0 : index
      %get3A_23 = vector.load %arg4[%get3A, %get3A_22] : memref<2000x16xf32, #tpu.memory_space<vmem>>, vector<2000x1xf32>
      %get3A_24 = arith.constant 0 : index
      %get3A_25 = arith.constant 0 : index
      %get3A_26 = arith.constant 0 : index
      %get3A_27 = vector.load %arg2[%get3A_24, %get3A_25, %get3A_26] : memref<2x2000x128xf32, #tpu.memory_space<vmem>>, vector<1x2000x128xf32>
      %get3A_28 = vector.shape_cast %get3A_27 : vector<1x2000x128xf32> to vector<2000x128xf32>
      %get3A_29 = arith.constant 1 : index
      %get3A_30 = arith.constant 0 : index
      %get3A_31 = arith.constant 0 : index
      %get3A_32 = vector.load %arg2[%get3A_29, %get3A_30, %get3A_31] : memref<2x2000x128xf32, #tpu.memory_space<vmem>>, vector<1x2000x128xf32>
      %get3A_33 = vector.shape_cast %get3A_32 : vector<1x2000x128xf32> to vector<2000x128xf32>
      %add3A = arith.addf %get3A_28, %get3A_33 : vector<2000x128xf32>
      %get3A_34 = arith.constant 0 : index
      %get3A_35 = arith.constant 0 : index
      %get3A_36 = vector.load %arg3[%get3A_34, %get3A_35] : memref<2000x128xf32, #tpu.memory_space<vmem>>, vector<2000x128xf32>
      %add3A_37 = arith.addf %add3A, %get3A_36 : vector<2000x128xf32>
      %mul3A = vector.broadcast %get3A_23 : vector<2000x1xf32> to vector<2000x128xf32>
      %mul3A_38 = arith.mulf %mul3A, %add3A_37 : vector<2000x128xf32>
      %get3A_39 = arith.constant 0 : index
      %get3A_40 = arith.constant 0 : index
      %get3A_41 = vector.load %arg5[%get3A_39, %get3A_40] : memref<1x128xf32, #tpu.memory_space<vmem>>, vector<1x128xf32>
      %add3A_42 = vector.broadcast %get3A_41 : vector<1x128xf32> to vector<2000x128xf32>
      %add3A_43 = arith.addf %mul3A_38, %add3A_42 : vector<2000x128xf32>
      %gt3A = arith.constant 0.000000e+00 : f32
      %gt3A_44 = vector.broadcast %gt3A : f32 to vector<2000x128xf32>
      %gt3A_45 = arith.cmpf ogt, %add3A_43, %gt3A_44 : vector<2000x128xf32>
      %exp3A = math.exp %add3A_43 : vector<2000x128xf32>
      %sub3A = arith.constant 1.000000e+00 : f32
      %sub3A_46 = vector.broadcast %sub3A : f32 to vector<2000x128xf32>
      %sub3A_47 = arith.subf %exp3A, %sub3A_46 : vector<2000x128xf32>
      %select_n3A = arith.select %gt3A_45, %add3A_43, %sub3A_47 : vector<2000x128xi1>, vector<2000x128xf32>
      %swap3A = arith.index_cast %arg1 : i32 to index
      %swap3A_48 = arith.constant 0 : index
      %swap3A_49 = arith.constant 0 : index
      %swap3A_50 = vector.load %arg14[%swap3A, %swap3A_48, %swap3A_49] : memref<5x2000x128xf32, #tpu.memory_space<vmem>>, vector<1x2000x128xf32>
      %swap3A_51 = vector.shape_cast %swap3A_50 : vector<1x2000x128xf32> to vector<2000x128xf32>
      %swap3A_52 = vector.shape_cast %select_n3A : vector<2000x128xf32> to vector<1x2000x128xf32>
      tpu.vector_store %arg14[%swap3A, %swap3A_48, %swap3A_49], %swap3A_52 {strides = array<i32>} : memref<5x2000x128xf32, #tpu.memory_space<vmem>>, vector<1x2000x128xf32>,
      %get3A_53 = arith.constant 0 : index
      %get3A_54 = arith.constant 0 : index
      %get3A_55 = vector.load %arg15[%get3A_53, %get3A_54] : memref<8x128xf32, #tpu.memory_space<vmem>>, vector<1x128xf32>
      %reduce_sum3A = arith.constant dense<0.000000e+00> : vector<128xf32>
      %reduce_sum3A_56 = vector.multi_reduction <add>, %select_n3A, %reduce_sum3A [0] : vector<2000x128xf32> to vector<128xf32>
      %broadcast_in_dim3A = vector.shape_cast %reduce_sum3A_56 : vector<128xf32> to vector<1x128xf32>
      %add3A_57 = arith.addf %get3A_55, %broadcast_in_dim3A : vector<1x128xf32>
      %swap3A_58 = arith.constant 0 : index
      %swap3A_59 = arith.constant 0 : index
      %swap3A_60 = vector.load %arg15[%swap3A_58, %swap3A_59] : memref<8x128xf32, #tpu.memory_space<vmem>>, vector<1x128xf32>
      tpu.vector_store %arg15[%swap3A_58, %swap3A_59], %add3A_57 {strides = array<i32>} : memref<8x128xf32, #tpu.memory_space<vmem>>, vector<1x128xf32>,
      %get3A_61 = arith.constant 1 : index
      %get3A_62 = arith.constant 0 : index
      %get3A_63 = vector.load %arg15[%get3A_61, %get3A_62] : memref<8x128xf32, #tpu.memory_space<vmem>>, vector<1x128xf32>
      %mul3A_64 = arith.mulf %select_n3A, %select_n3A : vector<2000x128xf32>
      %reduce_sum3A_65 = arith.constant dense<0.000000e+00> : vector<128xf32>
      %reduce_sum3A_66 = vector.multi_reduction <add>, %mul3A_64, %reduce_sum3A_65 [0] : vector<2000x128xf32> to vector<128xf32>
      %broadcast_in_dim3A_67 = vector.shape_cast %reduce_sum3A_66 : vector<128xf32> to vector<1x128xf32>
      %add3A_68 = arith.addf %get3A_63, %broadcast_in_dim3A_67 : vector<1x128xf32>
      %swap3A_69 = arith.constant 1 : index
      %swap3A_70 = arith.constant 0 : index
      %swap3A_71 = vector.load %arg15[%swap3A_69, %swap3A_70] : memref<8x128xf32, #tpu.memory_space<vmem>>, vector<1x128xf32>
      tpu.vector_store %arg15[%swap3A_69, %swap3A_70], %add3A_68 {strides = array<i32>} : memref<8x128xf32, #tpu.memory_space<vmem>>, vector<1x128xf32>,
    } else {
    }
    %eq3A_9 = arith.constant 1 : i32
    %eq3A_10 = arith.cmpi eq, %arg0, %eq3A_9 : i32
    %convert_element_type3A_11 = arith.extui %eq3A_10 : i1 to i32
    %cond3A_12 = arith.constant 0 : i32
    %cond3A_13 = arith.cmpi ne, %convert_element_type3A_11, %cond3A_12 : i32
    scf.if %cond3A_13 {
      %get3A = arith.constant 0 : index
      %get3A_22 = arith.constant 0 : index
      %get3A_23 = vector.load %arg15[%get3A, %get3A_22] : memref<8x128xf32, #tpu.memory_space<vmem>>, vector<1x128xf32>
      %div3A = arith.constant 1.000000e+04 : f32
      %div3A_24 = vector.broadcast %div3A : f32 to vector<1x128xf32>
      %div3A_25 = arith.divf %get3A_23, %div3A_24 : vector<1x128xf32>
      %get3A_26 = arith.constant 1 : index
      %get3A_27 = arith.constant 0 : index
      %get3A_28 = vector.load %arg15[%get3A_26, %get3A_27] : memref<8x128xf32, #tpu.memory_space<vmem>>, vector<1x128xf32>
      %div3A_29 = arith.constant 1.000000e+04 : f32
      %div3A_30 = vector.broadcast %div3A_29 : f32 to vector<1x128xf32>
      %div3A_31 = arith.divf %get3A_28, %div3A_30 : vector<1x128xf32>
      %mul3A = arith.mulf %div3A_25, %div3A_25 : vector<1x128xf32>
      %sub3A = arith.subf %div3A_31, %mul3A : vector<1x128xf32>
      %get3A_32 = arith.constant 0 : index
      %get3A_33 = arith.constant 0 : index
      %get3A_34 = vector.load %arg6[%get3A_32, %get3A_33] : memref<1x128xf32, #tpu.memory_space<vmem>>, vector<1x128xf32>
      %add3A = arith.constant 9.99999974E-6 : f32
      %add3A_35 = vector.broadcast %add3A : f32 to vector<1x128xf32>
      %add3A_36 = arith.addf %sub3A, %add3A_35 : vector<1x128xf32>
      %rsqrt3A = math.rsqrt %add3A_36 : vector<1x128xf32>
      %mul3A_37 = arith.mulf %get3A_34, %rsqrt3A : vector<1x128xf32>
      %get3A_38 = arith.constant 0 : index
      %get3A_39 = arith.constant 0 : index
      %get3A_40 = vector.load %arg7[%get3A_38, %get3A_39] : memref<1x128xf32, #tpu.memory_space<vmem>>, vector<1x128xf32>
      %mul3A_41 = arith.mulf %div3A_25, %mul3A_37 : vector<1x128xf32>
      %sub3A_42 = arith.subf %get3A_40, %mul3A_41 : vector<1x128xf32>
      %get3A_43 = arith.index_cast %arg1 : i32 to index
      %get3A_44 = arith.constant 0 : index
      %get3A_45 = arith.constant 0 : index
      %get3A_46 = vector.load %arg14[%get3A_43, %get3A_44, %get3A_45] : memref<5x2000x128xf32, #tpu.memory_space<vmem>>, vector<1x2000x128xf32>
      %get3A_47 = vector.shape_cast %get3A_46 : vector<1x2000x128xf32> to vector<2000x128xf32>
      %mul3A_48 = vector.broadcast %mul3A_37 : vector<1x128xf32> to vector<2000x128xf32>
      %mul3A_49 = arith.mulf %get3A_47, %mul3A_48 : vector<2000x128xf32>
      %add3A_50 = vector.broadcast %sub3A_42 : vector<1x128xf32> to vector<2000x128xf32>
      %add3A_51 = arith.addf %mul3A_49, %add3A_50 : vector<2000x128xf32>
      %iota3A = tpu.iota {dimensions = array<i32: 0>} : vector<64x2000xi32>
      %get3A_52 = arith.constant 0 : index
      %get3A_53 = arith.constant 0 : index
      %get3A_54 = arith.constant 0 : index
      %get3A_55 = vector.load %arg8[%get3A_52, %get3A_53, %get3A_54] : memref<1x1x2000xi32, #tpu.memory_space<vmem>>, vector<1x1x2000xi32>
      %reshape3A = vector.shape_cast %get3A_55 : vector<1x1x2000xi32> to vector<1x2000xi32>
      %eq3A_56 = vector.broadcast %reshape3A : vector<1x2000xi32> to vector<64x2000xi32>
      %eq3A_57 = arith.cmpi eq, %eq3A_56, %iota3A : vector<64x2000xi32>
      %convert_element_type3A_58 = arith.extui %eq3A_57 : vector<64x2000xi1> to vector<64x2000xi32>
      %convert_element_type3A_59 = arith.sitofp %convert_element_type3A_58 : vector<64x2000xi32> to vector<64x2000xf32>
      %get3A_60 = arith.constant 0 : index
      %get3A_61 = arith.constant 0 : index
      %get3A_62 = vector.load %arg16[%get3A_60, %get3A_61] : memref<64x128xf32, #tpu.memory_space<vmem>>, vector<64x128xf32>
      %dot_general3A = arith.constant dense<0.000000e+00> : vector<64x128xf32>
      %dot_general3A_63 = tpu.matmul %convert_element_type3A_59, %add3A_51, %dot_general3A {dimension_numbers = #tpu.dot_dimension_numbers<[1], [0], [0], [1], [0, 0, 1, 1], [], []>, transpose_lhs_hint = false} : vector<64x2000xf32>, vector<2000x128xf32>, vector<64x128xf32> -> vector<64x128xf32>
      %add3A_64 = arith.addf %get3A_62, %dot_general3A_63 : vector<64x128xf32>
      %swap3A = arith.constant 0 : index
      %swap3A_65 = arith.constant 0 : index
      %swap3A_66 = vector.load %arg16[%swap3A, %swap3A_65] : memref<64x128xf32, #tpu.memory_space<vmem>>, vector<64x128xf32>
      tpu.vector_store %arg16[%swap3A, %swap3A_65], %add3A_64 {strides = array<i32>} : memref<64x128xf32, #tpu.memory_space<vmem>>, vector<64x128xf32>,
      %get3A_67 = arith.constant 0 : index
      %get3A_68 = arith.constant 0 : index
      %get3A_69 = vector.load %arg17[%get3A_67, %get3A_68] : memref<64x1xf32, #tpu.memory_space<vmem>>, vector<64x1xf32>
      %broadcast_in_dim3A = arith.constant 1.000000e+00 : f32
      %broadcast_in_dim3A_70 = vector.broadcast %broadcast_in_dim3A : f32 to vector<2000x1xf32>
      %dot_general3A_71 = arith.constant dense<0.000000e+00> : vector<64x1xf32>
      %dot_general3A_72 = tpu.matmul %convert_element_type3A_59, %broadcast_in_dim3A_70, %dot_general3A_71 {dimension_numbers = #tpu.dot_dimension_numbers<[1], [0], [0], [1], [0, 0, 1, 1], [], []>, transpose_lhs_hint = false} : vector<64x2000xf32>, vector<2000x1xf32>, vector<64x1xf32> -> vector<64x1xf32>
      %add3A_73 = arith.addf %get3A_69, %dot_general3A_72 : vector<64x1xf32>
      %swap3A_74 = arith.constant 0 : index
      %swap3A_75 = arith.constant 0 : index
      %swap3A_76 = vector.load %arg17[%swap3A_74, %swap3A_75] : memref<64x1xf32, #tpu.memory_space<vmem>>, vector<64x1xf32>
      tpu.vector_store %arg17[%swap3A_74, %swap3A_75], %add3A_73 {strides = array<i32>} : memref<64x1xf32, #tpu.memory_space<vmem>>, vector<64x1xf32>,
    } else {
    }
    %eq3A_14 = arith.constant 1 : i32
    %eq3A_15 = arith.cmpi eq, %arg0, %eq3A_14 : i32
    %eq3A_16 = arith.constant 4 : i32
    %eq3A_17 = arith.cmpi eq, %arg1, %eq3A_16 : i32
    %and3A_18 = arith.andi %eq3A_15, %eq3A_17 : i1
    %convert_element_type3A_19 = arith.extui %and3A_18 : i1 to i32
    %cond3A_20 = arith.constant 0 : i32
    %cond3A_21 = arith.cmpi ne, %convert_element_type3A_19, %cond3A_20 : i32
    scf.if %cond3A_21 {
      %get3A = arith.constant 0 : index
      %get3A_22 = arith.constant 0 : index
      %get3A_23 = vector.load %arg17[%get3A, %get3A_22] : memref<64x1xf32, #tpu.memory_space<vmem>>, vector<64x1xf32>
      %max3A = arith.constant 1.000000e+00 : f32
      %max3A_24 = vector.broadcast %max3A : f32 to vector<64x1xf32>
      %max3A_25 = arith.maximumf %get3A_23, %max3A_24 : vector<64x1xf32>
      %get3A_26 = arith.constant 0 : index
      %get3A_27 = arith.constant 0 : index
      %get3A_28 = vector.load %arg16[%get3A_26, %get3A_27] : memref<64x128xf32, #tpu.memory_space<vmem>>, vector<64x128xf32>
      %div3A = vector.broadcast %max3A_25 : vector<64x1xf32> to vector<64x128xf32>
      %div3A_29 = arith.divf %get3A_28, %div3A : vector<64x128xf32>
      %get3A_30 = arith.constant 0 : index
      %get3A_31 = arith.constant 0 : index
      %get3A_32 = vector.load %arg9[%get3A_30, %get3A_31] : memref<128x128xf32, #tpu.memory_space<vmem>>, vector<128x128xf32>
      %dot_general3A = arith.constant dense<0.000000e+00> : vector<64x128xf32>
      %dot_general3A_33 = tpu.matmul %div3A_29, %get3A_32, %dot_general3A {dimension_numbers = #tpu.dot_dimension_numbers<[1], [0], [0], [1], [0, 0, 1, 1], [], []>, transpose_lhs_hint = false} : vector<64x128xf32>, vector<128x128xf32>, vector<64x128xf32> -> vector<64x128xf32>
      %get3A_34 = arith.constant 0 : index
      %get3A_35 = arith.constant 0 : index
      %get3A_36 = vector.load %arg10[%get3A_34, %get3A_35] : memref<1x128xf32, #tpu.memory_space<vmem>>, vector<1x128xf32>
      %add3A = vector.broadcast %get3A_36 : vector<1x128xf32> to vector<64x128xf32>
      %add3A_37 = arith.addf %dot_general3A_33, %add3A : vector<64x128xf32>
      %max3A_38 = arith.constant 0.000000e+00 : f32
      %max3A_39 = vector.broadcast %max3A_38 : f32 to vector<64x128xf32>
      %max3A_40 = arith.maximumf %add3A_37, %max3A_39 : vector<64x128xf32>
      %get3A_41 = arith.constant 0 : index
      %get3A_42 = arith.constant 0 : index
      %get3A_43 = vector.load %arg11[%get3A_41, %get3A_42] : memref<128x10xf32, #tpu.memory_space<vmem>>, vector<128x10xf32>
      %dot_general3A_44 = arith.constant dense<0.000000e+00> : vector<64x10xf32>
      %dot_general3A_45 = tpu.matmul %max3A_40, %get3A_43, %dot_general3A_44 {dimension_numbers = #tpu.dot_dimension_numbers<[1], [0], [0], [1], [0, 0, 1, 1], [], []>, transpose_lhs_hint = false} : vector<64x128xf32>, vector<128x10xf32>, vector<64x10xf32> -> vector<64x10xf32>
      %get3A_46 = arith.constant 0 : index
      %get3A_47 = arith.constant 0 : index
      %get3A_48 = vector.load %arg12[%get3A_46, %get3A_47] : memref<1x10xf32, #tpu.memory_space<vmem>>, vector<1x10xf32>
      %add3A_49 = vector.broadcast %get3A_48 : vector<1x10xf32> to vector<64x10xf32>
      %add3A_50 = arith.addf %dot_general3A_45, %add3A_49 : vector<64x10xf32>
      %reduce_max3A = arith.constant dense<0xFF800000> : vector<64xf32>
      %reduce_max3A_51 = vector.multi_reduction <maximumf>, %add3A_50, %reduce_max3A [1] : vector<64x10xf32> to vector<64xf32>
      %broadcast_in_dim3A = vector.shape_cast %reduce_max3A_51 : vector<64xf32> to vector<64x1xf32>
      %sub3A = vector.broadcast %broadcast_in_dim3A : vector<64x1xf32> to vector<64x10xf32>
      %sub3A_52 = arith.subf %add3A_50, %sub3A : vector<64x10xf32>
      %exp3A = math.exp %sub3A_52 : vector<64x10xf32>
      %reduce_sum3A = arith.constant dense<0.000000e+00> : vector<64xf32>
      %reduce_sum3A_53 = vector.multi_reduction <add>, %exp3A, %reduce_sum3A [1] : vector<64x10xf32> to vector<64xf32>
      %broadcast_in_dim3A_54 = vector.shape_cast %reduce_sum3A_53 : vector<64xf32> to vector<64x1xf32>
      %log3A = math.log %broadcast_in_dim3A_54 : vector<64x1xf32>
      %add3A_55 = arith.addf %log3A, %broadcast_in_dim3A : vector<64x1xf32>
      %sub3A_56 = vector.broadcast %add3A_55 : vector<64x1xf32> to vector<64x10xf32>
      %sub3A_57 = arith.subf %add3A_50, %sub3A_56 : vector<64x10xf32>
      %swap3A = arith.constant 0 : index
      %swap3A_58 = arith.constant 0 : index
      %swap3A_59 = vector.load %arg13[%swap3A, %swap3A_58] : memref<64x10xf32, #tpu.memory_space<vmem>>, vector<64x10xf32>
      tpu.vector_store %arg13[%swap3A, %swap3A_58], %sub3A_57 {strides = array<i32>} : memref<64x10xf32, #tpu.memory_space<vmem>>, vector<64x10xf32>,
    } else {
    }
    return
  }
  func.func @transform_0(%arg0: i32, %arg1: i32) -> (i32, i32, i32) {
    %sub3A = arith.constant 1 : i32
    %sub3A_0 = arith.subi %sub3A, %arg0 : i32
    %mul3A = arith.muli %arg1, %sub3A_0 : i32
    %c0_i32 = arith.constant 0 : i32
    %c0_i32_1 = arith.constant 0 : i32
    %c0_i32_2 = arith.constant 0 : i32
    return %c0_i32, %mul3A, %c0_i32_1 : i32, i32, i32
  }
  func.func @transform_1(%arg0: i32, %arg1: i32) -> (i32, i32) {
    %sub3A = arith.constant 1 : i32
    %sub3A_0 = arith.subi %sub3A, %arg0 : i32
    %mul3A = arith.muli %arg1, %sub3A_0 : i32
    %c0_i32 = arith.constant 0 : i32
    %c0_i32_1 = arith.constant 0 : i32
    return %mul3A, %c0_i32 : i32, i32
  }
  func.func @transform_2(%arg0: i32, %arg1: i32) -> (i32, i32) {
    %c0_i32 = arith.constant 0 : i32
    %c0_i32_0 = arith.constant 0 : i32
    return %arg1, %c0_i32 : i32, i32
  }
  func.func @transform_3(%arg0: i32, %arg1: i32) -> (i32, i32) {
    %c0_i32 = arith.constant 0 : i32
    %c0_i32_0 = arith.constant 0 : i32
    %c0_i32_1 = arith.constant 0 : i32
    return %c0_i32, %c0_i32_0 : i32, i32
  }
  func.func @transform_4(%arg0: i32, %arg1: i32) -> (i32, i32) {
    %c0_i32 = arith.constant 0 : i32
    %c0_i32_0 = arith.constant 0 : i32
    %c0_i32_1 = arith.constant 0 : i32
    return %c0_i32, %c0_i32_0 : i32, i32
  }
  func.func @transform_5(%arg0: i32, %arg1: i32) -> (i32, i32) {
    %c0_i32 = arith.constant 0 : i32
    %c0_i32_0 = arith.constant 0 : i32
    %c0_i32_1 = arith.constant 0 : i32
    return %c0_i32, %c0_i32_0 : i32, i32
  }
  func.func @transform_6(%arg0: i32, %arg1: i32) -> (i32, i32, i32) {
    %c0_i32 = arith.constant 0 : i32
    %c0_i32_0 = arith.constant 0 : i32
    %c0_i32_1 = arith.constant 0 : i32
    return %arg1, %c0_i32, %c0_i32_0 : i32, i32, i32
  }
  func.func @transform_7(%arg0: i32, %arg1: i32) -> (i32, i32) {
    %c0_i32 = arith.constant 0 : i32
    %c0_i32_0 = arith.constant 0 : i32
    %c0_i32_1 = arith.constant 0 : i32
    return %c0_i32, %c0_i32_0 : i32, i32
  }
  func.func @transform_8(%arg0: i32, %arg1: i32) -> (i32, i32) {
    %c0_i32 = arith.constant 0 : i32
    %c0_i32_0 = arith.constant 0 : i32
    %c0_i32_1 = arith.constant 0 : i32
    return %c0_i32, %c0_i32_0 : i32, i32
  }
  func.func @transform_9(%arg0: i32, %arg1: i32) -> (i32, i32) {
    %c0_i32 = arith.constant 0 : i32
    %c0_i32_0 = arith.constant 0 : i32
    %c0_i32_1 = arith.constant 0 : i32
    return %c0_i32, %c0_i32_0 : i32, i32
  }
  func.func @transform_10(%arg0: i32, %arg1: i32) -> (i32, i32) {
    %c0_i32 = arith.constant 0 : i32
    %c0_i32_0 = arith.constant 0 : i32
    %c0_i32_1 = arith.constant 0 : i32
    return %c0_i32, %c0_i32_0 : i32, i32
  }
  func.func @transform_11(%arg0: i32, %arg1: i32) -> (i32, i32) {
    %c0_i32 = arith.constant 0 : i32
    %c0_i32_0 = arith.constant 0 : i32
    %c0_i32_1 = arith.constant 0 : i32
    return %c0_i32, %c0_i32_0 : i32, i32
  }
}

</mosaic_0001>

<sc_bundles>
// kernel: kernel.10.cloned.1.call-start
scs
__scs_entry_jumppad:
0x0: {  	(pc) =	sbr.rel $0x88, $3  }
0x1: {  	(tag) =	ssettag $0x0;
	lr =	simm.s32 $0x1  }
0x2: {  	[smem:$0x3F8E] =	sst lr;
	_ =	strace $0xD0000000  }
0x3: {  	_ = 	snop  }
0x4: {  	_ = 	snop  }
0x5: {  	_ = 	snop  }
0x6: {  	_ = 	snop  }
0x7: {  	_ = 	snop  }
__scs_overlays_trampoline_lowered:
0x8: {  	[smem:$0x3F9D] =	sst s0  }
0x9: {  	[smem:$0x3F9E] =	sst s1  }
0xa: {  	[smem:$0x3F9F] =	sst s2  }
0xb: {  	[smem:$0x3FA0] =	sst s3  }
0xc: {  	[smem:$0x3FA1] =	sst s4  }
0xd: {  	[smem:$0x3FA2] =	sst s5  }
0xe: {  	[smem:$0x3FA3] =	sst s6  }
0xf: {  	[smem:$0x3FA4] =	sst s7  }
0x10: {  	[smem:$0x3FA5] =	sst s8  }
0x11: {  	[smem:$0x3FA6] =	sst s9;
	s0 =	simm.s32 @!p0 $0x0  }
0x12: {  	s1 =	sld [smem:$0x3F8C];
	s0 =	simm.s32 @p0 $0x1  }
0x13: {  	[smem:$0x3FA7] =	sst s0;
	s0 =	simm.s32 @!p1 $0x0  }
0x14: {  	s2 =	sld [smem:$0x3F8B];
	s0 =	simm.s32 @p1 $0x1  }
0x15: {  	[smem:$0x3FA8] =	sst s0;
	s0 =	simm.s32 @!p2 $0x0  }
0x16: {  	s3 =	sld [smem:$0x3FDB];
	s0 =	simm.s32 @p2 $0x1  }
0x17: {  	s4 =	simm.s32 $0x1BF5;
	[smem:$0x3FAA] =	sst s0  }
0x18: {  	s0 =	sld [smem:$0x3F8D];
	_ =	swait.ge [sflag:s4], $0x0  }
0x19: {  	s7 =	sld [smem:$0x3F8E]  }
0x1a: {  	s8 =	sadd.s32 $0xFFFFE003, lr  }
0x1b: {  	s9 =	sadd.s32 $0xFFFFFEF7, lr;
	s5 =	simm.s32 $0xFFFFFFFF;
	p2 =	slt.u32 s8, $0xFFFFF086  }
0x1c: {  	p1 =	slt.u32 s9, $0xF7A;
	s5 =	simm.s32 @!p2 $0x0  }
0x1d: {  	s5 =	simm.s32 @p1 $0x1;
	p0 =	seq.s32 s7, s2  }
0x1e: {  	s7 =	smul.u32 @!p0 $0xF7A, s2;
	p2 =	seq.s32 @!p0 s5, $0x0  }
0x1f: {  	s9 =	smul.u32 $0xF7A, s1;
	s8 =	simm.s32 @!p0 $0x1BF5;
	p2 =	por !p2, p0  }
0x20: {  	[sflag:s8] =	ssyncset.s32 @!p0 $0xFFFFF086;
	s6 =	sadd.s32 @!p0 s3, s7;
	s7 =	simm.s32 @!p0 $0x108  }
0x21: {  	s3 =	sadd.s32 s3, s9;
	s6 =	sadd.s32 @!p0 $0x88, s6;
	s7 =	simm.s32 @p2 $0x1082  }
0x22: {  	[simem:s7], [sflag:s8] =	dma.local @!p0 [hbm:s6], $0xF7A  }
0x23: {  	s9 =	sor.u32 $0xD0000000, s2;
	s6 =	simm.s32 $0x108;
	_ =	swait.ge @!p0 [sflag:s8], $0x0  }
0x24: {  	s3 =	sadd.s32 $0x88, s3;
	s6 =	simm.s32 @!p1 $0x1082;
	[sflag:s4] =	ssyncset.s32 $0xFFFFF086  }
0x25: {  	[simem:s6], [sflag:s4] =	dma.local [hbm:s3], $0xF7A  }
0x26: {  	[smem:$0x3F8E] =	sst s1;
	(tag) =	ssettag s2;
	_ =	strace s9  }
0x27: {  	s1 =	sld [smem:$0x3F9E]  }
0x28: {  	s2 =	sld [smem:$0x3F9F]  }
0x29: {  	s4 =	sld [smem:$0x3FA1]  }
0x2a: {  	p0 =	seq.s32 s5, $0x0;
	s5 =	sld [smem:$0x3FA2]  }
0x2b: {  	s6 =	sld [smem:$0x3FA3]  }
0x2c: {  	s7 =	sld [smem:$0x3FA4]  }
0x2d: {  	s3 =	simm.s32 $0x108;
	s8 =	sld [smem:$0x3FA5]  }
0x2e: {  	s3 =	simm.s32 @!p0 $0x1082;
	s9 =	sld [smem:$0x3FA6]  }
0x2f: {  	lr =	sadd.s32 s0, s3;
	s0 =	sld [smem:$0x3F9D]  }
0x30: {  	s3 =	sld [smem:$0x3FA0]  }
0x31: {  	[smem:$0x3FA9] =	sst s10  }
0x32: {  	s10 =	sld [smem:$0x3FA7];
	_ =	sdelay $0x3  }
0x33: {  	p0 =	seq.s32 s10, $0x1;
	s10 =	sld [smem:$0x3FA9];
	_ =	sdelay $0x3  }
0x34: {  	[smem:$0x3FA9] =	sst s10  }
0x35: {  	s10 =	sld [smem:$0x3FA8];
	_ =	sdelay $0x3  }
0x36: {  	p1 =	seq.s32 s10, $0x1;
	s10 =	sld [smem:$0x3FA9];
	_ =	sdelay $0x3  }
0x37: {  	[smem:$0x3FA9] =	sst s10  }
0x38: {  	s10 =	sld [smem:$0x3FAA]  }
0x39: {  	_ = 	snop;
	(pc) =	sbr.ind lr, $3  }
0x3a: {  	_ = 	snop  }
0x3b: {  	_ = 	snop  }
0x3c: {  	p2 =	seq.s32 s10, $0x1;
	s10 =	sld [smem:$0x3FA9]  }
0x3d: {  	_ =	shalt  }
0x3e: {  	_ =	shalt  }
0x3f: {  	_ =	shalt  }
0x40: {  	_ =	shalt  }
0x41: {  	_ =	shalt  }
0x42: {  	_ =	shalt  }
0x43: {  	_ =	shalt  }
0x44: {  	_ =	shalt  }
0x45: {  	_ =	shalt  }
0x46: {  	_ =	shalt  }
0x47: {  	_ =	shalt  }
0x48: {  	_ =	shalt  }
0x49: {  	_ =	shalt  }
0x4a: {  	_ =	shalt  }
0x4b: {  	_ =	shalt  }
0x4c: {  	_ =	shalt  }
0x4d: {  	_ =	shalt  }
0x4e: {  	_ =	shalt  }
0x4f: {  	_ =	shalt  }
0x50: {  	_ =	shalt  }
0x51: {  	_ =	shalt  }
0x52: {  	_ =	shalt  }
0x53: {  	_ =	shalt  }
0x54: {  	_ =	shalt  }
0x55: {  	_ =	shalt  }
0x56: {  	_ =	shalt  }
0x57: {  	_ =	shalt  }
0x58: {  	_ =	shalt  }
0x59: {  	_ =	shalt  }
0x5a: {  	_ =	shalt  }
0x5b: {  	_ =	shalt  }
0x5c: {  	_ =	shalt  }
0x5d: {  	_ =	shalt  }
0x5e: {  	_ =	shalt  }
0x5f: {  	_ =	shalt  }
0x60: {  	_ =	shalt  }
0x61: {  	_ =	shalt  }
0x62: {  	_ =	shalt  }
0x63: {  	_ =	shalt  }
0x64: {  	_ =	shalt  }
0x65: {  	_ =	shalt  }
0x66: {  	_ =	shalt  }
0x67: {  	_ =	shalt  }
0x68: {  	_ =	shalt  }
0x69: {  	_ =	shalt  }
0x6a: {  	_ =	shalt  }
0x6b: {  	_ =	shalt  }
0x6c: {  	_ =	shalt  }
0x6d: {  	_ =	shalt  }
0x6e: {  	_ =	shalt  }
0x6f: {  	_ =	shalt  }
0x70: {  	_ =	shalt  }
0x71: {  	_ =	shalt  }
0x72: {  	_ =	shalt  }
0x73: {  	_ =	shalt  }
0x74: {  	_ =	shalt  }
0x75: {  	_ =	shalt  }
0x76: {  	_ =	shalt  }
0x77: {  	_ =	shalt  }
0x78: {  	_ =	shalt  }
0x79: {  	_ =	shalt  }
0x7a: {  	_ =	shalt  }
0x7b: {  	_ =	shalt  }
0x7c: {  	_ =	shalt  }
0x7d: {  	_ =	shalt  }
0x7e: {  	_ =	shalt  }
0x7f: {  	_ =	shalt  }
0x80: {  	_ =	shalt  }
0x81: {  	_ =	shalt  }
0x82: {  	_ =	shalt  }
0x83: {  	_ =	shalt  }
0x84: {  	_ =	shalt  }
0x85: {  	_ =	shalt  }
0x86: {  	_ =	shalt  }
0x87: {  	_ =	shalt  }
.Lfunc_end0:
.L_simem_size_0:
called_computation_lowered:
.L_overlay_start_0:
0x88: {  	s2 =	sld [smem:$0x3FD9]  }
0x89: {  	s3 =	sld [smem:$0x3FFE];
	_ =	sdelay $0x1  }
0x8a: {  	s1 =	srdreg.scid  }
0x8b: {  	s0 =	sand.u32 $0x1, s1  }
0x8c: {  	s16 =	sshll.u32 s0, $0xA;
	s2 =	sadd.s32 s3, s2  }
0x8d: {  	s2 =	sadd.s32 s2, s16  }
0x8e: {  	[smem:$0x3FB5] =	sst s2  }
0x8f: {  	_ = 	snop  }
0x90: {  	(tm) =	ssettm $0x1  }
0x91: {  	s17 =	sld [smem:$0x3FFB];
	_ =	sdelay $0x3  }
0x92: {  	_ =	strace s17  }
0x93: {  	s2 =	sld [smem:$0x3FFC];
	_ =	sdelay $0x3  }
0x94: {  	_ =	strace s2  }
0x95: {  	s2 =	sld [smem:$0x3FFD];
	_ =	sdelay $0x3  }
0x96: {  	_ =	strace s2  }
0x97: {  	_ =	strace $0x8FFFFFFF  }
0x98: {  	s18 =	sld [smem:$0x3FDB];
	_ =	sdelay $0x1  }
0x99: {  	s19 =	simm.s32 $_scs_section_size  }
0x9a: {  	s4 =	simm.s32 $_size__tile_overlayer_lowered;
	s5 =	simm.s32 $_tile_overlayer_lowered  }
0x9b: {  	s22 =	simm.s32 $0x1BFF;
	s21 =	sshll.u32 s5, $0x1;
	s2 =	sadd.s32 s19, s18  }
0x9c: {  	s6 =	simm.s32 $0x0;
	s20 =	sshll.u32 s4, $0x1;
	s4 =	sadd.s32 s21, s2  }
0x9d: {  	[timem:s6], [sflag:s22] =	dma.local [hbm:s4], s20  }
0x9e: {  	_ =	swait.ge [sflag:s22], s20  }
0x9f: {  	s3 =	ssub.s32 $0x0, s20;
	[sflag:s22] =	ssyncset.done $0x0  }
0xa0: {  	[sflag:s22] =	ssyncadd.s32 s3;
	_ =	sdelay $0x1  }
0xa1: {  	s23 =	simm.s32 $0x1B8B  }
0xa2: {  	_ =	swait.ge [sflag:s23], $0x1  }
0xa3: {  	[sflag:s23] =	ssyncset.done $0x0  }
0xa4: {  	s25 =	simm.s32 $0x1B8E;
	s24 =	sld [smem:$0x3FFE];
	[sflag:s23] =	ssyncadd.s32 $0xFFFFFFFF  }
0xa5: {  	s26 =	simm.s32 $execute0_lowered;
	[smem:$0x3FD2] =	sst s25  }
0xa6: {  	s4 =	sshll.u32 s26, $0x1;
	_ =	strace $0x80000046;
	[dreg:$0x1] =	wrdreg $0xFFFFFFFF  }
0xa7: {  	s28 =	simm.s32 $_size_execute0_lowered;
	s2 =	sadd.s32 s2, s4;
	[dreg:$0x0] =	wrdreg $0x0  }
0xa8: {  	s4 =	sshll.u32 s28, $0x1;
	[dreg:$0x2] =	wrdreg s2  }
0xa9: {  	[dreg:$0x3] =	wrdreg s4  }
0xaa: {  	[dreg:$0x4] =	wrdreg $0xC0  }
0xab: {  	_ =	task [dreg:s6], $0x5FFFF  }
0xac: {  	[dreg:$0x1] =	wrdreg $0xFFFFFFFF  }
0xad: {  	[dreg:$0x0] =	wrdreg $0x60  }
0xae: {  	[dreg:$0x2] =	wrdreg s24  }
0xaf: {  	[dreg:$0x3] =	wrdreg $0x70000  }
0xb0: {  	[dreg:$0x4] =	wrdreg $0x9  }
0xb1: {  	_ =	task.clear_ibuf [dreg:s6], $0x5FFFF;
	_ =	strace $0x90000046  }
0xb2: {  	s29 =	simm.s32 $0x9;
	_ =	strace $0x80000048  }
0xb3: {  	_ =	swait.ge [sflag:s29], $0x1  }
0xb4: {  	[sflag:s29] =	ssyncadd.s32 $0xFFFFFFFF  }
0xb5: {  	_ =	strace $0x90000048  }
0xb6: {  	_ =	sfence  }
0xb7: {  	s30 =	sld [smem:$0x0];
	_ =	sdelay $0x2  }
0xb8: {  	s31 =	sshll.u32 s1, $0xD;
	s1 =	sshrl.u32 s1, $0x2  }
0xb9: {  	s3 =	sand.u32 $0x4000, s31;
	s1 =	sadd.s32 s1, s30  }
0xba: {  	s0 =	sor.u32 s3, s0;
	s1 =	sshll.u32 s1, $0x11  }
0xbb: {  	s0 =	sor.u32 s1, s0  }
0xbc: {  	s0 =	sadd.s32 $0x8F2B, s0  }
0xbd: {  	[sflag:s0] =	ssyncadd.remote.s32 $0x1  }
0xbe: {  	_ =	sfence.sel $0xFFFF  }
0xbf: {  	[dreg:$0x0] =	wrdreg $0xFFFFFFFF;
	(pc) =	sbr.abs _section_cstart, $3  }
0xc0: {  	[dreg:$0x1] =	wrdreg $0xFFFFFFFF  }
0xc1: {  	_ =	task.clear_ibuf [dreg:s6], $0x2FFFF;
	_ =	strace $0x9FFFFFFF  }
0xc2: {  	(tm) =	ssettm $0x7FFFFFFF  }
0xc3: {  	_ =	shalt  }
tec
execute0_lowered:
.L_overlay_start_1:
0x0: {  	(tag) =	ssettag $0x1  }
0x1: {  	s0 =	rddreg [dreg:$0x0]  }
0x2: {  	s1 =	rddreg [dreg:$0x1];
	s2 =	simm.s32 $0x0  }
0x3: {  	s3 =	srdreg.scid;
	s11 =	stileid.u32;
	s13 =	simm.s32 $0xC00  }
0x4: {  	s15 =	simm.s32 $0x1800;
	s17 =	simm.s32 $0x2400;
	s19 =	simm.s32 $0x3000  }
0x5: {  	s28 =	simm.s32 $0x3780;
	s29 =	simm.s32 $0x3800;
	s30 =	simm.s32 $0x3880  }
0x6: {  	s31 =	simm.s32 $0x3900;
	[smem:$0x7FF] =	sst s2;
	s7 =	smul.u32 $0x50000, s11  }
0x7: {  	s3 =	sand.u32 $0x1, s3;
	s25 =	sshll.u32 s11, $0x6;
	s20 =	smul.u32 $0x2800, s11  }
0x8: {  	s6 =	smul.u32 $0x28000, s3;
	s4 =	sshll.u32 s3, $0x4;
	_ =	strace $0x80000047  }
0x9: {  	s3 =	ssub.s32 $0x2, s3;
	s5 =	sor.u32 s11, s4;
	s4 =	sadd.s32 $0x22C00, s0  }
0xa: {  	s22 =	sshrl.u32 s3, $0x1;
	s23 =	sshrl.u32 s7, $0x2;
	s11 =	simm.s32 $0x3C00  }
0xb: {  	s8 =	smul.u32 $0x3C00, s5;
	s5 =	sadd.s32 $0x23400, s0;
	s9 =	sadd.s32 s6, s0  }
0xc: {  	s3 =	ssub.s32 s3, s22;
	s10 =	sadd.s32 s23, s1;
	s6 =	sor.u32 $0x1C02, s25  }
0xd: {  	s23 =	simm.s32 $0x3600;
	s25 =	simm.s32 $0x3680;
	s26 =	sadd.s32 $0x25C00, s9  }
0xe: {  	s9 =	sshrl.u32 s10, $0x3;
	s10 =	simm.s32 $0x2;
	s24 =	sshrl.u32 s8, $0x3  }
0xf: {  	s8 =	smax.u32 s3, $0x1;
	s3 =	simm.s32 $0x1;
	s0 =	sadd.s32 s0, s24  }
0x10: {  	s24 =	sadd.s32 s20, s26;
	s26 =	simm.s32 $0x3700;
	s7 =	sadd.s32 $0x13C00, s0  }
0x11: {  	s20 =	simm.s32 $0x0;
	s0 =	simm.s32 $0x3980;
	s12 =	sadd.s32 $0x180, s7  }
0x12: {  	s14 =	sadd.s32 $0x300, s7;
	s16 =	sadd.s32 $0x480, s7;
	s18 =	sadd.s32 $0x600, s7  }
.LBB2_1:
0x13: {  	[spmem:s9], [sflag:s6] =	dma.local [hbm:s5], $0x2800  }
0x14: {  	_ =	swait.ge [sflag:s10], $0x2800  }
0x15: {  	[sflag:s10] =	ssyncset.done $0x0  }
0x16: {  	[sflag:s10] =	ssyncadd.s32 $0xFFFFD800  }
0x17: {  	[tilespmem:s11], [sflag:$0x2] =	stream.linear.gather [hbm4b:s4+s2], $0x3200, $0x38;
	[tilespmem:$0x8400] =	vst v63  }
0x18: {  	_ =	swait.ge [sflag:s10], $0x3200  }
0x19: {  	[sflag:s10] =	ssyncset.done $0x0  }
0x1a: {  	[sflag:s10] =	ssyncadd.s32 $0xFFFFCE00  }
0x1b: {  	[tilespmem:s2], [sflag:$0x2] =	stream.linear.gather [hbm4b:s7+s2], $0xA00, $0x38;
	[tilespmem:$0x8400] =	vst v63  }
0x1c: {  	_ = 	snop  }
0x1d: {  	[tilespmem:s13], [sflag:$0x2] =	stream.linear.gather [hbm4b:s12+s2], $0xA00, $0x38;
	[tilespmem:$0x8400] =	vst v63  }
0x1e: {  	_ = 	snop  }
0x1f: {  	[tilespmem:s15], [sflag:$0x2] =	stream.linear.gather [hbm4b:s14+s2], $0xA00, $0x38;
	[tilespmem:$0x8400] =	vst v63  }
0x20: {  	_ = 	snop  }
0x21: {  	[tilespmem:s17], [sflag:$0x2] =	stream.linear.gather [hbm4b:s16+s2], $0xA00, $0x38;
	[tilespmem:$0x8400] =	vst v63  }
0x22: {  	_ = 	snop  }
0x23: {  	[tilespmem:s19], [sflag:$0x2] =	stream.linear.gather [hbm4b:s18+s2], $0xA00, $0x38;
	[tilespmem:$0x8400] =	vst v63  }
0x24: {  	_ =	swait.ge [sflag:s10], $0x3200  }
0x25: {  	[sflag:s10] =	ssyncset.done $0x0  }
0x26: {  	[sflag:s10] =	ssyncadd.s32 $0xFFFFCE00  }
0x27: {  	s21 =	simm.s32 $0x64;
	[bflag:$0x0] =	sbarrier.arrive $0xFFFF  }
0x28: {  	[spmem:s1] =	stream.indirect.scatter.add.f32 [tilespmem:s11], [sflag:$0x1], $0x8, s2, s21, $0xb8;
	[tilespmem:$0x8400] =	vst v63  }
0x29: {  	s22 =	simm.s32 $0x80  }
0x2a: {  	[spmem:s1] =	stream.indirect.scatter.add.f32 [tilespmem:s11], [sflag:$0x1], $0x8, s22, s21, $0xb8;
	[tilespmem:$0x8400] =	vst v63  }
0x2b: {  	s22 =	simm.s32 $0x100  }
0x2c: {  	[spmem:s1] =	stream.indirect.scatter.add.f32 [tilespmem:s11], [sflag:$0x1], $0x8, s22, s21, $0xb8;
	[tilespmem:$0x8400] =	vst v63  }
0x2d: {  	s22 =	simm.s32 $0x180  }
0x2e: {  	[spmem:s1] =	stream.indirect.scatter.add.f32 [tilespmem:s11], [sflag:$0x1], $0x8, s22, s21, $0xb8;
	[tilespmem:$0x8400] =	vst v63  }
0x2f: {  	s22 =	simm.s32 $0x200  }
0x30: {  	[spmem:s1] =	stream.indirect.scatter.add.f32 [tilespmem:s11], [sflag:$0x1], $0x8, s22, s21, $0xb8;
	[tilespmem:$0x8400] =	vst v63  }
0x31: {  	s22 =	simm.s32 $0x280  }
0x32: {  	[spmem:s1] =	stream.indirect.scatter.add.f32 [tilespmem:s11], [sflag:$0x1], $0x8, s22, s21, $0xb8;
	[tilespmem:$0x8400] =	vst v63  }
0x33: {  	s22 =	simm.s32 $0x300  }
0x34: {  	[spmem:s1] =	stream.indirect.scatter.add.f32 [tilespmem:s11], [sflag:$0x1], $0x8, s22, s21, $0xb8;
	[tilespmem:$0x8400] =	vst v63  }
0x35: {  	s22 =	simm.s32 $0x380  }
0x36: {  	[spmem:s1] =	stream.indirect.scatter.add.f32 [tilespmem:s11], [sflag:$0x1], $0x8, s22, s21, $0xb8;
	[tilespmem:$0x8400] =	vst v63  }
0x37: {  	s22 =	simm.s32 $0x400  }
0x38: {  	[spmem:s1] =	stream.indirect.scatter.add.f32 [tilespmem:s11], [sflag:$0x1], $0x8, s22, s21, $0xb8;
	[tilespmem:$0x8400] =	vst v63  }
0x39: {  	s22 =	simm.s32 $0x480  }
0x3a: {  	[spmem:s1] =	stream.indirect.scatter.add.f32 [tilespmem:s11], [sflag:$0x1], $0x8, s22, s21, $0xb8;
	[tilespmem:$0x8400] =	vst v63  }
0x3b: {  	s22 =	simm.s32 $0x500  }
0x3c: {  	[spmem:s1] =	stream.indirect.scatter.add.f32 [tilespmem:s11], [sflag:$0x1], $0x8, s22, s21, $0xb8;
	[tilespmem:$0x8400] =	vst v63  }
0x3d: {  	s22 =	simm.s32 $0x580  }
0x3e: {  	[spmem:s1] =	stream.indirect.scatter.add.f32 [tilespmem:s11], [sflag:$0x1], $0x8, s22, s21, $0xb8;
	[tilespmem:$0x8400] =	vst v63  }
0x3f: {  	s22 =	simm.s32 $0x600  }
0x40: {  	[spmem:s1] =	stream.indirect.scatter.add.f32 [tilespmem:s11], [sflag:$0x1], $0x8, s22, s21, $0xb8;
	[tilespmem:$0x8400] =	vst v63  }
0x41: {  	s22 =	simm.s32 $0x680  }
0x42: {  	[spmem:s1] =	stream.indirect.scatter.add.f32 [tilespmem:s11], [sflag:$0x1], $0x8, s22, s21, $0xb8;
	[tilespmem:$0x8400] =	vst v63  }
0x43: {  	s22 =	simm.s32 $0x700  }
0x44: {  	[spmem:s1] =	stream.indirect.scatter.add.f32 [tilespmem:s11], [sflag:$0x1], $0x8, s22, s21, $0xb8;
	[tilespmem:$0x8400] =	vst v63  }
0x45: {  	s22 =	simm.s32 $0x780  }
0x46: {  	[spmem:s1] =	stream.indirect.scatter.add.f32 [tilespmem:s11], [sflag:$0x1], $0x8, s22, s21, $0xb8;
	[tilespmem:$0x8400] =	vst v63  }
0x47: {  	s22 =	simm.s32 $0x800  }
0x48: {  	[spmem:s1] =	stream.indirect.scatter.add.f32 [tilespmem:s11], [sflag:$0x1], $0x8, s22, s21, $0xb8;
	[tilespmem:$0x8400] =	vst v63  }
0x49: {  	s22 =	simm.s32 $0x880  }
0x4a: {  	[spmem:s1] =	stream.indirect.scatter.add.f32 [tilespmem:s11], [sflag:$0x1], $0x8, s22, s21, $0xb8;
	[tilespmem:$0x8400] =	vst v63  }
0x4b: {  	s22 =	simm.s32 $0x900  }
0x4c: {  	[spmem:s1] =	stream.indirect.scatter.add.f32 [tilespmem:s11], [sflag:$0x1], $0x8, s22, s21, $0xb8;
	[tilespmem:$0x8400] =	vst v63  }
0x4d: {  	s22 =	simm.s32 $0x980  }
0x4e: {  	[spmem:s1] =	stream.indirect.scatter.add.f32 [tilespmem:s11], [sflag:$0x1], $0x8, s22, s21, $0xb8;
	[tilespmem:$0x8400] =	vst v63  }
0x4f: {  	_ = 	snop  }
0x50: {  	[spmem:s1] =	stream.indirect.scatter.add.f32 [tilespmem:s11], [sflag:$0x1], $0x8, s13, s21, $0xb8;
	[tilespmem:$0x8400] =	vst v63  }
0x51: {  	s22 =	simm.s32 $0xC80  }
0x52: {  	[spmem:s1] =	stream.indirect.scatter.add.f32 [tilespmem:s11], [sflag:$0x1], $0x8, s22, s21, $0xb8;
	[tilespmem:$0x8400] =	vst v63  }
0x53: {  	s22 =	simm.s32 $0xD00  }
0x54: {  	[spmem:s1] =	stream.indirect.scatter.add.f32 [tilespmem:s11], [sflag:$0x1], $0x8, s22, s21, $0xb8;
	[tilespmem:$0x8400] =	vst v63  }
0x55: {  	s22 =	simm.s32 $0xD80  }
0x56: {  	[spmem:s1] =	stream.indirect.scatter.add.f32 [tilespmem:s11], [sflag:$0x1], $0x8, s22, s21, $0xb8;
	[tilespmem:$0x8400] =	vst v63  }
0x57: {  	s22 =	simm.s32 $0xE00  }
0x58: {  	[spmem:s1] =	stream.indirect.scatter.add.f32 [tilespmem:s11], [sflag:$0x1], $0x8, s22, s21, $0xb8;
	[tilespmem:$0x8400] =	vst v63  }
0x59: {  	s22 =	simm.s32 $0xE80  }
0x5a: {  	[spmem:s1] =	stream.indirect.scatter.add.f32 [tilespmem:s11], [sflag:$0x1], $0x8, s22, s21, $0xb8;
	[tilespmem:$0x8400] =	vst v63  }
0x5b: {  	s22 =	simm.s32 $0xF00  }
0x5c: {  	[spmem:s1] =	stream.indirect.scatter.add.f32 [tilespmem:s11], [sflag:$0x1], $0x8, s22, s21, $0xb8;
	[tilespmem:$0x8400] =	vst v63  }
0x5d: {  	s22 =	simm.s32 $0xF80  }
0x5e: {  	[spmem:s1] =	stream.indirect.scatter.add.f32 [tilespmem:s11], [sflag:$0x1], $0x8, s22, s21, $0xb8;
	[tilespmem:$0x8400] =	vst v63  }
0x5f: {  	s22 =	simm.s32 $0x1000  }
0x60: {  	[spmem:s1] =	stream.indirect.scatter.add.f32 [tilespmem:s11], [sflag:$0x1], $0x8, s22, s21, $0xb8;
	[tilespmem:$0x8400] =	vst v63  }
0x61: {  	s22 =	simm.s32 $0x1080  }
0x62: {  	[spmem:s1] =	stream.indirect.scatter.add.f32 [tilespmem:s11], [sflag:$0x1], $0x8, s22, s21, $0xb8;
	[tilespmem:$0x8400] =	vst v63  }
0x63: {  	s22 =	simm.s32 $0x1100  }
0x64: {  	[spmem:s1] =	stream.indirect.scatter.add.f32 [tilespmem:s11], [sflag:$0x1], $0x8, s22, s21, $0xb8;
	[tilespmem:$0x8400] =	vst v63  }
0x65: {  	s22 =	simm.s32 $0x1180  }
0x66: {  	[spmem:s1] =	stream.indirect.scatter.add.f32 [tilespmem:s11], [sflag:$0x1], $0x8, s22, s21, $0xb8;
	[tilespmem:$0x8400] =	vst v63  }
0x67: {  	s22 =	simm.s32 $0x1200  }
0x68: {  	[spmem:s1] =	stream.indirect.scatter.add.f32 [tilespmem:s11], [sflag:$0x1], $0x8, s22, s21, $0xb8;
	[tilespmem:$0x8400] =	vst v63  }
0x69: {  	s22 =	simm.s32 $0x1280  }
0x6a: {  	[spmem:s1] =	stream.indirect.scatter.add.f32 [tilespmem:s11], [sflag:$0x1], $0x8, s22, s21, $0xb8;
	[tilespmem:$0x8400] =	vst v63  }
0x6b: {  	s22 =	simm.s32 $0x1300  }
0x6c: {  	[spmem:s1] =	stream.indirect.scatter.add.f32 [tilespmem:s11], [sflag:$0x1], $0x8, s22, s21, $0xb8;
	[tilespmem:$0x8400] =	vst v63  }
0x6d: {  	s22 =	simm.s32 $0x1380  }
0x6e: {  	[spmem:s1] =	stream.indirect.scatter.add.f32 [tilespmem:s11], [sflag:$0x1], $0x8, s22, s21, $0xb8;
	[tilespmem:$0x8400] =	vst v63  }
0x6f: {  	s22 =	simm.s32 $0x1400  }
0x70: {  	[spmem:s1] =	stream.indirect.scatter.add.f32 [tilespmem:s11], [sflag:$0x1], $0x8, s22, s21, $0xb8;
	[tilespmem:$0x8400] =	vst v63  }
0x71: {  	s22 =	simm.s32 $0x1480  }
0x72: {  	[spmem:s1] =	stream.indirect.scatter.add.f32 [tilespmem:s11], [sflag:$0x1], $0x8, s22, s21, $0xb8;
	[tilespmem:$0x8400] =	vst v63  }
0x73: {  	s22 =	simm.s32 $0x1500  }
0x74: {  	[spmem:s1] =	stream.indirect.scatter.add.f32 [tilespmem:s11], [sflag:$0x1], $0x8, s22, s21, $0xb8;
	[tilespmem:$0x8400] =	vst v63  }
0x75: {  	s22 =	simm.s32 $0x1580  }
0x76: {  	[spmem:s1] =	stream.indirect.scatter.add.f32 [tilespmem:s11], [sflag:$0x1], $0x8, s22, s21, $0xb8;
	[tilespmem:$0x8400] =	vst v63  }
0x77: {  	_ = 	snop  }
0x78: {  	[spmem:s1] =	stream.indirect.scatter.add.f32 [tilespmem:s11], [sflag:$0x1], $0x8, s15, s21, $0xb8;
	[tilespmem:$0x8400] =	vst v63  }
0x79: {  	s22 =	simm.s32 $0x1880  }
0x7a: {  	[spmem:s1] =	stream.indirect.scatter.add.f32 [tilespmem:s11], [sflag:$0x1], $0x8, s22, s21, $0xb8;
	[tilespmem:$0x8400] =	vst v63  }
0x7b: {  	s22 =	simm.s32 $0x1900  }
0x7c: {  	[spmem:s1] =	stream.indirect.scatter.add.f32 [tilespmem:s11], [sflag:$0x1], $0x8, s22, s21, $0xb8;
	[tilespmem:$0x8400] =	vst v63  }
0x7d: {  	s22 =	simm.s32 $0x1980  }
0x7e: {  	[spmem:s1] =	stream.indirect.scatter.add.f32 [tilespmem:s11], [sflag:$0x1], $0x8, s22, s21, $0xb8;
	[tilespmem:$0x8400] =	vst v63  }
0x7f: {  	s22 =	simm.s32 $0x1A00  }
0x80: {  	[spmem:s1] =	stream.indirect.scatter.add.f32 [tilespmem:s11], [sflag:$0x1], $0x8, s22, s21, $0xb8;
	[tilespmem:$0x8400] =	vst v63  }
0x81: {  	s22 =	simm.s32 $0x1A80  }
0x82: {  	[spmem:s1] =	stream.indirect.scatter.add.f32 [tilespmem:s11], [sflag:$0x1], $0x8, s22, s21, $0xb8;
	[tilespmem:$0x8400] =	vst v63  }
0x83: {  	s22 =	simm.s32 $0x1B00  }
0x84: {  	[spmem:s1] =	stream.indirect.scatter.add.f32 [tilespmem:s11], [sflag:$0x1], $0x8, s22, s21, $0xb8;
	[tilespmem:$0x8400] =	vst v63  }
0x85: {  	s22 =	simm.s32 $0x1B80  }
0x86: {  	[spmem:s1] =	stream.indirect.scatter.add.f32 [tilespmem:s11], [sflag:$0x1], $0x8, s22, s21, $0xb8;
	[tilespmem:$0x8400] =	vst v63  }
0x87: {  	s22 =	simm.s32 $0x1C00  }
0x88: {  	[spmem:s1] =	stream.indirect.scatter.add.f32 [tilespmem:s11], [sflag:$0x1], $0x8, s22, s21, $0xb8;
	[tilespmem:$0x8400] =	vst v63  }
0x89: {  	s22 =	simm.s32 $0x1C80  }
0x8a: {  	[spmem:s1] =	stream.indirect.scatter.add.f32 [tilespmem:s11], [sflag:$0x1], $0x8, s22, s21, $0xb8;
	[tilespmem:$0x8400] =	vst v63  }
0x8b: {  	s22 =	simm.s32 $0x1D00  }
0x8c: {  	[spmem:s1] =	stream.indirect.scatter.add.f32 [tilespmem:s11], [sflag:$0x1], $0x8, s22, s21, $0xb8;
	[tilespmem:$0x8400] =	vst v63  }
0x8d: {  	s22 =	simm.s32 $0x1D80  }
0x8e: {  	[spmem:s1] =	stream.indirect.scatter.add.f32 [tilespmem:s11], [sflag:$0x1], $0x8, s22, s21, $0xb8;
	[tilespmem:$0x8400] =	vst v63  }
0x8f: {  	s22 =	simm.s32 $0x1E00  }
0x90: {  	[spmem:s1] =	stream.indirect.scatter.add.f32 [tilespmem:s11], [sflag:$0x1], $0x8, s22, s21, $0xb8;
	[tilespmem:$0x8400] =	vst v63  }
0x91: {  	s22 =	simm.s32 $0x1E80  }
0x92: {  	[spmem:s1] =	stream.indirect.scatter.add.f32 [tilespmem:s11], [sflag:$0x1], $0x8, s22, s21, $0xb8;
	[tilespmem:$0x8400] =	vst v63  }
0x93: {  	s22 =	simm.s32 $0x1F00  }
0x94: {  	[spmem:s1] =	stream.indirect.scatter.add.f32 [tilespmem:s11], [sflag:$0x1], $0x8, s22, s21, $0xb8;
	[tilespmem:$0x8400] =	vst v63  }
0x95: {  	s22 =	simm.s32 $0x1F80  }
0x96: {  	[spmem:s1] =	stream.indirect.scatter.add.f32 [tilespmem:s11], [sflag:$0x1], $0x8, s22, s21, $0xb8;
	[tilespmem:$0x8400] =	vst v63  }
0x97: {  	s22 =	simm.s32 $0x2000  }
0x98: {  	[spmem:s1] =	stream.indirect.scatter.add.f32 [tilespmem:s11], [sflag:$0x1], $0x8, s22, s21, $0xb8;
	[tilespmem:$0x8400] =	vst v63  }
0x99: {  	s22 =	simm.s32 $0x2080  }
0x9a: {  	[spmem:s1] =	stream.indirect.scatter.add.f32 [tilespmem:s11], [sflag:$0x1], $0x8, s22, s21, $0xb8;
	[tilespmem:$0x8400] =	vst v63  }
0x9b: {  	s22 =	simm.s32 $0x2100  }
0x9c: {  	[spmem:s1] =	stream.indirect.scatter.add.f32 [tilespmem:s11], [sflag:$0x1], $0x8, s22, s21, $0xb8;
	[tilespmem:$0x8400] =	vst v63  }
0x9d: {  	s22 =	simm.s32 $0x2180  }
0x9e: {  	[spmem:s1] =	stream.indirect.scatter.add.f32 [tilespmem:s11], [sflag:$0x1], $0x8, s22, s21, $0xb8;
	[tilespmem:$0x8400] =	vst v63  }
0x9f: {  	_ = 	snop  }
0xa0: {  	[spmem:s1] =	stream.indirect.scatter.add.f32 [tilespmem:s11], [sflag:$0x1], $0x8, s17, s21, $0xb8;
	[tilespmem:$0x8400] =	vst v63  }
0xa1: {  	s22 =	simm.s32 $0x2480  }
0xa2: {  	[spmem:s1] =	stream.indirect.scatter.add.f32 [tilespmem:s11], [sflag:$0x1], $0x8, s22, s21, $0xb8;
	[tilespmem:$0x8400] =	vst v63  }
0xa3: {  	s22 =	simm.s32 $0x2500  }
0xa4: {  	[spmem:s1] =	stream.indirect.scatter.add.f32 [tilespmem:s11], [sflag:$0x1], $0x8, s22, s21, $0xb8;
	[tilespmem:$0x8400] =	vst v63  }
0xa5: {  	s22 =	simm.s32 $0x2580  }
0xa6: {  	[spmem:s1] =	stream.indirect.scatter.add.f32 [tilespmem:s11], [sflag:$0x1], $0x8, s22, s21, $0xb8;
	[tilespmem:$0x8400] =	vst v63  }
0xa7: {  	s22 =	simm.s32 $0x2600  }
0xa8: {  	[spmem:s1] =	stream.indirect.scatter.add.f32 [tilespmem:s11], [sflag:$0x1], $0x8, s22, s21, $0xb8;
	[tilespmem:$0x8400] =	vst v63  }
0xa9: {  	s22 =	simm.s32 $0x2680  }
0xaa: {  	[spmem:s1] =	stream.indirect.scatter.add.f32 [tilespmem:s11], [sflag:$0x1], $0x8, s22, s21, $0xb8;
	[tilespmem:$0x8400] =	vst v63  }
0xab: {  	s22 =	simm.s32 $0x2700  }
0xac: {  	[spmem:s1] =	stream.indirect.scatter.add.f32 [tilespmem:s11], [sflag:$0x1], $0x8, s22, s21, $0xb8;
	[tilespmem:$0x8400] =	vst v63  }
0xad: {  	s22 =	simm.s32 $0x2780  }
0xae: {  	[spmem:s1] =	stream.indirect.scatter.add.f32 [tilespmem:s11], [sflag:$0x1], $0x8, s22, s21, $0xb8;
	[tilespmem:$0x8400] =	vst v63  }
0xaf: {  	s22 =	simm.s32 $0x2800  }
0xb0: {  	[spmem:s1] =	stream.indirect.scatter.add.f32 [tilespmem:s11], [sflag:$0x1], $0x8, s22, s21, $0xb8;
	[tilespmem:$0x8400] =	vst v63  }
0xb1: {  	s22 =	simm.s32 $0x2880  }
0xb2: {  	[spmem:s1] =	stream.indirect.scatter.add.f32 [tilespmem:s11], [sflag:$0x1], $0x8, s22, s21, $0xb8;
	[tilespmem:$0x8400] =	vst v63  }
0xb3: {  	s22 =	simm.s32 $0x2900  }
0xb4: {  	[spmem:s1] =	stream.indirect.scatter.add.f32 [tilespmem:s11], [sflag:$0x1], $0x8, s22, s21, $0xb8;
	[tilespmem:$0x8400] =	vst v63  }
0xb5: {  	s22 =	simm.s32 $0x2980  }
0xb6: {  	[spmem:s1] =	stream.indirect.scatter.add.f32 [tilespmem:s11], [sflag:$0x1], $0x8, s22, s21, $0xb8;
	[tilespmem:$0x8400] =	vst v63  }
0xb7: {  	s22 =	simm.s32 $0x2A00  }
0xb8: {  	[spmem:s1] =	stream.indirect.scatter.add.f32 [tilespmem:s11], [sflag:$0x1], $0x8, s22, s21, $0xb8;
	[tilespmem:$0x8400] =	vst v63  }
0xb9: {  	s22 =	simm.s32 $0x2A80  }
0xba: {  	[spmem:s1] =	stream.indirect.scatter.add.f32 [tilespmem:s11], [sflag:$0x1], $0x8, s22, s21, $0xb8;
	[tilespmem:$0x8400] =	vst v63  }
0xbb: {  	s22 =	simm.s32 $0x2B00  }
0xbc: {  	[spmem:s1] =	stream.indirect.scatter.add.f32 [tilespmem:s11], [sflag:$0x1], $0x8, s22, s21, $0xb8;
	[tilespmem:$0x8400] =	vst v63  }
0xbd: {  	s22 =	simm.s32 $0x2B80  }
0xbe: {  	[spmem:s1] =	stream.indirect.scatter.add.f32 [tilespmem:s11], [sflag:$0x1], $0x8, s22, s21, $0xb8;
	[tilespmem:$0x8400] =	vst v63  }
0xbf: {  	s22 =	simm.s32 $0x2C00  }
0xc0: {  	[spmem:s1] =	stream.indirect.scatter.add.f32 [tilespmem:s11], [sflag:$0x1], $0x8, s22, s21, $0xb8;
	[tilespmem:$0x8400] =	vst v63  }
0xc1: {  	s22 =	simm.s32 $0x2C80  }
0xc2: {  	[spmem:s1] =	stream.indirect.scatter.add.f32 [tilespmem:s11], [sflag:$0x1], $0x8, s22, s21, $0xb8;
	[tilespmem:$0x8400] =	vst v63  }
0xc3: {  	s22 =	simm.s32 $0x2D00  }
0xc4: {  	[spmem:s1] =	stream.indirect.scatter.add.f32 [tilespmem:s11], [sflag:$0x1], $0x8, s22, s21, $0xb8;
	[tilespmem:$0x8400] =	vst v63  }
0xc5: {  	s22 =	simm.s32 $0x2D80  }
0xc6: {  	[spmem:s1] =	stream.indirect.scatter.add.f32 [tilespmem:s11], [sflag:$0x1], $0x8, s22, s21, $0xb8;
	[tilespmem:$0x8400] =	vst v63  }
0xc7: {  	_ = 	snop  }
0xc8: {  	[spmem:s1] =	stream.indirect.scatter.add.f32 [tilespmem:s11], [sflag:$0x1], $0x8, s19, s21, $0xb8;
	[tilespmem:$0x8400] =	vst v63  }
0xc9: {  	s22 =	simm.s32 $0x3080  }
0xca: {  	[spmem:s1] =	stream.indirect.scatter.add.f32 [tilespmem:s11], [sflag:$0x1], $0x8, s22, s21, $0xb8;
	[tilespmem:$0x8400] =	vst v63  }
0xcb: {  	s22 =	simm.s32 $0x3100  }
0xcc: {  	[spmem:s1] =	stream.indirect.scatter.add.f32 [tilespmem:s11], [sflag:$0x1], $0x8, s22, s21, $0xb8;
	[tilespmem:$0x8400] =	vst v63  }
0xcd: {  	s22 =	simm.s32 $0x3180  }
0xce: {  	[spmem:s1] =	stream.indirect.scatter.add.f32 [tilespmem:s11], [sflag:$0x1], $0x8, s22, s21, $0xb8;
	[tilespmem:$0x8400] =	vst v63  }
0xcf: {  	s22 =	simm.s32 $0x3200  }
0xd0: {  	[spmem:s1] =	stream.indirect.scatter.add.f32 [tilespmem:s11], [sflag:$0x1], $0x8, s22, s21, $0xb8;
	[tilespmem:$0x8400] =	vst v63  }
0xd1: {  	s22 =	simm.s32 $0x3280  }
0xd2: {  	[spmem:s1] =	stream.indirect.scatter.add.f32 [tilespmem:s11], [sflag:$0x1], $0x8, s22, s21, $0xb8;
	[tilespmem:$0x8400] =	vst v63  }
0xd3: {  	s22 =	simm.s32 $0x3300  }
0xd4: {  	[spmem:s1] =	stream.indirect.scatter.add.f32 [tilespmem:s11], [sflag:$0x1], $0x8, s22, s21, $0xb8;
	[tilespmem:$0x8400] =	vst v63  }
0xd5: {  	s22 =	simm.s32 $0x3380  }
0xd6: {  	[spmem:s1] =	stream.indirect.scatter.add.f32 [tilespmem:s11], [sflag:$0x1], $0x8, s22, s21, $0xb8;
	[tilespmem:$0x8400] =	vst v63  }
0xd7: {  	s22 =	simm.s32 $0x3400  }
0xd8: {  	[spmem:s1] =	stream.indirect.scatter.add.f32 [tilespmem:s11], [sflag:$0x1], $0x8, s22, s21, $0xb8;
	[tilespmem:$0x8400] =	vst v63  }
0xd9: {  	s22 =	simm.s32 $0x3480  }
0xda: {  	[spmem:s1] =	stream.indirect.scatter.add.f32 [tilespmem:s11], [sflag:$0x1], $0x8, s22, s21, $0xb8;
	[tilespmem:$0x8400] =	vst v63  }
0xdb: {  	s22 =	simm.s32 $0x3500  }
0xdc: {  	[spmem:s1] =	stream.indirect.scatter.add.f32 [tilespmem:s11], [sflag:$0x1], $0x8, s22, s21, $0xb8;
	[tilespmem:$0x8400] =	vst v63  }
0xdd: {  	s22 =	simm.s32 $0x3580  }
0xde: {  	[spmem:s1] =	stream.indirect.scatter.add.f32 [tilespmem:s11], [sflag:$0x1], $0x8, s22, s21, $0xb8;
	[tilespmem:$0x8400] =	vst v63  }
0xdf: {  	_ = 	snop  }
0xe0: {  	[spmem:s1] =	stream.indirect.scatter.add.f32 [tilespmem:s11], [sflag:$0x1], $0x8, s23, s21, $0xb8;
	[tilespmem:$0x8400] =	vst v63  }
0xe1: {  	_ = 	snop  }
0xe2: {  	[spmem:s1] =	stream.indirect.scatter.add.f32 [tilespmem:s11], [sflag:$0x1], $0x8, s25, s21, $0xb8;
	[tilespmem:$0x8400] =	vst v63  }
0xe3: {  	_ = 	snop  }
0xe4: {  	[spmem:s1] =	stream.indirect.scatter.add.f32 [tilespmem:s11], [sflag:$0x1], $0x8, s26, s21, $0xb8;
	[tilespmem:$0x8400] =	vst v63  }
0xe5: {  	_ = 	snop  }
0xe6: {  	[spmem:s1] =	stream.indirect.scatter.add.f32 [tilespmem:s11], [sflag:$0x1], $0x8, s28, s21, $0xb8;
	[tilespmem:$0x8400] =	vst v63  }
0xe7: {  	_ = 	snop  }
0xe8: {  	[spmem:s1] =	stream.indirect.scatter.add.f32 [tilespmem:s11], [sflag:$0x1], $0x8, s29, s21, $0xb8;
	[tilespmem:$0x8400] =	vst v63  }
0xe9: {  	_ = 	snop  }
0xea: {  	[spmem:s1] =	stream.indirect.scatter.add.f32 [tilespmem:s11], [sflag:$0x1], $0x8, s30, s21, $0xb8;
	[tilespmem:$0x8400] =	vst v63  }
0xeb: {  	_ = 	snop  }
0xec: {  	[spmem:s1] =	stream.indirect.scatter.add.f32 [tilespmem:s11], [sflag:$0x1], $0x8, s31, s21, $0xb8;
	[tilespmem:$0x8400] =	vst v63  }
0xed: {  	_ = 	snop  }
0xee: {  	[spmem:s1] =	stream.indirect.scatter.add.f32 [tilespmem:s11], [sflag:$0x1], $0x8, s0, s21, $0xb8;
	[tilespmem:$0x8400] =	vst v63  }
0xef: {  	_ =	swait.ge [sflag:s3], $0x320  }
0xf0: {  	s21 =	simm.s32 $0x63;
	[sflag:s3] =	ssyncset.done $0x0  }
.LBB2_2:
0xf1: {  	p0 =	sne.s32 s21, $0x1;
	s21 =	sadd.s32 $0xFFFFFFFF, s21;
	[sflag:s3] =	ssyncadd.s32 $0xFFFFFCE0  }
.Ltmp0:
0xf2: {  	(pc) =	sbr.rel @p0 .LBB2_2-.Ltmp0, $3  }
0xf3: {  	_ =	sdelay $0x1  }
0xf4: {  	_ =	swait.ge [sflag:s3], $0x320  }
0xf5: {  	[sflag:s3] =	ssyncset.done $0x0  }
0xf6: {  	s20 =	sadd.s32 $0x1, s20  }
0xf7: {  	[sflag:s3] =	ssyncadd.s32 $0xFFFFFCE0;
	p0 =	sne.s32 s20, s8  }
.Ltmp1:
0xf8: {  	[bflag:$0x0] =	sbarrier.arrive $0xFFFF;
	(pc) =	sbr.rel @p0 .LBB2_1-.Ltmp1, $4  }
0xf9: {  	[hbm:s24], [sflag:s6] =	dma.local [spmem:s9], $0x2800  }
0xfa: {  	_ =	swait.ge [sflag:s10], $0x2800  }
0xfb: {  	[sflag:s10] =	ssyncset.done $0x0  }
0xfc: {  	[sflag:s10] =	ssyncadd.s32 $0xFFFFD800  }
0xfd: {  	_ =	sfence.sel $0x180000  }
0xfe: {  	[bflag:$0x0] =	sbarrier.arrive $0xFFFF  }
0xff: {  	_ =	strace $0x90000047  }
0x100: {  	s0 =	stileid.u32;
	[bflag:$0x2] =	sbarrier.arrive $0xFFFF  }
0x101: {  	p0 =	sne.s32 s0, $0x0;
	s0 =	rddreg [dreg:$0x2]  }
0x102: {  	s0 =	sadd.s32 @!p0 $0x100000, s0  }
0x103: {  	[sflag:s0] =	ssyncadd.tile.s32 @!p0 $0x1;
	_ =	shalt  }
.Lfunc_end2:
_tile_overlayer_lowered:
.L_overlay_start_2:
0x104: {  	(tag) =	ssettag $0x2  }
0x105: {  	s0 =	rddreg [dreg:$0x0];
	s2 =	stileid.u32  }
0x106: {  	s1 =	rddreg [dreg:$0x1];
	p0 =	sne.s32 s2, $0x0  }
0x107: {  	s3 =	rddreg [dreg:$0x2];
	[bflag:$0x3] =	sbarrier.arrive $0xFFFF;
	s2 =	simm.s32 @!p0 $0x1C02  }
0x108: {  	[timem:s3], [sflag:s2] =	dma.local @!p0 [hbm:s0], s1  }
0x109: {  	s0 =	simm.s32 @!p0 $0x2  }
0x10a: {  	_ =	swait.ge @!p0 [sflag:s0], s1  }
0x10b: {  	s1 =	ssub.s32 @!p0 $0x0, s1;
	[sflag:s0] =	ssyncset.done @!p0 $0x0  }
0x10c: {  	[sflag:s0] =	ssyncadd.s32 @!p0 s1  }
0x10d: {  	[bflag:$0x3] =	sbarrier.arrive $0xFFFF  }
0x10e: {  	_ =	shalt  }

// kernel: kernel.13.cloned.1.call-start
scs
__scs_entry_jumppad:
0x0: {  	(pc) =	sbr.rel $0x88, $3  }
0x1: {  	(tag) =	ssettag $0x0;
	lr =	simm.s32 $0x1  }
0x2: {  	[smem:$0x3F8E] =	sst lr;
	_ =	strace $0xD0000000  }
0x3: {  	_ = 	snop  }
0x4: {  	_ = 	snop  }
0x5: {  	_ = 	snop  }
0x6: {  	_ = 	snop  }
0x7: {  	_ = 	snop  }
__scs_overlays_trampoline_lowered:
0x8: {  	[smem:$0x3F9D] =	sst s0  }
0x9: {  	[smem:$0x3F9E] =	sst s1  }
0xa: {  	[smem:$0x3F9F] =	sst s2  }
0xb: {  	[smem:$0x3FA0] =	sst s3  }
0xc: {  	[smem:$0x3FA1] =	sst s4  }
0xd: {  	[smem:$0x3FA2] =	sst s5  }
0xe: {  	[smem:$0x3FA3] =	sst s6  }
0xf: {  	[smem:$0x3FA4] =	sst s7  }
0x10: {  	[smem:$0x3FA5] =	sst s8  }
0x11: {  	[smem:$0x3FA6] =	sst s9;
	s0 =	simm.s32 @!p0 $0x0  }
0x12: {  	s1 =	sld [smem:$0x3F8C];
	s0 =	simm.s32 @p0 $0x1  }
0x13: {  	[smem:$0x3FA7] =	sst s0;
	s0 =	simm.s32 @!p1 $0x0  }
0x14: {  	s2 =	sld [smem:$0x3F8B];
	s0 =	simm.s32 @p1 $0x1  }
0x15: {  	[smem:$0x3FA8] =	sst s0;
	s0 =	simm.s32 @!p2 $0x0  }
0x16: {  	s3 =	sld [smem:$0x3FDB];
	s0 =	simm.s32 @p2 $0x1  }
0x17: {  	s4 =	simm.s32 $0x1BF5;
	[smem:$0x3FAA] =	sst s0  }
0x18: {  	s0 =	sld [smem:$0x3F8D];
	_ =	swait.ge [sflag:s4], $0x0  }
0x19: {  	s7 =	sld [smem:$0x3F8E]  }
0x1a: {  	s8 =	sadd.s32 $0xFFFFE003, lr  }
0x1b: {  	s9 =	sadd.s32 $0xFFFFFEF7, lr;
	s5 =	simm.s32 $0xFFFFFFFF;
	p2 =	slt.u32 s8, $0xFFFFF086  }
0x1c: {  	p1 =	slt.u32 s9, $0xF7A;
	s5 =	simm.s32 @!p2 $0x0  }
0x1d: {  	s5 =	simm.s32 @p1 $0x1;
	p0 =	seq.s32 s7, s2  }
0x1e: {  	s7 =	smul.u32 @!p0 $0xF7A, s2;
	p2 =	seq.s32 @!p0 s5, $0x0  }
0x1f: {  	s9 =	smul.u32 $0xF7A, s1;
	s8 =	simm.s32 @!p0 $0x1BF5;
	p2 =	por !p2, p0  }
0x20: {  	[sflag:s8] =	ssyncset.s32 @!p0 $0xFFFFF086;
	s6 =	sadd.s32 @!p0 s3, s7;
	s7 =	simm.s32 @!p0 $0x108  }
0x21: {  	s3 =	sadd.s32 s3, s9;
	s6 =	sadd.s32 @!p0 $0x88, s6;
	s7 =	simm.s32 @p2 $0x1082  }
0x22: {  	[simem:s7], [sflag:s8] =	dma.local @!p0 [hbm:s6], $0xF7A  }
0x23: {  	s9 =	sor.u32 $0xD0000000, s2;
	s6 =	simm.s32 $0x108;
	_ =	swait.ge @!p0 [sflag:s8], $0x0  }
0x24: {  	s3 =	sadd.s32 $0x88, s3;
	s6 =	simm.s32 @!p1 $0x1082;
	[sflag:s4] =	ssyncset.s32 $0xFFFFF086  }
0x25: {  	[simem:s6], [sflag:s4] =	dma.local [hbm:s3], $0xF7A  }
0x26: {  	[smem:$0x3F8E] =	sst s1;
	(tag) =	ssettag s2;
	_ =	strace s9  }
0x27: {  	s1 =	sld [smem:$0x3F9E]  }
0x28: {  	s2 =	sld [smem:$0x3F9F]  }
0x29: {  	s4 =	sld [smem:$0x3FA1]  }
0x2a: {  	p0 =	seq.s32 s5, $0x0;
	s5 =	sld [smem:$0x3FA2]  }
0x2b: {  	s6 =	sld [smem:$0x3FA3]  }
0x2c: {  	s7 =	sld [smem:$0x3FA4]  }
0x2d: {  	s3 =	simm.s32 $0x108;
	s8 =	sld [smem:$0x3FA5]  }
0x2e: {  	s3 =	simm.s32 @!p0 $0x1082;
	s9 =	sld [smem:$0x3FA6]  }
0x2f: {  	lr =	sadd.s32 s0, s3;
	s0 =	sld [smem:$0x3F9D]  }
0x30: {  	s3 =	sld [smem:$0x3FA0]  }
0x31: {  	[smem:$0x3FA9] =	sst s10  }
0x32: {  	s10 =	sld [smem:$0x3FA7];
	_ =	sdelay $0x3  }
0x33: {  	p0 =	seq.s32 s10, $0x1;
	s10 =	sld [smem:$0x3FA9];
	_ =	sdelay $0x3  }
0x34: {  	[smem:$0x3FA9] =	sst s10  }
0x35: {  	s10 =	sld [smem:$0x3FA8];
	_ =	sdelay $0x3  }
0x36: {  	p1 =	seq.s32 s10, $0x1;
	s10 =	sld [smem:$0x3FA9];
	_ =	sdelay $0x3  }
0x37: {  	[smem:$0x3FA9] =	sst s10  }
0x38: {  	s10 =	sld [smem:$0x3FAA]  }
0x39: {  	_ = 	snop;
	(pc) =	sbr.ind lr, $3  }
0x3a: {  	_ = 	snop  }
0x3b: {  	_ = 	snop  }
0x3c: {  	p2 =	seq.s32 s10, $0x1;
	s10 =	sld [smem:$0x3FA9]  }
0x3d: {  	_ =	shalt  }
0x3e: {  	_ =	shalt  }
0x3f: {  	_ =	shalt  }
0x40: {  	_ =	shalt  }
0x41: {  	_ =	shalt  }
0x42: {  	_ =	shalt  }
0x43: {  	_ =	shalt  }
0x44: {  	_ =	shalt  }
0x45: {  	_ =	shalt  }
0x46: {  	_ =	shalt  }
0x47: {  	_ =	shalt  }
0x48: {  	_ =	shalt  }
0x49: {  	_ =	shalt  }
0x4a: {  	_ =	shalt  }
0x4b: {  	_ =	shalt  }
0x4c: {  	_ =	shalt  }
0x4d: {  	_ =	shalt  }
0x4e: {  	_ =	shalt  }
0x4f: {  	_ =	shalt  }
0x50: {  	_ =	shalt  }
0x51: {  	_ =	shalt  }
0x52: {  	_ =	shalt  }
0x53: {  	_ =	shalt  }
0x54: {  	_ =	shalt  }
0x55: {  	_ =	shalt  }
0x56: {  	_ =	shalt  }
0x57: {  	_ =	shalt  }
0x58: {  	_ =	shalt  }
0x59: {  	_ =	shalt  }
0x5a: {  	_ =	shalt  }
0x5b: {  	_ =	shalt  }
0x5c: {  	_ =	shalt  }
0x5d: {  	_ =	shalt  }
0x5e: {  	_ =	shalt  }
0x5f: {  	_ =	shalt  }
0x60: {  	_ =	shalt  }
0x61: {  	_ =	shalt  }
0x62: {  	_ =	shalt  }
0x63: {  	_ =	shalt  }
0x64: {  	_ =	shalt  }
0x65: {  	_ =	shalt  }
0x66: {  	_ =	shalt  }
0x67: {  	_ =	shalt  }
0x68: {  	_ =	shalt  }
0x69: {  	_ =	shalt  }
0x6a: {  	_ =	shalt  }
0x6b: {  	_ =	shalt  }
0x6c: {  	_ =	shalt  }
0x6d: {  	_ =	shalt  }
0x6e: {  	_ =	shalt  }
0x6f: {  	_ =	shalt  }
0x70: {  	_ =	shalt  }
0x71: {  	_ =	shalt  }
0x72: {  	_ =	shalt  }
0x73: {  	_ =	shalt  }
0x74: {  	_ =	shalt  }
0x75: {  	_ =	shalt  }
0x76: {  	_ =	shalt  }
0x77: {  	_ =	shalt  }
0x78: {  	_ =	shalt  }
0x79: {  	_ =	shalt  }
0x7a: {  	_ =	shalt  }
0x7b: {  	_ =	shalt  }
0x7c: {  	_ =	shalt  }
0x7d: {  	_ =	shalt  }
0x7e: {  	_ =	shalt  }
0x7f: {  	_ =	shalt  }
0x80: {  	_ =	shalt  }
0x81: {  	_ =	shalt  }
0x82: {  	_ =	shalt  }
0x83: {  	_ =	shalt  }
0x84: {  	_ =	shalt  }
0x85: {  	_ =	shalt  }
0x86: {  	_ =	shalt  }
0x87: {  	_ =	shalt  }
.Lfunc_end0:
.L_simem_size_0:
called_computation.1_lowered:
.L_overlay_start_0:
0x88: {  	s2 =	sld [smem:$0x3FD9]  }
0x89: {  	s3 =	sld [smem:$0x3FFE];
	_ =	sdelay $0x1  }
0x8a: {  	s1 =	srdreg.scid  }
0x8b: {  	s0 =	sand.u32 $0x1, s1  }
0x8c: {  	s16 =	sshll.u32 s0, $0xA;
	s2 =	sadd.s32 s3, s2  }
0x8d: {  	s2 =	sadd.s32 s2, s16  }
0x8e: {  	[smem:$0x3FB5] =	sst s2  }
0x8f: {  	_ = 	snop  }
0x90: {  	(tm) =	ssettm $0x1  }
0x91: {  	s17 =	sld [smem:$0x3FFB];
	_ =	sdelay $0x3  }
0x92: {  	_ =	strace s17  }
0x93: {  	s2 =	sld [smem:$0x3FFC];
	_ =	sdelay $0x3  }
0x94: {  	_ =	strace s2  }
0x95: {  	s2 =	sld [smem:$0x3FFD];
	_ =	sdelay $0x3  }
0x96: {  	_ =	strace s2  }
0x97: {  	_ =	strace $0x8FFFFFFF  }
0x98: {  	s18 =	sld [smem:$0x3FDB];
	_ =	sdelay $0x1  }
0x99: {  	s19 =	simm.s32 $_scs_section_size  }
0x9a: {  	s4 =	simm.s32 $_size__tile_overlayer_lowered;
	s5 =	simm.s32 $_tile_overlayer_lowered  }
0x9b: {  	s22 =	simm.s32 $0x1BFF;
	s21 =	sshll.u32 s5, $0x1;
	s2 =	sadd.s32 s19, s18  }
0x9c: {  	s6 =	simm.s32 $0x0;
	s20 =	sshll.u32 s4, $0x1;
	s4 =	sadd.s32 s21, s2  }
0x9d: {  	[timem:s6], [sflag:s22] =	dma.local [hbm:s4], s20  }
0x9e: {  	_ =	swait.ge [sflag:s22], s20  }
0x9f: {  	s3 =	ssub.s32 $0x0, s20;
	[sflag:s22] =	ssyncset.done $0x0  }
0xa0: {  	[sflag:s22] =	ssyncadd.s32 s3;
	_ =	sdelay $0x1  }
0xa1: {  	s23 =	simm.s32 $0x1B8B  }
0xa2: {  	_ =	swait.ge [sflag:s23], $0x1  }
0xa3: {  	[sflag:s23] =	ssyncset.done $0x0  }
0xa4: {  	s25 =	simm.s32 $0x1B8E;
	s24 =	sld [smem:$0x3FFE];
	[sflag:s23] =	ssyncadd.s32 $0xFFFFFFFF  }
0xa5: {  	s26 =	simm.s32 $execute0_lowered;
	[smem:$0x3FD2] =	sst s25  }
0xa6: {  	s4 =	sshll.u32 s26, $0x1;
	_ =	strace $0x80000049;
	[dreg:$0x1] =	wrdreg $0xFFFFFFFF  }
0xa7: {  	s28 =	simm.s32 $_size_execute0_lowered;
	s2 =	sadd.s32 s2, s4;
	[dreg:$0x0] =	wrdreg $0x0  }
0xa8: {  	s4 =	sshll.u32 s28, $0x1;
	[dreg:$0x2] =	wrdreg s2  }
0xa9: {  	[dreg:$0x3] =	wrdreg s4  }
0xaa: {  	[dreg:$0x4] =	wrdreg $0xC0  }
0xab: {  	_ =	task [dreg:s6], $0x5FFFF  }
0xac: {  	[dreg:$0x1] =	wrdreg $0xFFFFFFFF  }
0xad: {  	[dreg:$0x0] =	wrdreg $0x60  }
0xae: {  	[dreg:$0x2] =	wrdreg s24  }
0xaf: {  	[dreg:$0x3] =	wrdreg $0xB4000  }
0xb0: {  	[dreg:$0x4] =	wrdreg $0x9  }
0xb1: {  	_ =	task.clear_ibuf [dreg:s6], $0x5FFFF;
	_ =	strace $0x90000049  }
0xb2: {  	s29 =	simm.s32 $0x9;
	_ =	strace $0x8000004B  }
0xb3: {  	_ =	swait.ge [sflag:s29], $0x1  }
0xb4: {  	[sflag:s29] =	ssyncadd.s32 $0xFFFFFFFF  }
0xb5: {  	_ =	strace $0x9000004B  }
0xb6: {  	_ =	sfence  }
0xb7: {  	s30 =	sld [smem:$0x0];
	_ =	sdelay $0x2  }
0xb8: {  	s31 =	sshll.u32 s1, $0xD;
	s1 =	sshrl.u32 s1, $0x2  }
0xb9: {  	s3 =	sand.u32 $0x4000, s31;
	s1 =	sadd.s32 s1, s30  }
0xba: {  	s0 =	sor.u32 s3, s0;
	s1 =	sshll.u32 s1, $0x11  }
0xbb: {  	s0 =	sor.u32 s1, s0  }
0xbc: {  	s0 =	sadd.s32 $0x8F2B, s0  }
0xbd: {  	[sflag:s0] =	ssyncadd.remote.s32 $0x1  }
0xbe: {  	_ =	sfence.sel $0xFFFF  }
0xbf: {  	[dreg:$0x0] =	wrdreg $0xFFFFFFFF;
	(pc) =	sbr.abs _section_cstart, $3  }
0xc0: {  	[dreg:$0x1] =	wrdreg $0xFFFFFFFF  }
0xc1: {  	_ =	task.clear_ibuf [dreg:s6], $0x2FFFF;
	_ =	strace $0x9FFFFFFF  }
0xc2: {  	(tm) =	ssettm $0x7FFFFFFF  }
0xc3: {  	_ =	shalt  }
tec
execute0_lowered:
.L_overlay_start_1:
0x0: {  	(tag) =	ssettag $0x1  }
0x1: {  	s0 =	srdreg.scid  }
0x2: {  	s8 =	stileid.u32;
	s5 =	rddreg [dreg:$0x0]  }
0x3: {  	s2 =	rddreg [dreg:$0x1];
	s0 =	sand.u32 $0x1, s0;
	s3 =	smul.u32 $0x3C00, s8  }
0x4: {  	s26 =	simm.s32 $0x80;
	s10 =	simm.s32 $0x100;
	s1 =	smul.u32 $0x3C000, s0  }
0x5: {  	s11 =	simm.s32 $0xC80;
	s12 =	simm.s32 $0x180;
	s14 =	simm.s32 $0xD00  }
0x6: {  	s16 =	simm.s32 $0x200;
	s1 =	sadd.s32 s3, s1;
	s3 =	simm.s32 $0x0  }
0x7: {  	s17 =	simm.s32 $0xD80;
	s9 =	sadd.s32 $0x49E00, s5;
	[smem:$0x7FF] =	sst s3  }
0x8: {  	s19 =	simm.s32 $0x280;
	_ =	strace $0x8000004A;
	[dreg:$0x1d] =	wrdreg s9  }
0x9: {  	s20 =	simm.s32 $0xE00;
	s22 =	simm.s32 $0x300;
	[dreg:$0x5] =	wrdreg s26  }
0xa: {  	s23 =	simm.s32 $0xE80;
	s28 =	simm.s32 $0x880;
	[dreg:$0x6] =	wrdreg s10  }
0xb: {  	s29 =	simm.s32 $0x1400;
	s30 =	simm.s32 $0x900;
	[dreg:$0x7] =	wrdreg s11  }
0xc: {  	s31 =	simm.s32 $0x1480;
	s6 =	sadd.s32 $0x4C00, s5;
	[dreg:$0x8] =	wrdreg s12  }
0xd: {  	s15 =	smul.u32 $0x50000, s8;
	s21 =	sshll.u32 s8, $0x6;
	[dreg:$0x9] =	wrdreg s14  }
0xe: {  	s25 =	smul.u32 $0x28000, s0;
	s0 =	ssub.s32 $0x2, s0;
	[dreg:$0xa] =	wrdreg s16  }
0xf: {  	s24 =	sor.u32 $0x1C05, s21;
	s21 =	simm.s32 $0x1100;
	[dreg:$0xb] =	wrdreg s17  }
0x10: {  	s13 =	sshrl.u32 s0, $0x1;
	s18 =	sshrl.u32 s15, $0x2;
	[dreg:$0xc] =	wrdreg s19  }
0x11: {  	s15 =	simm.s32 $0xF80;
	s0 =	ssub.s32 s0, s13;
	[dreg:$0xd] =	wrdreg s20  }
0x12: {  	s13 =	simm.s32 $0xF00;
	s4 =	sadd.s32 $0x78000, s1;
	[dreg:$0xe] =	wrdreg s22  }
0x13: {  	s1 =	sshrl.u32 s1, $0x3;
	s0 =	smax.u32 s0, $0x1;
	[dreg:$0xf] =	wrdreg s23  }
0x14: {  	s4 =	sshrl.u32 s4, $0x3;
	s1 =	sadd.s32 s1, s6;
	[dreg:$0x1f] =	wrdreg s0  }
0x15: {  	s26 =	smul.u32 $0x2800, s8;
	[dreg:$0x11] =	wrdreg s13;
	s14 =	simm.s32 $0x400  }
0x16: {  	s9 =	simm.s32 $0x5;
	[dreg:$0x13] =	wrdreg s15;
	s16 =	simm.s32 $0x480  }
0x17: {  	s10 =	simm.s32 $0xC00;
	s17 =	simm.s32 $0x1000;
	s11 =	simm.s32 $0x64  }
0x18: {  	s12 =	simm.s32 $0x1800;
	s19 =	simm.s32 $0x1080;
	[dreg:$0x19] =	wrdreg s21  }
0x19: {  	s13 =	simm.s32 $0x4C00;
	s20 =	simm.s32 $0x580;
	[dreg:$0x1e] =	wrdreg s24  }
0x1a: {  	s15 =	simm.s32 $0x8000;
	s22 =	simm.s32 $0x600;
	[dreg:$0x4] =	wrdreg s1  }
0x1b: {  	s23 =	simm.s32 $0x1180;
	s21 =	simm.s32 $0x1280;
	[dreg:$0x12] =	wrdreg s14  }
0x1c: {  	s0 =	simm.s32 $0x1500;
	s7 =	sadd.s32 s4, s6;
	[dreg:$0x14] =	wrdreg s16  }
0x1d: {  	s4 =	sadd.s32 $0x22C00, s5;
	s5 =	sadd.s32 s25, s5;
	[dreg:$0x15] =	wrdreg s17  }
0x1e: {  	s6 =	sadd.s32 s18, s2;
	s25 =	simm.s32 $0x380;
	[dreg:$0x17] =	wrdreg s19  }
0x1f: {  	s18 =	simm.s32 $0x500;
	s14 =	simm.s32 $0x1;
	[dreg:$0x18] =	wrdreg s20  }
0x20: {  	s16 =	simm.s32 $0x2;
	[dreg:$0x1a] =	wrdreg s22;
	s17 =	simm.s32 $0x4  }
0x21: {  	[dreg:$0x1b] =	wrdreg s23;
	s19 =	simm.s32 $0x1200;
	s20 =	simm.s32 $0x700  }
0x22: {  	s22 =	simm.s32 $0x780;
	s23 =	simm.s32 $0x1300;
	[dreg:$0x3] =	wrdreg s7  }
0x23: {  	s1 =	simm.s32 $0x980;
	s5 =	sadd.s32 $0x4C600, s5;
	[dreg:$0x10] =	wrdreg s25  }
0x24: {  	s8 =	sshrl.u32 s6, $0x3;
	[dreg:$0x16] =	wrdreg s18;
	s25 =	simm.s32 $0x680  }
0x25: {  	s18 =	simm.s32 $0x3;
	s7 =	simm.s32 $0x0;
	[dreg:$0x1c] =	wrdreg s25  }
0x26: {  	s26 =	sadd.s32 s26, s5;
	s25 =	simm.s32 $0x800;
	[smem:$0x7FD] =	sst s8  }
0x27: {  	s5 =	simm.s32 $0x1580;
	[smem:$0x7FC] =	sst s26;
	s26 =	simm.s32 $0x1380  }
.LBB2_1:
0x28: {  	[smem:$0x7FB] =	sst s7  }
0x29: {  	s6 =	rddreg [dreg:$0x1d]  }
0x2a: {  	[spmem:s8], [sflag:s24] =	dma.local [hbm:s6], $0x2800  }
0x2b: {  	_ =	swait.ge [sflag:s9], $0x2800  }
0x2c: {  	[sflag:s9] =	ssyncset.done $0x0  }
0x2d: {  	[sflag:s9] =	ssyncadd.s32 $0xFFFFD800  }
0x2e: {  	[bflag:$0x0] =	sbarrier.arrive $0xFFFF  }
0x2f: {  	s8 =	rddreg [dreg:$0x4]  }
0x30: {  	s6 =	sadd.s32 $0x0, s8  }
0x31: {  	[tilespmem:s3], [sflag:$0x5] =	stream.linear.gather [hbm4b:s6+s3], $0xA00, $0x38;
	[tilespmem:$0x1F400] =	vst v63  }
0x32: {  	_ =	swait.ge [sflag:s9], $0xA00  }
0x33: {  	s24 =	rddreg [dreg:$0x3];
	[sflag:s9] =	ssyncset.done $0x0  }
0x34: {  	[sflag:s9] =	ssyncadd.s32 $0xFFFFF600;
	s6 =	sadd.s32 $0x0, s24  }
0x35: {  	[tilespmem:s10], [sflag:$0x5] =	stream.linear.gather [hbm4b:s6+s3], $0xA00, $0x38;
	[tilespmem:$0x1F400] =	vst v63  }
0x36: {  	_ =	swait.ge [sflag:s9], $0xA00  }
0x37: {  	[sflag:s9] =	ssyncset.done $0x0  }
0x38: {  	[sflag:s9] =	ssyncadd.s32 $0xFFFFF600  }
0x39: {  	[tilespmem:s12], [sflag:$0x1] =	stream.indirect.gather [hbm4b:s4+s11], $0x80, s3, s11, $0xb8;
	[tilespmem:$0x1F400] =	vst v63  }
0x3a: {  	s7 =	rddreg [dreg:$0x5]  }
0x3b: {  	[tilespmem:s13], [sflag:$0x2] =	stream.indirect.gather [hbm4b:s4+s11], $0x80, s7, s11, $0xb8;
	[tilespmem:$0x1F400] =	vst v63  }
0x3c: {  	_ =	swait.ge [sflag:s14], $0x3200  }
0x3d: {  	[sflag:s14] =	ssyncset.done $0x0  }
0x3e: {  	[sflag:s14] =	ssyncadd.s32 $0xFFFFCE00  }
0x3f: {  	[spmem:s2] =	stream.indirect.scatter.add.f32 [tilespmem:s12], [sflag:$0x4], $0x80, s10, s11, $0xb8;
	[tilespmem:$0x1F400] =	vst v63  }
0x40: {  	s8 =	rddreg [dreg:$0x6]  }
0x41: {  	[tilespmem:s15], [sflag:$0x3] =	stream.indirect.gather [hbm4b:s4+s11], $0x80, s8, s11, $0xb8;
	[tilespmem:$0x1F400] =	vst v63  }
0x42: {  	_ =	swait.ge [sflag:s16], $0x3200  }
0x43: {  	[sflag:s16] =	ssyncset.done $0x0  }
0x44: {  	s24 =	rddreg [dreg:$0x7];
	[sflag:s16] =	ssyncadd.s32 $0xFFFFCE00  }
0x45: {  	[spmem:s2] =	stream.indirect.scatter.add.f32 [tilespmem:s13], [sflag:$0x4], $0x80, s24, s11, $0xb8;
	[tilespmem:$0x1F400] =	vst v63  }
0x46: {  	_ =	swait.ge [sflag:s17], $0x3200  }
0x47: {  	[sflag:s17] =	ssyncset.done $0x0  }
0x48: {  	s7 =	rddreg [dreg:$0x8];
	[sflag:s17] =	ssyncadd.s32 $0xFFFFCE00  }
0x49: {  	[tilespmem:s12], [sflag:$0x1] =	stream.indirect.gather [hbm4b:s4+s11], $0x80, s7, s11, $0xb8;
	[tilespmem:$0x1F400] =	vst v63  }
0x4a: {  	_ =	swait.ge [sflag:s18], $0x3200  }
0x4b: {  	[sflag:s18] =	ssyncset.done $0x0  }
0x4c: {  	s8 =	rddreg [dreg:$0x9];
	[sflag:s18] =	ssyncadd.s32 $0xFFFFCE00  }
0x4d: {  	[spmem:s2] =	stream.indirect.scatter.add.f32 [tilespmem:s15], [sflag:$0x4], $0x80, s8, s11, $0xb8;
	[tilespmem:$0x1F400] =	vst v63  }
0x4e: {  	_ =	swait.ge [sflag:s17], $0x3200  }
0x4f: {  	[sflag:s17] =	ssyncset.done $0x0  }
0x50: {  	s24 =	rddreg [dreg:$0xa];
	[sflag:s17] =	ssyncadd.s32 $0xFFFFCE00  }
0x51: {  	[tilespmem:s13], [sflag:$0x2] =	stream.indirect.gather [hbm4b:s4+s11], $0x80, s24, s11, $0xb8;
	[tilespmem:$0x1F400] =	vst v63  }
0x52: {  	_ =	swait.ge [sflag:s14], $0x3200  }
0x53: {  	[sflag:s14] =	ssyncset.done $0x0  }
0x54: {  	s7 =	rddreg [dreg:$0xb];
	[sflag:s14] =	ssyncadd.s32 $0xFFFFCE00  }
0x55: {  	[spmem:s2] =	stream.indirect.scatter.add.f32 [tilespmem:s12], [sflag:$0x4], $0x80, s7, s11, $0xb8;
	[tilespmem:$0x1F400] =	vst v63  }
0x56: {  	_ =	swait.ge [sflag:s17], $0x3200  }
0x57: {  	[sflag:s17] =	ssyncset.done $0x0  }
0x58: {  	s8 =	rddreg [dreg:$0xc];
	[sflag:s17] =	ssyncadd.s32 $0xFFFFCE00  }
0x59: {  	[tilespmem:s15], [sflag:$0x3] =	stream.indirect.gather [hbm4b:s4+s11], $0x80, s8, s11, $0xb8;
	[tilespmem:$0x1F400] =	vst v63  }
0x5a: {  	_ =	swait.ge [sflag:s16], $0x3200  }
0x5b: {  	[sflag:s16] =	ssyncset.done $0x0  }
0x5c: {  	s24 =	rddreg [dreg:$0xd];
	[sflag:s16] =	ssyncadd.s32 $0xFFFFCE00  }
0x5d: {  	[spmem:s2] =	stream.indirect.scatter.add.f32 [tilespmem:s13], [sflag:$0x4], $0x80, s24, s11, $0xb8;
	[tilespmem:$0x1F400] =	vst v63  }
0x5e: {  	_ =	swait.ge [sflag:s17], $0x3200  }
0x5f: {  	[sflag:s17] =	ssyncset.done $0x0  }
0x60: {  	s7 =	rddreg [dreg:$0xe];
	[sflag:s17] =	ssyncadd.s32 $0xFFFFCE00  }
0x61: {  	[tilespmem:s12], [sflag:$0x1] =	stream.indirect.gather [hbm4b:s4+s11], $0x80, s7, s11, $0xb8;
	[tilespmem:$0x1F400] =	vst v63  }
0x62: {  	_ =	swait.ge [sflag:s18], $0x3200  }
0x63: {  	[sflag:s18] =	ssyncset.done $0x0  }
0x64: {  	s8 =	rddreg [dreg:$0xf];
	[sflag:s18] =	ssyncadd.s32 $0xFFFFCE00  }
0x65: {  	[spmem:s2] =	stream.indirect.scatter.add.f32 [tilespmem:s15], [sflag:$0x4], $0x80, s8, s11, $0xb8;
	[tilespmem:$0x1F400] =	vst v63  }
0x66: {  	_ =	swait.ge [sflag:s17], $0x3200  }
0x67: {  	[sflag:s17] =	ssyncset.done $0x0  }
0x68: {  	s24 =	rddreg [dreg:$0x10];
	[sflag:s17] =	ssyncadd.s32 $0xFFFFCE00  }
0x69: {  	[tilespmem:s13], [sflag:$0x2] =	stream.indirect.gather [hbm4b:s4+s11], $0x80, s24, s11, $0xb8;
	[tilespmem:$0x1F400] =	vst v63  }
0x6a: {  	_ =	swait.ge [sflag:s14], $0x3200  }
0x6b: {  	[sflag:s14] =	ssyncset.done $0x0  }
0x6c: {  	s7 =	rddreg [dreg:$0x11];
	[sflag:s14] =	ssyncadd.s32 $0xFFFFCE00  }
0x6d: {  	[spmem:s2] =	stream.indirect.scatter.add.f32 [tilespmem:s12], [sflag:$0x4], $0x80, s7, s11, $0xb8;
	[tilespmem:$0x1F400] =	vst v63  }
0x6e: {  	_ =	swait.ge [sflag:s17], $0x3200  }
0x6f: {  	[sflag:s17] =	ssyncset.done $0x0  }
0x70: {  	s8 =	rddreg [dreg:$0x12];
	[sflag:s17] =	ssyncadd.s32 $0xFFFFCE00  }
0x71: {  	[tilespmem:s15], [sflag:$0x3] =	stream.indirect.gather [hbm4b:s4+s11], $0x80, s8, s11, $0xb8;
	[tilespmem:$0x1F400] =	vst v63  }
0x72: {  	_ =	swait.ge [sflag:s16], $0x3200  }
0x73: {  	[sflag:s16] =	ssyncset.done $0x0  }
0x74: {  	s24 =	rddreg [dreg:$0x13];
	[sflag:s16] =	ssyncadd.s32 $0xFFFFCE00  }
0x75: {  	[spmem:s2] =	stream.indirect.scatter.add.f32 [tilespmem:s13], [sflag:$0x4], $0x80, s24, s11, $0xb8;
	[tilespmem:$0x1F400] =	vst v63  }
0x76: {  	_ =	swait.ge [sflag:s17], $0x3200  }
0x77: {  	[sflag:s17] =	ssyncset.done $0x0  }
0x78: {  	s7 =	rddreg [dreg:$0x14];
	[sflag:s17] =	ssyncadd.s32 $0xFFFFCE00  }
0x79: {  	[tilespmem:s12], [sflag:$0x1] =	stream.indirect.gather [hbm4b:s4+s11], $0x80, s7, s11, $0xb8;
	[tilespmem:$0x1F400] =	vst v63  }
0x7a: {  	_ =	swait.ge [sflag:s18], $0x3200  }
0x7b: {  	[sflag:s18] =	ssyncset.done $0x0  }
0x7c: {  	s8 =	rddreg [dreg:$0x15];
	[sflag:s18] =	ssyncadd.s32 $0xFFFFCE00  }
0x7d: {  	[spmem:s2] =	stream.indirect.scatter.add.f32 [tilespmem:s15], [sflag:$0x4], $0x80, s8, s11, $0xb8;
	[tilespmem:$0x1F400] =	vst v63  }
0x7e: {  	_ =	swait.ge [sflag:s17], $0x3200  }
0x7f: {  	[sflag:s17] =	ssyncset.done $0x0  }
0x80: {  	s24 =	rddreg [dreg:$0x16];
	[sflag:s17] =	ssyncadd.s32 $0xFFFFCE00  }
0x81: {  	[tilespmem:s13], [sflag:$0x2] =	stream.indirect.gather [hbm4b:s4+s11], $0x80, s24, s11, $0xb8;
	[tilespmem:$0x1F400] =	vst v63  }
0x82: {  	_ =	swait.ge [sflag:s14], $0x3200  }
0x83: {  	[sflag:s14] =	ssyncset.done $0x0  }
0x84: {  	s7 =	rddreg [dreg:$0x17];
	[sflag:s14] =	ssyncadd.s32 $0xFFFFCE00  }
0x85: {  	[spmem:s2] =	stream.indirect.scatter.add.f32 [tilespmem:s12], [sflag:$0x4], $0x80, s7, s11, $0xb8;
	[tilespmem:$0x1F400] =	vst v63  }
0x86: {  	_ =	swait.ge [sflag:s17], $0x3200  }
0x87: {  	[sflag:s17] =	ssyncset.done $0x0  }
0x88: {  	s8 =	rddreg [dreg:$0x18];
	[sflag:s17] =	ssyncadd.s32 $0xFFFFCE00  }
0x89: {  	[tilespmem:s15], [sflag:$0x3] =	stream.indirect.gather [hbm4b:s4+s11], $0x80, s8, s11, $0xb8;
	[tilespmem:$0x1F400] =	vst v63  }
0x8a: {  	_ =	swait.ge [sflag:s16], $0x3200  }
0x8b: {  	[sflag:s16] =	ssyncset.done $0x0  }
0x8c: {  	s24 =	rddreg [dreg:$0x19];
	[sflag:s16] =	ssyncadd.s32 $0xFFFFCE00  }
0x8d: {  	[spmem:s2] =	stream.indirect.scatter.add.f32 [tilespmem:s13], [sflag:$0x4], $0x80, s24, s11, $0xb8;
	[tilespmem:$0x1F400] =	vst v63  }
0x8e: {  	_ =	swait.ge [sflag:s17], $0x3200  }
0x8f: {  	[sflag:s17] =	ssyncset.done $0x0  }
0x90: {  	s7 =	rddreg [dreg:$0x1a];
	[sflag:s17] =	ssyncadd.s32 $0xFFFFCE00  }
0x91: {  	[tilespmem:s12], [sflag:$0x1] =	stream.indirect.gather [hbm4b:s4+s11], $0x80, s7, s11, $0xb8;
	[tilespmem:$0x1F400] =	vst v63  }
0x92: {  	_ =	swait.ge [sflag:s18], $0x3200  }
0x93: {  	[sflag:s18] =	ssyncset.done $0x0  }
0x94: {  	s8 =	rddreg [dreg:$0x1b];
	[sflag:s18] =	ssyncadd.s32 $0xFFFFCE00  }
0x95: {  	[spmem:s2] =	stream.indirect.scatter.add.f32 [tilespmem:s15], [sflag:$0x4], $0x80, s8, s11, $0xb8;
	[tilespmem:$0x1F400] =	vst v63  }
0x96: {  	_ =	swait.ge [sflag:s17], $0x3200  }
0x97: {  	[sflag:s17] =	ssyncset.done $0x0  }
0x98: {  	s24 =	rddreg [dreg:$0x1c];
	[sflag:s17] =	ssyncadd.s32 $0xFFFFCE00  }
0x99: {  	[tilespmem:s13], [sflag:$0x2] =	stream.indirect.gather [hbm4b:s4+s11], $0x80, s24, s11, $0xb8;
	[tilespmem:$0x1F400] =	vst v63  }
0x9a: {  	_ =	swait.ge [sflag:s14], $0x3200  }
0x9b: {  	[sflag:s14] =	ssyncset.done $0x0  }
0x9c: {  	[sflag:s14] =	ssyncadd.s32 $0xFFFFCE00  }
0x9d: {  	[spmem:s2] =	stream.indirect.scatter.add.f32 [tilespmem:s12], [sflag:$0x4], $0x80, s19, s11, $0xb8;
	[tilespmem:$0x1F400] =	vst v63  }
0x9e: {  	_ =	swait.ge [sflag:s17], $0x3200  }
0x9f: {  	[sflag:s17] =	ssyncset.done $0x0  }
0xa0: {  	[sflag:s17] =	ssyncadd.s32 $0xFFFFCE00  }
0xa1: {  	[tilespmem:s15], [sflag:$0x3] =	stream.indirect.gather [hbm4b:s4+s11], $0x80, s20, s11, $0xb8;
	[tilespmem:$0x1F400] =	vst v63  }
0xa2: {  	_ =	swait.ge [sflag:s16], $0x3200  }
0xa3: {  	[sflag:s16] =	ssyncset.done $0x0  }
0xa4: {  	[sflag:s16] =	ssyncadd.s32 $0xFFFFCE00  }
0xa5: {  	[spmem:s2] =	stream.indirect.scatter.add.f32 [tilespmem:s13], [sflag:$0x4], $0x80, s21, s11, $0xb8;
	[tilespmem:$0x1F400] =	vst v63  }
0xa6: {  	_ =	swait.ge [sflag:s17], $0x3200  }
0xa7: {  	[sflag:s17] =	ssyncset.done $0x0  }
0xa8: {  	[sflag:s17] =	ssyncadd.s32 $0xFFFFCE00  }
0xa9: {  	[tilespmem:s12], [sflag:$0x1] =	stream.indirect.gather [hbm4b:s4+s11], $0x80, s22, s11, $0xb8;
	[tilespmem:$0x1F400] =	vst v63  }
0xaa: {  	_ =	swait.ge [sflag:s18], $0x3200  }
0xab: {  	[sflag:s18] =	ssyncset.done $0x0  }
0xac: {  	[sflag:s18] =	ssyncadd.s32 $0xFFFFCE00  }
0xad: {  	[spmem:s2] =	stream.indirect.scatter.add.f32 [tilespmem:s15], [sflag:$0x4], $0x80, s23, s11, $0xb8;
	[tilespmem:$0x1F400] =	vst v63  }
0xae: {  	_ =	swait.ge [sflag:s17], $0x3200  }
0xaf: {  	[sflag:s17] =	ssyncset.done $0x0  }
0xb0: {  	[sflag:s17] =	ssyncadd.s32 $0xFFFFCE00  }
0xb1: {  	[tilespmem:s13], [sflag:$0x2] =	stream.indirect.gather [hbm4b:s4+s11], $0x80, s25, s11, $0xb8;
	[tilespmem:$0x1F400] =	vst v63  }
0xb2: {  	_ =	swait.ge [sflag:s14], $0x3200  }
0xb3: {  	[sflag:s14] =	ssyncset.done $0x0  }
0xb4: {  	[sflag:s14] =	ssyncadd.s32 $0xFFFFCE00  }
0xb5: {  	[spmem:s2] =	stream.indirect.scatter.add.f32 [tilespmem:s12], [sflag:$0x4], $0x80, s26, s11, $0xb8;
	[tilespmem:$0x1F400] =	vst v63  }
0xb6: {  	_ =	swait.ge [sflag:s17], $0x3200  }
0xb7: {  	[sflag:s17] =	ssyncset.done $0x0  }
0xb8: {  	[sflag:s17] =	ssyncadd.s32 $0xFFFFCE00  }
0xb9: {  	[tilespmem:s15], [sflag:$0x3] =	stream.indirect.gather [hbm4b:s4+s11], $0x80, s28, s11, $0xb8;
	[tilespmem:$0x1F400] =	vst v63  }
0xba: {  	_ =	swait.ge [sflag:s16], $0x3200  }
0xbb: {  	[sflag:s16] =	ssyncset.done $0x0  }
0xbc: {  	[sflag:s16] =	ssyncadd.s32 $0xFFFFCE00  }
0xbd: {  	[spmem:s2] =	stream.indirect.scatter.add.f32 [tilespmem:s13], [sflag:$0x4], $0x80, s29, s11, $0xb8;
	[tilespmem:$0x1F400] =	vst v63  }
0xbe: {  	_ =	swait.ge [sflag:s17], $0x3200  }
0xbf: {  	[sflag:s17] =	ssyncset.done $0x0  }
0xc0: {  	[sflag:s17] =	ssyncadd.s32 $0xFFFFCE00  }
0xc1: {  	[tilespmem:s12], [sflag:$0x1] =	stream.indirect.gather [hbm4b:s4+s11], $0x80, s30, s11, $0xb8;
	[tilespmem:$0x1F400] =	vst v63  }
0xc2: {  	_ =	swait.ge [sflag:s18], $0x3200  }
0xc3: {  	[sflag:s18] =	ssyncset.done $0x0  }
0xc4: {  	[sflag:s18] =	ssyncadd.s32 $0xFFFFCE00  }
0xc5: {  	[spmem:s2] =	stream.indirect.scatter.add.f32 [tilespmem:s15], [sflag:$0x4], $0x80, s31, s11, $0xb8;
	[tilespmem:$0x1F400] =	vst v63  }
0xc6: {  	_ =	swait.ge [sflag:s17], $0x3200  }
0xc7: {  	[sflag:s17] =	ssyncset.done $0x0  }
0xc8: {  	[sflag:s17] =	ssyncadd.s32 $0xFFFFCE00  }
0xc9: {  	[tilespmem:s13], [sflag:$0x2] =	stream.indirect.gather [hbm4b:s4+s11], $0x80, s1, s11, $0xb8;
	[tilespmem:$0x1F400] =	vst v63  }
0xca: {  	_ =	swait.ge [sflag:s14], $0x3200  }
0xcb: {  	[sflag:s14] =	ssyncset.done $0x0  }
0xcc: {  	[sflag:s14] =	ssyncadd.s32 $0xFFFFCE00  }
0xcd: {  	[spmem:s2] =	stream.indirect.scatter.add.f32 [tilespmem:s12], [sflag:$0x4], $0x80, s0, s11, $0xb8;
	[tilespmem:$0x1F400] =	vst v63  }
0xce: {  	_ =	swait.ge [sflag:s17], $0x3200  }
0xcf: {  	[sflag:s17] =	ssyncset.done $0x0  }
0xd0: {  	[sflag:s17] =	ssyncadd.s32 $0xFFFFCE00  }
0xd1: {  	_ =	swait.ge [sflag:s16], $0x3200  }
0xd2: {  	[sflag:s16] =	ssyncset.done $0x0  }
0xd3: {  	[sflag:s16] =	ssyncadd.s32 $0xFFFFCE00  }
0xd4: {  	[spmem:s2] =	stream.indirect.scatter.add.f32 [tilespmem:s13], [sflag:$0x4], $0x80, s5, s11, $0xb8;
	[tilespmem:$0x1F400] =	vst v63  }
0xd5: {  	_ =	swait.ge [sflag:s17], $0x3200  }
0xd6: {  	[sflag:s17] =	ssyncset.done $0x0  }
0xd7: {  	[sflag:s17] =	ssyncadd.s32 $0xFFFFCE00  }
0xd8: {  	s6 =	simm.s32 $0x300;
	_ =	swait.ge [sflag:s17], $0x3200  }
0xd9: {  	s24 =	simm.s32 $0x180;
	s8 =	rddreg [dreg:$0x4];
	[sflag:s17] =	ssyncset.done $0x0  }
.LBB2_2:
0xda: {  	[sflag:s17] =	ssyncadd.s32 $0xFFFFCE00;
	s8 =	sadd.s32 s24, s8  }
0xdb: {  	[tilespmem:s3], [sflag:$0x5] =	stream.linear.gather [hbm4b:s8+s3], $0xA00, $0x38;
	[tilespmem:$0x1F400] =	vst v63  }
0xdc: {  	_ =	swait.ge [sflag:s9], $0xA00  }
0xdd: {  	s8 =	rddreg [dreg:$0x3];
	[sflag:s9] =	ssyncset.done $0x0  }
0xde: {  	[sflag:s9] =	ssyncadd.s32 $0xFFFFF600;
	s8 =	sadd.s32 s24, s8  }
0xdf: {  	[tilespmem:s10], [sflag:$0x5] =	stream.linear.gather [hbm4b:s8+s3], $0xA00, $0x38;
	[tilespmem:$0x1F400] =	vst v63  }
0xe0: {  	_ =	swait.ge [sflag:s9], $0xA00  }
0xe1: {  	[sflag:s9] =	ssyncset.done $0x0  }
0xe2: {  	[sflag:s9] =	ssyncadd.s32 $0xFFFFF600  }
0xe3: {  	[tilespmem:s12], [sflag:$0x1] =	stream.indirect.gather [hbm4b:s4+s11], $0x80, s3, s11, $0xb8;
	[tilespmem:$0x1F400] =	vst v63  }
0xe4: {  	s8 =	rddreg [dreg:$0x5]  }
0xe5: {  	[tilespmem:s13], [sflag:$0x2] =	stream.indirect.gather [hbm4b:s4+s11], $0x80, s8, s11, $0xb8;
	[tilespmem:$0x1F400] =	vst v63  }
0xe6: {  	_ =	swait.ge [sflag:s14], $0x3200  }
0xe7: {  	[sflag:s14] =	ssyncset.done $0x0  }
0xe8: {  	[sflag:s14] =	ssyncadd.s32 $0xFFFFCE00  }
0xe9: {  	[spmem:s2] =	stream.indirect.scatter.add.f32 [tilespmem:s12], [sflag:$0x4], $0x80, s10, s11, $0xb8;
	[tilespmem:$0x1F400] =	vst v63  }
0xea: {  	s8 =	rddreg [dreg:$0x6]  }
0xeb: {  	[tilespmem:s15], [sflag:$0x3] =	stream.indirect.gather [hbm4b:s4+s11], $0x80, s8, s11, $0xb8;
	[tilespmem:$0x1F400] =	vst v63  }
0xec: {  	_ =	swait.ge [sflag:s16], $0x3200  }
0xed: {  	[sflag:s16] =	ssyncset.done $0x0  }
0xee: {  	s8 =	rddreg [dreg:$0x7];
	[sflag:s16] =	ssyncadd.s32 $0xFFFFCE00  }
0xef: {  	[spmem:s2] =	stream.indirect.scatter.add.f32 [tilespmem:s13], [sflag:$0x4], $0x80, s8, s11, $0xb8;
	[tilespmem:$0x1F400] =	vst v63  }
0xf0: {  	_ =	swait.ge [sflag:s17], $0x3200  }
0xf1: {  	[sflag:s17] =	ssyncset.done $0x0  }
0xf2: {  	s8 =	rddreg [dreg:$0x8];
	[sflag:s17] =	ssyncadd.s32 $0xFFFFCE00  }
0xf3: {  	[tilespmem:s12], [sflag:$0x1] =	stream.indirect.gather [hbm4b:s4+s11], $0x80, s8, s11, $0xb8;
	[tilespmem:$0x1F400] =	vst v63  }
0xf4: {  	_ =	swait.ge [sflag:s18], $0x3200  }
0xf5: {  	[sflag:s18] =	ssyncset.done $0x0  }
0xf6: {  	s8 =	rddreg [dreg:$0x9];
	[sflag:s18] =	ssyncadd.s32 $0xFFFFCE00  }
0xf7: {  	[spmem:s2] =	stream.indirect.scatter.add.f32 [tilespmem:s15], [sflag:$0x4], $0x80, s8, s11, $0xb8;
	[tilespmem:$0x1F400] =	vst v63  }
0xf8: {  	_ =	swait.ge [sflag:s17], $0x3200  }
0xf9: {  	[sflag:s17] =	ssyncset.done $0x0  }
0xfa: {  	s8 =	rddreg [dreg:$0xa];
	[sflag:s17] =	ssyncadd.s32 $0xFFFFCE00  }
0xfb: {  	[tilespmem:s13], [sflag:$0x2] =	stream.indirect.gather [hbm4b:s4+s11], $0x80, s8, s11, $0xb8;
	[tilespmem:$0x1F400] =	vst v63  }
0xfc: {  	_ =	swait.ge [sflag:s14], $0x3200  }
0xfd: {  	[sflag:s14] =	ssyncset.done $0x0  }
0xfe: {  	s8 =	rddreg [dreg:$0xb];
	[sflag:s14] =	ssyncadd.s32 $0xFFFFCE00  }
0xff: {  	[spmem:s2] =	stream.indirect.scatter.add.f32 [tilespmem:s12], [sflag:$0x4], $0x80, s8, s11, $0xb8;
	[tilespmem:$0x1F400] =	vst v63  }
0x100: {  	_ =	swait.ge [sflag:s17], $0x3200  }
0x101: {  	[sflag:s17] =	ssyncset.done $0x0  }
0x102: {  	s8 =	rddreg [dreg:$0xc];
	[sflag:s17] =	ssyncadd.s32 $0xFFFFCE00  }
0x103: {  	[tilespmem:s15], [sflag:$0x3] =	stream.indirect.gather [hbm4b:s4+s11], $0x80, s8, s11, $0xb8;
	[tilespmem:$0x1F400] =	vst v63  }
0x104: {  	_ =	swait.ge [sflag:s16], $0x3200  }
0x105: {  	[sflag:s16] =	ssyncset.done $0x0  }
0x106: {  	s8 =	rddreg [dreg:$0xd];
	[sflag:s16] =	ssyncadd.s32 $0xFFFFCE00  }
0x107: {  	[spmem:s2] =	stream.indirect.scatter.add.f32 [tilespmem:s13], [sflag:$0x4], $0x80, s8, s11, $0xb8;
	[tilespmem:$0x1F400] =	vst v63  }
0x108: {  	_ =	swait.ge [sflag:s17], $0x3200  }
0x109: {  	[sflag:s17] =	ssyncset.done $0x0  }
0x10a: {  	s8 =	rddreg [dreg:$0xe];
	[sflag:s17] =	ssyncadd.s32 $0xFFFFCE00  }
0x10b: {  	[tilespmem:s12], [sflag:$0x1] =	stream.indirect.gather [hbm4b:s4+s11], $0x80, s8, s11, $0xb8;
	[tilespmem:$0x1F400] =	vst v63  }
0x10c: {  	_ =	swait.ge [sflag:s18], $0x3200  }
0x10d: {  	[sflag:s18] =	ssyncset.done $0x0  }
0x10e: {  	s8 =	rddreg [dreg:$0xf];
	[sflag:s18] =	ssyncadd.s32 $0xFFFFCE00  }
0x10f: {  	[spmem:s2] =	stream.indirect.scatter.add.f32 [tilespmem:s15], [sflag:$0x4], $0x80, s8, s11, $0xb8;
	[tilespmem:$0x1F400] =	vst v63  }
0x110: {  	_ =	swait.ge [sflag:s17], $0x3200  }
0x111: {  	[sflag:s17] =	ssyncset.done $0x0  }
0x112: {  	s8 =	rddreg [dreg:$0x10];
	[sflag:s17] =	ssyncadd.s32 $0xFFFFCE00  }
0x113: {  	[tilespmem:s13], [sflag:$0x2] =	stream.indirect.gather [hbm4b:s4+s11], $0x80, s8, s11, $0xb8;
	[tilespmem:$0x1F400] =	vst v63  }
0x114: {  	_ =	swait.ge [sflag:s14], $0x3200  }
0x115: {  	[sflag:s14] =	ssyncset.done $0x0  }
0x116: {  	s8 =	rddreg [dreg:$0x11];
	[sflag:s14] =	ssyncadd.s32 $0xFFFFCE00  }
0x117: {  	[spmem:s2] =	stream.indirect.scatter.add.f32 [tilespmem:s12], [sflag:$0x4], $0x80, s8, s11, $0xb8;
	[tilespmem:$0x1F400] =	vst v63  }
0x118: {  	_ =	swait.ge [sflag:s17], $0x3200  }
0x119: {  	[sflag:s17] =	ssyncset.done $0x0  }
0x11a: {  	s8 =	rddreg [dreg:$0x12];
	[sflag:s17] =	ssyncadd.s32 $0xFFFFCE00  }
0x11b: {  	[tilespmem:s15], [sflag:$0x3] =	stream.indirect.gather [hbm4b:s4+s11], $0x80, s8, s11, $0xb8;
	[tilespmem:$0x1F400] =	vst v63  }
0x11c: {  	_ =	swait.ge [sflag:s16], $0x3200  }
0x11d: {  	[sflag:s16] =	ssyncset.done $0x0  }
0x11e: {  	s8 =	rddreg [dreg:$0x13];
	[sflag:s16] =	ssyncadd.s32 $0xFFFFCE00  }
0x11f: {  	[spmem:s2] =	stream.indirect.scatter.add.f32 [tilespmem:s13], [sflag:$0x4], $0x80, s8, s11, $0xb8;
	[tilespmem:$0x1F400] =	vst v63  }
0x120: {  	_ =	swait.ge [sflag:s17], $0x3200  }
0x121: {  	[sflag:s17] =	ssyncset.done $0x0  }
0x122: {  	s8 =	rddreg [dreg:$0x14];
	[sflag:s17] =	ssyncadd.s32 $0xFFFFCE00  }
0x123: {  	[tilespmem:s12], [sflag:$0x1] =	stream.indirect.gather [hbm4b:s4+s11], $0x80, s8, s11, $0xb8;
	[tilespmem:$0x1F400] =	vst v63  }
0x124: {  	_ =	swait.ge [sflag:s18], $0x3200  }
0x125: {  	[sflag:s18] =	ssyncset.done $0x0  }
0x126: {  	s8 =	rddreg [dreg:$0x15];
	[sflag:s18] =	ssyncadd.s32 $0xFFFFCE00  }
0x127: {  	[spmem:s2] =	stream.indirect.scatter.add.f32 [tilespmem:s15], [sflag:$0x4], $0x80, s8, s11, $0xb8;
	[tilespmem:$0x1F400] =	vst v63  }
0x128: {  	_ =	swait.ge [sflag:s17], $0x3200  }
0x129: {  	[sflag:s17] =	ssyncset.done $0x0  }
0x12a: {  	s8 =	rddreg [dreg:$0x16];
	[sflag:s17] =	ssyncadd.s32 $0xFFFFCE00  }
0x12b: {  	[tilespmem:s13], [sflag:$0x2] =	stream.indirect.gather [hbm4b:s4+s11], $0x80, s8, s11, $0xb8;
	[tilespmem:$0x1F400] =	vst v63  }
0x12c: {  	_ =	swait.ge [sflag:s14], $0x3200  }
0x12d: {  	[sflag:s14] =	ssyncset.done $0x0  }
0x12e: {  	s8 =	rddreg [dreg:$0x17];
	[sflag:s14] =	ssyncadd.s32 $0xFFFFCE00  }
0x12f: {  	[spmem:s2] =	stream.indirect.scatter.add.f32 [tilespmem:s12], [sflag:$0x4], $0x80, s8, s11, $0xb8;
	[tilespmem:$0x1F400] =	vst v63  }
0x130: {  	_ =	swait.ge [sflag:s17], $0x3200  }
0x131: {  	[sflag:s17] =	ssyncset.done $0x0  }
0x132: {  	s8 =	rddreg [dreg:$0x18];
	[sflag:s17] =	ssyncadd.s32 $0xFFFFCE00  }
0x133: {  	[tilespmem:s15], [sflag:$0x3] =	stream.indirect.gather [hbm4b:s4+s11], $0x80, s8, s11, $0xb8;
	[tilespmem:$0x1F400] =	vst v63  }
0x134: {  	_ =	swait.ge [sflag:s16], $0x3200  }
0x135: {  	[sflag:s16] =	ssyncset.done $0x0  }
0x136: {  	s8 =	rddreg [dreg:$0x19];
	[sflag:s16] =	ssyncadd.s32 $0xFFFFCE00  }
0x137: {  	[spmem:s2] =	stream.indirect.scatter.add.f32 [tilespmem:s13], [sflag:$0x4], $0x80, s8, s11, $0xb8;
	[tilespmem:$0x1F400] =	vst v63  }
0x138: {  	_ =	swait.ge [sflag:s17], $0x3200  }
0x139: {  	[sflag:s17] =	ssyncset.done $0x0  }
0x13a: {  	s8 =	rddreg [dreg:$0x1a];
	[sflag:s17] =	ssyncadd.s32 $0xFFFFCE00  }
0x13b: {  	[tilespmem:s12], [sflag:$0x1] =	stream.indirect.gather [hbm4b:s4+s11], $0x80, s8, s11, $0xb8;
	[tilespmem:$0x1F400] =	vst v63  }
0x13c: {  	_ =	swait.ge [sflag:s18], $0x3200  }
0x13d: {  	[sflag:s18] =	ssyncset.done $0x0  }
0x13e: {  	s8 =	rddreg [dreg:$0x1b];
	[sflag:s18] =	ssyncadd.s32 $0xFFFFCE00  }
0x13f: {  	[spmem:s2] =	stream.indirect.scatter.add.f32 [tilespmem:s15], [sflag:$0x4], $0x80, s8, s11, $0xb8;
	[tilespmem:$0x1F400] =	vst v63  }
0x140: {  	_ =	swait.ge [sflag:s17], $0x3200  }
0x141: {  	[sflag:s17] =	ssyncset.done $0x0  }
0x142: {  	s8 =	rddreg [dreg:$0x1c];
	[sflag:s17] =	ssyncadd.s32 $0xFFFFCE00  }
0x143: {  	[tilespmem:s13], [sflag:$0x2] =	stream.indirect.gather [hbm4b:s4+s11], $0x80, s8, s11, $0xb8;
	[tilespmem:$0x1F400] =	vst v63  }
0x144: {  	_ =	swait.ge [sflag:s14], $0x3200  }
0x145: {  	[sflag:s14] =	ssyncset.done $0x0  }
0x146: {  	[sflag:s14] =	ssyncadd.s32 $0xFFFFCE00  }
0x147: {  	[spmem:s2] =	stream.indirect.scatter.add.f32 [tilespmem:s12], [sflag:$0x4], $0x80, s19, s11, $0xb8;
	[tilespmem:$0x1F400] =	vst v63  }
0x148: {  	_ =	swait.ge [sflag:s17], $0x3200  }
0x149: {  	[sflag:s17] =	ssyncset.done $0x0  }
0x14a: {  	[sflag:s17] =	ssyncadd.s32 $0xFFFFCE00  }
0x14b: {  	[tilespmem:s15], [sflag:$0x3] =	stream.indirect.gather [hbm4b:s4+s11], $0x80, s20, s11, $0xb8;
	[tilespmem:$0x1F400] =	vst v63  }
0x14c: {  	_ =	swait.ge [sflag:s16], $0x3200  }
0x14d: {  	[sflag:s16] =	ssyncset.done $0x0  }
0x14e: {  	[sflag:s16] =	ssyncadd.s32 $0xFFFFCE00  }
0x14f: {  	[spmem:s2] =	stream.indirect.scatter.add.f32 [tilespmem:s13], [sflag:$0x4], $0x80, s21, s11, $0xb8;
	[tilespmem:$0x1F400] =	vst v63  }
0x150: {  	_ =	swait.ge [sflag:s17], $0x3200  }
0x151: {  	[sflag:s17] =	ssyncset.done $0x0  }
0x152: {  	[sflag:s17] =	ssyncadd.s32 $0xFFFFCE00  }
0x153: {  	[tilespmem:s12], [sflag:$0x1] =	stream.indirect.gather [hbm4b:s4+s11], $0x80, s22, s11, $0xb8;
	[tilespmem:$0x1F400] =	vst v63  }
0x154: {  	_ =	swait.ge [sflag:s18], $0x3200  }
0x155: {  	[sflag:s18] =	ssyncset.done $0x0  }
0x156: {  	[sflag:s18] =	ssyncadd.s32 $0xFFFFCE00  }
0x157: {  	[spmem:s2] =	stream.indirect.scatter.add.f32 [tilespmem:s15], [sflag:$0x4], $0x80, s23, s11, $0xb8;
	[tilespmem:$0x1F400] =	vst v63  }
0x158: {  	_ =	swait.ge [sflag:s17], $0x3200  }
0x159: {  	[sflag:s17] =	ssyncset.done $0x0  }
0x15a: {  	[sflag:s17] =	ssyncadd.s32 $0xFFFFCE00  }
0x15b: {  	[tilespmem:s13], [sflag:$0x2] =	stream.indirect.gather [hbm4b:s4+s11], $0x80, s25, s11, $0xb8;
	[tilespmem:$0x1F400] =	vst v63  }
0x15c: {  	_ =	swait.ge [sflag:s14], $0x3200  }
0x15d: {  	[sflag:s14] =	ssyncset.done $0x0  }
0x15e: {  	[sflag:s14] =	ssyncadd.s32 $0xFFFFCE00  }
0x15f: {  	[spmem:s2] =	stream.indirect.scatter.add.f32 [tilespmem:s12], [sflag:$0x4], $0x80, s26, s11, $0xb8;
	[tilespmem:$0x1F400] =	vst v63  }
0x160: {  	_ =	swait.ge [sflag:s17], $0x3200  }
0x161: {  	[sflag:s17] =	ssyncset.done $0x0  }
0x162: {  	[sflag:s17] =	ssyncadd.s32 $0xFFFFCE00  }
0x163: {  	[tilespmem:s15], [sflag:$0x3] =	stream.indirect.gather [hbm4b:s4+s11], $0x80, s28, s11, $0xb8;
	[tilespmem:$0x1F400] =	vst v63  }
0x164: {  	_ =	swait.ge [sflag:s16], $0x3200  }
0x165: {  	[sflag:s16] =	ssyncset.done $0x0  }
0x166: {  	[sflag:s16] =	ssyncadd.s32 $0xFFFFCE00  }
0x167: {  	[spmem:s2] =	stream.indirect.scatter.add.f32 [tilespmem:s13], [sflag:$0x4], $0x80, s29, s11, $0xb8;
	[tilespmem:$0x1F400] =	vst v63  }
0x168: {  	_ =	swait.ge [sflag:s17], $0x3200  }
0x169: {  	[sflag:s17] =	ssyncset.done $0x0  }
0x16a: {  	[sflag:s17] =	ssyncadd.s32 $0xFFFFCE00  }
0x16b: {  	[tilespmem:s12], [sflag:$0x1] =	stream.indirect.gather [hbm4b:s4+s11], $0x80, s30, s11, $0xb8;
	[tilespmem:$0x1F400] =	vst v63  }
0x16c: {  	_ =	swait.ge [sflag:s18], $0x3200  }
0x16d: {  	[sflag:s18] =	ssyncset.done $0x0  }
0x16e: {  	[sflag:s18] =	ssyncadd.s32 $0xFFFFCE00  }
0x16f: {  	[spmem:s2] =	stream.indirect.scatter.add.f32 [tilespmem:s15], [sflag:$0x4], $0x80, s31, s11, $0xb8;
	[tilespmem:$0x1F400] =	vst v63  }
0x170: {  	_ =	swait.ge [sflag:s17], $0x3200  }
0x171: {  	[sflag:s17] =	ssyncset.done $0x0  }
0x172: {  	[sflag:s17] =	ssyncadd.s32 $0xFFFFCE00  }
0x173: {  	[tilespmem:s13], [sflag:$0x2] =	stream.indirect.gather [hbm4b:s4+s11], $0x80, s1, s11, $0xb8;
	[tilespmem:$0x1F400] =	vst v63  }
0x174: {  	_ =	swait.ge [sflag:s14], $0x3200  }
0x175: {  	[sflag:s14] =	ssyncset.done $0x0  }
0x176: {  	[sflag:s14] =	ssyncadd.s32 $0xFFFFCE00  }
0x177: {  	[spmem:s2] =	stream.indirect.scatter.add.f32 [tilespmem:s12], [sflag:$0x4], $0x80, s0, s11, $0xb8;
	[tilespmem:$0x1F400] =	vst v63  }
0x178: {  	_ =	swait.ge [sflag:s17], $0x3200  }
0x179: {  	[sflag:s17] =	ssyncset.done $0x0  }
0x17a: {  	[sflag:s17] =	ssyncadd.s32 $0xFFFFCE00  }
0x17b: {  	_ =	swait.ge [sflag:s16], $0x3200  }
0x17c: {  	[sflag:s16] =	ssyncset.done $0x0  }
0x17d: {  	p0 =	sne.s32 s6, $0x600;
	[sflag:s16] =	ssyncadd.s32 $0xFFFFCE00  }
0x17e: {  	[spmem:s2] =	stream.indirect.scatter.add.f32 [tilespmem:s13], [sflag:$0x4], $0x80, s5, s11, $0xb8;
	[tilespmem:$0x1F400] =	vst v63  }
.Ltmp0:
0x17f: {  	_ =	swait.ge [sflag:s17], $0x3200;
	(pc) =	sbr.rel @p0 .LBB2_2-.Ltmp0, $4  }
0x180: {  	[sflag:s17] =	ssyncset.done $0x0  }
0x181: {  	[sflag:s17] =	ssyncadd.s32 $0xFFFFCE00  }
0x182: {  	s7 =	smov.u32 s6;
	s6 =	sadd.s32 $0x180, s6;
	_ =	swait.ge [sflag:s17], $0x3200  }
0x183: {  	s24 =	smov.u32 s7;
	s8 =	rddreg [dreg:$0x4];
	[sflag:s17] =	ssyncset.done $0x0  }
0x184: {  	[sflag:s17] =	ssyncadd.s32 $0xFFFFCE00;
	s6 =	sadd.s32 s24, s8  }
0x185: {  	[tilespmem:s3], [sflag:$0x5] =	stream.linear.gather [hbm4b:s6+s3], $0xA00, $0x38;
	[tilespmem:$0x1F400] =	vst v63  }
0x186: {  	_ =	swait.ge [sflag:s9], $0xA00  }
0x187: {  	s8 =	rddreg [dreg:$0x3];
	[sflag:s9] =	ssyncset.done $0x0  }
0x188: {  	s6 =	sadd.s32 s24, s8;
	[sflag:s9] =	ssyncadd.s32 $0xFFFFF600  }
0x189: {  	[tilespmem:s10], [sflag:$0x5] =	stream.linear.gather [hbm4b:s6+s3], $0xA00, $0x38;
	[tilespmem:$0x1F400] =	vst v63  }
0x18a: {  	_ =	swait.ge [sflag:s9], $0xA00  }
0x18b: {  	[sflag:s9] =	ssyncset.done $0x0  }
0x18c: {  	[sflag:s9] =	ssyncadd.s32 $0xFFFFF600  }
0x18d: {  	[tilespmem:s12], [sflag:$0x1] =	stream.indirect.gather [hbm4b:s4+s11], $0x80, s3, s11, $0xb8;
	[tilespmem:$0x1F400] =	vst v63  }
0x18e: {  	s7 =	rddreg [dreg:$0x5]  }
0x18f: {  	[tilespmem:s13], [sflag:$0x2] =	stream.indirect.gather [hbm4b:s4+s11], $0x80, s7, s11, $0xb8;
	[tilespmem:$0x1F400] =	vst v63  }
0x190: {  	_ =	swait.ge [sflag:s14], $0x3200  }
0x191: {  	[sflag:s14] =	ssyncset.done $0x0  }
0x192: {  	[sflag:s14] =	ssyncadd.s32 $0xFFFFCE00  }
0x193: {  	[spmem:s2] =	stream.indirect.scatter.add.f32 [tilespmem:s12], [sflag:$0x4], $0x80, s10, s11, $0xb8;
	[tilespmem:$0x1F400] =	vst v63  }
0x194: {  	s8 =	rddreg [dreg:$0x6]  }
0x195: {  	[tilespmem:s15], [sflag:$0x3] =	stream.indirect.gather [hbm4b:s4+s11], $0x80, s8, s11, $0xb8;
	[tilespmem:$0x1F400] =	vst v63  }
0x196: {  	_ =	swait.ge [sflag:s16], $0x3200  }
0x197: {  	[sflag:s16] =	ssyncset.done $0x0  }
0x198: {  	s24 =	rddreg [dreg:$0x7];
	[sflag:s16] =	ssyncadd.s32 $0xFFFFCE00  }
0x199: {  	[spmem:s2] =	stream.indirect.scatter.add.f32 [tilespmem:s13], [sflag:$0x4], $0x80, s24, s11, $0xb8;
	[tilespmem:$0x1F400] =	vst v63  }
0x19a: {  	_ =	swait.ge [sflag:s17], $0x3200  }
0x19b: {  	[sflag:s17] =	ssyncset.done $0x0  }
0x19c: {  	s7 =	rddreg [dreg:$0x8];
	[sflag:s17] =	ssyncadd.s32 $0xFFFFCE00  }
0x19d: {  	[tilespmem:s12], [sflag:$0x1] =	stream.indirect.gather [hbm4b:s4+s11], $0x80, s7, s11, $0xb8;
	[tilespmem:$0x1F400] =	vst v63  }
0x19e: {  	_ =	swait.ge [sflag:s18], $0x3200  }
0x19f: {  	[sflag:s18] =	ssyncset.done $0x0  }
0x1a0: {  	s8 =	rddreg [dreg:$0x9];
	[sflag:s18] =	ssyncadd.s32 $0xFFFFCE00  }
0x1a1: {  	[spmem:s2] =	stream.indirect.scatter.add.f32 [tilespmem:s15], [sflag:$0x4], $0x80, s8, s11, $0xb8;
	[tilespmem:$0x1F400] =	vst v63  }
0x1a2: {  	_ =	swait.ge [sflag:s17], $0x3200  }
0x1a3: {  	[sflag:s17] =	ssyncset.done $0x0  }
0x1a4: {  	s24 =	rddreg [dreg:$0xa];
	[sflag:s17] =	ssyncadd.s32 $0xFFFFCE00  }
0x1a5: {  	[tilespmem:s13], [sflag:$0x2] =	stream.indirect.gather [hbm4b:s4+s11], $0x80, s24, s11, $0xb8;
	[tilespmem:$0x1F400] =	vst v63  }
0x1a6: {  	_ =	swait.ge [sflag:s14], $0x3200  }
0x1a7: {  	[sflag:s14] =	ssyncset.done $0x0  }
0x1a8: {  	s7 =	rddreg [dreg:$0xb];
	[sflag:s14] =	ssyncadd.s32 $0xFFFFCE00  }
0x1a9: {  	[spmem:s2] =	stream.indirect.scatter.add.f32 [tilespmem:s12], [sflag:$0x4], $0x80, s7, s11, $0xb8;
	[tilespmem:$0x1F400] =	vst v63  }
0x1aa: {  	_ =	swait.ge [sflag:s17], $0x3200  }
0x1ab: {  	[sflag:s17] =	ssyncset.done $0x0  }
0x1ac: {  	s8 =	rddreg [dreg:$0xc];
	[sflag:s17] =	ssyncadd.s32 $0xFFFFCE00  }
0x1ad: {  	[tilespmem:s15], [sflag:$0x3] =	stream.indirect.gather [hbm4b:s4+s11], $0x80, s8, s11, $0xb8;
	[tilespmem:$0x1F400] =	vst v63  }
0x1ae: {  	_ =	swait.ge [sflag:s16], $0x3200  }
0x1af: {  	[sflag:s16] =	ssyncset.done $0x0  }
0x1b0: {  	s24 =	rddreg [dreg:$0xd];
	[sflag:s16] =	ssyncadd.s32 $0xFFFFCE00  }
0x1b1: {  	[spmem:s2] =	stream.indirect.scatter.add.f32 [tilespmem:s13], [sflag:$0x4], $0x80, s24, s11, $0xb8;
	[tilespmem:$0x1F400] =	vst v63  }
0x1b2: {  	_ =	swait.ge [sflag:s17], $0x3200  }
0x1b3: {  	[sflag:s17] =	ssyncset.done $0x0  }
0x1b4: {  	s7 =	rddreg [dreg:$0xe];
	[sflag:s17] =	ssyncadd.s32 $0xFFFFCE00  }
0x1b5: {  	[tilespmem:s12], [sflag:$0x1] =	stream.indirect.gather [hbm4b:s4+s11], $0x80, s7, s11, $0xb8;
	[tilespmem:$0x1F400] =	vst v63  }
0x1b6: {  	_ =	swait.ge [sflag:s18], $0x3200  }
0x1b7: {  	[sflag:s18] =	ssyncset.done $0x0  }
0x1b8: {  	s8 =	rddreg [dreg:$0xf];
	[sflag:s18] =	ssyncadd.s32 $0xFFFFCE00  }
0x1b9: {  	[spmem:s2] =	stream.indirect.scatter.add.f32 [tilespmem:s15], [sflag:$0x4], $0x80, s8, s11, $0xb8;
	[tilespmem:$0x1F400] =	vst v63  }
0x1ba: {  	_ =	swait.ge [sflag:s17], $0x3200  }
0x1bb: {  	[sflag:s17] =	ssyncset.done $0x0  }
0x1bc: {  	s24 =	rddreg [dreg:$0x10];
	[sflag:s17] =	ssyncadd.s32 $0xFFFFCE00  }
0x1bd: {  	[tilespmem:s13], [sflag:$0x2] =	stream.indirect.gather [hbm4b:s4+s11], $0x80, s24, s11, $0xb8;
	[tilespmem:$0x1F400] =	vst v63  }
0x1be: {  	_ =	swait.ge [sflag:s14], $0x3200  }
0x1bf: {  	[sflag:s14] =	ssyncset.done $0x0  }
0x1c0: {  	s7 =	rddreg [dreg:$0x11];
	[sflag:s14] =	ssyncadd.s32 $0xFFFFCE00  }
0x1c1: {  	[spmem:s2] =	stream.indirect.scatter.add.f32 [tilespmem:s12], [sflag:$0x4], $0x80, s7, s11, $0xb8;
	[tilespmem:$0x1F400] =	vst v63  }
0x1c2: {  	_ =	swait.ge [sflag:s17], $0x3200  }
0x1c3: {  	[sflag:s17] =	ssyncset.done $0x0  }
0x1c4: {  	s8 =	rddreg [dreg:$0x12];
	[sflag:s17] =	ssyncadd.s32 $0xFFFFCE00  }
0x1c5: {  	[tilespmem:s15], [sflag:$0x3] =	stream.indirect.gather [hbm4b:s4+s11], $0x80, s8, s11, $0xb8;
	[tilespmem:$0x1F400] =	vst v63  }
0x1c6: {  	_ =	swait.ge [sflag:s16], $0x3200  }
0x1c7: {  	[sflag:s16] =	ssyncset.done $0x0  }
0x1c8: {  	s24 =	rddreg [dreg:$0x13];
	[sflag:s16] =	ssyncadd.s32 $0xFFFFCE00  }
0x1c9: {  	[spmem:s2] =	stream.indirect.scatter.add.f32 [tilespmem:s13], [sflag:$0x4], $0x80, s24, s11, $0xb8;
	[tilespmem:$0x1F400] =	vst v63  }
0x1ca: {  	_ =	swait.ge [sflag:s17], $0x3200  }
0x1cb: {  	[sflag:s17] =	ssyncset.done $0x0  }
0x1cc: {  	s7 =	rddreg [dreg:$0x14];
	[sflag:s17] =	ssyncadd.s32 $0xFFFFCE00  }
0x1cd: {  	[tilespmem:s12], [sflag:$0x1] =	stream.indirect.gather [hbm4b:s4+s11], $0x80, s7, s11, $0xb8;
	[tilespmem:$0x1F400] =	vst v63  }
0x1ce: {  	_ =	swait.ge [sflag:s18], $0x3200  }
0x1cf: {  	[sflag:s18] =	ssyncset.done $0x0  }
0x1d0: {  	s8 =	rddreg [dreg:$0x15];
	[sflag:s18] =	ssyncadd.s32 $0xFFFFCE00  }
0x1d1: {  	[spmem:s2] =	stream.indirect.scatter.add.f32 [tilespmem:s15], [sflag:$0x4], $0x80, s8, s11, $0xb8;
	[tilespmem:$0x1F400] =	vst v63  }
0x1d2: {  	_ =	swait.ge [sflag:s17], $0x3200  }
0x1d3: {  	[sflag:s17] =	ssyncset.done $0x0  }
0x1d4: {  	s24 =	rddreg [dreg:$0x16];
	[sflag:s17] =	ssyncadd.s32 $0xFFFFCE00  }
0x1d5: {  	[tilespmem:s13], [sflag:$0x2] =	stream.indirect.gather [hbm4b:s4+s11], $0x80, s24, s11, $0xb8;
	[tilespmem:$0x1F400] =	vst v63  }
0x1d6: {  	_ =	swait.ge [sflag:s14], $0x3200  }
0x1d7: {  	[sflag:s14] =	ssyncset.done $0x0  }
0x1d8: {  	s7 =	rddreg [dreg:$0x17];
	[sflag:s14] =	ssyncadd.s32 $0xFFFFCE00  }
0x1d9: {  	[spmem:s2] =	stream.indirect.scatter.add.f32 [tilespmem:s12], [sflag:$0x4], $0x80, s7, s11, $0xb8;
	[tilespmem:$0x1F400] =	vst v63  }
0x1da: {  	_ =	swait.ge [sflag:s17], $0x3200  }
0x1db: {  	[sflag:s17] =	ssyncset.done $0x0  }
0x1dc: {  	s8 =	rddreg [dreg:$0x18];
	[sflag:s17] =	ssyncadd.s32 $0xFFFFCE00  }
0x1dd: {  	[tilespmem:s15], [sflag:$0x3] =	stream.indirect.gather [hbm4b:s4+s11], $0x80, s8, s11, $0xb8;
	[tilespmem:$0x1F400] =	vst v63  }
0x1de: {  	_ =	swait.ge [sflag:s16], $0x3200  }
0x1df: {  	[sflag:s16] =	ssyncset.done $0x0  }
0x1e0: {  	s24 =	rddreg [dreg:$0x19];
	[sflag:s16] =	ssyncadd.s32 $0xFFFFCE00  }
0x1e1: {  	[spmem:s2] =	stream.indirect.scatter.add.f32 [tilespmem:s13], [sflag:$0x4], $0x80, s24, s11, $0xb8;
	[tilespmem:$0x1F400] =	vst v63  }
0x1e2: {  	_ =	swait.ge [sflag:s17], $0x3200  }
0x1e3: {  	[sflag:s17] =	ssyncset.done $0x0  }
0x1e4: {  	s7 =	rddreg [dreg:$0x1a];
	[sflag:s17] =	ssyncadd.s32 $0xFFFFCE00  }
0x1e5: {  	[tilespmem:s12], [sflag:$0x1] =	stream.indirect.gather [hbm4b:s4+s11], $0x80, s7, s11, $0xb8;
	[tilespmem:$0x1F400] =	vst v63  }
0x1e6: {  	_ =	swait.ge [sflag:s18], $0x3200  }
0x1e7: {  	[sflag:s18] =	ssyncset.done $0x0  }
0x1e8: {  	s8 =	rddreg [dreg:$0x1b];
	[sflag:s18] =	ssyncadd.s32 $0xFFFFCE00  }
0x1e9: {  	[spmem:s2] =	stream.indirect.scatter.add.f32 [tilespmem:s15], [sflag:$0x4], $0x80, s8, s11, $0xb8;
	[tilespmem:$0x1F400] =	vst v63  }
0x1ea: {  	_ =	swait.ge [sflag:s17], $0x3200  }
0x1eb: {  	[sflag:s17] =	ssyncset.done $0x0  }
0x1ec: {  	s24 =	rddreg [dreg:$0x1c];
	[sflag:s17] =	ssyncadd.s32 $0xFFFFCE00  }
0x1ed: {  	[tilespmem:s13], [sflag:$0x2] =	stream.indirect.gather [hbm4b:s4+s11], $0x80, s24, s11, $0xb8;
	[tilespmem:$0x1F400] =	vst v63  }
0x1ee: {  	_ =	swait.ge [sflag:s14], $0x3200  }
0x1ef: {  	[sflag:s14] =	ssyncset.done $0x0  }
0x1f0: {  	[sflag:s14] =	ssyncadd.s32 $0xFFFFCE00  }
0x1f1: {  	[spmem:s2] =	stream.indirect.scatter.add.f32 [tilespmem:s12], [sflag:$0x4], $0x80, s19, s11, $0xb8;
	[tilespmem:$0x1F400] =	vst v63  }
0x1f2: {  	_ =	swait.ge [sflag:s17], $0x3200  }
0x1f3: {  	[sflag:s17] =	ssyncset.done $0x0  }
0x1f4: {  	[sflag:s17] =	ssyncadd.s32 $0xFFFFCE00  }
0x1f5: {  	[tilespmem:s15], [sflag:$0x3] =	stream.indirect.gather [hbm4b:s4+s11], $0x80, s20, s11, $0xb8;
	[tilespmem:$0x1F400] =	vst v63  }
0x1f6: {  	_ =	swait.ge [sflag:s16], $0x3200  }
0x1f7: {  	[sflag:s16] =	ssyncset.done $0x0  }
0x1f8: {  	[sflag:s16] =	ssyncadd.s32 $0xFFFFCE00  }
0x1f9: {  	[spmem:s2] =	stream.indirect.scatter.add.f32 [tilespmem:s13], [sflag:$0x4], $0x80, s21, s11, $0xb8;
	[tilespmem:$0x1F400] =	vst v63  }
0x1fa: {  	_ =	swait.ge [sflag:s17], $0x3200  }
0x1fb: {  	[sflag:s17] =	ssyncset.done $0x0  }
0x1fc: {  	[sflag:s17] =	ssyncadd.s32 $0xFFFFCE00  }
0x1fd: {  	[tilespmem:s12], [sflag:$0x1] =	stream.indirect.gather [hbm4b:s4+s11], $0x80, s22, s11, $0xb8;
	[tilespmem:$0x1F400] =	vst v63  }
0x1fe: {  	_ =	swait.ge [sflag:s18], $0x3200  }
0x1ff: {  	[sflag:s18] =	ssyncset.done $0x0  }
0x200: {  	[sflag:s18] =	ssyncadd.s32 $0xFFFFCE00  }
0x201: {  	[spmem:s2] =	stream.indirect.scatter.add.f32 [tilespmem:s15], [sflag:$0x4], $0x80, s23, s11, $0xb8;
	[tilespmem:$0x1F400] =	vst v63  }
0x202: {  	_ =	swait.ge [sflag:s17], $0x3200  }
0x203: {  	[sflag:s17] =	ssyncset.done $0x0  }
0x204: {  	[sflag:s17] =	ssyncadd.s32 $0xFFFFCE00  }
0x205: {  	[tilespmem:s13], [sflag:$0x2] =	stream.indirect.gather [hbm4b:s4+s11], $0x80, s25, s11, $0xb8;
	[tilespmem:$0x1F400] =	vst v63  }
0x206: {  	_ =	swait.ge [sflag:s14], $0x3200  }
0x207: {  	[sflag:s14] =	ssyncset.done $0x0  }
0x208: {  	[sflag:s14] =	ssyncadd.s32 $0xFFFFCE00  }
0x209: {  	[spmem:s2] =	stream.indirect.scatter.add.f32 [tilespmem:s12], [sflag:$0x4], $0x80, s26, s11, $0xb8;
	[tilespmem:$0x1F400] =	vst v63  }
0x20a: {  	_ =	swait.ge [sflag:s17], $0x3200  }
0x20b: {  	[sflag:s17] =	ssyncset.done $0x0  }
0x20c: {  	[sflag:s17] =	ssyncadd.s32 $0xFFFFCE00  }
0x20d: {  	[tilespmem:s15], [sflag:$0x3] =	stream.indirect.gather [hbm4b:s4+s11], $0x80, s28, s11, $0xb8;
	[tilespmem:$0x1F400] =	vst v63  }
0x20e: {  	_ =	swait.ge [sflag:s16], $0x3200  }
0x20f: {  	[sflag:s16] =	ssyncset.done $0x0  }
0x210: {  	[sflag:s16] =	ssyncadd.s32 $0xFFFFCE00  }
0x211: {  	[spmem:s2] =	stream.indirect.scatter.add.f32 [tilespmem:s13], [sflag:$0x4], $0x80, s29, s11, $0xb8;
	[tilespmem:$0x1F400] =	vst v63  }
0x212: {  	_ =	swait.ge [sflag:s17], $0x3200  }
0x213: {  	[sflag:s17] =	ssyncset.done $0x0  }
0x214: {  	[sflag:s17] =	ssyncadd.s32 $0xFFFFCE00  }
0x215: {  	[tilespmem:s12], [sflag:$0x1] =	stream.indirect.gather [hbm4b:s4+s11], $0x80, s30, s11, $0xb8;
	[tilespmem:$0x1F400] =	vst v63  }
0x216: {  	_ =	swait.ge [sflag:s18], $0x3200  }
0x217: {  	[sflag:s18] =	ssyncset.done $0x0  }
0x218: {  	[sflag:s18] =	ssyncadd.s32 $0xFFFFCE00  }
0x219: {  	[spmem:s2] =	stream.indirect.scatter.add.f32 [tilespmem:s15], [sflag:$0x4], $0x80, s31, s11, $0xb8;
	[tilespmem:$0x1F400] =	vst v63  }
0x21a: {  	_ =	swait.ge [sflag:s17], $0x3200  }
0x21b: {  	[sflag:s17] =	ssyncset.done $0x0  }
0x21c: {  	[sflag:s17] =	ssyncadd.s32 $0xFFFFCE00  }
0x21d: {  	[tilespmem:s13], [sflag:$0x2] =	stream.indirect.gather [hbm4b:s4+s11], $0x80, s1, s11, $0xb8;
	[tilespmem:$0x1F400] =	vst v63  }
0x21e: {  	_ =	swait.ge [sflag:s14], $0x3200  }
0x21f: {  	[sflag:s14] =	ssyncset.done $0x0  }
0x220: {  	[sflag:s14] =	ssyncadd.s32 $0xFFFFCE00  }
0x221: {  	[spmem:s2] =	stream.indirect.scatter.add.f32 [tilespmem:s12], [sflag:$0x4], $0x80, s0, s11, $0xb8;
	[tilespmem:$0x1F400] =	vst v63  }
0x222: {  	_ =	swait.ge [sflag:s17], $0x3200  }
0x223: {  	[sflag:s17] =	ssyncset.done $0x0  }
0x224: {  	[sflag:s17] =	ssyncadd.s32 $0xFFFFCE00  }
0x225: {  	_ =	swait.ge [sflag:s16], $0x3200  }
0x226: {  	[sflag:s16] =	ssyncset.done $0x0  }
0x227: {  	[sflag:s16] =	ssyncadd.s32 $0xFFFFCE00  }
0x228: {  	[spmem:s2] =	stream.indirect.scatter.add.f32 [tilespmem:s13], [sflag:$0x4], $0x80, s5, s11, $0xb8;
	[tilespmem:$0x1F400] =	vst v63  }
0x229: {  	_ =	swait.ge [sflag:s17], $0x3200  }
0x22a: {  	[sflag:s17] =	ssyncset.done $0x0  }
0x22b: {  	[sflag:s17] =	ssyncadd.s32 $0xFFFFCE00  }
0x22c: {  	_ =	swait.ge [sflag:s17], $0x3200  }
0x22d: {  	[sflag:s17] =	ssyncset.done $0x0  }
0x22e: {  	[sflag:s17] =	ssyncadd.s32 $0xFFFFCE00  }
0x22f: {  	[bflag:$0x0] =	sbarrier.arrive $0xFFFF  }
0x230: {  	s8 =	sld [smem:$0x7FD]  }
0x231: {  	s7 =	sld [smem:$0x7FC];
	_ =	sdelay $0x1  }
0x232: {  	s24 =	rddreg [dreg:$0x1e]  }
0x233: {  	[hbm:s7], [sflag:s24] =	dma.local [spmem:s8], $0x2800  }
0x234: {  	_ =	swait.ge [sflag:s9], $0x2800  }
0x235: {  	s7 =	sld [smem:$0x7FB];
	_ =	sdelay $0x2  }
0x236: {  	s6 =	rddreg [dreg:$0x1f];
	s7 =	sadd.s32 $0x1, s7  }
0x237: {  	p0 =	sne.s32 s7, s6  }
.Ltmp1:
0x238: {  	_ = 	snop;
	(pc) =	sbr.rel @p0 .LBB2_1-.Ltmp1, $3  }
0x239: {  	_ =	sdelay $0x1  }
0x23a: {  	[sflag:s9] =	ssyncset.done $0x0  }
0x23b: {  	[sflag:s9] =	ssyncadd.s32 $0xFFFFD800  }
0x23c: {  	_ =	sfence.sel $0x180000  }
0x23d: {  	[bflag:$0x0] =	sbarrier.arrive $0xFFFF  }
0x23e: {  	_ =	strace $0x9000004A  }
0x23f: {  	s0 =	stileid.u32;
	[bflag:$0x2] =	sbarrier.arrive $0xFFFF  }
0x240: {  	p0 =	sne.s32 s0, $0x0;
	s0 =	rddreg [dreg:$0x2]  }
0x241: {  	s0 =	sadd.s32 @!p0 $0x100000, s0  }
0x242: {  	[sflag:s0] =	ssyncadd.tile.s32 @!p0 $0x1;
	_ =	shalt  }
.Lfunc_end2:
_tile_overlayer_lowered:
.L_overlay_start_2:
0x243: {  	(tag) =	ssettag $0x2  }
0x244: {  	s0 =	rddreg [dreg:$0x0];
	s2 =	stileid.u32  }
0x245: {  	s1 =	rddreg [dreg:$0x1];
	p0 =	sne.s32 s2, $0x0  }
0x246: {  	s3 =	rddreg [dreg:$0x2];
	[bflag:$0x3] =	sbarrier.arrive $0xFFFF;
	s2 =	simm.s32 @!p0 $0x1C05  }
0x247: {  	[timem:s3], [sflag:s2] =	dma.local @!p0 [hbm:s0], s1  }
0x248: {  	s0 =	simm.s32 @!p0 $0x5  }
0x249: {  	_ =	swait.ge @!p0 [sflag:s0], s1  }
0x24a: {  	s1 =	ssub.s32 @!p0 $0x0, s1;
	[sflag:s0] =	ssyncset.done @!p0 $0x0  }
0x24b: {  	[sflag:s0] =	ssyncadd.s32 @!p0 s1  }
0x24c: {  	[bflag:$0x3] =	sbarrier.arrive $0xFFFF  }
0x24d: {  	_ =	shalt  }

// kernel: kernel.16.cloned.1.call-start
scs
__scs_entry_jumppad:
0x0: {  	(pc) =	sbr.rel $0x88, $3  }
0x1: {  	(tag) =	ssettag $0x0;
	lr =	simm.s32 $0x1  }
0x2: {  	[smem:$0x3F8E] =	sst lr;
	_ =	strace $0xD0000000  }
0x3: {  	_ = 	snop  }
0x4: {  	_ = 	snop  }
0x5: {  	_ = 	snop  }
0x6: {  	_ = 	snop  }
0x7: {  	_ = 	snop  }
__scs_overlays_trampoline_lowered:
0x8: {  	[smem:$0x3F9D] =	sst s0  }
0x9: {  	[smem:$0x3F9E] =	sst s1  }
0xa: {  	[smem:$0x3F9F] =	sst s2  }
0xb: {  	[smem:$0x3FA0] =	sst s3  }
0xc: {  	[smem:$0x3FA1] =	sst s4  }
0xd: {  	[smem:$0x3FA2] =	sst s5  }
0xe: {  	[smem:$0x3FA3] =	sst s6  }
0xf: {  	[smem:$0x3FA4] =	sst s7  }
0x10: {  	[smem:$0x3FA5] =	sst s8  }
0x11: {  	[smem:$0x3FA6] =	sst s9;
	s0 =	simm.s32 @!p0 $0x0  }
0x12: {  	s1 =	sld [smem:$0x3F8C];
	s0 =	simm.s32 @p0 $0x1  }
0x13: {  	[smem:$0x3FA7] =	sst s0;
	s0 =	simm.s32 @!p1 $0x0  }
0x14: {  	s2 =	sld [smem:$0x3F8B];
	s0 =	simm.s32 @p1 $0x1  }
0x15: {  	[smem:$0x3FA8] =	sst s0;
	s0 =	simm.s32 @!p2 $0x0  }
0x16: {  	s3 =	sld [smem:$0x3FDB];
	s0 =	simm.s32 @p2 $0x1  }
0x17: {  	s4 =	simm.s32 $0x1BF5;
	[smem:$0x3FAA] =	sst s0  }
0x18: {  	s0 =	sld [smem:$0x3F8D];
	_ =	swait.ge [sflag:s4], $0x0  }
0x19: {  	s7 =	sld [smem:$0x3F8E]  }
0x1a: {  	s8 =	sadd.s32 $0xFFFFE003, lr  }
0x1b: {  	s9 =	sadd.s32 $0xFFFFFEF7, lr;
	s5 =	simm.s32 $0xFFFFFFFF;
	p2 =	slt.u32 s8, $0xFFFFF086  }
0x1c: {  	p1 =	slt.u32 s9, $0xF7A;
	s5 =	simm.s32 @!p2 $0x0  }
0x1d: {  	s5 =	simm.s32 @p1 $0x1;
	p0 =	seq.s32 s7, s2  }
0x1e: {  	s7 =	smul.u32 @!p0 $0xF7A, s2;
	p2 =	seq.s32 @!p0 s5, $0x0  }
0x1f: {  	s9 =	smul.u32 $0xF7A, s1;
	s8 =	simm.s32 @!p0 $0x1BF5;
	p2 =	por !p2, p0  }
0x20: {  	[sflag:s8] =	ssyncset.s32 @!p0 $0xFFFFF086;
	s6 =	sadd.s32 @!p0 s3, s7;
	s7 =	simm.s32 @!p0 $0x108  }
0x21: {  	s3 =	sadd.s32 s3, s9;
	s6 =	sadd.s32 @!p0 $0x88, s6;
	s7 =	simm.s32 @p2 $0x1082  }
0x22: {  	[simem:s7], [sflag:s8] =	dma.local @!p0 [hbm:s6], $0xF7A  }
0x23: {  	s9 =	sor.u32 $0xD0000000, s2;
	s6 =	simm.s32 $0x108;
	_ =	swait.ge @!p0 [sflag:s8], $0x0  }
0x24: {  	s3 =	sadd.s32 $0x88, s3;
	s6 =	simm.s32 @!p1 $0x1082;
	[sflag:s4] =	ssyncset.s32 $0xFFFFF086  }
0x25: {  	[simem:s6], [sflag:s4] =	dma.local [hbm:s3], $0xF7A  }
0x26: {  	[smem:$0x3F8E] =	sst s1;
	(tag) =	ssettag s2;
	_ =	strace s9  }
0x27: {  	s1 =	sld [smem:$0x3F9E]  }
0x28: {  	s2 =	sld [smem:$0x3F9F]  }
0x29: {  	s4 =	sld [smem:$0x3FA1]  }
0x2a: {  	p0 =	seq.s32 s5, $0x0;
	s5 =	sld [smem:$0x3FA2]  }
0x2b: {  	s6 =	sld [smem:$0x3FA3]  }
0x2c: {  	s7 =	sld [smem:$0x3FA4]  }
0x2d: {  	s3 =	simm.s32 $0x108;
	s8 =	sld [smem:$0x3FA5]  }
0x2e: {  	s3 =	simm.s32 @!p0 $0x1082;
	s9 =	sld [smem:$0x3FA6]  }
0x2f: {  	lr =	sadd.s32 s0, s3;
	s0 =	sld [smem:$0x3F9D]  }
0x30: {  	s3 =	sld [smem:$0x3FA0]  }
0x31: {  	[smem:$0x3FA9] =	sst s10  }
0x32: {  	s10 =	sld [smem:$0x3FA7];
	_ =	sdelay $0x3  }
0x33: {  	p0 =	seq.s32 s10, $0x1;
	s10 =	sld [smem:$0x3FA9];
	_ =	sdelay $0x3  }
0x34: {  	[smem:$0x3FA9] =	sst s10  }
0x35: {  	s10 =	sld [smem:$0x3FA8];
	_ =	sdelay $0x3  }
0x36: {  	p1 =	seq.s32 s10, $0x1;
	s10 =	sld [smem:$0x3FA9];
	_ =	sdelay $0x3  }
0x37: {  	[smem:$0x3FA9] =	sst s10  }
0x38: {  	s10 =	sld [smem:$0x3FAA]  }
0x39: {  	_ = 	snop;
	(pc) =	sbr.ind lr, $3  }
0x3a: {  	_ = 	snop  }
0x3b: {  	_ = 	snop  }
0x3c: {  	p2 =	seq.s32 s10, $0x1;
	s10 =	sld [smem:$0x3FA9]  }
0x3d: {  	_ =	shalt  }
0x3e: {  	_ =	shalt  }
0x3f: {  	_ =	shalt  }
0x40: {  	_ =	shalt  }
0x41: {  	_ =	shalt  }
0x42: {  	_ =	shalt  }
0x43: {  	_ =	shalt  }
0x44: {  	_ =	shalt  }
0x45: {  	_ =	shalt  }
0x46: {  	_ =	shalt  }
0x47: {  	_ =	shalt  }
0x48: {  	_ =	shalt  }
0x49: {  	_ =	shalt  }
0x4a: {  	_ =	shalt  }
0x4b: {  	_ =	shalt  }
0x4c: {  	_ =	shalt  }
0x4d: {  	_ =	shalt  }
0x4e: {  	_ =	shalt  }
0x4f: {  	_ =	shalt  }
0x50: {  	_ =	shalt  }
0x51: {  	_ =	shalt  }
0x52: {  	_ =	shalt  }
0x53: {  	_ =	shalt  }
0x54: {  	_ =	shalt  }
0x55: {  	_ =	shalt  }
0x56: {  	_ =	shalt  }
0x57: {  	_ =	shalt  }
0x58: {  	_ =	shalt  }
0x59: {  	_ =	shalt  }
0x5a: {  	_ =	shalt  }
0x5b: {  	_ =	shalt  }
0x5c: {  	_ =	shalt  }
0x5d: {  	_ =	shalt  }
0x5e: {  	_ =	shalt  }
0x5f: {  	_ =	shalt  }
0x60: {  	_ =	shalt  }
0x61: {  	_ =	shalt  }
0x62: {  	_ =	shalt  }
0x63: {  	_ =	shalt  }
0x64: {  	_ =	shalt  }
0x65: {  	_ =	shalt  }
0x66: {  	_ =	shalt  }
0x67: {  	_ =	shalt  }
0x68: {  	_ =	shalt  }
0x69: {  	_ =	shalt  }
0x6a: {  	_ =	shalt  }
0x6b: {  	_ =	shalt  }
0x6c: {  	_ =	shalt  }
0x6d: {  	_ =	shalt  }
0x6e: {  	_ =	shalt  }
0x6f: {  	_ =	shalt  }
0x70: {  	_ =	shalt  }
0x71: {  	_ =	shalt  }
0x72: {  	_ =	shalt  }
0x73: {  	_ =	shalt  }
0x74: {  	_ =	shalt  }
0x75: {  	_ =	shalt  }
0x76: {  	_ =	shalt  }
0x77: {  	_ =	shalt  }
0x78: {  	_ =	shalt  }
0x79: {  	_ =	shalt  }
0x7a: {  	_ =	shalt  }
0x7b: {  	_ =	shalt  }
0x7c: {  	_ =	shalt  }
0x7d: {  	_ =	shalt  }
0x7e: {  	_ =	shalt  }
0x7f: {  	_ =	shalt  }
0x80: {  	_ =	shalt  }
0x81: {  	_ =	shalt  }
0x82: {  	_ =	shalt  }
0x83: {  	_ =	shalt  }
0x84: {  	_ =	shalt  }
0x85: {  	_ =	shalt  }
0x86: {  	_ =	shalt  }
0x87: {  	_ =	shalt  }
.Lfunc_end0:
.L_simem_size_0:
called_computation.2_lowered:
.L_overlay_start_0:
0x88: {  	s2 =	sld [smem:$0x3FD9]  }
0x89: {  	s3 =	sld [smem:$0x3FFE];
	_ =	sdelay $0x1  }
0x8a: {  	s1 =	srdreg.scid  }
0x8b: {  	s0 =	sand.u32 $0x1, s1  }
0x8c: {  	s16 =	sshll.u32 s0, $0xA;
	s2 =	sadd.s32 s3, s2  }
0x8d: {  	s2 =	sadd.s32 s2, s16  }
0x8e: {  	[smem:$0x3FB5] =	sst s2  }
0x8f: {  	_ = 	snop  }
0x90: {  	(tm) =	ssettm $0x1  }
0x91: {  	s17 =	sld [smem:$0x3FFB];
	_ =	sdelay $0x3  }
0x92: {  	_ =	strace s17  }
0x93: {  	s2 =	sld [smem:$0x3FFC];
	_ =	sdelay $0x3  }
0x94: {  	_ =	strace s2  }
0x95: {  	s2 =	sld [smem:$0x3FFD];
	_ =	sdelay $0x3  }
0x96: {  	_ =	strace s2  }
0x97: {  	_ =	strace $0x8FFFFFFF  }
0x98: {  	s18 =	sld [smem:$0x3FDB];
	_ =	sdelay $0x1  }
0x99: {  	s19 =	simm.s32 $_scs_section_size  }
0x9a: {  	s4 =	simm.s32 $_size__tile_overlayer_lowered;
	s5 =	simm.s32 $_tile_overlayer_lowered  }
0x9b: {  	s22 =	simm.s32 $0x1BFF;
	s21 =	sshll.u32 s5, $0x1;
	s2 =	sadd.s32 s19, s18  }
0x9c: {  	s6 =	simm.s32 $0x0;
	s20 =	sshll.u32 s4, $0x1;
	s4 =	sadd.s32 s21, s2  }
0x9d: {  	[timem:s6], [sflag:s22] =	dma.local [hbm:s4], s20  }
0x9e: {  	_ =	swait.ge [sflag:s22], s20  }
0x9f: {  	s3 =	ssub.s32 $0x0, s20;
	[sflag:s22] =	ssyncset.done $0x0  }
0xa0: {  	[sflag:s22] =	ssyncadd.s32 s3;
	_ =	sdelay $0x1  }
0xa1: {  	s23 =	simm.s32 $0x1B8B  }
0xa2: {  	_ =	swait.ge [sflag:s23], $0x1  }
0xa3: {  	[sflag:s23] =	ssyncset.done $0x0  }
0xa4: {  	s25 =	simm.s32 $0x1B8E;
	s24 =	sld [smem:$0x3FFE];
	[sflag:s23] =	ssyncadd.s32 $0xFFFFFFFF  }
0xa5: {  	s26 =	simm.s32 $execute0_lowered;
	[smem:$0x3FD2] =	sst s25  }
0xa6: {  	s4 =	sshll.u32 s26, $0x1;
	_ =	strace $0x8000004C;
	[dreg:$0x1] =	wrdreg $0xFFFFFFFF  }
0xa7: {  	s28 =	simm.s32 $_size_execute0_lowered;
	s2 =	sadd.s32 s2, s4;
	[dreg:$0x0] =	wrdreg $0x0  }
0xa8: {  	s4 =	sshll.u32 s28, $0x1;
	[dreg:$0x2] =	wrdreg s2  }
0xa9: {  	[dreg:$0x3] =	wrdreg s4  }
0xaa: {  	[dreg:$0x4] =	wrdreg $0xC0  }
0xab: {  	_ =	task [dreg:s6], $0x5FFFF  }
0xac: {  	[dreg:$0x1] =	wrdreg $0xFFFFFFFF  }
0xad: {  	[dreg:$0x0] =	wrdreg $0x60  }
0xae: {  	[dreg:$0x2] =	wrdreg s24  }
0xaf: {  	[dreg:$0x3] =	wrdreg $0xB4000  }
0xb0: {  	[dreg:$0x4] =	wrdreg $0x9  }
0xb1: {  	_ =	task.clear_ibuf [dreg:s6], $0x5FFFF;
	_ =	strace $0x9000004C  }
0xb2: {  	s29 =	simm.s32 $0x9;
	_ =	strace $0x8000004E  }
0xb3: {  	_ =	swait.ge [sflag:s29], $0x1  }
0xb4: {  	[sflag:s29] =	ssyncadd.s32 $0xFFFFFFFF  }
0xb5: {  	_ =	strace $0x9000004E  }
0xb6: {  	_ =	sfence  }
0xb7: {  	s30 =	sld [smem:$0x0];
	_ =	sdelay $0x2  }
0xb8: {  	s31 =	sshll.u32 s1, $0xD;
	s1 =	sshrl.u32 s1, $0x2  }
0xb9: {  	s3 =	sand.u32 $0x4000, s31;
	s1 =	sadd.s32 s1, s30  }
0xba: {  	s0 =	sor.u32 s3, s0;
	s1 =	sshll.u32 s1, $0x11  }
0xbb: {  	s0 =	sor.u32 s1, s0  }
0xbc: {  	s0 =	sadd.s32 $0x8F2B, s0  }
0xbd: {  	[sflag:s0] =	ssyncadd.remote.s32 $0x1  }
0xbe: {  	_ =	sfence.sel $0xFFFF  }
0xbf: {  	[dreg:$0x0] =	wrdreg $0xFFFFFFFF;
	(pc) =	sbr.abs _section_cstart, $3  }
0xc0: {  	[dreg:$0x1] =	wrdreg $0xFFFFFFFF  }
0xc1: {  	_ =	task.clear_ibuf [dreg:s6], $0x2FFFF;
	_ =	strace $0x9FFFFFFF  }
0xc2: {  	(tm) =	ssettm $0x7FFFFFFF  }
0xc3: {  	_ =	shalt  }
tec
execute0_lowered:
.L_overlay_start_1:
0x0: {  	(tag) =	ssettag $0x1  }
0x1: {  	s0 =	srdreg.scid  }
0x2: {  	s8 =	stileid.u32;
	s5 =	rddreg [dreg:$0x0]  }
0x3: {  	s2 =	rddreg [dreg:$0x1];
	s0 =	sand.u32 $0x1, s0;
	s3 =	smul.u32 $0x3C00, s8  }
0x4: {  	s26 =	simm.s32 $0x80;
	s10 =	simm.s32 $0x100;
	s1 =	smul.u32 $0x3C000, s0  }
0x5: {  	s11 =	simm.s32 $0xC80;
	s12 =	simm.s32 $0x180;
	s14 =	simm.s32 $0xD00  }
0x6: {  	s16 =	simm.s32 $0x200;
	s1 =	sadd.s32 s3, s1;
	s3 =	simm.s32 $0x0  }
0x7: {  	s17 =	simm.s32 $0xD80;
	s9 =	sadd.s32 $0x49E00, s5;
	[smem:$0x7FF] =	sst s3  }
0x8: {  	s19 =	simm.s32 $0x280;
	_ =	strace $0x8000004D;
	[dreg:$0x1d] =	wrdreg s9  }
0x9: {  	s20 =	simm.s32 $0xE00;
	s22 =	simm.s32 $0x300;
	[dreg:$0x5] =	wrdreg s26  }
0xa: {  	s23 =	simm.s32 $0xE80;
	s28 =	simm.s32 $0x880;
	[dreg:$0x6] =	wrdreg s10  }
0xb: {  	s29 =	simm.s32 $0x1400;
	s30 =	simm.s32 $0x900;
	[dreg:$0x7] =	wrdreg s11  }
0xc: {  	s31 =	simm.s32 $0x1480;
	s6 =	sadd.s32 $0x4C00, s5;
	[dreg:$0x8] =	wrdreg s12  }
0xd: {  	s15 =	smul.u32 $0x50000, s8;
	s21 =	sshll.u32 s8, $0x6;
	[dreg:$0x9] =	wrdreg s14  }
0xe: {  	s25 =	smul.u32 $0x28000, s0;
	s0 =	ssub.s32 $0x2, s0;
	[dreg:$0xa] =	wrdreg s16  }
0xf: {  	s24 =	sor.u32 $0x1C05, s21;
	s21 =	simm.s32 $0x1100;
	[dreg:$0xb] =	wrdreg s17  }
0x10: {  	s13 =	sshrl.u32 s0, $0x1;
	s18 =	sshrl.u32 s15, $0x2;
	[dreg:$0xc] =	wrdreg s19  }
0x11: {  	s15 =	simm.s32 $0xF80;
	s0 =	ssub.s32 s0, s13;
	[dreg:$0xd] =	wrdreg s20  }
0x12: {  	s13 =	simm.s32 $0xF00;
	s4 =	sadd.s32 $0x78000, s1;
	[dreg:$0xe] =	wrdreg s22  }
0x13: {  	s1 =	sshrl.u32 s1, $0x3;
	s0 =	smax.u32 s0, $0x1;
	[dreg:$0xf] =	wrdreg s23  }
0x14: {  	s4 =	sshrl.u32 s4, $0x3;
	s1 =	sadd.s32 s1, s6;
	[dreg:$0x1f] =	wrdreg s0  }
0x15: {  	s26 =	smul.u32 $0x2800, s8;
	[dreg:$0x11] =	wrdreg s13;
	s14 =	simm.s32 $0x400  }
0x16: {  	s9 =	simm.s32 $0x5;
	[dreg:$0x13] =	wrdreg s15;
	s16 =	simm.s32 $0x480  }
0x17: {  	s10 =	simm.s32 $0xC00;
	s17 =	simm.s32 $0x1000;
	s11 =	simm.s32 $0x64  }
0x18: {  	s12 =	simm.s32 $0x1800;
	s19 =	simm.s32 $0x1080;
	[dreg:$0x19] =	wrdreg s21  }
0x19: {  	s13 =	simm.s32 $0x4C00;
	s20 =	simm.s32 $0x580;
	[dreg:$0x1e] =	wrdreg s24  }
0x1a: {  	s15 =	simm.s32 $0x8000;
	s22 =	simm.s32 $0x600;
	[dreg:$0x4] =	wrdreg s1  }
0x1b: {  	s23 =	simm.s32 $0x1180;
	s21 =	simm.s32 $0x1280;
	[dreg:$0x12] =	wrdreg s14  }
0x1c: {  	s0 =	simm.s32 $0x1500;
	s7 =	sadd.s32 s4, s6;
	[dreg:$0x14] =	wrdreg s16  }
0x1d: {  	s4 =	sadd.s32 $0x22C00, s5;
	s5 =	sadd.s32 s25, s5;
	[dreg:$0x15] =	wrdreg s17  }
0x1e: {  	s6 =	sadd.s32 s18, s2;
	s25 =	simm.s32 $0x380;
	[dreg:$0x17] =	wrdreg s19  }
0x1f: {  	s18 =	simm.s32 $0x500;
	s14 =	simm.s32 $0x1;
	[dreg:$0x18] =	wrdreg s20  }
0x20: {  	s16 =	simm.s32 $0x2;
	[dreg:$0x1a] =	wrdreg s22;
	s17 =	simm.s32 $0x4  }
0x21: {  	[dreg:$0x1b] =	wrdreg s23;
	s19 =	simm.s32 $0x1200;
	s20 =	simm.s32 $0x700  }
0x22: {  	s22 =	simm.s32 $0x780;
	s23 =	simm.s32 $0x1300;
	[dreg:$0x3] =	wrdreg s7  }
0x23: {  	s1 =	simm.s32 $0x980;
	s5 =	sadd.s32 $0x4C600, s5;
	[dreg:$0x10] =	wrdreg s25  }
0x24: {  	s8 =	sshrl.u32 s6, $0x3;
	[dreg:$0x16] =	wrdreg s18;
	s25 =	simm.s32 $0x680  }
0x25: {  	s18 =	simm.s32 $0x3;
	s7 =	simm.s32 $0x0;
	[dreg:$0x1c] =	wrdreg s25  }
0x26: {  	s26 =	sadd.s32 s26, s5;
	s25 =	simm.s32 $0x800;
	[smem:$0x7FD] =	sst s8  }
0x27: {  	s5 =	simm.s32 $0x1580;
	[smem:$0x7FC] =	sst s26;
	s26 =	simm.s32 $0x1380  }
.LBB2_1:
0x28: {  	[smem:$0x7FB] =	sst s7  }
0x29: {  	s6 =	rddreg [dreg:$0x1d]  }
0x2a: {  	[spmem:s8], [sflag:s24] =	dma.local [hbm:s6], $0x2800  }
0x2b: {  	_ =	swait.ge [sflag:s9], $0x2800  }
0x2c: {  	[sflag:s9] =	ssyncset.done $0x0  }
0x2d: {  	[sflag:s9] =	ssyncadd.s32 $0xFFFFD800  }
0x2e: {  	[bflag:$0x0] =	sbarrier.arrive $0xFFFF  }
0x2f: {  	s8 =	rddreg [dreg:$0x4]  }
0x30: {  	s6 =	sadd.s32 $0x0, s8  }
0x31: {  	[tilespmem:s3], [sflag:$0x5] =	stream.linear.gather [hbm4b:s6+s3], $0xA00, $0x38;
	[tilespmem:$0x1F400] =	vst v63  }
0x32: {  	_ =	swait.ge [sflag:s9], $0xA00  }
0x33: {  	s24 =	rddreg [dreg:$0x3];
	[sflag:s9] =	ssyncset.done $0x0  }
0x34: {  	[sflag:s9] =	ssyncadd.s32 $0xFFFFF600;
	s6 =	sadd.s32 $0x0, s24  }
0x35: {  	[tilespmem:s10], [sflag:$0x5] =	stream.linear.gather [hbm4b:s6+s3], $0xA00, $0x38;
	[tilespmem:$0x1F400] =	vst v63  }
0x36: {  	_ =	swait.ge [sflag:s9], $0xA00  }
0x37: {  	[sflag:s9] =	ssyncset.done $0x0  }
0x38: {  	[sflag:s9] =	ssyncadd.s32 $0xFFFFF600  }
0x39: {  	[tilespmem:s12], [sflag:$0x1] =	stream.indirect.gather [hbm4b:s4+s11], $0x80, s3, s11, $0xb8;
	[tilespmem:$0x1F400] =	vst v63  }
0x3a: {  	s7 =	rddreg [dreg:$0x5]  }
0x3b: {  	[tilespmem:s13], [sflag:$0x2] =	stream.indirect.gather [hbm4b:s4+s11], $0x80, s7, s11, $0xb8;
	[tilespmem:$0x1F400] =	vst v63  }
0x3c: {  	_ =	swait.ge [sflag:s14], $0x3200  }
0x3d: {  	[sflag:s14] =	ssyncset.done $0x0  }
0x3e: {  	[sflag:s14] =	ssyncadd.s32 $0xFFFFCE00  }
0x3f: {  	[spmem:s2] =	stream.indirect.scatter.add.f32 [tilespmem:s12], [sflag:$0x4], $0x80, s10, s11, $0xb8;
	[tilespmem:$0x1F400] =	vst v63  }
0x40: {  	s8 =	rddreg [dreg:$0x6]  }
0x41: {  	[tilespmem:s15], [sflag:$0x3] =	stream.indirect.gather [hbm4b:s4+s11], $0x80, s8, s11, $0xb8;
	[tilespmem:$0x1F400] =	vst v63  }
0x42: {  	_ =	swait.ge [sflag:s16], $0x3200  }
0x43: {  	[sflag:s16] =	ssyncset.done $0x0  }
0x44: {  	s24 =	rddreg [dreg:$0x7];
	[sflag:s16] =	ssyncadd.s32 $0xFFFFCE00  }
0x45: {  	[spmem:s2] =	stream.indirect.scatter.add.f32 [tilespmem:s13], [sflag:$0x4], $0x80, s24, s11, $0xb8;
	[tilespmem:$0x1F400] =	vst v63  }
0x46: {  	_ =	swait.ge [sflag:s17], $0x3200  }
0x47: {  	[sflag:s17] =	ssyncset.done $0x0  }
0x48: {  	s7 =	rddreg [dreg:$0x8];
	[sflag:s17] =	ssyncadd.s32 $0xFFFFCE00  }
0x49: {  	[tilespmem:s12], [sflag:$0x1] =	stream.indirect.gather [hbm4b:s4+s11], $0x80, s7, s11, $0xb8;
	[tilespmem:$0x1F400] =	vst v63  }
0x4a: {  	_ =	swait.ge [sflag:s18], $0x3200  }
0x4b: {  	[sflag:s18] =	ssyncset.done $0x0  }
0x4c: {  	s8 =	rddreg [dreg:$0x9];
	[sflag:s18] =	ssyncadd.s32 $0xFFFFCE00  }
0x4d: {  	[spmem:s2] =	stream.indirect.scatter.add.f32 [tilespmem:s15], [sflag:$0x4], $0x80, s8, s11, $0xb8;
	[tilespmem:$0x1F400] =	vst v63  }
0x4e: {  	_ =	swait.ge [sflag:s17], $0x3200  }
0x4f: {  	[sflag:s17] =	ssyncset.done $0x0  }
0x50: {  	s24 =	rddreg [dreg:$0xa];
	[sflag:s17] =	ssyncadd.s32 $0xFFFFCE00  }
0x51: {  	[tilespmem:s13], [sflag:$0x2] =	stream.indirect.gather [hbm4b:s4+s11], $0x80, s24, s11, $0xb8;
	[tilespmem:$0x1F400] =	vst v63  }
0x52: {  	_ =	swait.ge [sflag:s14], $0x3200  }
0x53: {  	[sflag:s14] =	ssyncset.done $0x0  }
0x54: {  	s7 =	rddreg [dreg:$0xb];
	[sflag:s14] =	ssyncadd.s32 $0xFFFFCE00  }
0x55: {  	[spmem:s2] =	stream.indirect.scatter.add.f32 [tilespmem:s12], [sflag:$0x4], $0x80, s7, s11, $0xb8;
	[tilespmem:$0x1F400] =	vst v63  }
0x56: {  	_ =	swait.ge [sflag:s17], $0x3200  }
0x57: {  	[sflag:s17] =	ssyncset.done $0x0  }
0x58: {  	s8 =	rddreg [dreg:$0xc];
	[sflag:s17] =	ssyncadd.s32 $0xFFFFCE00  }
0x59: {  	[tilespmem:s15], [sflag:$0x3] =	stream.indirect.gather [hbm4b:s4+s11], $0x80, s8, s11, $0xb8;
	[tilespmem:$0x1F400] =	vst v63  }
0x5a: {  	_ =	swait.ge [sflag:s16], $0x3200  }
0x5b: {  	[sflag:s16] =	ssyncset.done $0x0  }
0x5c: {  	s24 =	rddreg [dreg:$0xd];
	[sflag:s16] =	ssyncadd.s32 $0xFFFFCE00  }
0x5d: {  	[spmem:s2] =	stream.indirect.scatter.add.f32 [tilespmem:s13], [sflag:$0x4], $0x80, s24, s11, $0xb8;
	[tilespmem:$0x1F400] =	vst v63  }
0x5e: {  	_ =	swait.ge [sflag:s17], $0x3200  }
0x5f: {  	[sflag:s17] =	ssyncset.done $0x0  }
0x60: {  	s7 =	rddreg [dreg:$0xe];
	[sflag:s17] =	ssyncadd.s32 $0xFFFFCE00  }
0x61: {  	[tilespmem:s12], [sflag:$0x1] =	stream.indirect.gather [hbm4b:s4+s11], $0x80, s7, s11, $0xb8;
	[tilespmem:$0x1F400] =	vst v63  }
0x62: {  	_ =	swait.ge [sflag:s18], $0x3200  }
0x63: {  	[sflag:s18] =	ssyncset.done $0x0  }
0x64: {  	s8 =	rddreg [dreg:$0xf];
	[sflag:s18] =	ssyncadd.s32 $0xFFFFCE00  }
0x65: {  	[spmem:s2] =	stream.indirect.scatter.add.f32 [tilespmem:s15], [sflag:$0x4], $0x80, s8, s11, $0xb8;
	[tilespmem:$0x1F400] =	vst v63  }
0x66: {  	_ =	swait.ge [sflag:s17], $0x3200  }
0x67: {  	[sflag:s17] =	ssyncset.done $0x0  }
0x68: {  	s24 =	rddreg [dreg:$0x10];
	[sflag:s17] =	ssyncadd.s32 $0xFFFFCE00  }
0x69: {  	[tilespmem:s13], [sflag:$0x2] =	stream.indirect.gather [hbm4b:s4+s11], $0x80, s24, s11, $0xb8;
	[tilespmem:$0x1F400] =	vst v63  }
0x6a: {  	_ =	swait.ge [sflag:s14], $0x3200  }
0x6b: {  	[sflag:s14] =	ssyncset.done $0x0  }
0x6c: {  	s7 =	rddreg [dreg:$0x11];
	[sflag:s14] =	ssyncadd.s32 $0xFFFFCE00  }
0x6d: {  	[spmem:s2] =	stream.indirect.scatter.add.f32 [tilespmem:s12], [sflag:$0x4], $0x80, s7, s11, $0xb8;
	[tilespmem:$0x1F400] =	vst v63  }
0x6e: {  	_ =	swait.ge [sflag:s17], $0x3200  }
0x6f: {  	[sflag:s17] =	ssyncset.done $0x0  }
0x70: {  	s8 =	rddreg [dreg:$0x12];
	[sflag:s17] =	ssyncadd.s32 $0xFFFFCE00  }
0x71: {  	[tilespmem:s15], [sflag:$0x3] =	stream.indirect.gather [hbm4b:s4+s11], $0x80, s8, s11, $0xb8;
	[tilespmem:$0x1F400] =	vst v63  }
0x72: {  	_ =	swait.ge [sflag:s16], $0x3200  }
0x73: {  	[sflag:s16] =	ssyncset.done $0x0  }
0x74: {  	s24 =	rddreg [dreg:$0x13];
	[sflag:s16] =	ssyncadd.s32 $0xFFFFCE00  }
0x75: {  	[spmem:s2] =	stream.indirect.scatter.add.f32 [tilespmem:s13], [sflag:$0x4], $0x80, s24, s11, $0xb8;
	[tilespmem:$0x1F400] =	vst v63  }
0x76: {  	_ =	swait.ge [sflag:s17], $0x3200  }
0x77: {  	[sflag:s17] =	ssyncset.done $0x0  }
0x78: {  	s7 =	rddreg [dreg:$0x14];
	[sflag:s17] =	ssyncadd.s32 $0xFFFFCE00  }
0x79: {  	[tilespmem:s12], [sflag:$0x1] =	stream.indirect.gather [hbm4b:s4+s11], $0x80, s7, s11, $0xb8;
	[tilespmem:$0x1F400] =	vst v63  }
0x7a: {  	_ =	swait.ge [sflag:s18], $0x3200  }
0x7b: {  	[sflag:s18] =	ssyncset.done $0x0  }
0x7c: {  	s8 =	rddreg [dreg:$0x15];
	[sflag:s18] =	ssyncadd.s32 $0xFFFFCE00  }
0x7d: {  	[spmem:s2] =	stream.indirect.scatter.add.f32 [tilespmem:s15], [sflag:$0x4], $0x80, s8, s11, $0xb8;
	[tilespmem:$0x1F400] =	vst v63  }
0x7e: {  	_ =	swait.ge [sflag:s17], $0x3200  }
0x7f: {  	[sflag:s17] =	ssyncset.done $0x0  }
0x80: {  	s24 =	rddreg [dreg:$0x16];
	[sflag:s17] =	ssyncadd.s32 $0xFFFFCE00  }
0x81: {  	[tilespmem:s13], [sflag:$0x2] =	stream.indirect.gather [hbm4b:s4+s11], $0x80, s24, s11, $0xb8;
	[tilespmem:$0x1F400] =	vst v63  }
0x82: {  	_ =	swait.ge [sflag:s14], $0x3200  }
0x83: {  	[sflag:s14] =	ssyncset.done $0x0  }
0x84: {  	s7 =	rddreg [dreg:$0x17];
	[sflag:s14] =	ssyncadd.s32 $0xFFFFCE00  }
0x85: {  	[spmem:s2] =	stream.indirect.scatter.add.f32 [tilespmem:s12], [sflag:$0x4], $0x80, s7, s11, $0xb8;
	[tilespmem:$0x1F400] =	vst v63  }
0x86: {  	_ =	swait.ge [sflag:s17], $0x3200  }
0x87: {  	[sflag:s17] =	ssyncset.done $0x0  }
0x88: {  	s8 =	rddreg [dreg:$0x18];
	[sflag:s17] =	ssyncadd.s32 $0xFFFFCE00  }
0x89: {  	[tilespmem:s15], [sflag:$0x3] =	stream.indirect.gather [hbm4b:s4+s11], $0x80, s8, s11, $0xb8;
	[tilespmem:$0x1F400] =	vst v63  }
0x8a: {  	_ =	swait.ge [sflag:s16], $0x3200  }
0x8b: {  	[sflag:s16] =	ssyncset.done $0x0  }
0x8c: {  	s24 =	rddreg [dreg:$0x19];
	[sflag:s16] =	ssyncadd.s32 $0xFFFFCE00  }
0x8d: {  	[spmem:s2] =	stream.indirect.scatter.add.f32 [tilespmem:s13], [sflag:$0x4], $0x80, s24, s11, $0xb8;
	[tilespmem:$0x1F400] =	vst v63  }
0x8e: {  	_ =	swait.ge [sflag:s17], $0x3200  }
0x8f: {  	[sflag:s17] =	ssyncset.done $0x0  }
0x90: {  	s7 =	rddreg [dreg:$0x1a];
	[sflag:s17] =	ssyncadd.s32 $0xFFFFCE00  }
0x91: {  	[tilespmem:s12], [sflag:$0x1] =	stream.indirect.gather [hbm4b:s4+s11], $0x80, s7, s11, $0xb8;
	[tilespmem:$0x1F400] =	vst v63  }
0x92: {  	_ =	swait.ge [sflag:s18], $0x3200  }
0x93: {  	[sflag:s18] =	ssyncset.done $0x0  }
0x94: {  	s8 =	rddreg [dreg:$0x1b];
	[sflag:s18] =	ssyncadd.s32 $0xFFFFCE00  }
0x95: {  	[spmem:s2] =	stream.indirect.scatter.add.f32 [tilespmem:s15], [sflag:$0x4], $0x80, s8, s11, $0xb8;
	[tilespmem:$0x1F400] =	vst v63  }
0x96: {  	_ =	swait.ge [sflag:s17], $0x3200  }
0x97: {  	[sflag:s17] =	ssyncset.done $0x0  }
0x98: {  	s24 =	rddreg [dreg:$0x1c];
	[sflag:s17] =	ssyncadd.s32 $0xFFFFCE00  }
0x99: {  	[tilespmem:s13], [sflag:$0x2] =	stream.indirect.gather [hbm4b:s4+s11], $0x80, s24, s11, $0xb8;
	[tilespmem:$0x1F400] =	vst v63  }
0x9a: {  	_ =	swait.ge [sflag:s14], $0x3200  }
0x9b: {  	[sflag:s14] =	ssyncset.done $0x0  }
0x9c: {  	[sflag:s14] =	ssyncadd.s32 $0xFFFFCE00  }
0x9d: {  	[spmem:s2] =	stream.indirect.scatter.add.f32 [tilespmem:s12], [sflag:$0x4], $0x80, s19, s11, $0xb8;
	[tilespmem:$0x1F400] =	vst v63  }
0x9e: {  	_ =	swait.ge [sflag:s17], $0x3200  }
0x9f: {  	[sflag:s17] =	ssyncset.done $0x0  }
0xa0: {  	[sflag:s17] =	ssyncadd.s32 $0xFFFFCE00  }
0xa1: {  	[tilespmem:s15], [sflag:$0x3] =	stream.indirect.gather [hbm4b:s4+s11], $0x80, s20, s11, $0xb8;
	[tilespmem:$0x1F400] =	vst v63  }
0xa2: {  	_ =	swait.ge [sflag:s16], $0x3200  }
0xa3: {  	[sflag:s16] =	ssyncset.done $0x0  }
0xa4: {  	[sflag:s16] =	ssyncadd.s32 $0xFFFFCE00  }
0xa5: {  	[spmem:s2] =	stream.indirect.scatter.add.f32 [tilespmem:s13], [sflag:$0x4], $0x80, s21, s11, $0xb8;
	[tilespmem:$0x1F400] =	vst v63  }
0xa6: {  	_ =	swait.ge [sflag:s17], $0x3200  }
0xa7: {  	[sflag:s17] =	ssyncset.done $0x0  }
0xa8: {  	[sflag:s17] =	ssyncadd.s32 $0xFFFFCE00  }
0xa9: {  	[tilespmem:s12], [sflag:$0x1] =	stream.indirect.gather [hbm4b:s4+s11], $0x80, s22, s11, $0xb8;
	[tilespmem:$0x1F400] =	vst v63  }
0xaa: {  	_ =	swait.ge [sflag:s18], $0x3200  }
0xab: {  	[sflag:s18] =	ssyncset.done $0x0  }
0xac: {  	[sflag:s18] =	ssyncadd.s32 $0xFFFFCE00  }
0xad: {  	[spmem:s2] =	stream.indirect.scatter.add.f32 [tilespmem:s15], [sflag:$0x4], $0x80, s23, s11, $0xb8;
	[tilespmem:$0x1F400] =	vst v63  }
0xae: {  	_ =	swait.ge [sflag:s17], $0x3200  }
0xaf: {  	[sflag:s17] =	ssyncset.done $0x0  }
0xb0: {  	[sflag:s17] =	ssyncadd.s32 $0xFFFFCE00  }
0xb1: {  	[tilespmem:s13], [sflag:$0x2] =	stream.indirect.gather [hbm4b:s4+s11], $0x80, s25, s11, $0xb8;
	[tilespmem:$0x1F400] =	vst v63  }
0xb2: {  	_ =	swait.ge [sflag:s14], $0x3200  }
0xb3: {  	[sflag:s14] =	ssyncset.done $0x0  }
0xb4: {  	[sflag:s14] =	ssyncadd.s32 $0xFFFFCE00  }
0xb5: {  	[spmem:s2] =	stream.indirect.scatter.add.f32 [tilespmem:s12], [sflag:$0x4], $0x80, s26, s11, $0xb8;
	[tilespmem:$0x1F400] =	vst v63  }
0xb6: {  	_ =	swait.ge [sflag:s17], $0x3200  }
0xb7: {  	[sflag:s17] =	ssyncset.done $0x0  }
0xb8: {  	[sflag:s17] =	ssyncadd.s32 $0xFFFFCE00  }
0xb9: {  	[tilespmem:s15], [sflag:$0x3] =	stream.indirect.gather [hbm4b:s4+s11], $0x80, s28, s11, $0xb8;
	[tilespmem:$0x1F400] =	vst v63  }
0xba: {  	_ =	swait.ge [sflag:s16], $0x3200  }
0xbb: {  	[sflag:s16] =	ssyncset.done $0x0  }
0xbc: {  	[sflag:s16] =	ssyncadd.s32 $0xFFFFCE00  }
0xbd: {  	[spmem:s2] =	stream.indirect.scatter.add.f32 [tilespmem:s13], [sflag:$0x4], $0x80, s29, s11, $0xb8;
	[tilespmem:$0x1F400] =	vst v63  }
0xbe: {  	_ =	swait.ge [sflag:s17], $0x3200  }
0xbf: {  	[sflag:s17] =	ssyncset.done $0x0  }
0xc0: {  	[sflag:s17] =	ssyncadd.s32 $0xFFFFCE00  }
0xc1: {  	[tilespmem:s12], [sflag:$0x1] =	stream.indirect.gather [hbm4b:s4+s11], $0x80, s30, s11, $0xb8;
	[tilespmem:$0x1F400] =	vst v63  }
0xc2: {  	_ =	swait.ge [sflag:s18], $0x3200  }
0xc3: {  	[sflag:s18] =	ssyncset.done $0x0  }
0xc4: {  	[sflag:s18] =	ssyncadd.s32 $0xFFFFCE00  }
0xc5: {  	[spmem:s2] =	stream.indirect.scatter.add.f32 [tilespmem:s15], [sflag:$0x4], $0x80, s31, s11, $0xb8;
	[tilespmem:$0x1F400] =	vst v63  }
0xc6: {  	_ =	swait.ge [sflag:s17], $0x3200  }
0xc7: {  	[sflag:s17] =	ssyncset.done $0x0  }
0xc8: {  	[sflag:s17] =	ssyncadd.s32 $0xFFFFCE00  }
0xc9: {  	[tilespmem:s13], [sflag:$0x2] =	stream.indirect.gather [hbm4b:s4+s11], $0x80, s1, s11, $0xb8;
	[tilespmem:$0x1F400] =	vst v63  }
0xca: {  	_ =	swait.ge [sflag:s14], $0x3200  }
0xcb: {  	[sflag:s14] =	ssyncset.done $0x0  }
0xcc: {  	[sflag:s14] =	ssyncadd.s32 $0xFFFFCE00  }
0xcd: {  	[spmem:s2] =	stream.indirect.scatter.add.f32 [tilespmem:s12], [sflag:$0x4], $0x80, s0, s11, $0xb8;
	[tilespmem:$0x1F400] =	vst v63  }
0xce: {  	_ =	swait.ge [sflag:s17], $0x3200  }
0xcf: {  	[sflag:s17] =	ssyncset.done $0x0  }
0xd0: {  	[sflag:s17] =	ssyncadd.s32 $0xFFFFCE00  }
0xd1: {  	_ =	swait.ge [sflag:s16], $0x3200  }
0xd2: {  	[sflag:s16] =	ssyncset.done $0x0  }
0xd3: {  	[sflag:s16] =	ssyncadd.s32 $0xFFFFCE00  }
0xd4: {  	[spmem:s2] =	stream.indirect.scatter.add.f32 [tilespmem:s13], [sflag:$0x4], $0x80, s5, s11, $0xb8;
	[tilespmem:$0x1F400] =	vst v63  }
0xd5: {  	_ =	swait.ge [sflag:s17], $0x3200  }
0xd6: {  	[sflag:s17] =	ssyncset.done $0x0  }
0xd7: {  	[sflag:s17] =	ssyncadd.s32 $0xFFFFCE00  }
0xd8: {  	s6 =	simm.s32 $0x300;
	_ =	swait.ge [sflag:s17], $0x3200  }
0xd9: {  	s24 =	simm.s32 $0x180;
	s8 =	rddreg [dreg:$0x4];
	[sflag:s17] =	ssyncset.done $0x0  }
.LBB2_2:
0xda: {  	[sflag:s17] =	ssyncadd.s32 $0xFFFFCE00;
	s8 =	sadd.s32 s24, s8  }
0xdb: {  	[tilespmem:s3], [sflag:$0x5] =	stream.linear.gather [hbm4b:s8+s3], $0xA00, $0x38;
	[tilespmem:$0x1F400] =	vst v63  }
0xdc: {  	_ =	swait.ge [sflag:s9], $0xA00  }
0xdd: {  	s8 =	rddreg [dreg:$0x3];
	[sflag:s9] =	ssyncset.done $0x0  }
0xde: {  	[sflag:s9] =	ssyncadd.s32 $0xFFFFF600;
	s8 =	sadd.s32 s24, s8  }
0xdf: {  	[tilespmem:s10], [sflag:$0x5] =	stream.linear.gather [hbm4b:s8+s3], $0xA00, $0x38;
	[tilespmem:$0x1F400] =	vst v63  }
0xe0: {  	_ =	swait.ge [sflag:s9], $0xA00  }
0xe1: {  	[sflag:s9] =	ssyncset.done $0x0  }
0xe2: {  	[sflag:s9] =	ssyncadd.s32 $0xFFFFF600  }
0xe3: {  	[tilespmem:s12], [sflag:$0x1] =	stream.indirect.gather [hbm4b:s4+s11], $0x80, s3, s11, $0xb8;
	[tilespmem:$0x1F400] =	vst v63  }
0xe4: {  	s8 =	rddreg [dreg:$0x5]  }
0xe5: {  	[tilespmem:s13], [sflag:$0x2] =	stream.indirect.gather [hbm4b:s4+s11], $0x80, s8, s11, $0xb8;
	[tilespmem:$0x1F400] =	vst v63  }
0xe6: {  	_ =	swait.ge [sflag:s14], $0x3200  }
0xe7: {  	[sflag:s14] =	ssyncset.done $0x0  }
0xe8: {  	[sflag:s14] =	ssyncadd.s32 $0xFFFFCE00  }
0xe9: {  	[spmem:s2] =	stream.indirect.scatter.add.f32 [tilespmem:s12], [sflag:$0x4], $0x80, s10, s11, $0xb8;
	[tilespmem:$0x1F400] =	vst v63  }
0xea: {  	s8 =	rddreg [dreg:$0x6]  }
0xeb: {  	[tilespmem:s15], [sflag:$0x3] =	stream.indirect.gather [hbm4b:s4+s11], $0x80, s8, s11, $0xb8;
	[tilespmem:$0x1F400] =	vst v63  }
0xec: {  	_ =	swait.ge [sflag:s16], $0x3200  }
0xed: {  	[sflag:s16] =	ssyncset.done $0x0  }
0xee: {  	s8 =	rddreg [dreg:$0x7];
	[sflag:s16] =	ssyncadd.s32 $0xFFFFCE00  }
0xef: {  	[spmem:s2] =	stream.indirect.scatter.add.f32 [tilespmem:s13], [sflag:$0x4], $0x80, s8, s11, $0xb8;
	[tilespmem:$0x1F400] =	vst v63  }
0xf0: {  	_ =	swait.ge [sflag:s17], $0x3200  }
0xf1: {  	[sflag:s17] =	ssyncset.done $0x0  }
0xf2: {  	s8 =	rddreg [dreg:$0x8];
	[sflag:s17] =	ssyncadd.s32 $0xFFFFCE00  }
0xf3: {  	[tilespmem:s12], [sflag:$0x1] =	stream.indirect.gather [hbm4b:s4+s11], $0x80, s8, s11, $0xb8;
	[tilespmem:$0x1F400] =	vst v63  }
0xf4: {  	_ =	swait.ge [sflag:s18], $0x3200  }
0xf5: {  	[sflag:s18] =	ssyncset.done $0x0  }
0xf6: {  	s8 =	rddreg [dreg:$0x9];
	[sflag:s18] =	ssyncadd.s32 $0xFFFFCE00  }
0xf7: {  	[spmem:s2] =	stream.indirect.scatter.add.f32 [tilespmem:s15], [sflag:$0x4], $0x80, s8, s11, $0xb8;
	[tilespmem:$0x1F400] =	vst v63  }
0xf8: {  	_ =	swait.ge [sflag:s17], $0x3200  }
0xf9: {  	[sflag:s17] =	ssyncset.done $0x0  }
0xfa: {  	s8 =	rddreg [dreg:$0xa];
	[sflag:s17] =	ssyncadd.s32 $0xFFFFCE00  }
0xfb: {  	[tilespmem:s13], [sflag:$0x2] =	stream.indirect.gather [hbm4b:s4+s11], $0x80, s8, s11, $0xb8;
	[tilespmem:$0x1F400] =	vst v63  }
0xfc: {  	_ =	swait.ge [sflag:s14], $0x3200  }
0xfd: {  	[sflag:s14] =	ssyncset.done $0x0  }
0xfe: {  	s8 =	rddreg [dreg:$0xb];
	[sflag:s14] =	ssyncadd.s32 $0xFFFFCE00  }
0xff: {  	[spmem:s2] =	stream.indirect.scatter.add.f32 [tilespmem:s12], [sflag:$0x4], $0x80, s8, s11, $0xb8;
	[tilespmem:$0x1F400] =	vst v63  }
0x100: {  	_ =	swait.ge [sflag:s17], $0x3200  }
0x101: {  	[sflag:s17] =	ssyncset.done $0x0  }
0x102: {  	s8 =	rddreg [dreg:$0xc];
	[sflag:s17] =	ssyncadd.s32 $0xFFFFCE00  }
0x103: {  	[tilespmem:s15], [sflag:$0x3] =	stream.indirect.gather [hbm4b:s4+s11], $0x80, s8, s11, $0xb8;
	[tilespmem:$0x1F400] =	vst v63  }
0x104: {  	_ =	swait.ge [sflag:s16], $0x3200  }
0x105: {  	[sflag:s16] =	ssyncset.done $0x0  }
0x106: {  	s8 =	rddreg [dreg:$0xd];
	[sflag:s16] =	ssyncadd.s32 $0xFFFFCE00  }
0x107: {  	[spmem:s2] =	stream.indirect.scatter.add.f32 [tilespmem:s13], [sflag:$0x4], $0x80, s8, s11, $0xb8;
	[tilespmem:$0x1F400] =	vst v63  }
0x108: {  	_ =	swait.ge [sflag:s17], $0x3200  }
0x109: {  	[sflag:s17] =	ssyncset.done $0x0  }
0x10a: {  	s8 =	rddreg [dreg:$0xe];
	[sflag:s17] =	ssyncadd.s32 $0xFFFFCE00  }
0x10b: {  	[tilespmem:s12], [sflag:$0x1] =	stream.indirect.gather [hbm4b:s4+s11], $0x80, s8, s11, $0xb8;
	[tilespmem:$0x1F400] =	vst v63  }
0x10c: {  	_ =	swait.ge [sflag:s18], $0x3200  }
0x10d: {  	[sflag:s18] =	ssyncset.done $0x0  }
0x10e: {  	s8 =	rddreg [dreg:$0xf];
	[sflag:s18] =	ssyncadd.s32 $0xFFFFCE00  }
0x10f: {  	[spmem:s2] =	stream.indirect.scatter.add.f32 [tilespmem:s15], [sflag:$0x4], $0x80, s8, s11, $0xb8;
	[tilespmem:$0x1F400] =	vst v63  }
0x110: {  	_ =	swait.ge [sflag:s17], $0x3200  }
0x111: {  	[sflag:s17] =	ssyncset.done $0x0  }
0x112: {  	s8 =	rddreg [dreg:$0x10];
	[sflag:s17] =	ssyncadd.s32 $0xFFFFCE00  }
0x113: {  	[tilespmem:s13], [sflag:$0x2] =	stream.indirect.gather [hbm4b:s4+s11], $0x80, s8, s11, $0xb8;
	[tilespmem:$0x1F400] =	vst v63  }
0x114: {  	_ =	swait.ge [sflag:s14], $0x3200  }
0x115: {  	[sflag:s14] =	ssyncset.done $0x0  }
0x116: {  	s8 =	rddreg [dreg:$0x11];
	[sflag:s14] =	ssyncadd.s32 $0xFFFFCE00  }
0x117: {  	[spmem:s2] =	stream.indirect.scatter.add.f32 [tilespmem:s12], [sflag:$0x4], $0x80, s8, s11, $0xb8;
	[tilespmem:$0x1F400] =	vst v63  }
0x118: {  	_ =	swait.ge [sflag:s17], $0x3200  }
0x119: {  	[sflag:s17] =	ssyncset.done $0x0  }
0x11a: {  	s8 =	rddreg [dreg:$0x12];
	[sflag:s17] =	ssyncadd.s32 $0xFFFFCE00  }
0x11b: {  	[tilespmem:s15], [sflag:$0x3] =	stream.indirect.gather [hbm4b:s4+s11], $0x80, s8, s11, $0xb8;
	[tilespmem:$0x1F400] =	vst v63  }
0x11c: {  	_ =	swait.ge [sflag:s16], $0x3200  }
0x11d: {  	[sflag:s16] =	ssyncset.done $0x0  }
0x11e: {  	s8 =	rddreg [dreg:$0x13];
	[sflag:s16] =	ssyncadd.s32 $0xFFFFCE00  }
0x11f: {  	[spmem:s2] =	stream.indirect.scatter.add.f32 [tilespmem:s13], [sflag:$0x4], $0x80, s8, s11, $0xb8;
	[tilespmem:$0x1F400] =	vst v63  }
0x120: {  	_ =	swait.ge [sflag:s17], $0x3200  }
0x121: {  	[sflag:s17] =	ssyncset.done $0x0  }
0x122: {  	s8 =	rddreg [dreg:$0x14];
	[sflag:s17] =	ssyncadd.s32 $0xFFFFCE00  }
0x123: {  	[tilespmem:s12], [sflag:$0x1] =	stream.indirect.gather [hbm4b:s4+s11], $0x80, s8, s11, $0xb8;
	[tilespmem:$0x1F400] =	vst v63  }
0x124: {  	_ =	swait.ge [sflag:s18], $0x3200  }
0x125: {  	[sflag:s18] =	ssyncset.done $0x0  }
0x126: {  	s8 =	rddreg [dreg:$0x15];
	[sflag:s18] =	ssyncadd.s32 $0xFFFFCE00  }
0x127: {  	[spmem:s2] =	stream.indirect.scatter.add.f32 [tilespmem:s15], [sflag:$0x4], $0x80, s8, s11, $0xb8;
	[tilespmem:$0x1F400] =	vst v63  }
0x128: {  	_ =	swait.ge [sflag:s17], $0x3200  }
0x129: {  	[sflag:s17] =	ssyncset.done $0x0  }
0x12a: {  	s8 =	rddreg [dreg:$0x16];
	[sflag:s17] =	ssyncadd.s32 $0xFFFFCE00  }
0x12b: {  	[tilespmem:s13], [sflag:$0x2] =	stream.indirect.gather [hbm4b:s4+s11], $0x80, s8, s11, $0xb8;
	[tilespmem:$0x1F400] =	vst v63  }
0x12c: {  	_ =	swait.ge [sflag:s14], $0x3200  }
0x12d: {  	[sflag:s14] =	ssyncset.done $0x0  }
0x12e: {  	s8 =	rddreg [dreg:$0x17];
	[sflag:s14] =	ssyncadd.s32 $0xFFFFCE00  }
0x12f: {  	[spmem:s2] =	stream.indirect.scatter.add.f32 [tilespmem:s12], [sflag:$0x4], $0x80, s8, s11, $0xb8;
	[tilespmem:$0x1F400] =	vst v63  }
0x130: {  	_ =	swait.ge [sflag:s17], $0x3200  }
0x131: {  	[sflag:s17] =	ssyncset.done $0x0  }
0x132: {  	s8 =	rddreg [dreg:$0x18];
	[sflag:s17] =	ssyncadd.s32 $0xFFFFCE00  }
0x133: {  	[tilespmem:s15], [sflag:$0x3] =	stream.indirect.gather [hbm4b:s4+s11], $0x80, s8, s11, $0xb8;
	[tilespmem:$0x1F400] =	vst v63  }
0x134: {  	_ =	swait.ge [sflag:s16], $0x3200  }
0x135: {  	[sflag:s16] =	ssyncset.done $0x0  }
0x136: {  	s8 =	rddreg [dreg:$0x19];
	[sflag:s16] =	ssyncadd.s32 $0xFFFFCE00  }
0x137: {  	[spmem:s2] =	stream.indirect.scatter.add.f32 [tilespmem:s13], [sflag:$0x4], $0x80, s8, s11, $0xb8;
	[tilespmem:$0x1F400] =	vst v63  }
0x138: {  	_ =	swait.ge [sflag:s17], $0x3200  }
0x139: {  	[sflag:s17] =	ssyncset.done $0x0  }
0x13a: {  	s8 =	rddreg [dreg:$0x1a];
	[sflag:s17] =	ssyncadd.s32 $0xFFFFCE00  }
0x13b: {  	[tilespmem:s12], [sflag:$0x1] =	stream.indirect.gather [hbm4b:s4+s11], $0x80, s8, s11, $0xb8;
	[tilespmem:$0x1F400] =	vst v63  }
0x13c: {  	_ =	swait.ge [sflag:s18], $0x3200  }
0x13d: {  	[sflag:s18] =	ssyncset.done $0x0  }
0x13e: {  	s8 =	rddreg [dreg:$0x1b];
	[sflag:s18] =	ssyncadd.s32 $0xFFFFCE00  }
0x13f: {  	[spmem:s2] =	stream.indirect.scatter.add.f32 [tilespmem:s15], [sflag:$0x4], $0x80, s8, s11, $0xb8;
	[tilespmem:$0x1F400] =	vst v63  }
0x140: {  	_ =	swait.ge [sflag:s17], $0x3200  }
0x141: {  	[sflag:s17] =	ssyncset.done $0x0  }
0x142: {  	s8 =	rddreg [dreg:$0x1c];
	[sflag:s17] =	ssyncadd.s32 $0xFFFFCE00  }
0x143: {  	[tilespmem:s13], [sflag:$0x2] =	stream.indirect.gather [hbm4b:s4+s11], $0x80, s8, s11, $0xb8;
	[tilespmem:$0x1F400] =	vst v63  }
0x144: {  	_ =	swait.ge [sflag:s14], $0x3200  }
0x145: {  	[sflag:s14] =	ssyncset.done $0x0  }
0x146: {  	[sflag:s14] =	ssyncadd.s32 $0xFFFFCE00  }
0x147: {  	[spmem:s2] =	stream.indirect.scatter.add.f32 [tilespmem:s12], [sflag:$0x4], $0x80, s19, s11, $0xb8;
	[tilespmem:$0x1F400] =	vst v63  }
0x148: {  	_ =	swait.ge [sflag:s17], $0x3200  }
0x149: {  	[sflag:s17] =	ssyncset.done $0x0  }
0x14a: {  	[sflag:s17] =	ssyncadd.s32 $0xFFFFCE00  }
0x14b: {  	[tilespmem:s15], [sflag:$0x3] =	stream.indirect.gather [hbm4b:s4+s11], $0x80, s20, s11, $0xb8;
	[tilespmem:$0x1F400] =	vst v63  }
0x14c: {  	_ =	swait.ge [sflag:s16], $0x3200  }
0x14d: {  	[sflag:s16] =	ssyncset.done $0x0  }
0x14e: {  	[sflag:s16] =	ssyncadd.s32 $0xFFFFCE00  }
0x14f: {  	[spmem:s2] =	stream.indirect.scatter.add.f32 [tilespmem:s13], [sflag:$0x4], $0x80, s21, s11, $0xb8;
	[tilespmem:$0x1F400] =	vst v63  }
0x150: {  	_ =	swait.ge [sflag:s17], $0x3200  }
0x151: {  	[sflag:s17] =	ssyncset.done $0x0  }
0x152: {  	[sflag:s17] =	ssyncadd.s32 $0xFFFFCE00  }
0x153: {  	[tilespmem:s12], [sflag:$0x1] =	stream.indirect.gather [hbm4b:s4+s11], $0x80, s22, s11, $0xb8;
	[tilespmem:$0x1F400] =	vst v63  }
0x154: {  	_ =	swait.ge [sflag:s18], $0x3200  }
0x155: {  	[sflag:s18] =	ssyncset.done $0x0  }
0x156: {  	[sflag:s18] =	ssyncadd.s32 $0xFFFFCE00  }
0x157: {  	[spmem:s2] =	stream.indirect.scatter.add.f32 [tilespmem:s15], [sflag:$0x4], $0x80, s23, s11, $0xb8;
	[tilespmem:$0x1F400] =	vst v63  }
0x158: {  	_ =	swait.ge [sflag:s17], $0x3200  }
0x159: {  	[sflag:s17] =	ssyncset.done $0x0  }
0x15a: {  	[sflag:s17] =	ssyncadd.s32 $0xFFFFCE00  }
0x15b: {  	[tilespmem:s13], [sflag:$0x2] =	stream.indirect.gather [hbm4b:s4+s11], $0x80, s25, s11, $0xb8;
	[tilespmem:$0x1F400] =	vst v63  }
0x15c: {  	_ =	swait.ge [sflag:s14], $0x3200  }
0x15d: {  	[sflag:s14] =	ssyncset.done $0x0  }
0x15e: {  	[sflag:s14] =	ssyncadd.s32 $0xFFFFCE00  }
0x15f: {  	[spmem:s2] =	stream.indirect.scatter.add.f32 [tilespmem:s12], [sflag:$0x4], $0x80, s26, s11, $0xb8;
	[tilespmem:$0x1F400] =	vst v63  }
0x160: {  	_ =	swait.ge [sflag:s17], $0x3200  }
0x161: {  	[sflag:s17] =	ssyncset.done $0x0  }
0x162: {  	[sflag:s17] =	ssyncadd.s32 $0xFFFFCE00  }
0x163: {  	[tilespmem:s15], [sflag:$0x3] =	stream.indirect.gather [hbm4b:s4+s11], $0x80, s28, s11, $0xb8;
	[tilespmem:$0x1F400] =	vst v63  }
0x164: {  	_ =	swait.ge [sflag:s16], $0x3200  }
0x165: {  	[sflag:s16] =	ssyncset.done $0x0  }
0x166: {  	[sflag:s16] =	ssyncadd.s32 $0xFFFFCE00  }
0x167: {  	[spmem:s2] =	stream.indirect.scatter.add.f32 [tilespmem:s13], [sflag:$0x4], $0x80, s29, s11, $0xb8;
	[tilespmem:$0x1F400] =	vst v63  }
0x168: {  	_ =	swait.ge [sflag:s17], $0x3200  }
0x169: {  	[sflag:s17] =	ssyncset.done $0x0  }
0x16a: {  	[sflag:s17] =	ssyncadd.s32 $0xFFFFCE00  }
0x16b: {  	[tilespmem:s12], [sflag:$0x1] =	stream.indirect.gather [hbm4b:s4+s11], $0x80, s30, s11, $0xb8;
	[tilespmem:$0x1F400] =	vst v63  }
0x16c: {  	_ =	swait.ge [sflag:s18], $0x3200  }
0x16d: {  	[sflag:s18] =	ssyncset.done $0x0  }
0x16e: {  	[sflag:s18] =	ssyncadd.s32 $0xFFFFCE00  }
0x16f: {  	[spmem:s2] =	stream.indirect.scatter.add.f32 [tilespmem:s15], [sflag:$0x4], $0x80, s31, s11, $0xb8;
	[tilespmem:$0x1F400] =	vst v63  }
0x170: {  	_ =	swait.ge [sflag:s17], $0x3200  }
0x171: {  	[sflag:s17] =	ssyncset.done $0x0  }
0x172: {  	[sflag:s17] =	ssyncadd.s32 $0xFFFFCE00  }
0x173: {  	[tilespmem:s13], [sflag:$0x2] =	stream.indirect.gather [hbm4b:s4+s11], $0x80, s1, s11, $0xb8;
	[tilespmem:$0x1F400] =	vst v63  }
0x174: {  	_ =	swait.ge [sflag:s14], $0x3200  }
0x175: {  	[sflag:s14] =	ssyncset.done $0x0  }
0x176: {  	[sflag:s14] =	ssyncadd.s32 $0xFFFFCE00  }
0x177: {  	[spmem:s2] =	stream.indirect.scatter.add.f32 [tilespmem:s12], [sflag:$0x4], $0x80, s0, s11, $0xb8;
	[tilespmem:$0x1F400] =	vst v63  }
0x178: {  	_ =	swait.ge [sflag:s17], $0x3200  }
0x179: {  	[sflag:s17] =	ssyncset.done $0x0  }
0x17a: {  	[sflag:s17] =	ssyncadd.s32 $0xFFFFCE00  }
0x17b: {  	_ =	swait.ge [sflag:s16], $0x3200  }
0x17c: {  	[sflag:s16] =	ssyncset.done $0x0  }
0x17d: {  	p0 =	sne.s32 s6, $0x600;
	[sflag:s16] =	ssyncadd.s32 $0xFFFFCE00  }
0x17e: {  	[spmem:s2] =	stream.indirect.scatter.add.f32 [tilespmem:s13], [sflag:$0x4], $0x80, s5, s11, $0xb8;
	[tilespmem:$0x1F400] =	vst v63  }
.Ltmp0:
0x17f: {  	_ =	swait.ge [sflag:s17], $0x3200;
	(pc) =	sbr.rel @p0 .LBB2_2-.Ltmp0, $4  }
0x180: {  	[sflag:s17] =	ssyncset.done $0x0  }
0x181: {  	[sflag:s17] =	ssyncadd.s32 $0xFFFFCE00  }
0x182: {  	s7 =	smov.u32 s6;
	s6 =	sadd.s32 $0x180, s6;
	_ =	swait.ge [sflag:s17], $0x3200  }
0x183: {  	s24 =	smov.u32 s7;
	s8 =	rddreg [dreg:$0x4];
	[sflag:s17] =	ssyncset.done $0x0  }
0x184: {  	[sflag:s17] =	ssyncadd.s32 $0xFFFFCE00;
	s6 =	sadd.s32 s24, s8  }
0x185: {  	[tilespmem:s3], [sflag:$0x5] =	stream.linear.gather [hbm4b:s6+s3], $0xA00, $0x38;
	[tilespmem:$0x1F400] =	vst v63  }
0x186: {  	_ =	swait.ge [sflag:s9], $0xA00  }
0x187: {  	s8 =	rddreg [dreg:$0x3];
	[sflag:s9] =	ssyncset.done $0x0  }
0x188: {  	s6 =	sadd.s32 s24, s8;
	[sflag:s9] =	ssyncadd.s32 $0xFFFFF600  }
0x189: {  	[tilespmem:s10], [sflag:$0x5] =	stream.linear.gather [hbm4b:s6+s3], $0xA00, $0x38;
	[tilespmem:$0x1F400] =	vst v63  }
0x18a: {  	_ =	swait.ge [sflag:s9], $0xA00  }
0x18b: {  	[sflag:s9] =	ssyncset.done $0x0  }
0x18c: {  	[sflag:s9] =	ssyncadd.s32 $0xFFFFF600  }
0x18d: {  	[tilespmem:s12], [sflag:$0x1] =	stream.indirect.gather [hbm4b:s4+s11], $0x80, s3, s11, $0xb8;
	[tilespmem:$0x1F400] =	vst v63  }
0x18e: {  	s7 =	rddreg [dreg:$0x5]  }
0x18f: {  	[tilespmem:s13], [sflag:$0x2] =	stream.indirect.gather [hbm4b:s4+s11], $0x80, s7, s11, $0xb8;
	[tilespmem:$0x1F400] =	vst v63  }
0x190: {  	_ =	swait.ge [sflag:s14], $0x3200  }
0x191: {  	[sflag:s14] =	ssyncset.done $0x0  }
0x192: {  	[sflag:s14] =	ssyncadd.s32 $0xFFFFCE00  }
0x193: {  	[spmem:s2] =	stream.indirect.scatter.add.f32 [tilespmem:s12], [sflag:$0x4], $0x80, s10, s11, $0xb8;
	[tilespmem:$0x1F400] =	vst v63  }
0x194: {  	s8 =	rddreg [dreg:$0x6]  }
0x195: {  	[tilespmem:s15], [sflag:$0x3] =	stream.indirect.gather [hbm4b:s4+s11], $0x80, s8, s11, $0xb8;
	[tilespmem:$0x1F400] =	vst v63  }
0x196: {  	_ =	swait.ge [sflag:s16], $0x3200  }
0x197: {  	[sflag:s16] =	ssyncset.done $0x0  }
0x198: {  	s24 =	rddreg [dreg:$0x7];
	[sflag:s16] =	ssyncadd.s32 $0xFFFFCE00  }
0x199: {  	[spmem:s2] =	stream.indirect.scatter.add.f32 [tilespmem:s13], [sflag:$0x4], $0x80, s24, s11, $0xb8;
	[tilespmem:$0x1F400] =	vst v63  }
0x19a: {  	_ =	swait.ge [sflag:s17], $0x3200  }
0x19b: {  	[sflag:s17] =	ssyncset.done $0x0  }
0x19c: {  	s7 =	rddreg [dreg:$0x8];
	[sflag:s17] =	ssyncadd.s32 $0xFFFFCE00  }
0x19d: {  	[tilespmem:s12], [sflag:$0x1] =	stream.indirect.gather [hbm4b:s4+s11], $0x80, s7, s11, $0xb8;
	[tilespmem:$0x1F400] =	vst v63  }
0x19e: {  	_ =	swait.ge [sflag:s18], $0x3200  }
0x19f: {  	[sflag:s18] =	ssyncset.done $0x0  }
0x1a0: {  	s8 =	rddreg [dreg:$0x9];
	[sflag:s18] =	ssyncadd.s32 $0xFFFFCE00  }
0x1a1: {  	[spmem:s2] =	stream.indirect.scatter.add.f32 [tilespmem:s15], [sflag:$0x4], $0x80, s8, s11, $0xb8;
	[tilespmem:$0x1F400] =	vst v63  }
0x1a2: {  	_ =	swait.ge [sflag:s17], $0x3200  }
0x1a3: {  	[sflag:s17] =	ssyncset.done $0x0  }
0x1a4: {  	s24 =	rddreg [dreg:$0xa];
	[sflag:s17] =	ssyncadd.s32 $0xFFFFCE00  }
0x1a5: {  	[tilespmem:s13], [sflag:$0x2] =	stream.indirect.gather [hbm4b:s4+s11], $0x80, s24, s11, $0xb8;
	[tilespmem:$0x1F400] =	vst v63  }
0x1a6: {  	_ =	swait.ge [sflag:s14], $0x3200  }
0x1a7: {  	[sflag:s14] =	ssyncset.done $0x0  }
0x1a8: {  	s7 =	rddreg [dreg:$0xb];
	[sflag:s14] =	ssyncadd.s32 $0xFFFFCE00  }
0x1a9: {  	[spmem:s2] =	stream.indirect.scatter.add.f32 [tilespmem:s12], [sflag:$0x4], $0x80, s7, s11, $0xb8;
	[tilespmem:$0x1F400] =	vst v63  }
0x1aa: {  	_ =	swait.ge [sflag:s17], $0x3200  }
0x1ab: {  	[sflag:s17] =	ssyncset.done $0x0  }
0x1ac: {  	s8 =	rddreg [dreg:$0xc];
	[sflag:s17] =	ssyncadd.s32 $0xFFFFCE00  }
0x1ad: {  	[tilespmem:s15], [sflag:$0x3] =	stream.indirect.gather [hbm4b:s4+s11], $0x80, s8, s11, $0xb8;
	[tilespmem:$0x1F400] =	vst v63  }
0x1ae: {  	_ =	swait.ge [sflag:s16], $0x3200  }
0x1af: {  	[sflag:s16] =	ssyncset.done $0x0  }
0x1b0: {  	s24 =	rddreg [dreg:$0xd];
	[sflag:s16] =	ssyncadd.s32 $0xFFFFCE00  }
0x1b1: {  	[spmem:s2] =	stream.indirect.scatter.add.f32 [tilespmem:s13], [sflag:$0x4], $0x80, s24, s11, $0xb8;
	[tilespmem:$0x1F400] =	vst v63  }
0x1b2: {  	_ =	swait.ge [sflag:s17], $0x3200  }
0x1b3: {  	[sflag:s17] =	ssyncset.done $0x0  }
0x1b4: {  	s7 =	rddreg [dreg:$0xe];
	[sflag:s17] =	ssyncadd.s32 $0xFFFFCE00  }
0x1b5: {  	[tilespmem:s12], [sflag:$0x1] =	stream.indirect.gather [hbm4b:s4+s11], $0x80, s7, s11, $0xb8;
	[tilespmem:$0x1F400] =	vst v63  }
0x1b6: {  	_ =	swait.ge [sflag:s18], $0x3200  }
0x1b7: {  	[sflag:s18] =	ssyncset.done $0x0  }
0x1b8: {  	s8 =	rddreg [dreg:$0xf];
	[sflag:s18] =	ssyncadd.s32 $0xFFFFCE00  }
0x1b9: {  	[spmem:s2] =	stream.indirect.scatter.add.f32 [tilespmem:s15], [sflag:$0x4], $0x80, s8, s11, $0xb8;
	[tilespmem:$0x1F400] =	vst v63  }
0x1ba: {  	_ =	swait.ge [sflag:s17], $0x3200  }
0x1bb: {  	[sflag:s17] =	ssyncset.done $0x0  }
0x1bc: {  	s24 =	rddreg [dreg:$0x10];
	[sflag:s17] =	ssyncadd.s32 $0xFFFFCE00  }
0x1bd: {  	[tilespmem:s13], [sflag:$0x2] =	stream.indirect.gather [hbm4b:s4+s11], $0x80, s24, s11, $0xb8;
	[tilespmem:$0x1F400] =	vst v63  }
0x1be: {  	_ =	swait.ge [sflag:s14], $0x3200  }
0x1bf: {  	[sflag:s14] =	ssyncset.done $0x0  }
0x1c0: {  	s7 =	rddreg [dreg:$0x11];
	[sflag:s14] =	ssyncadd.s32 $0xFFFFCE00  }
0x1c1: {  	[spmem:s2] =	stream.indirect.scatter.add.f32 [tilespmem:s12], [sflag:$0x4], $0x80, s7, s11, $0xb8;
	[tilespmem:$0x1F400] =	vst v63  }
0x1c2: {  	_ =	swait.ge [sflag:s17], $0x3200  }
0x1c3: {  	[sflag:s17] =	ssyncset.done $0x0  }
0x1c4: {  	s8 =	rddreg [dreg:$0x12];
	[sflag:s17] =	ssyncadd.s32 $0xFFFFCE00  }
0x1c5: {  	[tilespmem:s15], [sflag:$0x3] =	stream.indirect.gather [hbm4b:s4+s11], $0x80, s8, s11, $0xb8;
	[tilespmem:$0x1F400] =	vst v63  }
0x1c6: {  	_ =	swait.ge [sflag:s16], $0x3200  }
0x1c7: {  	[sflag:s16] =	ssyncset.done $0x0  }
0x1c8: {  	s24 =	rddreg [dreg:$0x13];
	[sflag:s16] =	ssyncadd.s32 $0xFFFFCE00  }
0x1c9: {  	[spmem:s2] =	stream.indirect.scatter.add.f32 [tilespmem:s13], [sflag:$0x4], $0x80, s24, s11, $0xb8;
	[tilespmem:$0x1F400] =	vst v63  }
0x1ca: {  	_ =	swait.ge [sflag:s17], $0x3200  }
0x1cb: {  	[sflag:s17] =	ssyncset.done $0x0  }
0x1cc: {  	s7 =	rddreg [dreg:$0x14];
	[sflag:s17] =	ssyncadd.s32 $0xFFFFCE00  }
0x1cd: {  	[tilespmem:s12], [sflag:$0x1] =	stream.indirect.gather [hbm4b:s4+s11], $0x80, s7, s11, $0xb8;
	[tilespmem:$0x1F400] =	vst v63  }
0x1ce: {  	_ =	swait.ge [sflag:s18], $0x3200  }
0x1cf: {  	[sflag:s18] =	ssyncset.done $0x0  }
0x1d0: {  	s8 =	rddreg [dreg:$0x15];
	[sflag:s18] =	ssyncadd.s32 $0xFFFFCE00  }
0x1d1: {  	[spmem:s2] =	stream.indirect.scatter.add.f32 [tilespmem:s15], [sflag:$0x4], $0x80, s8, s11, $0xb8;
	[tilespmem:$0x1F400] =	vst v63  }
0x1d2: {  	_ =	swait.ge [sflag:s17], $0x3200  }
0x1d3: {  	[sflag:s17] =	ssyncset.done $0x0  }
0x1d4: {  	s24 =	rddreg [dreg:$0x16];
	[sflag:s17] =	ssyncadd.s32 $0xFFFFCE00  }
0x1d5: {  	[tilespmem:s13], [sflag:$0x2] =	stream.indirect.gather [hbm4b:s4+s11], $0x80, s24, s11, $0xb8;
	[tilespmem:$0x1F400] =	vst v63  }
0x1d6: {  	_ =	swait.ge [sflag:s14], $0x3200  }
0x1d7: {  	[sflag:s14] =	ssyncset.done $0x0  }
0x1d8: {  	s7 =	rddreg [dreg:$0x17];
	[sflag:s14] =	ssyncadd.s32 $0xFFFFCE00  }
0x1d9: {  	[spmem:s2] =	stream.indirect.scatter.add.f32 [tilespmem:s12], [sflag:$0x4], $0x80, s7, s11, $0xb8;
	[tilespmem:$0x1F400] =	vst v63  }
0x1da: {  	_ =	swait.ge [sflag:s17], $0x3200  }
0x1db: {  	[sflag:s17] =	ssyncset.done $0x0  }
0x1dc: {  	s8 =	rddreg [dreg:$0x18];
	[sflag:s17] =	ssyncadd.s32 $0xFFFFCE00  }
0x1dd: {  	[tilespmem:s15], [sflag:$0x3] =	stream.indirect.gather [hbm4b:s4+s11], $0x80, s8, s11, $0xb8;
	[tilespmem:$0x1F400] =	vst v63  }
0x1de: {  	_ =	swait.ge [sflag:s16], $0x3200  }
0x1df: {  	[sflag:s16] =	ssyncset.done $0x0  }
0x1e0: {  	s24 =	rddreg [dreg:$0x19];
	[sflag:s16] =	ssyncadd.s32 $0xFFFFCE00  }
0x1e1: {  	[spmem:s2] =	stream.indirect.scatter.add.f32 [tilespmem:s13], [sflag:$0x4], $0x80, s24, s11, $0xb8;
	[tilespmem:$0x1F400] =	vst v63  }
0x1e2: {  	_ =	swait.ge [sflag:s17], $0x3200  }
0x1e3: {  	[sflag:s17] =	ssyncset.done $0x0  }
0x1e4: {  	s7 =	rddreg [dreg:$0x1a];
	[sflag:s17] =	ssyncadd.s32 $0xFFFFCE00  }
0x1e5: {  	[tilespmem:s12], [sflag:$0x1] =	stream.indirect.gather [hbm4b:s4+s11], $0x80, s7, s11, $0xb8;
	[tilespmem:$0x1F400] =	vst v63  }
0x1e6: {  	_ =	swait.ge [sflag:s18], $0x3200  }
0x1e7: {  	[sflag:s18] =	ssyncset.done $0x0  }
0x1e8: {  	s8 =	rddreg [dreg:$0x1b];
	[sflag:s18] =	ssyncadd.s32 $0xFFFFCE00  }
0x1e9: {  	[spmem:s2] =	stream.indirect.scatter.add.f32 [tilespmem:s15], [sflag:$0x4], $0x80, s8, s11, $0xb8;
	[tilespmem:$0x1F400] =	vst v63  }
0x1ea: {  	_ =	swait.ge [sflag:s17], $0x3200  }
0x1eb: {  	[sflag:s17] =	ssyncset.done $0x0  }
0x1ec: {  	s24 =	rddreg [dreg:$0x1c];
	[sflag:s17] =	ssyncadd.s32 $0xFFFFCE00  }
0x1ed: {  	[tilespmem:s13], [sflag:$0x2] =	stream.indirect.gather [hbm4b:s4+s11], $0x80, s24, s11, $0xb8;
	[tilespmem:$0x1F400] =	vst v63  }
0x1ee: {  	_ =	swait.ge [sflag:s14], $0x3200  }
0x1ef: {  	[sflag:s14] =	ssyncset.done $0x0  }
0x1f0: {  	[sflag:s14] =	ssyncadd.s32 $0xFFFFCE00  }
0x1f1: {  	[spmem:s2] =	stream.indirect.scatter.add.f32 [tilespmem:s12], [sflag:$0x4], $0x80, s19, s11, $0xb8;
	[tilespmem:$0x1F400] =	vst v63  }
0x1f2: {  	_ =	swait.ge [sflag:s17], $0x3200  }
0x1f3: {  	[sflag:s17] =	ssyncset.done $0x0  }
0x1f4: {  	[sflag:s17] =	ssyncadd.s32 $0xFFFFCE00  }
0x1f5: {  	[tilespmem:s15], [sflag:$0x3] =	stream.indirect.gather [hbm4b:s4+s11], $0x80, s20, s11, $0xb8;
	[tilespmem:$0x1F400] =	vst v63  }
0x1f6: {  	_ =	swait.ge [sflag:s16], $0x3200  }
0x1f7: {  	[sflag:s16] =	ssyncset.done $0x0  }
0x1f8: {  	[sflag:s16] =	ssyncadd.s32 $0xFFFFCE00  }
0x1f9: {  	[spmem:s2] =	stream.indirect.scatter.add.f32 [tilespmem:s13], [sflag:$0x4], $0x80, s21, s11, $0xb8;
	[tilespmem:$0x1F400] =	vst v63  }
0x1fa: {  	_ =	swait.ge [sflag:s17], $0x3200  }
0x1fb: {  	[sflag:s17] =	ssyncset.done $0x0  }
0x1fc: {  	[sflag:s17] =	ssyncadd.s32 $0xFFFFCE00  }
0x1fd: {  	[tilespmem:s12], [sflag:$0x1] =	stream.indirect.gather [hbm4b:s4+s11], $0x80, s22, s11, $0xb8;
	[tilespmem:$0x1F400] =	vst v63  }
0x1fe: {  	_ =	swait.ge [sflag:s18], $0x3200  }
0x1ff: {  	[sflag:s18] =	ssyncset.done $0x0  }
0x200: {  	[sflag:s18] =	ssyncadd.s32 $0xFFFFCE00  }
0x201: {  	[spmem:s2] =	stream.indirect.scatter.add.f32 [tilespmem:s15], [sflag:$0x4], $0x80, s23, s11, $0xb8;
	[tilespmem:$0x1F400] =	vst v63  }
0x202: {  	_ =	swait.ge [sflag:s17], $0x3200  }
0x203: {  	[sflag:s17] =	ssyncset.done $0x0  }
0x204: {  	[sflag:s17] =	ssyncadd.s32 $0xFFFFCE00  }
0x205: {  	[tilespmem:s13], [sflag:$0x2] =	stream.indirect.gather [hbm4b:s4+s11], $0x80, s25, s11, $0xb8;
	[tilespmem:$0x1F400] =	vst v63  }
0x206: {  	_ =	swait.ge [sflag:s14], $0x3200  }
0x207: {  	[sflag:s14] =	ssyncset.done $0x0  }
0x208: {  	[sflag:s14] =	ssyncadd.s32 $0xFFFFCE00  }
0x209: {  	[spmem:s2] =	stream.indirect.scatter.add.f32 [tilespmem:s12], [sflag:$0x4], $0x80, s26, s11, $0xb8;
	[tilespmem:$0x1F400] =	vst v63  }
0x20a: {  	_ =	swait.ge [sflag:s17], $0x3200  }
0x20b: {  	[sflag:s17] =	ssyncset.done $0x0  }
0x20c: {  	[sflag:s17] =	ssyncadd.s32 $0xFFFFCE00  }
0x20d: {  	[tilespmem:s15], [sflag:$0x3] =	stream.indirect.gather [hbm4b:s4+s11], $0x80, s28, s11, $0xb8;
	[tilespmem:$0x1F400] =	vst v63  }
0x20e: {  	_ =	swait.ge [sflag:s16], $0x3200  }
0x20f: {  	[sflag:s16] =	ssyncset.done $0x0  }
0x210: {  	[sflag:s16] =	ssyncadd.s32 $0xFFFFCE00  }
0x211: {  	[spmem:s2] =	stream.indirect.scatter.add.f32 [tilespmem:s13], [sflag:$0x4], $0x80, s29, s11, $0xb8;
	[tilespmem:$0x1F400] =	vst v63  }
0x212: {  	_ =	swait.ge [sflag:s17], $0x3200  }
0x213: {  	[sflag:s17] =	ssyncset.done $0x0  }
0x214: {  	[sflag:s17] =	ssyncadd.s32 $0xFFFFCE00  }
0x215: {  	[tilespmem:s12], [sflag:$0x1] =	stream.indirect.gather [hbm4b:s4+s11], $0x80, s30, s11, $0xb8;
	[tilespmem:$0x1F400] =	vst v63  }
0x216: {  	_ =	swait.ge [sflag:s18], $0x3200  }
0x217: {  	[sflag:s18] =	ssyncset.done $0x0  }
0x218: {  	[sflag:s18] =	ssyncadd.s32 $0xFFFFCE00  }
0x219: {  	[spmem:s2] =	stream.indirect.scatter.add.f32 [tilespmem:s15], [sflag:$0x4], $0x80, s31, s11, $0xb8;
	[tilespmem:$0x1F400] =	vst v63  }
0x21a: {  	_ =	swait.ge [sflag:s17], $0x3200  }
0x21b: {  	[sflag:s17] =	ssyncset.done $0x0  }
0x21c: {  	[sflag:s17] =	ssyncadd.s32 $0xFFFFCE00  }
0x21d: {  	[tilespmem:s13], [sflag:$0x2] =	stream.indirect.gather [hbm4b:s4+s11], $0x80, s1, s11, $0xb8;
	[tilespmem:$0x1F400] =	vst v63  }
0x21e: {  	_ =	swait.ge [sflag:s14], $0x3200  }
0x21f: {  	[sflag:s14] =	ssyncset.done $0x0  }
0x220: {  	[sflag:s14] =	ssyncadd.s32 $0xFFFFCE00  }
0x221: {  	[spmem:s2] =	stream.indirect.scatter.add.f32 [tilespmem:s12], [sflag:$0x4], $0x80, s0, s11, $0xb8;
	[tilespmem:$0x1F400] =	vst v63  }
0x222: {  	_ =	swait.ge [sflag:s17], $0x3200  }
0x223: {  	[sflag:s17] =	ssyncset.done $0x0  }
0x224: {  	[sflag:s17] =	ssyncadd.s32 $0xFFFFCE00  }
0x225: {  	_ =	swait.ge [sflag:s16], $0x3200  }
0x226: {  	[sflag:s16] =	ssyncset.done $0x0  }
0x227: {  	[sflag:s16] =	ssyncadd.s32 $0xFFFFCE00  }
0x228: {  	[spmem:s2] =	stream.indirect.scatter.add.f32 [tilespmem:s13], [sflag:$0x4], $0x80, s5, s11, $0xb8;
	[tilespmem:$0x1F400] =	vst v63  }
0x229: {  	_ =	swait.ge [sflag:s17], $0x3200  }
0x22a: {  	[sflag:s17] =	ssyncset.done $0x0  }
0x22b: {  	[sflag:s17] =	ssyncadd.s32 $0xFFFFCE00  }
0x22c: {  	_ =	swait.ge [sflag:s17], $0x3200  }
0x22d: {  	[sflag:s17] =	ssyncset.done $0x0  }
0x22e: {  	[sflag:s17] =	ssyncadd.s32 $0xFFFFCE00  }
0x22f: {  	[bflag:$0x0] =	sbarrier.arrive $0xFFFF  }
0x230: {  	s8 =	sld [smem:$0x7FD]  }
0x231: {  	s7 =	sld [smem:$0x7FC];
	_ =	sdelay $0x1  }
0x232: {  	s24 =	rddreg [dreg:$0x1e]  }
0x233: {  	[hbm:s7], [sflag:s24] =	dma.local [spmem:s8], $0x2800  }
0x234: {  	_ =	swait.ge [sflag:s9], $0x2800  }
0x235: {  	s7 =	sld [smem:$0x7FB];
	_ =	sdelay $0x2  }
0x236: {  	s6 =	rddreg [dreg:$0x1f];
	s7 =	sadd.s32 $0x1, s7  }
0x237: {  	p0 =	sne.s32 s7, s6  }
.Ltmp1:
0x238: {  	_ = 	snop;
	(pc) =	sbr.rel @p0 .LBB2_1-.Ltmp1, $3  }
0x239: {  	_ =	sdelay $0x1  }
0x23a: {  	[sflag:s9] =	ssyncset.done $0x0  }
0x23b: {  	[sflag:s9] =	ssyncadd.s32 $0xFFFFD800  }
0x23c: {  	_ =	sfence.sel $0x180000  }
0x23d: {  	[bflag:$0x0] =	sbarrier.arrive $0xFFFF  }
0x23e: {  	_ =	strace $0x9000004D  }
0x23f: {  	s0 =	stileid.u32;
	[bflag:$0x2] =	sbarrier.arrive $0xFFFF  }
0x240: {  	p0 =	sne.s32 s0, $0x0;
	s0 =	rddreg [dreg:$0x2]  }
0x241: {  	s0 =	sadd.s32 @!p0 $0x100000, s0  }
0x242: {  	[sflag:s0] =	ssyncadd.tile.s32 @!p0 $0x1;
	_ =	shalt  }
.Lfunc_end2:
_tile_overlayer_lowered:
.L_overlay_start_2:
0x243: {  	(tag) =	ssettag $0x2  }
0x244: {  	s0 =	rddreg [dreg:$0x0];
	s2 =	stileid.u32  }
0x245: {  	s1 =	rddreg [dreg:$0x1];
	p0 =	sne.s32 s2, $0x0  }
0x246: {  	s3 =	rddreg [dreg:$0x2];
	[bflag:$0x3] =	sbarrier.arrive $0xFFFF;
	s2 =	simm.s32 @!p0 $0x1C05  }
0x247: {  	[timem:s3], [sflag:s2] =	dma.local @!p0 [hbm:s0], s1  }
0x248: {  	s0 =	simm.s32 @!p0 $0x5  }
0x249: {  	_ =	swait.ge @!p0 [sflag:s0], s1  }
0x24a: {  	s1 =	ssub.s32 @!p0 $0x0, s1;
	[sflag:s0] =	ssyncset.done @!p0 $0x0  }
0x24b: {  	[sflag:s0] =	ssyncadd.s32 @!p0 s1  }
0x24c: {  	[bflag:$0x3] =	sbarrier.arrive $0xFFFF  }
0x24d: {  	_ =	shalt  }

// kernel: kernel.19.cloned.1.call-start
scs
__scs_entry_jumppad:
0x0: {  	(pc) =	sbr.rel $0x88, $3  }
0x1: {  	(tag) =	ssettag $0x0;
	lr =	simm.s32 $0x1  }
0x2: {  	[smem:$0x3F8E] =	sst lr;
	_ =	strace $0xD0000000  }
0x3: {  	_ = 	snop  }
0x4: {  	_ = 	snop  }
0x5: {  	_ = 	snop  }
0x6: {  	_ = 	snop  }
0x7: {  	_ = 	snop  }
__scs_overlays_trampoline_lowered:
0x8: {  	[smem:$0x3F9D] =	sst s0  }
0x9: {  	[smem:$0x3F9E] =	sst s1  }
0xa: {  	[smem:$0x3F9F] =	sst s2  }
0xb: {  	[smem:$0x3FA0] =	sst s3  }
0xc: {  	[smem:$0x3FA1] =	sst s4  }
0xd: {  	[smem:$0x3FA2] =	sst s5  }
0xe: {  	[smem:$0x3FA3] =	sst s6  }
0xf: {  	[smem:$0x3FA4] =	sst s7  }
0x10: {  	[smem:$0x3FA5] =	sst s8  }
0x11: {  	[smem:$0x3FA6] =	sst s9;
	s0 =	simm.s32 @!p0 $0x0  }
0x12: {  	s1 =	sld [smem:$0x3F8C];
	s0 =	simm.s32 @p0 $0x1  }
0x13: {  	[smem:$0x3FA7] =	sst s0;
	s0 =	simm.s32 @!p1 $0x0  }
0x14: {  	s2 =	sld [smem:$0x3F8B];
	s0 =	simm.s32 @p1 $0x1  }
0x15: {  	[smem:$0x3FA8] =	sst s0;
	s0 =	simm.s32 @!p2 $0x0  }
0x16: {  	s3 =	sld [smem:$0x3FDB];
	s0 =	simm.s32 @p2 $0x1  }
0x17: {  	s4 =	simm.s32 $0x1BF5;
	[smem:$0x3FAA] =	sst s0  }
0x18: {  	s0 =	sld [smem:$0x3F8D];
	_ =	swait.ge [sflag:s4], $0x0  }
0x19: {  	s7 =	sld [smem:$0x3F8E]  }
0x1a: {  	s8 =	sadd.s32 $0xFFFFE003, lr  }
0x1b: {  	s9 =	sadd.s32 $0xFFFFFEF7, lr;
	s5 =	simm.s32 $0xFFFFFFFF;
	p2 =	slt.u32 s8, $0xFFFFF086  }
0x1c: {  	p1 =	slt.u32 s9, $0xF7A;
	s5 =	simm.s32 @!p2 $0x0  }
0x1d: {  	s5 =	simm.s32 @p1 $0x1;
	p0 =	seq.s32 s7, s2  }
0x1e: {  	s7 =	smul.u32 @!p0 $0xF7A, s2;
	p2 =	seq.s32 @!p0 s5, $0x0  }
0x1f: {  	s9 =	smul.u32 $0xF7A, s1;
	s8 =	simm.s32 @!p0 $0x1BF5;
	p2 =	por !p2, p0  }
0x20: {  	[sflag:s8] =	ssyncset.s32 @!p0 $0xFFFFF086;
	s6 =	sadd.s32 @!p0 s3, s7;
	s7 =	simm.s32 @!p0 $0x108  }
0x21: {  	s3 =	sadd.s32 s3, s9;
	s6 =	sadd.s32 @!p0 $0x88, s6;
	s7 =	simm.s32 @p2 $0x1082  }
0x22: {  	[simem:s7], [sflag:s8] =	dma.local @!p0 [hbm:s6], $0xF7A  }
0x23: {  	s9 =	sor.u32 $0xD0000000, s2;
	s6 =	simm.s32 $0x108;
	_ =	swait.ge @!p0 [sflag:s8], $0x0  }
0x24: {  	s3 =	sadd.s32 $0x88, s3;
	s6 =	simm.s32 @!p1 $0x1082;
	[sflag:s4] =	ssyncset.s32 $0xFFFFF086  }
0x25: {  	[simem:s6], [sflag:s4] =	dma.local [hbm:s3], $0xF7A  }
0x26: {  	[smem:$0x3F8E] =	sst s1;
	(tag) =	ssettag s2;
	_ =	strace s9  }
0x27: {  	s1 =	sld [smem:$0x3F9E]  }
0x28: {  	s2 =	sld [smem:$0x3F9F]  }
0x29: {  	s4 =	sld [smem:$0x3FA1]  }
0x2a: {  	p0 =	seq.s32 s5, $0x0;
	s5 =	sld [smem:$0x3FA2]  }
0x2b: {  	s6 =	sld [smem:$0x3FA3]  }
0x2c: {  	s7 =	sld [smem:$0x3FA4]  }
0x2d: {  	s3 =	simm.s32 $0x108;
	s8 =	sld [smem:$0x3FA5]  }
0x2e: {  	s3 =	simm.s32 @!p0 $0x1082;
	s9 =	sld [smem:$0x3FA6]  }
0x2f: {  	lr =	sadd.s32 s0, s3;
	s0 =	sld [smem:$0x3F9D]  }
0x30: {  	s3 =	sld [smem:$0x3FA0]  }
0x31: {  	[smem:$0x3FA9] =	sst s10  }
0x32: {  	s10 =	sld [smem:$0x3FA7];
	_ =	sdelay $0x3  }
0x33: {  	p0 =	seq.s32 s10, $0x1;
	s10 =	sld [smem:$0x3FA9];
	_ =	sdelay $0x3  }
0x34: {  	[smem:$0x3FA9] =	sst s10  }
0x35: {  	s10 =	sld [smem:$0x3FA8];
	_ =	sdelay $0x3  }
0x36: {  	p1 =	seq.s32 s10, $0x1;
	s10 =	sld [smem:$0x3FA9];
	_ =	sdelay $0x3  }
0x37: {  	[smem:$0x3FA9] =	sst s10  }
0x38: {  	s10 =	sld [smem:$0x3FAA]  }
0x39: {  	_ = 	snop;
	(pc) =	sbr.ind lr, $3  }
0x3a: {  	_ = 	snop  }
0x3b: {  	_ = 	snop  }
0x3c: {  	p2 =	seq.s32 s10, $0x1;
	s10 =	sld [smem:$0x3FA9]  }
0x3d: {  	_ =	shalt  }
0x3e: {  	_ =	shalt  }
0x3f: {  	_ =	shalt  }
0x40: {  	_ =	shalt  }
0x41: {  	_ =	shalt  }
0x42: {  	_ =	shalt  }
0x43: {  	_ =	shalt  }
0x44: {  	_ =	shalt  }
0x45: {  	_ =	shalt  }
0x46: {  	_ =	shalt  }
0x47: {  	_ =	shalt  }
0x48: {  	_ =	shalt  }
0x49: {  	_ =	shalt  }
0x4a: {  	_ =	shalt  }
0x4b: {  	_ =	shalt  }
0x4c: {  	_ =	shalt  }
0x4d: {  	_ =	shalt  }
0x4e: {  	_ =	shalt  }
0x4f: {  	_ =	shalt  }
0x50: {  	_ =	shalt  }
0x51: {  	_ =	shalt  }
0x52: {  	_ =	shalt  }
0x53: {  	_ =	shalt  }
0x54: {  	_ =	shalt  }
0x55: {  	_ =	shalt  }
0x56: {  	_ =	shalt  }
0x57: {  	_ =	shalt  }
0x58: {  	_ =	shalt  }
0x59: {  	_ =	shalt  }
0x5a: {  	_ =	shalt  }
0x5b: {  	_ =	shalt  }
0x5c: {  	_ =	shalt  }
0x5d: {  	_ =	shalt  }
0x5e: {  	_ =	shalt  }
0x5f: {  	_ =	shalt  }
0x60: {  	_ =	shalt  }
0x61: {  	_ =	shalt  }
0x62: {  	_ =	shalt  }
0x63: {  	_ =	shalt  }
0x64: {  	_ =	shalt  }
0x65: {  	_ =	shalt  }
0x66: {  	_ =	shalt  }
0x67: {  	_ =	shalt  }
0x68: {  	_ =	shalt  }
0x69: {  	_ =	shalt  }
0x6a: {  	_ =	shalt  }
0x6b: {  	_ =	shalt  }
0x6c: {  	_ =	shalt  }
0x6d: {  	_ =	shalt  }
0x6e: {  	_ =	shalt  }
0x6f: {  	_ =	shalt  }
0x70: {  	_ =	shalt  }
0x71: {  	_ =	shalt  }
0x72: {  	_ =	shalt  }
0x73: {  	_ =	shalt  }
0x74: {  	_ =	shalt  }
0x75: {  	_ =	shalt  }
0x76: {  	_ =	shalt  }
0x77: {  	_ =	shalt  }
0x78: {  	_ =	shalt  }
0x79: {  	_ =	shalt  }
0x7a: {  	_ =	shalt  }
0x7b: {  	_ =	shalt  }
0x7c: {  	_ =	shalt  }
0x7d: {  	_ =	shalt  }
0x7e: {  	_ =	shalt  }
0x7f: {  	_ =	shalt  }
0x80: {  	_ =	shalt  }
0x81: {  	_ =	shalt  }
0x82: {  	_ =	shalt  }
0x83: {  	_ =	shalt  }
0x84: {  	_ =	shalt  }
0x85: {  	_ =	shalt  }
0x86: {  	_ =	shalt  }
0x87: {  	_ =	shalt  }
.Lfunc_end0:
.L_simem_size_0:
called_computation.3_lowered:
.L_overlay_start_0:
0x88: {  	s2 =	sld [smem:$0x3FD9]  }
0x89: {  	s3 =	sld [smem:$0x3FFE];
	_ =	sdelay $0x1  }
0x8a: {  	s1 =	srdreg.scid  }
0x8b: {  	s0 =	sand.u32 $0x1, s1  }
0x8c: {  	s16 =	sshll.u32 s0, $0xA;
	s2 =	sadd.s32 s3, s2  }
0x8d: {  	s2 =	sadd.s32 s2, s16  }
0x8e: {  	[smem:$0x3FB5] =	sst s2  }
0x8f: {  	_ = 	snop  }
0x90: {  	(tm) =	ssettm $0x1  }
0x91: {  	s17 =	sld [smem:$0x3FFB];
	_ =	sdelay $0x3  }
0x92: {  	_ =	strace s17  }
0x93: {  	s2 =	sld [smem:$0x3FFC];
	_ =	sdelay $0x3  }
0x94: {  	_ =	strace s2  }
0x95: {  	s2 =	sld [smem:$0x3FFD];
	_ =	sdelay $0x3  }
0x96: {  	_ =	strace s2  }
0x97: {  	_ =	strace $0x8FFFFFFF  }
0x98: {  	s18 =	sld [smem:$0x3FDB];
	_ =	sdelay $0x1  }
0x99: {  	s19 =	simm.s32 $_scs_section_size  }
0x9a: {  	s4 =	simm.s32 $_size__tile_overlayer_lowered;
	s5 =	simm.s32 $_tile_overlayer_lowered  }
0x9b: {  	s22 =	simm.s32 $0x1BFF;
	s21 =	sshll.u32 s5, $0x1;
	s2 =	sadd.s32 s19, s18  }
0x9c: {  	s6 =	simm.s32 $0x0;
	s20 =	sshll.u32 s4, $0x1;
	s4 =	sadd.s32 s21, s2  }
0x9d: {  	[timem:s6], [sflag:s22] =	dma.local [hbm:s4], s20  }
0x9e: {  	_ =	swait.ge [sflag:s22], s20  }
0x9f: {  	s3 =	ssub.s32 $0x0, s20;
	[sflag:s22] =	ssyncset.done $0x0  }
0xa0: {  	[sflag:s22] =	ssyncadd.s32 s3;
	_ =	sdelay $0x1  }
0xa1: {  	s23 =	simm.s32 $0x1B8B  }
0xa2: {  	_ =	swait.ge [sflag:s23], $0x1  }
0xa3: {  	[sflag:s23] =	ssyncset.done $0x0  }
0xa4: {  	s25 =	simm.s32 $0x1B8E;
	s24 =	sld [smem:$0x3FFE];
	[sflag:s23] =	ssyncadd.s32 $0xFFFFFFFF  }
0xa5: {  	s26 =	simm.s32 $execute0_lowered;
	[smem:$0x3FD2] =	sst s25  }
0xa6: {  	s4 =	sshll.u32 s26, $0x1;
	_ =	strace $0x8000004F;
	[dreg:$0x1] =	wrdreg $0xFFFFFFFF  }
0xa7: {  	s28 =	simm.s32 $_size_execute0_lowered;
	s2 =	sadd.s32 s2, s4;
	[dreg:$0x0] =	wrdreg $0x0  }
0xa8: {  	s4 =	sshll.u32 s28, $0x1;
	[dreg:$0x2] =	wrdreg s2  }
0xa9: {  	[dreg:$0x3] =	wrdreg s4  }
0xaa: {  	[dreg:$0x4] =	wrdreg $0xC0  }
0xab: {  	_ =	task [dreg:s6], $0x5FFFF  }
0xac: {  	[dreg:$0x1] =	wrdreg $0xFFFFFFFF  }
0xad: {  	[dreg:$0x0] =	wrdreg $0x60  }
0xae: {  	[dreg:$0x2] =	wrdreg s24  }
0xaf: {  	[dreg:$0x3] =	wrdreg $0xB4000  }
0xb0: {  	[dreg:$0x4] =	wrdreg $0x9  }
0xb1: {  	_ =	task.clear_ibuf [dreg:s6], $0x5FFFF;
	_ =	strace $0x9000004F  }
0xb2: {  	s29 =	simm.s32 $0x9;
	_ =	strace $0x80000051  }
0xb3: {  	_ =	swait.ge [sflag:s29], $0x1  }
0xb4: {  	[sflag:s29] =	ssyncadd.s32 $0xFFFFFFFF  }
0xb5: {  	_ =	strace $0x90000051  }
0xb6: {  	_ =	sfence  }
0xb7: {  	s30 =	sld [smem:$0x0];
	_ =	sdelay $0x2  }
0xb8: {  	s31 =	sshll.u32 s1, $0xD;
	s1 =	sshrl.u32 s1, $0x2  }
0xb9: {  	s3 =	sand.u32 $0x4000, s31;
	s1 =	sadd.s32 s1, s30  }
0xba: {  	s0 =	sor.u32 s3, s0;
	s1 =	sshll.u32 s1, $0x11  }
0xbb: {  	s0 =	sor.u32 s1, s0  }
0xbc: {  	s0 =	sadd.s32 $0x8F2B, s0  }
0xbd: {  	[sflag:s0] =	ssyncadd.remote.s32 $0x1  }
0xbe: {  	_ =	sfence.sel $0xFFFF  }
0xbf: {  	[dreg:$0x0] =	wrdreg $0xFFFFFFFF;
	(pc) =	sbr.abs _section_cstart, $3  }
0xc0: {  	[dreg:$0x1] =	wrdreg $0xFFFFFFFF  }
0xc1: {  	_ =	task.clear_ibuf [dreg:s6], $0x2FFFF;
	_ =	strace $0x9FFFFFFF  }
0xc2: {  	(tm) =	ssettm $0x7FFFFFFF  }
0xc3: {  	_ =	shalt  }
tec
execute0_lowered:
.L_overlay_start_1:
0x0: {  	(tag) =	ssettag $0x1  }
0x1: {  	s0 =	srdreg.scid  }
0x2: {  	s8 =	stileid.u32;
	s5 =	rddreg [dreg:$0x0]  }
0x3: {  	s2 =	rddreg [dreg:$0x1];
	s0 =	sand.u32 $0x1, s0;
	s3 =	smul.u32 $0x3C00, s8  }
0x4: {  	s26 =	simm.s32 $0x80;
	s10 =	simm.s32 $0x100;
	s1 =	smul.u32 $0x3C000, s0  }
0x5: {  	s11 =	simm.s32 $0xC80;
	s12 =	simm.s32 $0x180;
	s14 =	simm.s32 $0xD00  }
0x6: {  	s16 =	simm.s32 $0x200;
	s1 =	sadd.s32 s3, s1;
	s3 =	simm.s32 $0x0  }
0x7: {  	s17 =	simm.s32 $0xD80;
	s9 =	sadd.s32 $0x49E00, s5;
	[smem:$0x7FF] =	sst s3  }
0x8: {  	s19 =	simm.s32 $0x280;
	_ =	strace $0x80000050;
	[dreg:$0x1d] =	wrdreg s9  }
0x9: {  	s20 =	simm.s32 $0xE00;
	s22 =	simm.s32 $0x300;
	[dreg:$0x5] =	wrdreg s26  }
0xa: {  	s23 =	simm.s32 $0xE80;
	s28 =	simm.s32 $0x880;
	[dreg:$0x6] =	wrdreg s10  }
0xb: {  	s29 =	simm.s32 $0x1400;
	s30 =	simm.s32 $0x900;
	[dreg:$0x7] =	wrdreg s11  }
0xc: {  	s31 =	simm.s32 $0x1480;
	s6 =	sadd.s32 $0x4C00, s5;
	[dreg:$0x8] =	wrdreg s12  }
0xd: {  	s15 =	smul.u32 $0x50000, s8;
	s21 =	sshll.u32 s8, $0x6;
	[dreg:$0x9] =	wrdreg s14  }
0xe: {  	s25 =	smul.u32 $0x28000, s0;
	s0 =	ssub.s32 $0x2, s0;
	[dreg:$0xa] =	wrdreg s16  }
0xf: {  	s24 =	sor.u32 $0x1C05, s21;
	s21 =	simm.s32 $0x1100;
	[dreg:$0xb] =	wrdreg s17  }
0x10: {  	s13 =	sshrl.u32 s0, $0x1;
	s18 =	sshrl.u32 s15, $0x2;
	[dreg:$0xc] =	wrdreg s19  }
0x11: {  	s15 =	simm.s32 $0xF80;
	s0 =	ssub.s32 s0, s13;
	[dreg:$0xd] =	wrdreg s20  }
0x12: {  	s13 =	simm.s32 $0xF00;
	s4 =	sadd.s32 $0x78000, s1;
	[dreg:$0xe] =	wrdreg s22  }
0x13: {  	s1 =	sshrl.u32 s1, $0x3;
	s0 =	smax.u32 s0, $0x1;
	[dreg:$0xf] =	wrdreg s23  }
0x14: {  	s4 =	sshrl.u32 s4, $0x3;
	s1 =	sadd.s32 s1, s6;
	[dreg:$0x1f] =	wrdreg s0  }
0x15: {  	s26 =	smul.u32 $0x2800, s8;
	[dreg:$0x11] =	wrdreg s13;
	s14 =	simm.s32 $0x400  }
0x16: {  	s9 =	simm.s32 $0x5;
	[dreg:$0x13] =	wrdreg s15;
	s16 =	simm.s32 $0x480  }
0x17: {  	s10 =	simm.s32 $0xC00;
	s17 =	simm.s32 $0x1000;
	s11 =	simm.s32 $0x64  }
0x18: {  	s12 =	simm.s32 $0x1800;
	s19 =	simm.s32 $0x1080;
	[dreg:$0x19] =	wrdreg s21  }
0x19: {  	s13 =	simm.s32 $0x4C00;
	s20 =	simm.s32 $0x580;
	[dreg:$0x1e] =	wrdreg s24  }
0x1a: {  	s15 =	simm.s32 $0x8000;
	s22 =	simm.s32 $0x600;
	[dreg:$0x4] =	wrdreg s1  }
0x1b: {  	s23 =	simm.s32 $0x1180;
	s21 =	simm.s32 $0x1280;
	[dreg:$0x12] =	wrdreg s14  }
0x1c: {  	s0 =	simm.s32 $0x1500;
	s7 =	sadd.s32 s4, s6;
	[dreg:$0x14] =	wrdreg s16  }
0x1d: {  	s4 =	sadd.s32 $0x22C00, s5;
	s5 =	sadd.s32 s25, s5;
	[dreg:$0x15] =	wrdreg s17  }
0x1e: {  	s6 =	sadd.s32 s18, s2;
	s25 =	simm.s32 $0x380;
	[dreg:$0x17] =	wrdreg s19  }
0x1f: {  	s18 =	simm.s32 $0x500;
	s14 =	simm.s32 $0x1;
	[dreg:$0x18] =	wrdreg s20  }
0x20: {  	s16 =	simm.s32 $0x2;
	[dreg:$0x1a] =	wrdreg s22;
	s17 =	simm.s32 $0x4  }
0x21: {  	[dreg:$0x1b] =	wrdreg s23;
	s19 =	simm.s32 $0x1200;
	s20 =	simm.s32 $0x700  }
0x22: {  	s22 =	simm.s32 $0x780;
	s23 =	simm.s32 $0x1300;
	[dreg:$0x3] =	wrdreg s7  }
0x23: {  	s1 =	simm.s32 $0x980;
	s5 =	sadd.s32 $0x4C600, s5;
	[dreg:$0x10] =	wrdreg s25  }
0x24: {  	s8 =	sshrl.u32 s6, $0x3;
	[dreg:$0x16] =	wrdreg s18;
	s25 =	simm.s32 $0x680  }
0x25: {  	s18 =	simm.s32 $0x3;
	s7 =	simm.s32 $0x0;
	[dreg:$0x1c] =	wrdreg s25  }
0x26: {  	s26 =	sadd.s32 s26, s5;
	s25 =	simm.s32 $0x800;
	[smem:$0x7FD] =	sst s8  }
0x27: {  	s5 =	simm.s32 $0x1580;
	[smem:$0x7FC] =	sst s26;
	s26 =	simm.s32 $0x1380  }
.LBB2_1:
0x28: {  	[smem:$0x7FB] =	sst s7  }
0x29: {  	s6 =	rddreg [dreg:$0x1d]  }
0x2a: {  	[spmem:s8], [sflag:s24] =	dma.local [hbm:s6], $0x2800  }
0x2b: {  	_ =	swait.ge [sflag:s9], $0x2800  }
0x2c: {  	[sflag:s9] =	ssyncset.done $0x0  }
0x2d: {  	[sflag:s9] =	ssyncadd.s32 $0xFFFFD800  }
0x2e: {  	[bflag:$0x0] =	sbarrier.arrive $0xFFFF  }
0x2f: {  	s8 =	rddreg [dreg:$0x4]  }
0x30: {  	s6 =	sadd.s32 $0x0, s8  }
0x31: {  	[tilespmem:s3], [sflag:$0x5] =	stream.linear.gather [hbm4b:s6+s3], $0xA00, $0x38;
	[tilespmem:$0x1F400] =	vst v63  }
0x32: {  	_ =	swait.ge [sflag:s9], $0xA00  }
0x33: {  	s24 =	rddreg [dreg:$0x3];
	[sflag:s9] =	ssyncset.done $0x0  }
0x34: {  	[sflag:s9] =	ssyncadd.s32 $0xFFFFF600;
	s6 =	sadd.s32 $0x0, s24  }
0x35: {  	[tilespmem:s10], [sflag:$0x5] =	stream.linear.gather [hbm4b:s6+s3], $0xA00, $0x38;
	[tilespmem:$0x1F400] =	vst v63  }
0x36: {  	_ =	swait.ge [sflag:s9], $0xA00  }
0x37: {  	[sflag:s9] =	ssyncset.done $0x0  }
0x38: {  	[sflag:s9] =	ssyncadd.s32 $0xFFFFF600  }
0x39: {  	[tilespmem:s12], [sflag:$0x1] =	stream.indirect.gather [hbm4b:s4+s11], $0x80, s3, s11, $0xb8;
	[tilespmem:$0x1F400] =	vst v63  }
0x3a: {  	s7 =	rddreg [dreg:$0x5]  }
0x3b: {  	[tilespmem:s13], [sflag:$0x2] =	stream.indirect.gather [hbm4b:s4+s11], $0x80, s7, s11, $0xb8;
	[tilespmem:$0x1F400] =	vst v63  }
0x3c: {  	_ =	swait.ge [sflag:s14], $0x3200  }
0x3d: {  	[sflag:s14] =	ssyncset.done $0x0  }
0x3e: {  	[sflag:s14] =	ssyncadd.s32 $0xFFFFCE00  }
0x3f: {  	[spmem:s2] =	stream.indirect.scatter.add.f32 [tilespmem:s12], [sflag:$0x4], $0x80, s10, s11, $0xb8;
	[tilespmem:$0x1F400] =	vst v63  }
0x40: {  	s8 =	rddreg [dreg:$0x6]  }
0x41: {  	[tilespmem:s15], [sflag:$0x3] =	stream.indirect.gather [hbm4b:s4+s11], $0x80, s8, s11, $0xb8;
	[tilespmem:$0x1F400] =	vst v63  }
0x42: {  	_ =	swait.ge [sflag:s16], $0x3200  }
0x43: {  	[sflag:s16] =	ssyncset.done $0x0  }
0x44: {  	s24 =	rddreg [dreg:$0x7];
	[sflag:s16] =	ssyncadd.s32 $0xFFFFCE00  }
0x45: {  	[spmem:s2] =	stream.indirect.scatter.add.f32 [tilespmem:s13], [sflag:$0x4], $0x80, s24, s11, $0xb8;
	[tilespmem:$0x1F400] =	vst v63  }
0x46: {  	_ =	swait.ge [sflag:s17], $0x3200  }
0x47: {  	[sflag:s17] =	ssyncset.done $0x0  }
0x48: {  	s7 =	rddreg [dreg:$0x8];
	[sflag:s17] =	ssyncadd.s32 $0xFFFFCE00  }
0x49: {  	[tilespmem:s12], [sflag:$0x1] =	stream.indirect.gather [hbm4b:s4+s11], $0x80, s7, s11, $0xb8;
	[tilespmem:$0x1F400] =	vst v63  }
0x4a: {  	_ =	swait.ge [sflag:s18], $0x3200  }
0x4b: {  	[sflag:s18] =	ssyncset.done $0x0  }
0x4c: {  	s8 =	rddreg [dreg:$0x9];
	[sflag:s18] =	ssyncadd.s32 $0xFFFFCE00  }
0x4d: {  	[spmem:s2] =	stream.indirect.scatter.add.f32 [tilespmem:s15], [sflag:$0x4], $0x80, s8, s11, $0xb8;
	[tilespmem:$0x1F400] =	vst v63  }
0x4e: {  	_ =	swait.ge [sflag:s17], $0x3200  }
0x4f: {  	[sflag:s17] =	ssyncset.done $0x0  }
0x50: {  	s24 =	rddreg [dreg:$0xa];
	[sflag:s17] =	ssyncadd.s32 $0xFFFFCE00  }
0x51: {  	[tilespmem:s13], [sflag:$0x2] =	stream.indirect.gather [hbm4b:s4+s11], $0x80, s24, s11, $0xb8;
	[tilespmem:$0x1F400] =	vst v63  }
0x52: {  	_ =	swait.ge [sflag:s14], $0x3200  }
0x53: {  	[sflag:s14] =	ssyncset.done $0x0  }
0x54: {  	s7 =	rddreg [dreg:$0xb];
	[sflag:s14] =	ssyncadd.s32 $0xFFFFCE00  }
0x55: {  	[spmem:s2] =	stream.indirect.scatter.add.f32 [tilespmem:s12], [sflag:$0x4], $0x80, s7, s11, $0xb8;
	[tilespmem:$0x1F400] =	vst v63  }
0x56: {  	_ =	swait.ge [sflag:s17], $0x3200  }
0x57: {  	[sflag:s17] =	ssyncset.done $0x0  }
0x58: {  	s8 =	rddreg [dreg:$0xc];
	[sflag:s17] =	ssyncadd.s32 $0xFFFFCE00  }
0x59: {  	[tilespmem:s15], [sflag:$0x3] =	stream.indirect.gather [hbm4b:s4+s11], $0x80, s8, s11, $0xb8;
	[tilespmem:$0x1F400] =	vst v63  }
0x5a: {  	_ =	swait.ge [sflag:s16], $0x3200  }
0x5b: {  	[sflag:s16] =	ssyncset.done $0x0  }
0x5c: {  	s24 =	rddreg [dreg:$0xd];
	[sflag:s16] =	ssyncadd.s32 $0xFFFFCE00  }
0x5d: {  	[spmem:s2] =	stream.indirect.scatter.add.f32 [tilespmem:s13], [sflag:$0x4], $0x80, s24, s11, $0xb8;
	[tilespmem:$0x1F400] =	vst v63  }
0x5e: {  	_ =	swait.ge [sflag:s17], $0x3200  }
0x5f: {  	[sflag:s17] =	ssyncset.done $0x0  }
0x60: {  	s7 =	rddreg [dreg:$0xe];
	[sflag:s17] =	ssyncadd.s32 $0xFFFFCE00  }
0x61: {  	[tilespmem:s12], [sflag:$0x1] =	stream.indirect.gather [hbm4b:s4+s11], $0x80, s7, s11, $0xb8;
	[tilespmem:$0x1F400] =	vst v63  }
0x62: {  	_ =	swait.ge [sflag:s18], $0x3200  }
0x63: {  	[sflag:s18] =	ssyncset.done $0x0  }
0x64: {  	s8 =	rddreg [dreg:$0xf];
	[sflag:s18] =	ssyncadd.s32 $0xFFFFCE00  }
0x65: {  	[spmem:s2] =	stream.indirect.scatter.add.f32 [tilespmem:s15], [sflag:$0x4], $0x80, s8, s11, $0xb8;
	[tilespmem:$0x1F400] =	vst v63  }
0x66: {  	_ =	swait.ge [sflag:s17], $0x3200  }
0x67: {  	[sflag:s17] =	ssyncset.done $0x0  }
0x68: {  	s24 =	rddreg [dreg:$0x10];
	[sflag:s17] =	ssyncadd.s32 $0xFFFFCE00  }
0x69: {  	[tilespmem:s13], [sflag:$0x2] =	stream.indirect.gather [hbm4b:s4+s11], $0x80, s24, s11, $0xb8;
	[tilespmem:$0x1F400] =	vst v63  }
0x6a: {  	_ =	swait.ge [sflag:s14], $0x3200  }
0x6b: {  	[sflag:s14] =	ssyncset.done $0x0  }
0x6c: {  	s7 =	rddreg [dreg:$0x11];
	[sflag:s14] =	ssyncadd.s32 $0xFFFFCE00  }
0x6d: {  	[spmem:s2] =	stream.indirect.scatter.add.f32 [tilespmem:s12], [sflag:$0x4], $0x80, s7, s11, $0xb8;
	[tilespmem:$0x1F400] =	vst v63  }
0x6e: {  	_ =	swait.ge [sflag:s17], $0x3200  }
0x6f: {  	[sflag:s17] =	ssyncset.done $0x0  }
0x70: {  	s8 =	rddreg [dreg:$0x12];
	[sflag:s17] =	ssyncadd.s32 $0xFFFFCE00  }
0x71: {  	[tilespmem:s15], [sflag:$0x3] =	stream.indirect.gather [hbm4b:s4+s11], $0x80, s8, s11, $0xb8;
	[tilespmem:$0x1F400] =	vst v63  }
0x72: {  	_ =	swait.ge [sflag:s16], $0x3200  }
0x73: {  	[sflag:s16] =	ssyncset.done $0x0  }
0x74: {  	s24 =	rddreg [dreg:$0x13];
	[sflag:s16] =	ssyncadd.s32 $0xFFFFCE00  }
0x75: {  	[spmem:s2] =	stream.indirect.scatter.add.f32 [tilespmem:s13], [sflag:$0x4], $0x80, s24, s11, $0xb8;
	[tilespmem:$0x1F400] =	vst v63  }
0x76: {  	_ =	swait.ge [sflag:s17], $0x3200  }
0x77: {  	[sflag:s17] =	ssyncset.done $0x0  }
0x78: {  	s7 =	rddreg [dreg:$0x14];
	[sflag:s17] =	ssyncadd.s32 $0xFFFFCE00  }
0x79: {  	[tilespmem:s12], [sflag:$0x1] =	stream.indirect.gather [hbm4b:s4+s11], $0x80, s7, s11, $0xb8;
	[tilespmem:$0x1F400] =	vst v63  }
0x7a: {  	_ =	swait.ge [sflag:s18], $0x3200  }
0x7b: {  	[sflag:s18] =	ssyncset.done $0x0  }
0x7c: {  	s8 =	rddreg [dreg:$0x15];
	[sflag:s18] =	ssyncadd.s32 $0xFFFFCE00  }
0x7d: {  	[spmem:s2] =	stream.indirect.scatter.add.f32 [tilespmem:s15], [sflag:$0x4], $0x80, s8, s11, $0xb8;
	[tilespmem:$0x1F400] =	vst v63  }
0x7e: {  	_ =	swait.ge [sflag:s17], $0x3200  }
0x7f: {  	[sflag:s17] =	ssyncset.done $0x0  }
0x80: {  	s24 =	rddreg [dreg:$0x16];
	[sflag:s17] =	ssyncadd.s32 $0xFFFFCE00  }
0x81: {  	[tilespmem:s13], [sflag:$0x2] =	stream.indirect.gather [hbm4b:s4+s11], $0x80, s24, s11, $0xb8;
	[tilespmem:$0x1F400] =	vst v63  }
0x82: {  	_ =	swait.ge [sflag:s14], $0x3200  }
0x83: {  	[sflag:s14] =	ssyncset.done $0x0  }
0x84: {  	s7 =	rddreg [dreg:$0x17];
	[sflag:s14] =	ssyncadd.s32 $0xFFFFCE00  }
0x85: {  	[spmem:s2] =	stream.indirect.scatter.add.f32 [tilespmem:s12], [sflag:$0x4], $0x80, s7, s11, $0xb8;
	[tilespmem:$0x1F400] =	vst v63  }
0x86: {  	_ =	swait.ge [sflag:s17], $0x3200  }
0x87: {  	[sflag:s17] =	ssyncset.done $0x0  }
0x88: {  	s8 =	rddreg [dreg:$0x18];
	[sflag:s17] =	ssyncadd.s32 $0xFFFFCE00  }
0x89: {  	[tilespmem:s15], [sflag:$0x3] =	stream.indirect.gather [hbm4b:s4+s11], $0x80, s8, s11, $0xb8;
	[tilespmem:$0x1F400] =	vst v63  }
0x8a: {  	_ =	swait.ge [sflag:s16], $0x3200  }
0x8b: {  	[sflag:s16] =	ssyncset.done $0x0  }
0x8c: {  	s24 =	rddreg [dreg:$0x19];
	[sflag:s16] =	ssyncadd.s32 $0xFFFFCE00  }
0x8d: {  	[spmem:s2] =	stream.indirect.scatter.add.f32 [tilespmem:s13], [sflag:$0x4], $0x80, s24, s11, $0xb8;
	[tilespmem:$0x1F400] =	vst v63  }
0x8e: {  	_ =	swait.ge [sflag:s17], $0x3200  }
0x8f: {  	[sflag:s17] =	ssyncset.done $0x0  }
0x90: {  	s7 =	rddreg [dreg:$0x1a];
	[sflag:s17] =	ssyncadd.s32 $0xFFFFCE00  }
0x91: {  	[tilespmem:s12], [sflag:$0x1] =	stream.indirect.gather [hbm4b:s4+s11], $0x80, s7, s11, $0xb8;
	[tilespmem:$0x1F400] =	vst v63  }
0x92: {  	_ =	swait.ge [sflag:s18], $0x3200  }
0x93: {  	[sflag:s18] =	ssyncset.done $0x0  }
0x94: {  	s8 =	rddreg [dreg:$0x1b];
	[sflag:s18] =	ssyncadd.s32 $0xFFFFCE00  }
0x95: {  	[spmem:s2] =	stream.indirect.scatter.add.f32 [tilespmem:s15], [sflag:$0x4], $0x80, s8, s11, $0xb8;
	[tilespmem:$0x1F400] =	vst v63  }
0x96: {  	_ =	swait.ge [sflag:s17], $0x3200  }
0x97: {  	[sflag:s17] =	ssyncset.done $0x0  }
0x98: {  	s24 =	rddreg [dreg:$0x1c];
	[sflag:s17] =	ssyncadd.s32 $0xFFFFCE00  }
0x99: {  	[tilespmem:s13], [sflag:$0x2] =	stream.indirect.gather [hbm4b:s4+s11], $0x80, s24, s11, $0xb8;
	[tilespmem:$0x1F400] =	vst v63  }
0x9a: {  	_ =	swait.ge [sflag:s14], $0x3200  }
0x9b: {  	[sflag:s14] =	ssyncset.done $0x0  }
0x9c: {  	[sflag:s14] =	ssyncadd.s32 $0xFFFFCE00  }
0x9d: {  	[spmem:s2] =	stream.indirect.scatter.add.f32 [tilespmem:s12], [sflag:$0x4], $0x80, s19, s11, $0xb8;
	[tilespmem:$0x1F400] =	vst v63  }
0x9e: {  	_ =	swait.ge [sflag:s17], $0x3200  }
0x9f: {  	[sflag:s17] =	ssyncset.done $0x0  }
0xa0: {  	[sflag:s17] =	ssyncadd.s32 $0xFFFFCE00  }
0xa1: {  	[tilespmem:s15], [sflag:$0x3] =	stream.indirect.gather [hbm4b:s4+s11], $0x80, s20, s11, $0xb8;
	[tilespmem:$0x1F400] =	vst v63  }
0xa2: {  	_ =	swait.ge [sflag:s16], $0x3200  }
0xa3: {  	[sflag:s16] =	ssyncset.done $0x0  }
0xa4: {  	[sflag:s16] =	ssyncadd.s32 $0xFFFFCE00  }
0xa5: {  	[spmem:s2] =	stream.indirect.scatter.add.f32 [tilespmem:s13], [sflag:$0x4], $0x80, s21, s11, $0xb8;
	[tilespmem:$0x1F400] =	vst v63  }
0xa6: {  	_ =	swait.ge [sflag:s17], $0x3200  }
0xa7: {  	[sflag:s17] =	ssyncset.done $0x0  }
0xa8: {  	[sflag:s17] =	ssyncadd.s32 $0xFFFFCE00  }
0xa9: {  	[tilespmem:s12], [sflag:$0x1] =	stream.indirect.gather [hbm4b:s4+s11], $0x80, s22, s11, $0xb8;
	[tilespmem:$0x1F400] =	vst v63  }
0xaa: {  	_ =	swait.ge [sflag:s18], $0x3200  }
0xab: {  	[sflag:s18] =	ssyncset.done $0x0  }
0xac: {  	[sflag:s18] =	ssyncadd.s32 $0xFFFFCE00  }
0xad: {  	[spmem:s2] =	stream.indirect.scatter.add.f32 [tilespmem:s15], [sflag:$0x4], $0x80, s23, s11, $0xb8;
	[tilespmem:$0x1F400] =	vst v63  }
0xae: {  	_ =	swait.ge [sflag:s17], $0x3200  }
0xaf: {  	[sflag:s17] =	ssyncset.done $0x0  }
0xb0: {  	[sflag:s17] =	ssyncadd.s32 $0xFFFFCE00  }
0xb1: {  	[tilespmem:s13], [sflag:$0x2] =	stream.indirect.gather [hbm4b:s4+s11], $0x80, s25, s11, $0xb8;
	[tilespmem:$0x1F400] =	vst v63  }
0xb2: {  	_ =	swait.ge [sflag:s14], $0x3200  }
0xb3: {  	[sflag:s14] =	ssyncset.done $0x0  }
0xb4: {  	[sflag:s14] =	ssyncadd.s32 $0xFFFFCE00  }
0xb5: {  	[spmem:s2] =	stream.indirect.scatter.add.f32 [tilespmem:s12], [sflag:$0x4], $0x80, s26, s11, $0xb8;
	[tilespmem:$0x1F400] =	vst v63  }
0xb6: {  	_ =	swait.ge [sflag:s17], $0x3200  }
0xb7: {  	[sflag:s17] =	ssyncset.done $0x0  }
0xb8: {  	[sflag:s17] =	ssyncadd.s32 $0xFFFFCE00  }
0xb9: {  	[tilespmem:s15], [sflag:$0x3] =	stream.indirect.gather [hbm4b:s4+s11], $0x80, s28, s11, $0xb8;
	[tilespmem:$0x1F400] =	vst v63  }
0xba: {  	_ =	swait.ge [sflag:s16], $0x3200  }
0xbb: {  	[sflag:s16] =	ssyncset.done $0x0  }
0xbc: {  	[sflag:s16] =	ssyncadd.s32 $0xFFFFCE00  }
0xbd: {  	[spmem:s2] =	stream.indirect.scatter.add.f32 [tilespmem:s13], [sflag:$0x4], $0x80, s29, s11, $0xb8;
	[tilespmem:$0x1F400] =	vst v63  }
0xbe: {  	_ =	swait.ge [sflag:s17], $0x3200  }
0xbf: {  	[sflag:s17] =	ssyncset.done $0x0  }
0xc0: {  	[sflag:s17] =	ssyncadd.s32 $0xFFFFCE00  }
0xc1: {  	[tilespmem:s12], [sflag:$0x1] =	stream.indirect.gather [hbm4b:s4+s11], $0x80, s30, s11, $0xb8;
	[tilespmem:$0x1F400] =	vst v63  }
0xc2: {  	_ =	swait.ge [sflag:s18], $0x3200  }
0xc3: {  	[sflag:s18] =	ssyncset.done $0x0  }
0xc4: {  	[sflag:s18] =	ssyncadd.s32 $0xFFFFCE00  }
0xc5: {  	[spmem:s2] =	stream.indirect.scatter.add.f32 [tilespmem:s15], [sflag:$0x4], $0x80, s31, s11, $0xb8;
	[tilespmem:$0x1F400] =	vst v63  }
0xc6: {  	_ =	swait.ge [sflag:s17], $0x3200  }
0xc7: {  	[sflag:s17] =	ssyncset.done $0x0  }
0xc8: {  	[sflag:s17] =	ssyncadd.s32 $0xFFFFCE00  }
0xc9: {  	[tilespmem:s13], [sflag:$0x2] =	stream.indirect.gather [hbm4b:s4+s11], $0x80, s1, s11, $0xb8;
	[tilespmem:$0x1F400] =	vst v63  }
0xca: {  	_ =	swait.ge [sflag:s14], $0x3200  }
0xcb: {  	[sflag:s14] =	ssyncset.done $0x0  }
0xcc: {  	[sflag:s14] =	ssyncadd.s32 $0xFFFFCE00  }
0xcd: {  	[spmem:s2] =	stream.indirect.scatter.add.f32 [tilespmem:s12], [sflag:$0x4], $0x80, s0, s11, $0xb8;
	[tilespmem:$0x1F400] =	vst v63  }
0xce: {  	_ =	swait.ge [sflag:s17], $0x3200  }
0xcf: {  	[sflag:s17] =	ssyncset.done $0x0  }
0xd0: {  	[sflag:s17] =	ssyncadd.s32 $0xFFFFCE00  }
0xd1: {  	_ =	swait.ge [sflag:s16], $0x3200  }
0xd2: {  	[sflag:s16] =	ssyncset.done $0x0  }
0xd3: {  	[sflag:s16] =	ssyncadd.s32 $0xFFFFCE00  }
0xd4: {  	[spmem:s2] =	stream.indirect.scatter.add.f32 [tilespmem:s13], [sflag:$0x4], $0x80, s5, s11, $0xb8;
	[tilespmem:$0x1F400] =	vst v63  }
0xd5: {  	_ =	swait.ge [sflag:s17], $0x3200  }
0xd6: {  	[sflag:s17] =	ssyncset.done $0x0  }
0xd7: {  	[sflag:s17] =	ssyncadd.s32 $0xFFFFCE00  }
0xd8: {  	s6 =	simm.s32 $0x300;
	_ =	swait.ge [sflag:s17], $0x3200  }
0xd9: {  	s24 =	simm.s32 $0x180;
	s8 =	rddreg [dreg:$0x4];
	[sflag:s17] =	ssyncset.done $0x0  }
.LBB2_2:
0xda: {  	[sflag:s17] =	ssyncadd.s32 $0xFFFFCE00;
	s8 =	sadd.s32 s24, s8  }
0xdb: {  	[tilespmem:s3], [sflag:$0x5] =	stream.linear.gather [hbm4b:s8+s3], $0xA00, $0x38;
	[tilespmem:$0x1F400] =	vst v63  }
0xdc: {  	_ =	swait.ge [sflag:s9], $0xA00  }
0xdd: {  	s8 =	rddreg [dreg:$0x3];
	[sflag:s9] =	ssyncset.done $0x0  }
0xde: {  	[sflag:s9] =	ssyncadd.s32 $0xFFFFF600;
	s8 =	sadd.s32 s24, s8  }
0xdf: {  	[tilespmem:s10], [sflag:$0x5] =	stream.linear.gather [hbm4b:s8+s3], $0xA00, $0x38;
	[tilespmem:$0x1F400] =	vst v63  }
0xe0: {  	_ =	swait.ge [sflag:s9], $0xA00  }
0xe1: {  	[sflag:s9] =	ssyncset.done $0x0  }
0xe2: {  	[sflag:s9] =	ssyncadd.s32 $0xFFFFF600  }
0xe3: {  	[tilespmem:s12], [sflag:$0x1] =	stream.indirect.gather [hbm4b:s4+s11], $0x80, s3, s11, $0xb8;
	[tilespmem:$0x1F400] =	vst v63  }
0xe4: {  	s8 =	rddreg [dreg:$0x5]  }
0xe5: {  	[tilespmem:s13], [sflag:$0x2] =	stream.indirect.gather [hbm4b:s4+s11], $0x80, s8, s11, $0xb8;
	[tilespmem:$0x1F400] =	vst v63  }
0xe6: {  	_ =	swait.ge [sflag:s14], $0x3200  }
0xe7: {  	[sflag:s14] =	ssyncset.done $0x0  }
0xe8: {  	[sflag:s14] =	ssyncadd.s32 $0xFFFFCE00  }
0xe9: {  	[spmem:s2] =	stream.indirect.scatter.add.f32 [tilespmem:s12], [sflag:$0x4], $0x80, s10, s11, $0xb8;
	[tilespmem:$0x1F400] =	vst v63  }
0xea: {  	s8 =	rddreg [dreg:$0x6]  }
0xeb: {  	[tilespmem:s15], [sflag:$0x3] =	stream.indirect.gather [hbm4b:s4+s11], $0x80, s8, s11, $0xb8;
	[tilespmem:$0x1F400] =	vst v63  }
0xec: {  	_ =	swait.ge [sflag:s16], $0x3200  }
0xed: {  	[sflag:s16] =	ssyncset.done $0x0  }
0xee: {  	s8 =	rddreg [dreg:$0x7];
	[sflag:s16] =	ssyncadd.s32 $0xFFFFCE00  }
0xef: {  	[spmem:s2] =	stream.indirect.scatter.add.f32 [tilespmem:s13], [sflag:$0x4], $0x80, s8, s11, $0xb8;
	[tilespmem:$0x1F400] =	vst v63  }
0xf0: {  	_ =	swait.ge [sflag:s17], $0x3200  }
0xf1: {  	[sflag:s17] =	ssyncset.done $0x0  }
0xf2: {  	s8 =	rddreg [dreg:$0x8];
	[sflag:s17] =	ssyncadd.s32 $0xFFFFCE00  }
0xf3: {  	[tilespmem:s12], [sflag:$0x1] =	stream.indirect.gather [hbm4b:s4+s11], $0x80, s8, s11, $0xb8;
	[tilespmem:$0x1F400] =	vst v63  }
0xf4: {  	_ =	swait.ge [sflag:s18], $0x3200  }
0xf5: {  	[sflag:s18] =	ssyncset.done $0x0  }
0xf6: {  	s8 =	rddreg [dreg:$0x9];
	[sflag:s18] =	ssyncadd.s32 $0xFFFFCE00  }
0xf7: {  	[spmem:s2] =	stream.indirect.scatter.add.f32 [tilespmem:s15], [sflag:$0x4], $0x80, s8, s11, $0xb8;
	[tilespmem:$0x1F400] =	vst v63  }
0xf8: {  	_ =	swait.ge [sflag:s17], $0x3200  }
0xf9: {  	[sflag:s17] =	ssyncset.done $0x0  }
0xfa: {  	s8 =	rddreg [dreg:$0xa];
	[sflag:s17] =	ssyncadd.s32 $0xFFFFCE00  }
0xfb: {  	[tilespmem:s13], [sflag:$0x2] =	stream.indirect.gather [hbm4b:s4+s11], $0x80, s8, s11, $0xb8;
	[tilespmem:$0x1F400] =	vst v63  }
0xfc: {  	_ =	swait.ge [sflag:s14], $0x3200  }
0xfd: {  	[sflag:s14] =	ssyncset.done $0x0  }
0xfe: {  	s8 =	rddreg [dreg:$0xb];
	[sflag:s14] =	ssyncadd.s32 $0xFFFFCE00  }
0xff: {  	[spmem:s2] =	stream.indirect.scatter.add.f32 [tilespmem:s12], [sflag:$0x4], $0x80, s8, s11, $0xb8;
	[tilespmem:$0x1F400] =	vst v63  }
0x100: {  	_ =	swait.ge [sflag:s17], $0x3200  }
0x101: {  	[sflag:s17] =	ssyncset.done $0x0  }
0x102: {  	s8 =	rddreg [dreg:$0xc];
	[sflag:s17] =	ssyncadd.s32 $0xFFFFCE00  }
0x103: {  	[tilespmem:s15], [sflag:$0x3] =	stream.indirect.gather [hbm4b:s4+s11], $0x80, s8, s11, $0xb8;
	[tilespmem:$0x1F400] =	vst v63  }
0x104: {  	_ =	swait.ge [sflag:s16], $0x3200  }
0x105: {  	[sflag:s16] =	ssyncset.done $0x0  }
0x106: {  	s8 =	rddreg [dreg:$0xd];
	[sflag:s16] =	ssyncadd.s32 $0xFFFFCE00  }
0x107: {  	[spmem:s2] =	stream.indirect.scatter.add.f32 [tilespmem:s13], [sflag:$0x4], $0x80, s8, s11, $0xb8;
	[tilespmem:$0x1F400] =	vst v63  }
0x108: {  	_ =	swait.ge [sflag:s17], $0x3200  }
0x109: {  	[sflag:s17] =	ssyncset.done $0x0  }
0x10a: {  	s8 =	rddreg [dreg:$0xe];
	[sflag:s17] =	ssyncadd.s32 $0xFFFFCE00  }
0x10b: {  	[tilespmem:s12], [sflag:$0x1] =	stream.indirect.gather [hbm4b:s4+s11], $0x80, s8, s11, $0xb8;
	[tilespmem:$0x1F400] =	vst v63  }
0x10c: {  	_ =	swait.ge [sflag:s18], $0x3200  }
0x10d: {  	[sflag:s18] =	ssyncset.done $0x0  }
0x10e: {  	s8 =	rddreg [dreg:$0xf];
	[sflag:s18] =	ssyncadd.s32 $0xFFFFCE00  }
0x10f: {  	[spmem:s2] =	stream.indirect.scatter.add.f32 [tilespmem:s15], [sflag:$0x4], $0x80, s8, s11, $0xb8;
	[tilespmem:$0x1F400] =	vst v63  }
0x110: {  	_ =	swait.ge [sflag:s17], $0x3200  }
0x111: {  	[sflag:s17] =	ssyncset.done $0x0  }
0x112: {  	s8 =	rddreg [dreg:$0x10];
	[sflag:s17] =	ssyncadd.s32 $0xFFFFCE00  }
0x113: {  	[tilespmem:s13], [sflag:$0x2] =	stream.indirect.gather [hbm4b:s4+s11], $0x80, s8, s11, $0xb8;
	[tilespmem:$0x1F400] =	vst v63  }
0x114: {  	_ =	swait.ge [sflag:s14], $0x3200  }
0x115: {  	[sflag:s14] =	ssyncset.done $0x0  }
0x116: {  	s8 =	rddreg [dreg:$0x11];
	[sflag:s14] =	ssyncadd.s32 $0xFFFFCE00  }
0x117: {  	[spmem:s2] =	stream.indirect.scatter.add.f32 [tilespmem:s12], [sflag:$0x4], $0x80, s8, s11, $0xb8;
	[tilespmem:$0x1F400] =	vst v63  }
0x118: {  	_ =	swait.ge [sflag:s17], $0x3200  }
0x119: {  	[sflag:s17] =	ssyncset.done $0x0  }
0x11a: {  	s8 =	rddreg [dreg:$0x12];
	[sflag:s17] =	ssyncadd.s32 $0xFFFFCE00  }
0x11b: {  	[tilespmem:s15], [sflag:$0x3] =	stream.indirect.gather [hbm4b:s4+s11], $0x80, s8, s11, $0xb8;
	[tilespmem:$0x1F400] =	vst v63  }
0x11c: {  	_ =	swait.ge [sflag:s16], $0x3200  }
0x11d: {  	[sflag:s16] =	ssyncset.done $0x0  }
0x11e: {  	s8 =	rddreg [dreg:$0x13];
	[sflag:s16] =	ssyncadd.s32 $0xFFFFCE00  }
0x11f: {  	[spmem:s2] =	stream.indirect.scatter.add.f32 [tilespmem:s13], [sflag:$0x4], $0x80, s8, s11, $0xb8;
	[tilespmem:$0x1F400] =	vst v63  }
0x120: {  	_ =	swait.ge [sflag:s17], $0x3200  }
0x121: {  	[sflag:s17] =	ssyncset.done $0x0  }
0x122: {  	s8 =	rddreg [dreg:$0x14];
	[sflag:s17] =	ssyncadd.s32 $0xFFFFCE00  }
0x123: {  	[tilespmem:s12], [sflag:$0x1] =	stream.indirect.gather [hbm4b:s4+s11], $0x80, s8, s11, $0xb8;
	[tilespmem:$0x1F400] =	vst v63  }
0x124: {  	_ =	swait.ge [sflag:s18], $0x3200  }
0x125: {  	[sflag:s18] =	ssyncset.done $0x0  }
0x126: {  	s8 =	rddreg [dreg:$0x15];
	[sflag:s18] =	ssyncadd.s32 $0xFFFFCE00  }
0x127: {  	[spmem:s2] =	stream.indirect.scatter.add.f32 [tilespmem:s15], [sflag:$0x4], $0x80, s8, s11, $0xb8;
	[tilespmem:$0x1F400] =	vst v63  }
0x128: {  	_ =	swait.ge [sflag:s17], $0x3200  }
0x129: {  	[sflag:s17] =	ssyncset.done $0x0  }
0x12a: {  	s8 =	rddreg [dreg:$0x16];
	[sflag:s17] =	ssyncadd.s32 $0xFFFFCE00  }
0x12b: {  	[tilespmem:s13], [sflag:$0x2] =	stream.indirect.gather [hbm4b:s4+s11], $0x80, s8, s11, $0xb8;
	[tilespmem:$0x1F400] =	vst v63  }
0x12c: {  	_ =	swait.ge [sflag:s14], $0x3200  }
0x12d: {  	[sflag:s14] =	ssyncset.done $0x0  }
0x12e: {  	s8 =	rddreg [dreg:$0x17];
	[sflag:s14] =	ssyncadd.s32 $0xFFFFCE00  }
0x12f: {  	[spmem:s2] =	stream.indirect.scatter.add.f32 [tilespmem:s12], [sflag:$0x4], $0x80, s8, s11, $0xb8;
	[tilespmem:$0x1F400] =	vst v63  }
0x130: {  	_ =	swait.ge [sflag:s17], $0x3200  }
0x131: {  	[sflag:s17] =	ssyncset.done $0x0  }
0x132: {  	s8 =	rddreg [dreg:$0x18];
	[sflag:s17] =	ssyncadd.s32 $0xFFFFCE00  }
0x133: {  	[tilespmem:s15], [sflag:$0x3] =	stream.indirect.gather [hbm4b:s4+s11], $0x80, s8, s11, $0xb8;
	[tilespmem:$0x1F400] =	vst v63  }
0x134: {  	_ =	swait.ge [sflag:s16], $0x3200  }
0x135: {  	[sflag:s16] =	ssyncset.done $0x0  }
0x136: {  	s8 =	rddreg [dreg:$0x19];
	[sflag:s16] =	ssyncadd.s32 $0xFFFFCE00  }
0x137: {  	[spmem:s2] =	stream.indirect.scatter.add.f32 [tilespmem:s13], [sflag:$0x4], $0x80, s8, s11, $0xb8;
	[tilespmem:$0x1F400] =	vst v63  }
0x138: {  	_ =	swait.ge [sflag:s17], $0x3200  }
0x139: {  	[sflag:s17] =	ssyncset.done $0x0  }
0x13a: {  	s8 =	rddreg [dreg:$0x1a];
	[sflag:s17] =	ssyncadd.s32 $0xFFFFCE00  }
0x13b: {  	[tilespmem:s12], [sflag:$0x1] =	stream.indirect.gather [hbm4b:s4+s11], $0x80, s8, s11, $0xb8;
	[tilespmem:$0x1F400] =	vst v63  }
0x13c: {  	_ =	swait.ge [sflag:s18], $0x3200  }
0x13d: {  	[sflag:s18] =	ssyncset.done $0x0  }
0x13e: {  	s8 =	rddreg [dreg:$0x1b];
	[sflag:s18] =	ssyncadd.s32 $0xFFFFCE00  }
0x13f: {  	[spmem:s2] =	stream.indirect.scatter.add.f32 [tilespmem:s15], [sflag:$0x4], $0x80, s8, s11, $0xb8;
	[tilespmem:$0x1F400] =	vst v63  }
0x140: {  	_ =	swait.ge [sflag:s17], $0x3200  }
0x141: {  	[sflag:s17] =	ssyncset.done $0x0  }
0x142: {  	s8 =	rddreg [dreg:$0x1c];
	[sflag:s17] =	ssyncadd.s32 $0xFFFFCE00  }
0x143: {  	[tilespmem:s13], [sflag:$0x2] =	stream.indirect.gather [hbm4b:s4+s11], $0x80, s8, s11, $0xb8;
	[tilespmem:$0x1F400] =	vst v63  }
0x144: {  	_ =	swait.ge [sflag:s14], $0x3200  }
0x145: {  	[sflag:s14] =	ssyncset.done $0x0  }
0x146: {  	[sflag:s14] =	ssyncadd.s32 $0xFFFFCE00  }
0x147: {  	[spmem:s2] =	stream.indirect.scatter.add.f32 [tilespmem:s12], [sflag:$0x4], $0x80, s19, s11, $0xb8;
	[tilespmem:$0x1F400] =	vst v63  }
0x148: {  	_ =	swait.ge [sflag:s17], $0x3200  }
0x149: {  	[sflag:s17] =	ssyncset.done $0x0  }
0x14a: {  	[sflag:s17] =	ssyncadd.s32 $0xFFFFCE00  }
0x14b: {  	[tilespmem:s15], [sflag:$0x3] =	stream.indirect.gather [hbm4b:s4+s11], $0x80, s20, s11, $0xb8;
	[tilespmem:$0x1F400] =	vst v63  }
0x14c: {  	_ =	swait.ge [sflag:s16], $0x3200  }
0x14d: {  	[sflag:s16] =	ssyncset.done $0x0  }
0x14e: {  	[sflag:s16] =	ssyncadd.s32 $0xFFFFCE00  }
0x14f: {  	[spmem:s2] =	stream.indirect.scatter.add.f32 [tilespmem:s13], [sflag:$0x4], $0x80, s21, s11, $0xb8;
	[tilespmem:$0x1F400] =	vst v63  }
0x150: {  	_ =	swait.ge [sflag:s17], $0x3200  }
0x151: {  	[sflag:s17] =	ssyncset.done $0x0  }
0x152: {  	[sflag:s17] =	ssyncadd.s32 $0xFFFFCE00  }
0x153: {  	[tilespmem:s12], [sflag:$0x1] =	stream.indirect.gather [hbm4b:s4+s11], $0x80, s22, s11, $0xb8;
	[tilespmem:$0x1F400] =	vst v63  }
0x154: {  	_ =	swait.ge [sflag:s18], $0x3200  }
0x155: {  	[sflag:s18] =	ssyncset.done $0x0  }
0x156: {  	[sflag:s18] =	ssyncadd.s32 $0xFFFFCE00  }
0x157: {  	[spmem:s2] =	stream.indirect.scatter.add.f32 [tilespmem:s15], [sflag:$0x4], $0x80, s23, s11, $0xb8;
	[tilespmem:$0x1F400] =	vst v63  }
0x158: {  	_ =	swait.ge [sflag:s17], $0x3200  }
0x159: {  	[sflag:s17] =	ssyncset.done $0x0  }
0x15a: {  	[sflag:s17] =	ssyncadd.s32 $0xFFFFCE00  }
0x15b: {  	[tilespmem:s13], [sflag:$0x2] =	stream.indirect.gather [hbm4b:s4+s11], $0x80, s25, s11, $0xb8;
	[tilespmem:$0x1F400] =	vst v63  }
0x15c: {  	_ =	swait.ge [sflag:s14], $0x3200  }
0x15d: {  	[sflag:s14] =	ssyncset.done $0x0  }
0x15e: {  	[sflag:s14] =	ssyncadd.s32 $0xFFFFCE00  }
0x15f: {  	[spmem:s2] =	stream.indirect.scatter.add.f32 [tilespmem:s12], [sflag:$0x4], $0x80, s26, s11, $0xb8;
	[tilespmem:$0x1F400] =	vst v63  }
0x160: {  	_ =	swait.ge [sflag:s17], $0x3200  }
0x161: {  	[sflag:s17] =	ssyncset.done $0x0  }
0x162: {  	[sflag:s17] =	ssyncadd.s32 $0xFFFFCE00  }
0x163: {  	[tilespmem:s15], [sflag:$0x3] =	stream.indirect.gather [hbm4b:s4+s11], $0x80, s28, s11, $0xb8;
	[tilespmem:$0x1F400] =	vst v63  }
0x164: {  	_ =	swait.ge [sflag:s16], $0x3200  }
0x165: {  	[sflag:s16] =	ssyncset.done $0x0  }
0x166: {  	[sflag:s16] =	ssyncadd.s32 $0xFFFFCE00  }
0x167: {  	[spmem:s2] =	stream.indirect.scatter.add.f32 [tilespmem:s13], [sflag:$0x4], $0x80, s29, s11, $0xb8;
	[tilespmem:$0x1F400] =	vst v63  }
0x168: {  	_ =	swait.ge [sflag:s17], $0x3200  }
0x169: {  	[sflag:s17] =	ssyncset.done $0x0  }
0x16a: {  	[sflag:s17] =	ssyncadd.s32 $0xFFFFCE00  }
0x16b: {  	[tilespmem:s12], [sflag:$0x1] =	stream.indirect.gather [hbm4b:s4+s11], $0x80, s30, s11, $0xb8;
	[tilespmem:$0x1F400] =	vst v63  }
0x16c: {  	_ =	swait.ge [sflag:s18], $0x3200  }
0x16d: {  	[sflag:s18] =	ssyncset.done $0x0  }
0x16e: {  	[sflag:s18] =	ssyncadd.s32 $0xFFFFCE00  }
0x16f: {  	[spmem:s2] =	stream.indirect.scatter.add.f32 [tilespmem:s15], [sflag:$0x4], $0x80, s31, s11, $0xb8;
	[tilespmem:$0x1F400] =	vst v63  }
0x170: {  	_ =	swait.ge [sflag:s17], $0x3200  }
0x171: {  	[sflag:s17] =	ssyncset.done $0x0  }
0x172: {  	[sflag:s17] =	ssyncadd.s32 $0xFFFFCE00  }
0x173: {  	[tilespmem:s13], [sflag:$0x2] =	stream.indirect.gather [hbm4b:s4+s11], $0x80, s1, s11, $0xb8;
	[tilespmem:$0x1F400] =	vst v63  }
0x174: {  	_ =	swait.ge [sflag:s14], $0x3200  }
0x175: {  	[sflag:s14] =	ssyncset.done $0x0  }
0x176: {  	[sflag:s14] =	ssyncadd.s32 $0xFFFFCE00  }
0x177: {  	[spmem:s2] =	stream.indirect.scatter.add.f32 [tilespmem:s12], [sflag:$0x4], $0x80, s0, s11, $0xb8;
	[tilespmem:$0x1F400] =	vst v63  }
0x178: {  	_ =	swait.ge [sflag:s17], $0x3200  }
0x179: {  	[sflag:s17] =	ssyncset.done $0x0  }
0x17a: {  	[sflag:s17] =	ssyncadd.s32 $0xFFFFCE00  }
0x17b: {  	_ =	swait.ge [sflag:s16], $0x3200  }
0x17c: {  	[sflag:s16] =	ssyncset.done $0x0  }
0x17d: {  	p0 =	sne.s32 s6, $0x600;
	[sflag:s16] =	ssyncadd.s32 $0xFFFFCE00  }
0x17e: {  	[spmem:s2] =	stream.indirect.scatter.add.f32 [tilespmem:s13], [sflag:$0x4], $0x80, s5, s11, $0xb8;
	[tilespmem:$0x1F400] =	vst v63  }
.Ltmp0:
0x17f: {  	_ =	swait.ge [sflag:s17], $0x3200;
	(pc) =	sbr.rel @p0 .LBB2_2-.Ltmp0, $4  }
0x180: {  	[sflag:s17] =	ssyncset.done $0x0  }
0x181: {  	[sflag:s17] =	ssyncadd.s32 $0xFFFFCE00  }
0x182: {  	s7 =	smov.u32 s6;
	s6 =	sadd.s32 $0x180, s6;
	_ =	swait.ge [sflag:s17], $0x3200  }
0x183: {  	s24 =	smov.u32 s7;
	s8 =	rddreg [dreg:$0x4];
	[sflag:s17] =	ssyncset.done $0x0  }
0x184: {  	[sflag:s17] =	ssyncadd.s32 $0xFFFFCE00;
	s6 =	sadd.s32 s24, s8  }
0x185: {  	[tilespmem:s3], [sflag:$0x5] =	stream.linear.gather [hbm4b:s6+s3], $0xA00, $0x38;
	[tilespmem:$0x1F400] =	vst v63  }
0x186: {  	_ =	swait.ge [sflag:s9], $0xA00  }
0x187: {  	s8 =	rddreg [dreg:$0x3];
	[sflag:s9] =	ssyncset.done $0x0  }
0x188: {  	s6 =	sadd.s32 s24, s8;
	[sflag:s9] =	ssyncadd.s32 $0xFFFFF600  }
0x189: {  	[tilespmem:s10], [sflag:$0x5] =	stream.linear.gather [hbm4b:s6+s3], $0xA00, $0x38;
	[tilespmem:$0x1F400] =	vst v63  }
0x18a: {  	_ =	swait.ge [sflag:s9], $0xA00  }
0x18b: {  	[sflag:s9] =	ssyncset.done $0x0  }
0x18c: {  	[sflag:s9] =	ssyncadd.s32 $0xFFFFF600  }
0x18d: {  	[tilespmem:s12], [sflag:$0x1] =	stream.indirect.gather [hbm4b:s4+s11], $0x80, s3, s11, $0xb8;
	[tilespmem:$0x1F400] =	vst v63  }
0x18e: {  	s7 =	rddreg [dreg:$0x5]  }
0x18f: {  	[tilespmem:s13], [sflag:$0x2] =	stream.indirect.gather [hbm4b:s4+s11], $0x80, s7, s11, $0xb8;
	[tilespmem:$0x1F400] =	vst v63  }
0x190: {  	_ =	swait.ge [sflag:s14], $0x3200  }
0x191: {  	[sflag:s14] =	ssyncset.done $0x0  }
0x192: {  	[sflag:s14] =	ssyncadd.s32 $0xFFFFCE00  }
0x193: {  	[spmem:s2] =	stream.indirect.scatter.add.f32 [tilespmem:s12], [sflag:$0x4], $0x80, s10, s11, $0xb8;
	[tilespmem:$0x1F400] =	vst v63  }
0x194: {  	s8 =	rddreg [dreg:$0x6]  }
0x195: {  	[tilespmem:s15], [sflag:$0x3] =	stream.indirect.gather [hbm4b:s4+s11], $0x80, s8, s11, $0xb8;
	[tilespmem:$0x1F400] =	vst v63  }
0x196: {  	_ =	swait.ge [sflag:s16], $0x3200  }
0x197: {  	[sflag:s16] =	ssyncset.done $0x0  }
0x198: {  	s24 =	rddreg [dreg:$0x7];
	[sflag:s16] =	ssyncadd.s32 $0xFFFFCE00  }
0x199: {  	[spmem:s2] =	stream.indirect.scatter.add.f32 [tilespmem:s13], [sflag:$0x4], $0x80, s24, s11, $0xb8;
	[tilespmem:$0x1F400] =	vst v63  }
0x19a: {  	_ =	swait.ge [sflag:s17], $0x3200  }
0x19b: {  	[sflag:s17] =	ssyncset.done $0x0  }
0x19c: {  	s7 =	rddreg [dreg:$0x8];
	[sflag:s17] =	ssyncadd.s32 $0xFFFFCE00  }
0x19d: {  	[tilespmem:s12], [sflag:$0x1] =	stream.indirect.gather [hbm4b:s4+s11], $0x80, s7, s11, $0xb8;
	[tilespmem:$0x1F400] =	vst v63  }
0x19e: {  	_ =	swait.ge [sflag:s18], $0x3200  }
0x19f: {  	[sflag:s18] =	ssyncset.done $0x0  }
0x1a0: {  	s8 =	rddreg [dreg:$0x9];
	[sflag:s18] =	ssyncadd.s32 $0xFFFFCE00  }
0x1a1: {  	[spmem:s2] =	stream.indirect.scatter.add.f32 [tilespmem:s15], [sflag:$0x4], $0x80, s8, s11, $0xb8;
	[tilespmem:$0x1F400] =	vst v63  }
0x1a2: {  	_ =	swait.ge [sflag:s17], $0x3200  }
0x1a3: {  	[sflag:s17] =	ssyncset.done $0x0  }
0x1a4: {  	s24 =	rddreg [dreg:$0xa];
	[sflag:s17] =	ssyncadd.s32 $0xFFFFCE00  }
0x1a5: {  	[tilespmem:s13], [sflag:$0x2] =	stream.indirect.gather [hbm4b:s4+s11], $0x80, s24, s11, $0xb8;
	[tilespmem:$0x1F400] =	vst v63  }
0x1a6: {  	_ =	swait.ge [sflag:s14], $0x3200  }
0x1a7: {  	[sflag:s14] =	ssyncset.done $0x0  }
0x1a8: {  	s7 =	rddreg [dreg:$0xb];
	[sflag:s14] =	ssyncadd.s32 $0xFFFFCE00  }
0x1a9: {  	[spmem:s2] =	stream.indirect.scatter.add.f32 [tilespmem:s12], [sflag:$0x4], $0x80, s7, s11, $0xb8;
	[tilespmem:$0x1F400] =	vst v63  }
0x1aa: {  	_ =	swait.ge [sflag:s17], $0x3200  }
0x1ab: {  	[sflag:s17] =	ssyncset.done $0x0  }
0x1ac: {  	s8 =	rddreg [dreg:$0xc];
	[sflag:s17] =	ssyncadd.s32 $0xFFFFCE00  }
0x1ad: {  	[tilespmem:s15], [sflag:$0x3] =	stream.indirect.gather [hbm4b:s4+s11], $0x80, s8, s11, $0xb8;
	[tilespmem:$0x1F400] =	vst v63  }
0x1ae: {  	_ =	swait.ge [sflag:s16], $0x3200  }
0x1af: {  	[sflag:s16] =	ssyncset.done $0x0  }
0x1b0: {  	s24 =	rddreg [dreg:$0xd];
	[sflag:s16] =	ssyncadd.s32 $0xFFFFCE00  }
0x1b1: {  	[spmem:s2] =	stream.indirect.scatter.add.f32 [tilespmem:s13], [sflag:$0x4], $0x80, s24, s11, $0xb8;
	[tilespmem:$0x1F400] =	vst v63  }
0x1b2: {  	_ =	swait.ge [sflag:s17], $0x3200  }
0x1b3: {  	[sflag:s17] =	ssyncset.done $0x0  }
0x1b4: {  	s7 =	rddreg [dreg:$0xe];
	[sflag:s17] =	ssyncadd.s32 $0xFFFFCE00  }
0x1b5: {  	[tilespmem:s12], [sflag:$0x1] =	stream.indirect.gather [hbm4b:s4+s11], $0x80, s7, s11, $0xb8;
	[tilespmem:$0x1F400] =	vst v63  }
0x1b6: {  	_ =	swait.ge [sflag:s18], $0x3200  }
0x1b7: {  	[sflag:s18] =	ssyncset.done $0x0  }
0x1b8: {  	s8 =	rddreg [dreg:$0xf];
	[sflag:s18] =	ssyncadd.s32 $0xFFFFCE00  }
0x1b9: {  	[spmem:s2] =	stream.indirect.scatter.add.f32 [tilespmem:s15], [sflag:$0x4], $0x80, s8, s11, $0xb8;
	[tilespmem:$0x1F400] =	vst v63  }
0x1ba: {  	_ =	swait.ge [sflag:s17], $0x3200  }
0x1bb: {  	[sflag:s17] =	ssyncset.done $0x0  }
0x1bc: {  	s24 =	rddreg [dreg:$0x10];
	[sflag:s17] =	ssyncadd.s32 $0xFFFFCE00  }
0x1bd: {  	[tilespmem:s13], [sflag:$0x2] =	stream.indirect.gather [hbm4b:s4+s11], $0x80, s24, s11, $0xb8;
	[tilespmem:$0x1F400] =	vst v63  }
0x1be: {  	_ =	swait.ge [sflag:s14], $0x3200  }
0x1bf: {  	[sflag:s14] =	ssyncset.done $0x0  }
0x1c0: {  	s7 =	rddreg [dreg:$0x11];
	[sflag:s14] =	ssyncadd.s32 $0xFFFFCE00  }
0x1c1: {  	[spmem:s2] =	stream.indirect.scatter.add.f32 [tilespmem:s12], [sflag:$0x4], $0x80, s7, s11, $0xb8;
	[tilespmem:$0x1F400] =	vst v63  }
0x1c2: {  	_ =	swait.ge [sflag:s17], $0x3200  }
0x1c3: {  	[sflag:s17] =	ssyncset.done $0x0  }
0x1c4: {  	s8 =	rddreg [dreg:$0x12];
	[sflag:s17] =	ssyncadd.s32 $0xFFFFCE00  }
0x1c5: {  	[tilespmem:s15], [sflag:$0x3] =	stream.indirect.gather [hbm4b:s4+s11], $0x80, s8, s11, $0xb8;
	[tilespmem:$0x1F400] =	vst v63  }
0x1c6: {  	_ =	swait.ge [sflag:s16], $0x3200  }
0x1c7: {  	[sflag:s16] =	ssyncset.done $0x0  }
0x1c8: {  	s24 =	rddreg [dreg:$0x13];
	[sflag:s16] =	ssyncadd.s32 $0xFFFFCE00  }
0x1c9: {  	[spmem:s2] =	stream.indirect.scatter.add.f32 [tilespmem:s13], [sflag:$0x4], $0x80, s24, s11, $0xb8;
	[tilespmem:$0x1F400] =	vst v63  }
0x1ca: {  	_ =	swait.ge [sflag:s17], $0x3200  }
0x1cb: {  	[sflag:s17] =	ssyncset.done $0x0  }
0x1cc: {  	s7 =	rddreg [dreg:$0x14];
	[sflag:s17] =	ssyncadd.s32 $0xFFFFCE00  }
0x1cd: {  	[tilespmem:s12], [sflag:$0x1] =	stream.indirect.gather [hbm4b:s4+s11], $0x80, s7, s11, $0xb8;
	[tilespmem:$0x1F400] =	vst v63  }
0x1ce: {  	_ =	swait.ge [sflag:s18], $0x3200  }
0x1cf: {  	[sflag:s18] =	ssyncset.done $0x0  }
0x1d0: {  	s8 =	rddreg [dreg:$0x15];
	[sflag:s18] =	ssyncadd.s32 $0xFFFFCE00  }
0x1d1: {  	[spmem:s2] =	stream.indirect.scatter.add.f32 [tilespmem:s15], [sflag:$0x4], $0x80, s8, s11, $0xb8;
	[tilespmem:$0x1F400] =	vst v63  }
0x1d2: {  	_ =	swait.ge [sflag:s17], $0x3200  }
0x1d3: {  	[sflag:s17] =	ssyncset.done $0x0  }
0x1d4: {  	s24 =	rddreg [dreg:$0x16];
	[sflag:s17] =	ssyncadd.s32 $0xFFFFCE00  }
0x1d5: {  	[tilespmem:s13], [sflag:$0x2] =	stream.indirect.gather [hbm4b:s4+s11], $0x80, s24, s11, $0xb8;
	[tilespmem:$0x1F400] =	vst v63  }
0x1d6: {  	_ =	swait.ge [sflag:s14], $0x3200  }
0x1d7: {  	[sflag:s14] =	ssyncset.done $0x0  }
0x1d8: {  	s7 =	rddreg [dreg:$0x17];
	[sflag:s14] =	ssyncadd.s32 $0xFFFFCE00  }
0x1d9: {  	[spmem:s2] =	stream.indirect.scatter.add.f32 [tilespmem:s12], [sflag:$0x4], $0x80, s7, s11, $0xb8;
	[tilespmem:$0x1F400] =	vst v63  }
0x1da: {  	_ =	swait.ge [sflag:s17], $0x3200  }
0x1db: {  	[sflag:s17] =	ssyncset.done $0x0  }
0x1dc: {  	s8 =	rddreg [dreg:$0x18];
	[sflag:s17] =	ssyncadd.s32 $0xFFFFCE00  }
0x1dd: {  	[tilespmem:s15], [sflag:$0x3] =	stream.indirect.gather [hbm4b:s4+s11], $0x80, s8, s11, $0xb8;
	[tilespmem:$0x1F400] =	vst v63  }
0x1de: {  	_ =	swait.ge [sflag:s16], $0x3200  }
0x1df: {  	[sflag:s16] =	ssyncset.done $0x0  }
0x1e0: {  	s24 =	rddreg [dreg:$0x19];
	[sflag:s16] =	ssyncadd.s32 $0xFFFFCE00  }
0x1e1: {  	[spmem:s2] =	stream.indirect.scatter.add.f32 [tilespmem:s13], [sflag:$0x4], $0x80, s24, s11, $0xb8;
	[tilespmem:$0x1F400] =	vst v63  }
0x1e2: {  	_ =	swait.ge [sflag:s17], $0x3200  }
0x1e3: {  	[sflag:s17] =	ssyncset.done $0x0  }
0x1e4: {  	s7 =	rddreg [dreg:$0x1a];
	[sflag:s17] =	ssyncadd.s32 $0xFFFFCE00  }
0x1e5: {  	[tilespmem:s12], [sflag:$0x1] =	stream.indirect.gather [hbm4b:s4+s11], $0x80, s7, s11, $0xb8;
	[tilespmem:$0x1F400] =	vst v63  }
0x1e6: {  	_ =	swait.ge [sflag:s18], $0x3200  }
0x1e7: {  	[sflag:s18] =	ssyncset.done $0x0  }
0x1e8: {  	s8 =	rddreg [dreg:$0x1b];
	[sflag:s18] =	ssyncadd.s32 $0xFFFFCE00  }
0x1e9: {  	[spmem:s2] =	stream.indirect.scatter.add.f32 [tilespmem:s15], [sflag:$0x4], $0x80, s8, s11, $0xb8;
	[tilespmem:$0x1F400] =	vst v63  }
0x1ea: {  	_ =	swait.ge [sflag:s17], $0x3200  }
0x1eb: {  	[sflag:s17] =	ssyncset.done $0x0  }
0x1ec: {  	s24 =	rddreg [dreg:$0x1c];
	[sflag:s17] =	ssyncadd.s32 $0xFFFFCE00  }
0x1ed: {  	[tilespmem:s13], [sflag:$0x2] =	stream.indirect.gather [hbm4b:s4+s11], $0x80, s24, s11, $0xb8;
	[tilespmem:$0x1F400] =	vst v63  }
0x1ee: {  	_ =	swait.ge [sflag:s14], $0x3200  }
0x1ef: {  	[sflag:s14] =	ssyncset.done $0x0  }
0x1f0: {  	[sflag:s14] =	ssyncadd.s32 $0xFFFFCE00  }
0x1f1: {  	[spmem:s2] =	stream.indirect.scatter.add.f32 [tilespmem:s12], [sflag:$0x4], $0x80, s19, s11, $0xb8;
	[tilespmem:$0x1F400] =	vst v63  }
0x1f2: {  	_ =	swait.ge [sflag:s17], $0x3200  }
0x1f3: {  	[sflag:s17] =	ssyncset.done $0x0  }
0x1f4: {  	[sflag:s17] =	ssyncadd.s32 $0xFFFFCE00  }
0x1f5: {  	[tilespmem:s15], [sflag:$0x3] =	stream.indirect.gather [hbm4b:s4+s11], $0x80, s20, s11, $0xb8;
	[tilespmem:$0x1F400] =	vst v63  }
0x1f6: {  	_ =	swait.ge [sflag:s16], $0x3200  }
0x1f7: {  	[sflag:s16] =	ssyncset.done $0x0  }
0x1f8: {  	[sflag:s16] =	ssyncadd.s32 $0xFFFFCE00  }
0x1f9: {  	[spmem:s2] =	stream.indirect.scatter.add.f32 [tilespmem:s13], [sflag:$0x4], $0x80, s21, s11, $0xb8;
	[tilespmem:$0x1F400] =	vst v63  }
0x1fa: {  	_ =	swait.ge [sflag:s17], $0x3200  }
0x1fb: {  	[sflag:s17] =	ssyncset.done $0x0  }
0x1fc: {  	[sflag:s17] =	ssyncadd.s32 $0xFFFFCE00  }
0x1fd: {  	[tilespmem:s12], [sflag:$0x1] =	stream.indirect.gather [hbm4b:s4+s11], $0x80, s22, s11, $0xb8;
	[tilespmem:$0x1F400] =	vst v63  }
0x1fe: {  	_ =	swait.ge [sflag:s18], $0x3200  }
0x1ff: {  	[sflag:s18] =	ssyncset.done $0x0  }
0x200: {  	[sflag:s18] =	ssyncadd.s32 $0xFFFFCE00  }
0x201: {  	[spmem:s2] =	stream.indirect.scatter.add.f32 [tilespmem:s15], [sflag:$0x4], $0x80, s23, s11, $0xb8;
	[tilespmem:$0x1F400] =	vst v63  }
0x202: {  	_ =	swait.ge [sflag:s17], $0x3200  }
0x203: {  	[sflag:s17] =	ssyncset.done $0x0  }
0x204: {  	[sflag:s17] =	ssyncadd.s32 $0xFFFFCE00  }
0x205: {  	[tilespmem:s13], [sflag:$0x2] =	stream.indirect.gather [hbm4b:s4+s11], $0x80, s25, s11, $0xb8;
	[tilespmem:$0x1F400] =	vst v63  }
0x206: {  	_ =	swait.ge [sflag:s14], $0x3200  }
0x207: {  	[sflag:s14] =	ssyncset.done $0x0  }
0x208: {  	[sflag:s14] =	ssyncadd.s32 $0xFFFFCE00  }
0x209: {  	[spmem:s2] =	stream.indirect.scatter.add.f32 [tilespmem:s12], [sflag:$0x4], $0x80, s26, s11, $0xb8;
	[tilespmem:$0x1F400] =	vst v63  }
0x20a: {  	_ =	swait.ge [sflag:s17], $0x3200  }
0x20b: {  	[sflag:s17] =	ssyncset.done $0x0  }
0x20c: {  	[sflag:s17] =	ssyncadd.s32 $0xFFFFCE00  }
0x20d: {  	[tilespmem:s15], [sflag:$0x3] =	stream.indirect.gather [hbm4b:s4+s11], $0x80, s28, s11, $0xb8;
	[tilespmem:$0x1F400] =	vst v63  }
0x20e: {  	_ =	swait.ge [sflag:s16], $0x3200  }
0x20f: {  	[sflag:s16] =	ssyncset.done $0x0  }
0x210: {  	[sflag:s16] =	ssyncadd.s32 $0xFFFFCE00  }
0x211: {  	[spmem:s2] =	stream.indirect.scatter.add.f32 [tilespmem:s13], [sflag:$0x4], $0x80, s29, s11, $0xb8;
	[tilespmem:$0x1F400] =	vst v63  }
0x212: {  	_ =	swait.ge [sflag:s17], $0x3200  }
0x213: {  	[sflag:s17] =	ssyncset.done $0x0  }
0x214: {  	[sflag:s17] =	ssyncadd.s32 $0xFFFFCE00  }
0x215: {  	[tilespmem:s12], [sflag:$0x1] =	stream.indirect.gather [hbm4b:s4+s11], $0x80, s30, s11, $0xb8;
	[tilespmem:$0x1F400] =	vst v63  }
0x216: {  	_ =	swait.ge [sflag:s18], $0x3200  }
0x217: {  	[sflag:s18] =	ssyncset.done $0x0  }
0x218: {  	[sflag:s18] =	ssyncadd.s32 $0xFFFFCE00  }
0x219: {  	[spmem:s2] =	stream.indirect.scatter.add.f32 [tilespmem:s15], [sflag:$0x4], $0x80, s31, s11, $0xb8;
	[tilespmem:$0x1F400] =	vst v63  }
0x21a: {  	_ =	swait.ge [sflag:s17], $0x3200  }
0x21b: {  	[sflag:s17] =	ssyncset.done $0x0  }
0x21c: {  	[sflag:s17] =	ssyncadd.s32 $0xFFFFCE00  }
0x21d: {  	[tilespmem:s13], [sflag:$0x2] =	stream.indirect.gather [hbm4b:s4+s11], $0x80, s1, s11, $0xb8;
	[tilespmem:$0x1F400] =	vst v63  }
0x21e: {  	_ =	swait.ge [sflag:s14], $0x3200  }
0x21f: {  	[sflag:s14] =	ssyncset.done $0x0  }
0x220: {  	[sflag:s14] =	ssyncadd.s32 $0xFFFFCE00  }
0x221: {  	[spmem:s2] =	stream.indirect.scatter.add.f32 [tilespmem:s12], [sflag:$0x4], $0x80, s0, s11, $0xb8;
	[tilespmem:$0x1F400] =	vst v63  }
0x222: {  	_ =	swait.ge [sflag:s17], $0x3200  }
0x223: {  	[sflag:s17] =	ssyncset.done $0x0  }
0x224: {  	[sflag:s17] =	ssyncadd.s32 $0xFFFFCE00  }
0x225: {  	_ =	swait.ge [sflag:s16], $0x3200  }
0x226: {  	[sflag:s16] =	ssyncset.done $0x0  }
0x227: {  	[sflag:s16] =	ssyncadd.s32 $0xFFFFCE00  }
0x228: {  	[spmem:s2] =	stream.indirect.scatter.add.f32 [tilespmem:s13], [sflag:$0x4], $0x80, s5, s11, $0xb8;
	[tilespmem:$0x1F400] =	vst v63  }
0x229: {  	_ =	swait.ge [sflag:s17], $0x3200  }
0x22a: {  	[sflag:s17] =	ssyncset.done $0x0  }
0x22b: {  	[sflag:s17] =	ssyncadd.s32 $0xFFFFCE00  }
0x22c: {  	_ =	swait.ge [sflag:s17], $0x3200  }
0x22d: {  	[sflag:s17] =	ssyncset.done $0x0  }
0x22e: {  	[sflag:s17] =	ssyncadd.s32 $0xFFFFCE00  }
0x22f: {  	[bflag:$0x0] =	sbarrier.arrive $0xFFFF  }
0x230: {  	s8 =	sld [smem:$0x7FD]  }
0x231: {  	s7 =	sld [smem:$0x7FC];
	_ =	sdelay $0x1  }
0x232: {  	s24 =	rddreg [dreg:$0x1e]  }
0x233: {  	[hbm:s7], [sflag:s24] =	dma.local [spmem:s8], $0x2800  }
0x234: {  	_ =	swait.ge [sflag:s9], $0x2800  }
0x235: {  	s7 =	sld [smem:$0x7FB];
	_ =	sdelay $0x2  }
0x236: {  	s6 =	rddreg [dreg:$0x1f];
	s7 =	sadd.s32 $0x1, s7  }
0x237: {  	p0 =	sne.s32 s7, s6  }
.Ltmp1:
0x238: {  	_ = 	snop;
	(pc) =	sbr.rel @p0 .LBB2_1-.Ltmp1, $3  }
0x239: {  	_ =	sdelay $0x1  }
0x23a: {  	[sflag:s9] =	ssyncset.done $0x0  }
0x23b: {  	[sflag:s9] =	ssyncadd.s32 $0xFFFFD800  }
0x23c: {  	_ =	sfence.sel $0x180000  }
0x23d: {  	[bflag:$0x0] =	sbarrier.arrive $0xFFFF  }
0x23e: {  	_ =	strace $0x90000050  }
0x23f: {  	s0 =	stileid.u32;
	[bflag:$0x2] =	sbarrier.arrive $0xFFFF  }
0x240: {  	p0 =	sne.s32 s0, $0x0;
	s0 =	rddreg [dreg:$0x2]  }
0x241: {  	s0 =	sadd.s32 @!p0 $0x100000, s0  }
0x242: {  	[sflag:s0] =	ssyncadd.tile.s32 @!p0 $0x1;
	_ =	shalt  }
.Lfunc_end2:
_tile_overlayer_lowered:
.L_overlay_start_2:
0x243: {  	(tag) =	ssettag $0x2  }
0x244: {  	s0 =	rddreg [dreg:$0x0];
	s2 =	stileid.u32  }
0x245: {  	s1 =	rddreg [dreg:$0x1];
	p0 =	sne.s32 s2, $0x0  }
0x246: {  	s3 =	rddreg [dreg:$0x2];
	[bflag:$0x3] =	sbarrier.arrive $0xFFFF;
	s2 =	simm.s32 @!p0 $0x1C05  }
0x247: {  	[timem:s3], [sflag:s2] =	dma.local @!p0 [hbm:s0], s1  }
0x248: {  	s0 =	simm.s32 @!p0 $0x5  }
0x249: {  	_ =	swait.ge @!p0 [sflag:s0], s1  }
0x24a: {  	s1 =	ssub.s32 @!p0 $0x0, s1;
	[sflag:s0] =	ssyncset.done @!p0 $0x0  }
0x24b: {  	[sflag:s0] =	ssyncadd.s32 @!p0 s1  }
0x24c: {  	[bflag:$0x3] =	sbarrier.arrive $0xFFFF  }
0x24d: {  	_ =	shalt  }

</sc_bundles>
